<compile_context>
chip_gen: v7x
topology: tpu7x:2x2x1
jax: 0.10.2.dev20260603
libtpu: 0.0.44.dev20260713+nightly
codegen_flags: <defaults>
</compile_context>

<pallas_src>
import functools

import jax
import jax.numpy as jnp
from jax import lax
from jax.experimental import pallas as pl
from jax.experimental.pallas import tpu as pltpu

DD, HH, WW, CL = 16, 16, 16, 256
TR_DIM, OUT_DIM = 64, 256
NUM_BG = OUT_DIM // TR_DIM
DEPTH, HEADS, DH = 6, 2, 32
FF = 4 * TR_DIM
N_OBS = 16384
TTPB = 1024 * 64
NB = DD * HH * WW


def _build_plan(latent_inds):
    flat = (latent_inds[:, 0].astype(jnp.int32) * (HH * WW)
            + latent_inds[:, 1].astype(jnp.int32) * WW
            + latent_inds[:, 2].astype(jnp.int32))
    counts = jnp.zeros((NB,), jnp.int32).at[flat].add(1)
    sort_key = (-counts) * NB + jnp.arange(NB, dtype=jnp.int32)
    perm = jnp.argsort(sort_key)
    cnt_s = counts[perm]
    nu = jnp.sum((counts > 0).astype(jnp.int32))
    si0 = jnp.sum((cnt_s >= 255).astype(jnp.int32))
    pos = jnp.arange(NB, dtype=jnp.int32)

    def cond_fn(carry):
        si, _ = carry
        return si < nu

    def body_fn(carry):
        si, Larr = carry
        L = cnt_s[si]
        B = TTPB // (NUM_BG + L)
        rB = jnp.minimum(B, nu - si)
        Larr = jnp.where((pos >= si) & (pos < si + rB), L, Larr)
        return si + rB, Larr

    _, Larr = jax.lax.while_loop(cond_fn, body_fn,
                                 (si0, jnp.zeros((NB,), jnp.int32)))
    valid = (pos >= si0) & (pos < nu)
    sidx = jnp.argsort(flat, stable=True)
    cstart = jnp.cumsum(counts) - counts
    return perm, cnt_s, cstart[perm], Larr, valid, sidx


def _layernorm(t, g, b, eps=1e-5):
    m = jnp.mean(t, axis=-1, keepdims=True)
    v = jnp.mean(t * t, axis=-1, keepdims=True) - m * m
    return (t - m) * jax.lax.rsqrt(v + eps) * g + b


def _small_body(R, TCAP,
                cst_ref,
                xg_ref, mb_ref, live_ref, bg_ref, dW_ref, db_ref,
                o2lW_ref, o2lb_ref,
                ln1g_ref, ln1b_ref, wqkv_ref, bqkv_ref, wo_ref, bo_ref,
                ln2g_ref, ln2b_ref, wff1_ref, bff1_ref, wff2_ref, bff2_ref,
                lnfg_ref, lnfb_ref, out_ref, X):
    NOB = TCAP - NUM_BG
    b = pl.program_id(0)
    base = b * R
    bg = bg_ref[...]
    bgW = jnp.dot(bg.astype(jnp.bfloat16), dW_ref[...],
                  preferred_element_type=jnp.float32) + db_ref[...]
    d = jnp.mean(bgW, axis=0, keepdims=True)
    bg_corr = bg + jnp.concatenate(
        [d[:, t * TR_DIM:(t + 1) * TR_DIM] for t in range(NUM_BG)],
        axis=0)

    for r in range(R):
        cst = cst_ref[base + r]
        X[pl.ds(r * TCAP, NOB), :] = xg_ref[pl.ds(cst, NOB), :]

    pat = jnp.concatenate(
        [jnp.zeros((NOB, TR_DIM), jnp.float32), bg_corr], axis=0)
    bgtile = jnp.broadcast_to(pat[None], (R, TCAP, TR_DIM)).reshape(
        R * TCAP, TR_DIM)
    x = jnp.where(live_ref[...] > 0, X[...], 0.0) + bgtile
    mb = mb_ref[...]

    scale = DH ** -0.5
    bf = jnp.bfloat16
    for i in range(DEPTH):
        h = _layernorm(x, ln1g_ref[pl.ds(i, 1), :], ln1b_ref[pl.ds(i, 1), :])
        qkv = jnp.dot(h.astype(bf), wqkv_ref[i],
                      preferred_element_type=jnp.float32) \
            + bqkv_ref[pl.ds(i, 1), :]
        heads_out = []
        for hd in range(HEADS):
            qh = qkv[:, hd * DH:(hd + 1) * DH].reshape(R, TCAP, DH)
            kh = qkv[:, HEADS * DH + hd * DH:
                     HEADS * DH + (hd + 1) * DH].reshape(R, TCAP, DH)
            vh = qkv[:, 2 * HEADS * DH + hd * DH:
                     2 * HEADS * DH + (hd + 1) * DH].reshape(R, TCAP, DH)
            logits = lax.dot_general(
                qh.astype(bf), kh.astype(bf), (((2,), (2,)), ((0,), (0,))),
                preferred_element_type=jnp.float32) + mb[:, None, :]
            amax = jnp.max(logits, axis=-1, keepdims=True)
            e = jnp.exp(logits - amax)
            a = e / jnp.sum(e, axis=-1, keepdims=True)
            heads_out.append(lax.dot_general(
                a.astype(bf), vh.astype(bf), (((2,), (1,)), ((0,), (0,))),
                preferred_element_type=jnp.float32))
        o = jnp.concatenate(heads_out, axis=-1).reshape(R * TCAP, TR_DIM)
        x = x + jnp.dot(o.astype(bf), wo_ref[i],
                        preferred_element_type=jnp.float32) \
            + bo_ref[pl.ds(i, 1), :]
        h2 = _layernorm(x, ln2g_ref[pl.ds(i, 1), :], ln2b_ref[pl.ds(i, 1), :])
        f = jax.nn.gelu((jnp.dot(h2.astype(bf), wff1_ref[i],
                                 preferred_element_type=jnp.float32)
                         + bff1_ref[pl.ds(i, 1), :]).astype(bf))
        x = x + jnp.dot(f, wff2_ref[i],
                        preferred_element_type=jnp.float32) \
            + bff2_ref[pl.ds(i, 1), :]
    x = _layernorm(x, lnfg_ref[...], lnfb_ref[...])

    xr = x.reshape(R, TCAP, TR_DIM)
    bgtok = jnp.concatenate([xr[:, NOB + t, :] for t in range(NUM_BG)],
                            axis=-1)
    out_ref[...] = jnp.dot(bgtok.astype(jnp.bfloat16), o2lW_ref[...],
                           preferred_element_type=jnp.float32) \
        + o2lb_ref[...]


def _make_small_call(R, TCAP):
    nblk = NB // R

    def run(cst_s, xg, mb, live, bg, dW, db, o2lW, o2lb,
            ln1g, ln1b, wqkv, bqkv, wo, bo, ln2g, ln2b,
            wff1, bff1, wff2, bff2, lnfg, lnfb):
        def fullp(shape):
            nd = len(shape)
            return pl.BlockSpec(shape, lambda b, *_: (0,) * nd)

        grid_spec = pltpu.PrefetchScalarGridSpec(
            num_scalar_prefetch=1,
            grid=(nblk,),
            in_specs=[
                fullp(xg.shape),
                pl.BlockSpec((R, TCAP), lambda b, *_: (b, 0)),
                pl.BlockSpec((R * TCAP, 1), lambda b, *_: (b, 0)),
                fullp(bg.shape), fullp(dW.shape), fullp(db.shape),
                fullp(o2lW.shape), fullp(o2lb.shape),
                fullp(ln1g.shape), fullp(ln1b.shape),
                fullp(wqkv.shape), fullp(bqkv.shape),
                fullp(wo.shape), fullp(bo.shape),
                fullp(ln2g.shape), fullp(ln2b.shape),
                fullp(wff1.shape), fullp(bff1.shape),
                fullp(wff2.shape), fullp(bff2.shape),
                fullp(lnfg.shape), fullp(lnfb.shape),
            ],
            out_specs=pl.BlockSpec((R, CL), lambda b, *_: (b, 0)),
            scratch_shapes=[pltpu.VMEM((R * TCAP, TR_DIM), jnp.float32)],
        )
        return pl.pallas_call(
            functools.partial(_small_body, R, TCAP),
            grid_spec=grid_spec,
            out_shape=jax.ShapeDtypeStruct((NB, CL), jnp.float32),
            compiler_params=pltpu.CompilerParams(
                dimension_semantics=("arbitrary",)),
        )(cst_s, xg, mb, live, bg, dW, db, o2lW, o2lb, ln1g, ln1b,
          wqkv, bqkv, wo, bo, ln2g, ln2b, wff1, bff1, wff2, bff2,
          lnfg, lnfb)

    return run


def _tr_body(R, TCAP,
             eff_ref, cst_ref, flg_ref,
             xg_ref, kvm_ref, bg_ref, dW_ref, db_ref, o2lW_ref, o2lb_ref,
             ln1g_ref, ln1b_ref, wqkv_ref, bqkv_ref, wo_ref, bo_ref,
             ln2g_ref, ln2b_ref, wff1_ref, bff1_ref, wff2_ref, bff2_ref,
             lnfg_ref, lnfb_ref,
             out_ref, X):
    b = pl.program_id(0)

    @pl.when(flg_ref[b] == 1)
    def _():
        base = b * R
        bg = bg_ref[...]
        bgW = jnp.dot(bg.astype(jnp.bfloat16), dW_ref[...],
                      preferred_element_type=jnp.float32) + db_ref[...]
        d = jnp.mean(bgW, axis=0, keepdims=True)
        bg_corr = bg + jnp.concatenate(
            [d[:, t * TR_DIM:(t + 1) * TR_DIM] for t in range(NUM_BG)],
            axis=0)

        X[...] = jnp.zeros((R * TCAP, TR_DIM), jnp.float32)
        for r in range(R):
            eff = jnp.minimum(eff_ref[base + r], TCAP - NUM_BG)
            cst = cst_ref[base + r]
            X[pl.ds(r * TCAP, NUM_BG), :] = bg_corr

            def cp(k, _, r=r, eff=eff, cst=cst):
                vals = xg_ref[pl.ds(cst + k * 8, 8), :]
                msk = (lax.broadcasted_iota(jnp.int32, (8, TR_DIM), 0)
                       + k * 8) < eff
                X[pl.ds(r * TCAP + NUM_BG + k * 8, 8), :] = jnp.where(
                    msk, vals, 0.0)
                return 0

            lax.fori_loop(0, (eff + 7) // 8, cp, 0)

        x = X[...]
        m = kvm_ref[...]
        scale = DH ** -0.5
        bf = jnp.bfloat16
        for i in range(DEPTH):
            h = _layernorm(x, ln1g_ref[pl.ds(i, 1), :], ln1b_ref[pl.ds(i, 1), :])
            qkv = jnp.dot(h.astype(bf), wqkv_ref[i],
                          preferred_element_type=jnp.float32) \
                + bqkv_ref[pl.ds(i, 1), :]
            heads_out = []
            for hd in range(HEADS):
                qh = qkv[:, hd * DH:(hd + 1) * DH].reshape(R, TCAP, DH)
                kh = qkv[:, HEADS * DH + hd * DH:
                         HEADS * DH + (hd + 1) * DH].reshape(R, TCAP, DH)
                vh = qkv[:, 2 * HEADS * DH + hd * DH:
                         2 * HEADS * DH + (hd + 1) * DH].reshape(R, TCAP, DH)
                logits = lax.dot_general(
                    qh.astype(bf), kh.astype(bf), (((2,), (2,)), ((0,), (0,))),
                    preferred_element_type=jnp.float32)
                logits = jnp.where(m[:, None, :] > 0, logits, -1e30)
                amax = jnp.max(logits, axis=-1, keepdims=True)
                e = jnp.exp(logits - amax)
                a = e / jnp.sum(e, axis=-1, keepdims=True)
                heads_out.append(lax.dot_general(
                    a.astype(bf), vh.astype(bf), (((2,), (1,)), ((0,), (0,))),
                    preferred_element_type=jnp.float32))
            o = jnp.concatenate(heads_out, axis=-1).reshape(R * TCAP, TR_DIM)
            x = x + jnp.dot(o.astype(bf), wo_ref[i],
                            preferred_element_type=jnp.float32) \
                + bo_ref[pl.ds(i, 1), :]
            h2 = _layernorm(x, ln2g_ref[pl.ds(i, 1), :], ln2b_ref[pl.ds(i, 1), :])
            f = jax.nn.gelu(jnp.dot(h2.astype(bf), wff1_ref[i],
                                    preferred_element_type=jnp.float32)
                            + bff1_ref[pl.ds(i, 1), :])
            x = x + jnp.dot(f.astype(bf), wff2_ref[i],
                            preferred_element_type=jnp.float32) \
                + bff2_ref[pl.ds(i, 1), :]
        x = _layernorm(x, lnfg_ref[...], lnfb_ref[...])

        xr = x.reshape(R, TCAP, TR_DIM)
        bgtok = jnp.concatenate([xr[:, t, :] for t in range(NUM_BG)],
                                axis=-1)
        out_ref[...] = jnp.dot(bgtok.astype(jnp.bfloat16), o2lW_ref[...],
                               preferred_element_type=jnp.float32) \
            + o2lb_ref[...]


def _make_tr_call(R, TCAP):
    nblk = NB // R

    def full(shape):
        nd = len(shape)
        return pl.BlockSpec(shape, lambda b, *_: (0,) * nd)

    def run(xg, kvm, flags, eff_s, cst_s, bg, dW, db, o2lW, o2lb,
            ln1g, ln1b, wqkv, bqkv, wo, bo, ln2g, ln2b,
            wff1, bff1, wff2, bff2, lnfg, lnfb):
        grid_spec = pltpu.PrefetchScalarGridSpec(
            num_scalar_prefetch=3,
            grid=(nblk,),
            in_specs=[
                full(xg.shape),
                pl.BlockSpec((R, TCAP), lambda b, *_: (b, 0)),
                full(bg.shape), full(dW.shape), full(db.shape),
                full(o2lW.shape), full(o2lb.shape),
                full(ln1g.shape), full(ln1b.shape),
                full(wqkv.shape), full(bqkv.shape),
                full(wo.shape), full(bo.shape),
                full(ln2g.shape), full(ln2b.shape),
                full(wff1.shape), full(bff1.shape),
                full(wff2.shape), full(bff2.shape),
                full(lnfg.shape), full(lnfb.shape),
            ],
            out_specs=pl.BlockSpec((R, CL), lambda b, *_: (b, 0)),
            scratch_shapes=[pltpu.VMEM((R * TCAP, TR_DIM), jnp.float32)],
        )
        return pl.pallas_call(
            functools.partial(_tr_body, R, TCAP),
            grid_spec=grid_spec,
            out_shape=jax.ShapeDtypeStruct((NB, CL), jnp.float32),
            compiler_params=pltpu.CompilerParams(
                dimension_semantics=("arbitrary",)),
        )(eff_s, cst_s, flags, xg, kvm, bg, dW, db, o2lW, o2lb,
          ln1g, ln1b, wqkv, bqkv, wo, bo, ln2g, ln2b,
          wff1, bff1, wff2, bff2, lnfg, lnfb)

    return run


_R_SMALL, _T_SMALL = 64, 32
_R_BIG, _T_BIG = 8, 288

_call_small = _make_small_call(_R_SMALL, _T_SMALL)
_call_big = _make_tr_call(_R_BIG, _T_BIG)


def kernel(x, latent_inds, ob_background, direct_W, direct_b,
           ob2latent_W, ob2latent_b, ln1_g, ln1_b, Wqkv, bqkv, Wo, bo,
           ln2_g, ln2_b, Wff1, bff1, Wff2, bff2, lnf_g, lnf_b):
    perm, cnt_s, cst_s, Larr, valid, sidx = _build_plan(latent_inds)

    xg = x[sidx]
    xg = jnp.concatenate(
        [xg, jnp.zeros((_T_BIG, TR_DIM), jnp.float32)], axis=0)

    eff_s = jnp.where(valid, cnt_s, 0).astype(jnp.int32)
    cst_s = cst_s.astype(jnp.int32)

    kvlim = jnp.where(valid, NUM_BG + Larr, NUM_BG).astype(jnp.int32)
    tok = jnp.arange(_T_BIG, dtype=jnp.int32)[None, :]
    kvm_big = (tok < kvlim[:, None]).astype(jnp.float32)

    smallrow = kvlim <= _T_SMALL
    flags_big = (~smallrow).reshape(-1, _R_BIG).any(axis=1).astype(jnp.int32)

    NOB = _T_SMALL - NUM_BG
    slot = jnp.arange(_T_SMALL, dtype=jnp.int32)[None, :]
    livef = ((slot < NOB) & (slot < eff_s[:, None])).astype(
        jnp.float32).reshape(NB * _T_SMALL, 1)
    Larr_c = jnp.where(valid, Larr, 0)
    mb_small = jnp.where((slot < Larr_c[:, None]) | (slot >= NOB),
                         0.0, -1e30).astype(jnp.float32)

    db2 = direct_b.reshape(1, -1)
    o2lb2 = ob2latent_b.reshape(1, -1)
    lnfg2 = lnf_g.reshape(1, -1)
    lnfb2 = lnf_b.reshape(1, -1)
    bf = jnp.bfloat16

    qscale = jnp.float32(DH ** -0.5)
    Wqkv_s = Wqkv.at[:, :, :HEADS * DH].multiply(qscale)
    bqkv_s = bqkv.at[:, :HEADS * DH].multiply(qscale)
    wargs = (ob_background, direct_W.astype(bf), db2,
             ob2latent_W.astype(bf), o2lb2, ln1_g, ln1_b, Wqkv_s.astype(bf),
             bqkv_s, Wo.astype(bf), bo, ln2_g, ln2_b, Wff1.astype(bf), bff1,
             Wff2.astype(bf), bff2, lnfg2, lnfb2)

    lat_a = _call_small(cst_s, xg, mb_small, livef, *wargs)
    lat_b = lax.cond(
        jnp.any(flags_big > 0),
        lambda: _call_big(xg, kvm_big, flags_big, eff_s, cst_s, *wargs),
        lambda: jnp.zeros((NB, CL), jnp.float32))

    lat = jnp.where(smallrow[:, None], lat_a, lat_b)
    lat = jnp.where(valid[:, None], lat, 0.0)
    latent = jnp.zeros((NB, CL), jnp.float32).at[perm].set(lat)
    return latent.reshape(1, DD, HH, WW, CL)

# --- scband reference (transcript-rebuilt; emitter-appended) ---
"""Pipeline reference for scband-ob-tr-encoder-65678639891295 (READ-ONLY COPY).

The authoritative reference and input builder live on the scoring server;
editing this copy changes nothing except your own understanding.
"""

import jax, jax.numpy as jnp
import numpy as np

D, H, W, CL = 16, 16, 16, 256
TR_DIM, OUT_DIM = 64, 256
NUM_BG = OUT_DIM // TR_DIM
DEPTH, HEADS, DH = 6, 2, 32
FF = 4 * TR_DIM
N_OBS = 16384
TTPB = 1024 * 64


def layernorm(t, g, b, eps=1e-5):
    m = t.mean(-1, keepdims=True)
    v = ((t - m) ** 2).mean(-1, keepdims=True)
    return (t - m) / jnp.sqrt(v + eps) * g + b


def build_plan(latent_inds):
    flat = (latent_inds[:, 0].astype(jnp.int32) * (H * W)
            + latent_inds[:, 1].astype(jnp.int32) * W
            + latent_inds[:, 2].astype(jnp.int32))
    nb = D * H * W
    counts = jnp.zeros((nb,), jnp.int32).at[flat].add(1)
    sort_key = (-counts) * nb + jnp.arange(nb, dtype=jnp.int32)
    perm = jnp.argsort(sort_key)
    cnt_s = counts[perm]
    nu = jnp.sum((counts > 0).astype(jnp.int32))
    si0 = jnp.sum((cnt_s >= 255).astype(jnp.int32))
    pos = jnp.arange(nb, dtype=jnp.int32)

    def cond_fn(carry):
        si, _ = carry
        return si < nu

    def body_fn(carry):
        si, Larr = carry
        L = cnt_s[si]
        B = TTPB // (NUM_BG + L)
        rB = jnp.minimum(B, nu - si)
        Larr = jnp.where((pos >= si) & (pos < si + rB), L, Larr)
        return si + rB, Larr

    _, Larr = jax.lax.while_loop(cond_fn, body_fn, (si0, jnp.zeros((nb,), jnp.int32)))
    valid = (pos >= si0) & (pos < nu)
    rank = jnp.zeros((nb,), jnp.int32).at[perm].set(pos)
    sidx = jnp.argsort(flat, stable=True)
    cstart = jnp.cumsum(counts) - counts
    occ = jnp.zeros((N_OBS,), jnp.int32).at[sidx].set(
        jnp.arange(N_OBS, dtype=jnp.int32) - cstart[flat[sidx]].astype(jnp.int32))
    return flat, perm, rank, Larr, valid, occ


def transformer(xx, trp, kvm):
    (ln1_g, ln1_b, Wqkv, bqkv, Wo, bo, ln2_g, ln2_b, Wff1, bff1, Wff2, bff2, lnf_g, lnf_b) = trp
    Bq, T, _ = xx.shape
    for i in range(DEPTH):
        h = layernorm(xx, ln1_g[i], ln1_b[i])
        qkv = h @ Wqkv[i] + bqkv[i]
        q, k, v = jnp.split(qkv, 3, axis=-1)
        q = q.reshape(Bq, T, HEADS, DH).transpose(0, 2, 1, 3)
        k = k.reshape(Bq, T, HEADS, DH).transpose(0, 2, 1, 3)
        v = v.reshape(Bq, T, HEADS, DH).transpose(0, 2, 1, 3)
        logits = (q @ jnp.swapaxes(k, -1, -2)) * (DH ** -0.5)
        logits = jnp.where(kvm[:, None, None, :], logits, -jnp.inf)
        a = jax.nn.softmax(logits, axis=-1)
        o = jnp.swapaxes(a @ v, 1, 2).reshape(Bq, T, HEADS * DH)
        xx = xx + (o @ Wo[i] + bo[i])
        h = layernorm(xx, ln2_g[i], ln2_b[i])
        xx = xx + (jax.nn.gelu(h @ Wff1[i] + bff1[i]) @ Wff2[i] + bff2[i])
    return layernorm(xx, lnf_g, lnf_b)


def forward(x, plan, ob_background, direct_W, direct_b, ob2latent_W, ob2latent_b, trp):
    flat, perm, rank, Larr, valid, occ = plan
    nb = D * H * W
    Lcap = 254
    T = NUM_BG + Lcap
    X = jnp.zeros((nb, T, TR_DIM), dtype=x.dtype)
    X = X.at[:, :NUM_BG].set(ob_background)
    X = X.at[rank[flat], NUM_BG + occ].set(x, mode='drop')
    kvm = jnp.arange(T, dtype=jnp.int32)[None, :] < (NUM_BG + Larr)[:, None]
    ch = 256
    nch = nb // ch
    Xc = X.reshape(nch, ch, T, TR_DIM)
    mc_all = kvm.reshape(nch, ch, T)

    def chunk_body(carry, inp):
        xc, mc = inp
        bg = xc[:, :NUM_BG]
        d = (bg @ direct_W + direct_b).mean(axis=1).reshape(ch, NUM_BG, TR_DIM)
        xc = xc.at[:, :NUM_BG].add(d)
        out = transformer(xc, trp, mc)
        lat = out[:, :NUM_BG].reshape(ch, OUT_DIM) @ ob2latent_W + ob2latent_b
        return carry, lat

    _, lats = jax.lax.scan(chunk_body, 0, (Xc, mc_all))
    lat = lats.reshape(nb, CL)
    lat = jnp.where(valid[:, None], lat, jnp.zeros((), lat.dtype))
    latent_space = jnp.zeros((nb, CL), dtype=jnp.float32).at[perm].set(lat)
    return latent_space.reshape(1, D, H, W, CL)


def setup_inputs(seed: int = 0):
    key = jax.random.key(seed)
    ks = jax.random.split(key, 12)
    s = 0.02
    return {
        "x": jax.random.normal(ks[0], (N_OBS, TR_DIM), dtype=jnp.float32),
        "latent_inds": jax.random.randint(ks[1], (N_OBS, 3), 0, D),
        "ob_background": jax.random.normal(ks[2], (NUM_BG, TR_DIM), dtype=jnp.float32),
        "direct_W": s * jax.random.normal(ks[3], (TR_DIM, TR_DIM * NUM_BG), dtype=jnp.float32),
        "direct_b": jnp.zeros((TR_DIM * NUM_BG,), dtype=jnp.float32),
        "ob2latent_W": s * jax.random.normal(ks[4], (OUT_DIM, CL), dtype=jnp.float32),
        "ob2latent_b": jnp.zeros((CL,), dtype=jnp.float32),
        "ln1_g": jnp.ones((DEPTH, TR_DIM), dtype=jnp.float32),
        "ln1_b": jnp.zeros((DEPTH, TR_DIM), dtype=jnp.float32),
        "Wqkv": s * jax.random.normal(ks[5], (DEPTH, TR_DIM, 3 * HEADS * DH), dtype=jnp.float32),
        "bqkv": jnp.zeros((DEPTH, 3 * HEADS * DH), dtype=jnp.float32),
        "Wo": s * jax.random.normal(ks[6], (DEPTH, HEADS * DH, TR_DIM), dtype=jnp.float32),
        "bo": jnp.zeros((DEPTH, TR_DIM), dtype=jnp.float32),
        "ln2_g": jnp.ones((DEPTH, TR_DIM), dtype=jnp.float32),
        "ln2_b": jnp.zeros((DEPTH, TR_DIM), dtype=jnp.float32),
        "Wff1": s * jax.random.normal(ks[7], (DEPTH, TR_DIM, FF), dtype=jnp.float32),
        "bff1": jnp.zeros((DEPTH, FF), dtype=jnp.float32),
        "Wff2": s * jax.random.normal(ks[8], (DEPTH, FF, TR_DIM), dtype=jnp.float32),
        "bff2": jnp.zeros((DEPTH, TR_DIM), dtype=jnp.float32),
        "lnf_g": jnp.ones((TR_DIM,), dtype=jnp.float32),
        "lnf_b": jnp.zeros((TR_DIM,), dtype=jnp.float32),
    }


def reference(x, latent_inds, ob_background, direct_W, direct_b, ob2latent_W, ob2latent_b, ln1_g, ln1_b, Wqkv, bqkv, Wo, bo, ln2_g, ln2_b, Wff1, bff1, Wff2, bff2, lnf_g, lnf_b):
    plan = build_plan(latent_inds)
    trp = (ln1_g, ln1_b, Wqkv, bqkv, Wo, bo, ln2_g, ln2_b, Wff1, bff1, Wff2, bff2, lnf_g, lnf_b)
    return forward(x, plan, ob_background, direct_W, direct_b, ob2latent_W, ob2latent_b, trp)

if __name__ == "__main__":
    import jax
    _d = setup_inputs()
    print(jax.jit(kernel)(*tuple(_d.values())))

</pallas_src>

<mosaic_0001>
module attributes {stable_mosaic.version = 14 : i64} {
  func.func @_tr_body(%arg0: i32, %arg1: memref<4096xi32, #tpu.memory_space<smem>>, %arg2: memref<4096xi32, #tpu.memory_space<smem>>, %arg3: memref<512xi32, #tpu.memory_space<smem>>, %arg4: memref<16672x64xf32, #tpu.memory_space<vmem>>, %arg5: memref<8x288xf32, #tpu.memory_space<vmem>>, %arg6: memref<4x64xf32, #tpu.memory_space<vmem>>, %arg7: memref<64x256xbf16, #tpu.memory_space<vmem>>, %arg8: memref<1x256xf32, #tpu.memory_space<vmem>>, %arg9: memref<256x256xbf16, #tpu.memory_space<vmem>>, %arg10: memref<1x256xf32, #tpu.memory_space<vmem>>, %arg11: memref<6x64xf32, #tpu.memory_space<vmem>>, %arg12: memref<6x64xf32, #tpu.memory_space<vmem>>, %arg13: memref<6x64x192xbf16, #tpu.memory_space<vmem>>, %arg14: memref<6x192xf32, #tpu.memory_space<vmem>>, %arg15: memref<6x64x64xbf16, #tpu.memory_space<vmem>>, %arg16: memref<6x64xf32, #tpu.memory_space<vmem>>, %arg17: memref<6x64xf32, #tpu.memory_space<vmem>>, %arg18: memref<6x64xf32, #tpu.memory_space<vmem>>, %arg19: memref<6x64x256xbf16, #tpu.memory_space<vmem>>, %arg20: memref<6x256xf32, #tpu.memory_space<vmem>>, %arg21: memref<6x256x64xbf16, #tpu.memory_space<vmem>>, %arg22: memref<6x64xf32, #tpu.memory_space<vmem>>, %arg23: memref<1x64xf32, #tpu.memory_space<vmem>>, %arg24: memref<1x64xf32, #tpu.memory_space<vmem>>, %arg25: memref<8x256xf32, #tpu.memory_space<vmem>>, %arg26: memref<2304x64xf32, #tpu.memory_space<vmem>>) attributes {dimension_semantics = [#tpu.dimension_semantics<arbitrary>], iteration_bounds = array<i64: 512>, scalar_prefetch = 3 : i64, scratch_operands = 1 : i64, tpu.core_type = #tpu.core_type<tc>, window_params = [{pipeline_mode = #tpu.pipeline_mode<synchronous>, transform_indices = @transform_0, window_bounds = array<i64: 16672, 64>}, {transform_indices = @transform_1, window_bounds = array<i64: 8, 288>}, {pipeline_mode = #tpu.pipeline_mode<synchronous>, transform_indices = @transform_2, window_bounds = array<i64: 4, 64>}, {pipeline_mode = #tpu.pipeline_mode<synchronous>, transform_indices = @transform_3, window_bounds = array<i64: 64, 256>}, {pipeline_mode = #tpu.pipeline_mode<synchronous>, transform_indices = @transform_4, window_bounds = array<i64: 1, 256>}, {pipeline_mode = #tpu.pipeline_mode<synchronous>, transform_indices = @transform_5, window_bounds = array<i64: 256, 256>}, {pipeline_mode = #tpu.pipeline_mode<synchronous>, transform_indices = @transform_6, window_bounds = array<i64: 1, 256>}, {pipeline_mode = #tpu.pipeline_mode<synchronous>, transform_indices = @transform_7, window_bounds = array<i64: 6, 64>}, {pipeline_mode = #tpu.pipeline_mode<synchronous>, transform_indices = @transform_8, window_bounds = array<i64: 6, 64>}, {pipeline_mode = #tpu.pipeline_mode<synchronous>, transform_indices = @transform_9, window_bounds = array<i64: 6, 64, 192>}, {pipeline_mode = #tpu.pipeline_mode<synchronous>, transform_indices = @transform_10, window_bounds = array<i64: 6, 192>}, {pipeline_mode = #tpu.pipeline_mode<synchronous>, transform_indices = @transform_11, window_bounds = array<i64: 6, 64, 64>}, {pipeline_mode = #tpu.pipeline_mode<synchronous>, transform_indices = @transform_12, window_bounds = array<i64: 6, 64>}, {pipeline_mode = #tpu.pipeline_mode<synchronous>, transform_indices = @transform_13, window_bounds = array<i64: 6, 64>}, {pipeline_mode = #tpu.pipeline_mode<synchronous>, transform_indices = @transform_14, window_bounds = array<i64: 6, 64>}, {pipeline_mode = #tpu.pipeline_mode<synchronous>, transform_indices = @transform_15, window_bounds = array<i64: 6, 64, 256>}, {pipeline_mode = #tpu.pipeline_mode<synchronous>, transform_indices = @transform_16, window_bounds = array<i64: 6, 256>}, {pipeline_mode = #tpu.pipeline_mode<synchronous>, transform_indices = @transform_17, window_bounds = array<i64: 6, 256, 64>}, {pipeline_mode = #tpu.pipeline_mode<synchronous>, transform_indices = @transform_18, window_bounds = array<i64: 6, 64>}, {pipeline_mode = #tpu.pipeline_mode<synchronous>, transform_indices = @transform_19, window_bounds = array<i64: 1, 64>}, {pipeline_mode = #tpu.pipeline_mode<synchronous>, transform_indices = @transform_20, window_bounds = array<i64: 1, 64>}, {transform_indices = @transform_21, window_bounds = array<i64: 8, 256>}]} {
    %get3A = arith.index_cast %arg0 : i32 to index
    %get3A_0 = memref.load %arg3[%get3A] : memref<512xi32, #tpu.memory_space<smem>>
    %eq3A = arith.constant 1 : i32
    %eq3A_1 = arith.cmpi eq, %get3A_0, %eq3A : i32
    %convert_element_type3A = arith.extui %eq3A_1 : i1 to i32
    %cond3A = arith.constant 0 : i32
    %cond3A_2 = arith.cmpi ne, %convert_element_type3A, %cond3A : i32
    scf.if %cond3A_2 {
      %mul3A = arith.constant 8 : i32
      %mul3A_3 = arith.muli %arg0, %mul3A : i32
      %get3A_4 = arith.constant 0 : index
      %get3A_5 = arith.constant 0 : index
      %get3A_6 = vector.load %arg6[%get3A_4, %get3A_5] : memref<4x64xf32, #tpu.memory_space<vmem>>, vector<4x64xf32>
      %convert_element_type3A_7 = arith.truncf %get3A_6 : vector<4x64xf32> to vector<4x64xbf16>
      %get3A_8 = arith.constant 0 : index
      %get3A_9 = arith.constant 0 : index
      %get3A_10 = vector.load %arg7[%get3A_8, %get3A_9] : memref<64x256xbf16, #tpu.memory_space<vmem>>, vector<64x256xbf16>
      %dot_general3A = arith.constant dense<0.000000e+00> : vector<4x256xf32>
      %dot_general3A_11 = tpu.matmul %convert_element_type3A_7, %get3A_10, %dot_general3A {dimension_numbers = #tpu.dot_dimension_numbers<[1], [0], [0], [1], [0, 0, 1, 1], [], []>, transpose_lhs_hint = false} : vector<4x64xbf16>, vector<64x256xbf16>, vector<4x256xf32> -> vector<4x256xf32>
      %get3A_12 = arith.constant 0 : index
      %get3A_13 = arith.constant 0 : index
      %get3A_14 = vector.load %arg8[%get3A_12, %get3A_13] : memref<1x256xf32, #tpu.memory_space<vmem>>, vector<1x256xf32>
      %add3A = vector.broadcast %get3A_14 : vector<1x256xf32> to vector<4x256xf32>
      %add3A_15 = arith.addf %dot_general3A_11, %add3A : vector<4x256xf32>
      %reduce_sum3A = arith.constant dense<0.000000e+00> : vector<256xf32>
      %reduce_sum3A_16 = vector.multi_reduction <add>, %add3A_15, %reduce_sum3A [0] : vector<4x256xf32> to vector<256xf32>
      %broadcast_in_dim3A = vector.shape_cast %reduce_sum3A_16 : vector<256xf32> to vector<1x256xf32>
      %div3A = arith.constant 4.000000e+00 : f32
      %div3A_17 = vector.broadcast %div3A : f32 to vector<1x256xf32>
      %div3A_18 = arith.divf %broadcast_in_dim3A, %div3A_17 : vector<1x256xf32>
      %slice3A = vector.extract_strided_slice %div3A_18 {offsets = [0, 0], sizes = [1, 64], strides = [1, 1]} : vector<1x256xf32> to vector<1x64xf32>
      %slice3A_19 = vector.extract_strided_slice %div3A_18 {offsets = [0, 64], sizes = [1, 64], strides = [1, 1]} : vector<1x256xf32> to vector<1x64xf32>
      %slice3A_20 = vector.extract_strided_slice %div3A_18 {offsets = [0, 128], sizes = [1, 64], strides = [1, 1]} : vector<1x256xf32> to vector<1x64xf32>
      %slice3A_21 = vector.extract_strided_slice %div3A_18 {offsets = [0, 192], sizes = [1, 64], strides = [1, 1]} : vector<1x256xf32> to vector<1x64xf32>
      %concatenate3A = tpu.concatenate %slice3A, %slice3A_19, %slice3A_20, %slice3A_21 in 0 : vector<1x64xf32>, vector<1x64xf32>, vector<1x64xf32>, vector<1x64xf32> -> vector<4x64xf32>
      %add3A_22 = arith.addf %get3A_6, %concatenate3A : vector<4x64xf32>
      %broadcast_in_dim3A_23 = arith.constant 0.000000e+00 : f32
      %broadcast_in_dim3A_24 = vector.broadcast %broadcast_in_dim3A_23 : f32 to vector<2304x64xf32>
      %swap3A = arith.constant 0 : index
      %swap3A_25 = arith.constant 0 : index
      %swap3A_26 = vector.load %arg26[%swap3A, %swap3A_25] : memref<2304x64xf32, #tpu.memory_space<vmem>>, vector<2304x64xf32>
      tpu.vector_store %arg26[%swap3A, %swap3A_25], %broadcast_in_dim3A_24 {strides = array<i32>} : memref<2304x64xf32, #tpu.memory_space<vmem>>, vector<2304x64xf32>,
      %add3A_27 = arith.constant 0 : i32
      %add3A_28 = arith.addi %mul3A_3, %add3A_27 : i32
      %get3A_29 = arith.index_cast %add3A_28 : i32 to index
      %get3A_30 = memref.load %arg1[%get3A_29] : memref<4096xi32, #tpu.memory_space<smem>>
      %min3A = arith.constant 284 : i32
      %min3A_31 = arith.minsi %get3A_30, %min3A : i32
      %add3A_32 = arith.constant 0 : i32
      %add3A_33 = arith.addi %mul3A_3, %add3A_32 : i32
      %get3A_34 = arith.index_cast %add3A_33 : i32 to index
      %get3A_35 = memref.load %arg2[%get3A_34] : memref<4096xi32, #tpu.memory_space<smem>>
      %swap3A_36 = arith.constant 0 : index
      %swap3A_37 = arith.constant 0 : index
      %swap3A_38 = vector.load %arg26[%swap3A_36, %swap3A_37] : memref<2304x64xf32, #tpu.memory_space<vmem>>, vector<4x64xf32>
      tpu.vector_store %arg26[%swap3A_36, %swap3A_37], %add3A_22 {strides = array<i32>} : memref<2304x64xf32, #tpu.memory_space<vmem>>, vector<4x64xf32>,
      %add3A_39 = arith.constant 7 : i32
      %add3A_40 = arith.addi %min3A_31, %add3A_39 : i32
      %jit3A = arith.constant 8 : i32
      %div3A_41 = arith.divsi %add3A_40, %jit3A : i32
      %sign3A = arith.constant 0 : i32
      %sign3A_42 = arith.cmpi sgt, %add3A_40, %sign3A : i32
      %sign3A_43 = arith.extui %sign3A_42 : i1 to i32
      %sign3A_44 = arith.constant 0 : i32
      %sign3A_45 = arith.cmpi slt, %add3A_40, %sign3A_44 : i32
      %sign3A_46 = arith.extui %sign3A_45 : i1 to i32
      %sign3A_47 = arith.subi %sign3A_43, %sign3A_46 : i32
      %sign3A_48 = arith.constant 0 : i32
      %sign3A_49 = arith.cmpi sgt, %jit3A, %sign3A_48 : i32
      %sign3A_50 = arith.extui %sign3A_49 : i1 to i32
      %sign3A_51 = arith.constant 0 : i32
      %sign3A_52 = arith.cmpi slt, %jit3A, %sign3A_51 : i32
      %sign3A_53 = arith.extui %sign3A_52 : i1 to i32
      %sign3A_54 = arith.subi %sign3A_50, %sign3A_53 : i32
      %ne3A = arith.cmpi ne, %sign3A_47, %sign3A_54 : i32
      %rem3A = arith.remsi %add3A_40, %jit3A : i32
      %ne3A_55 = arith.constant 0 : i32
      %ne3A_56 = arith.cmpi ne, %rem3A, %ne3A_55 : i32
      %and3A = arith.andi %ne3A, %ne3A_56 : i1
      %sub3A = arith.constant 1 : i32
      %sub3A_57 = arith.subi %div3A_41, %sub3A : i32
      %select_n3A = arith.select %and3A, %sub3A_57, %div3A_41 : i32
      %while3A = arith.constant 0 : i32
      %while3A_58 = arith.constant 0 : i32
      %while3A_59 = arith.subi %select_n3A, %while3A : i32
      %while3A_60 = arith.addi %while3A, %while3A_59 : i32
      %while3A_61 = arith.constant 1 : i32
      %while3A_62 = arith.divsi %while3A_59, %while3A_61 : i32
      %while3A_63 = arith.muli %while3A_62, %while3A_61 : i32
      %while3A_64 = arith.addi %while3A, %while3A_63 : i32
      %while3A_65 = arith.constant 1 : i32
      %while3A_66 = scf.for %while3A_1723 = %while3A to %while3A_64 step %while3A_65 iter_args(%while3A_1724 = %while3A_58) -> (i32)  : i32 {
        %mul3A_1725 = arith.constant 8 : i32
        %mul3A_1726 = arith.muli %while3A_1723, %mul3A_1725 : i32
        %add3A_1727 = arith.addi %get3A_35, %mul3A_1726 : i32
        %get3A_1728 = arith.index_cast %add3A_1727 : i32 to index
        %get3A_1729 = arith.constant 0 : index
        %get3A_1730 = vector.load %arg4[%get3A_1728, %get3A_1729] : memref<16672x64xf32, #tpu.memory_space<vmem>>, vector<8x64xf32>
        %iota3A = tpu.iota {dimensions = array<i32: 0>} : vector<8x64xi32>
        %mul3A_1731 = arith.constant 8 : i32
        %mul3A_1732 = arith.muli %while3A_1723, %mul3A_1731 : i32
        %add3A_1733 = vector.broadcast %mul3A_1732 : i32 to vector<8x64xi32>
        %add3A_1734 = arith.addi %iota3A, %add3A_1733 : vector<8x64xi32>
        %lt3A = vector.broadcast %min3A_31 : i32 to vector<8x64xi32>
        %lt3A_1735 = arith.cmpi slt, %add3A_1734, %lt3A : vector<8x64xi32>
        %jit3A_1736 = arith.constant 0.000000e+00 : f32
        %broadcast_in_dim3A_1737 = vector.broadcast %jit3A_1736 : f32 to vector<8x64xf32>
        %select_n3A_1738 = arith.select %lt3A_1735, %get3A_1730, %broadcast_in_dim3A_1737 : vector<8x64xi1>, vector<8x64xf32>
        %mul3A_1739 = arith.constant 8 : i32
        %mul3A_1740 = arith.muli %while3A_1723, %mul3A_1739 : i32
        %add3A_1741 = arith.constant 4 : i32
        %add3A_1742 = arith.addi %add3A_1741, %mul3A_1740 : i32
        %swap3A_1743 = arith.index_cast %add3A_1742 : i32 to index
        %swap3A_1744 = arith.constant 0 : index
        %swap3A_1745 = vector.load %arg26[%swap3A_1743, %swap3A_1744] : memref<2304x64xf32, #tpu.memory_space<vmem>>, vector<8x64xf32>
        tpu.vector_store %arg26[%swap3A_1743, %swap3A_1744], %select_n3A_1738 {strides = array<i32>} : memref<2304x64xf32, #tpu.memory_space<vmem>>, vector<8x64xf32>,
        %while3A_1746 = arith.constant 0 : i32
        scf.yield %while3A_1746 : i32
      }
      %while3A_67 = arith.constant 1 : i32
      %while3A_68 = scf.for %while3A_1723 = %while3A_64 to %while3A_60 step %while3A_67 iter_args(%while3A_1724 = %while3A_66) -> (i32)  : i32 {
        %mul3A_1725 = arith.constant 8 : i32
        %mul3A_1726 = arith.muli %while3A_1723, %mul3A_1725 : i32
        %add3A_1727 = arith.addi %get3A_35, %mul3A_1726 : i32
        %get3A_1728 = arith.index_cast %add3A_1727 : i32 to index
        %get3A_1729 = arith.constant 0 : index
        %get3A_1730 = vector.load %arg4[%get3A_1728, %get3A_1729] : memref<16672x64xf32, #tpu.memory_space<vmem>>, vector<8x64xf32>
        %iota3A = tpu.iota {dimensions = array<i32: 0>} : vector<8x64xi32>
        %mul3A_1731 = arith.constant 8 : i32
        %mul3A_1732 = arith.muli %while3A_1723, %mul3A_1731 : i32
        %add3A_1733 = vector.broadcast %mul3A_1732 : i32 to vector<8x64xi32>
        %add3A_1734 = arith.addi %iota3A, %add3A_1733 : vector<8x64xi32>
        %lt3A = vector.broadcast %min3A_31 : i32 to vector<8x64xi32>
        %lt3A_1735 = arith.cmpi slt, %add3A_1734, %lt3A : vector<8x64xi32>
        %jit3A_1736 = arith.constant 0.000000e+00 : f32
        %broadcast_in_dim3A_1737 = vector.broadcast %jit3A_1736 : f32 to vector<8x64xf32>
        %select_n3A_1738 = arith.select %lt3A_1735, %get3A_1730, %broadcast_in_dim3A_1737 : vector<8x64xi1>, vector<8x64xf32>
        %mul3A_1739 = arith.constant 8 : i32
        %mul3A_1740 = arith.muli %while3A_1723, %mul3A_1739 : i32
        %add3A_1741 = arith.constant 4 : i32
        %add3A_1742 = arith.addi %add3A_1741, %mul3A_1740 : i32
        %swap3A_1743 = arith.index_cast %add3A_1742 : i32 to index
        %swap3A_1744 = arith.constant 0 : index
        %swap3A_1745 = vector.load %arg26[%swap3A_1743, %swap3A_1744] : memref<2304x64xf32, #tpu.memory_space<vmem>>, vector<8x64xf32>
        tpu.vector_store %arg26[%swap3A_1743, %swap3A_1744], %select_n3A_1738 {strides = array<i32>} : memref<2304x64xf32, #tpu.memory_space<vmem>>, vector<8x64xf32>,
        %while3A_1746 = arith.constant 0 : i32
        scf.yield %while3A_1746 : i32
      }
      %add3A_69 = arith.constant 1 : i32
      %add3A_70 = arith.addi %mul3A_3, %add3A_69 : i32
      %get3A_71 = arith.index_cast %add3A_70 : i32 to index
      %get3A_72 = memref.load %arg1[%get3A_71] : memref<4096xi32, #tpu.memory_space<smem>>
      %min3A_73 = arith.constant 284 : i32
      %min3A_74 = arith.minsi %get3A_72, %min3A_73 : i32
      %add3A_75 = arith.constant 1 : i32
      %add3A_76 = arith.addi %mul3A_3, %add3A_75 : i32
      %get3A_77 = arith.index_cast %add3A_76 : i32 to index
      %get3A_78 = memref.load %arg2[%get3A_77] : memref<4096xi32, #tpu.memory_space<smem>>
      %swap3A_79 = arith.constant 288 : index
      %swap3A_80 = arith.constant 0 : index
      %swap3A_81 = vector.load %arg26[%swap3A_79, %swap3A_80] : memref<2304x64xf32, #tpu.memory_space<vmem>>, vector<4x64xf32>
      tpu.vector_store %arg26[%swap3A_79, %swap3A_80], %add3A_22 {strides = array<i32>} : memref<2304x64xf32, #tpu.memory_space<vmem>>, vector<4x64xf32>,
      %add3A_82 = arith.constant 7 : i32
      %add3A_83 = arith.addi %min3A_74, %add3A_82 : i32
      %jit3A_84 = arith.constant 8 : i32
      %div3A_85 = arith.divsi %add3A_83, %jit3A_84 : i32
      %sign3A_86 = arith.constant 0 : i32
      %sign3A_87 = arith.cmpi sgt, %add3A_83, %sign3A_86 : i32
      %sign3A_88 = arith.extui %sign3A_87 : i1 to i32
      %sign3A_89 = arith.constant 0 : i32
      %sign3A_90 = arith.cmpi slt, %add3A_83, %sign3A_89 : i32
      %sign3A_91 = arith.extui %sign3A_90 : i1 to i32
      %sign3A_92 = arith.subi %sign3A_88, %sign3A_91 : i32
      %sign3A_93 = arith.constant 0 : i32
      %sign3A_94 = arith.cmpi sgt, %jit3A_84, %sign3A_93 : i32
      %sign3A_95 = arith.extui %sign3A_94 : i1 to i32
      %sign3A_96 = arith.constant 0 : i32
      %sign3A_97 = arith.cmpi slt, %jit3A_84, %sign3A_96 : i32
      %sign3A_98 = arith.extui %sign3A_97 : i1 to i32
      %sign3A_99 = arith.subi %sign3A_95, %sign3A_98 : i32
      %ne3A_100 = arith.cmpi ne, %sign3A_92, %sign3A_99 : i32
      %rem3A_101 = arith.remsi %add3A_83, %jit3A_84 : i32
      %ne3A_102 = arith.constant 0 : i32
      %ne3A_103 = arith.cmpi ne, %rem3A_101, %ne3A_102 : i32
      %and3A_104 = arith.andi %ne3A_100, %ne3A_103 : i1
      %sub3A_105 = arith.constant 1 : i32
      %sub3A_106 = arith.subi %div3A_85, %sub3A_105 : i32
      %select_n3A_107 = arith.select %and3A_104, %sub3A_106, %div3A_85 : i32
      %while3A_108 = arith.constant 0 : i32
      %while3A_109 = arith.constant 0 : i32
      %while3A_110 = arith.subi %select_n3A_107, %while3A_108 : i32
      %while3A_111 = arith.addi %while3A_108, %while3A_110 : i32
      %while3A_112 = arith.constant 1 : i32
      %while3A_113 = arith.divsi %while3A_110, %while3A_112 : i32
      %while3A_114 = arith.muli %while3A_113, %while3A_112 : i32
      %while3A_115 = arith.addi %while3A_108, %while3A_114 : i32
      %while3A_116 = arith.constant 1 : i32
      %while3A_117 = scf.for %while3A_1723 = %while3A_108 to %while3A_115 step %while3A_116 iter_args(%while3A_1724 = %while3A_109) -> (i32)  : i32 {
        %mul3A_1725 = arith.constant 8 : i32
        %mul3A_1726 = arith.muli %while3A_1723, %mul3A_1725 : i32
        %add3A_1727 = arith.addi %get3A_78, %mul3A_1726 : i32
        %get3A_1728 = arith.index_cast %add3A_1727 : i32 to index
        %get3A_1729 = arith.constant 0 : index
        %get3A_1730 = vector.load %arg4[%get3A_1728, %get3A_1729] : memref<16672x64xf32, #tpu.memory_space<vmem>>, vector<8x64xf32>
        %iota3A = tpu.iota {dimensions = array<i32: 0>} : vector<8x64xi32>
        %mul3A_1731 = arith.constant 8 : i32
        %mul3A_1732 = arith.muli %while3A_1723, %mul3A_1731 : i32
        %add3A_1733 = vector.broadcast %mul3A_1732 : i32 to vector<8x64xi32>
        %add3A_1734 = arith.addi %iota3A, %add3A_1733 : vector<8x64xi32>
        %lt3A = vector.broadcast %min3A_74 : i32 to vector<8x64xi32>
        %lt3A_1735 = arith.cmpi slt, %add3A_1734, %lt3A : vector<8x64xi32>
        %jit3A_1736 = arith.constant 0.000000e+00 : f32
        %broadcast_in_dim3A_1737 = vector.broadcast %jit3A_1736 : f32 to vector<8x64xf32>
        %select_n3A_1738 = arith.select %lt3A_1735, %get3A_1730, %broadcast_in_dim3A_1737 : vector<8x64xi1>, vector<8x64xf32>
        %mul3A_1739 = arith.constant 8 : i32
        %mul3A_1740 = arith.muli %while3A_1723, %mul3A_1739 : i32
        %add3A_1741 = arith.constant 292 : i32
        %add3A_1742 = arith.addi %add3A_1741, %mul3A_1740 : i32
        %swap3A_1743 = arith.index_cast %add3A_1742 : i32 to index
        %swap3A_1744 = arith.constant 0 : index
        %swap3A_1745 = vector.load %arg26[%swap3A_1743, %swap3A_1744] : memref<2304x64xf32, #tpu.memory_space<vmem>>, vector<8x64xf32>
        tpu.vector_store %arg26[%swap3A_1743, %swap3A_1744], %select_n3A_1738 {strides = array<i32>} : memref<2304x64xf32, #tpu.memory_space<vmem>>, vector<8x64xf32>,
        %while3A_1746 = arith.constant 0 : i32
        scf.yield %while3A_1746 : i32
      }
      %while3A_118 = arith.constant 1 : i32
      %while3A_119 = scf.for %while3A_1723 = %while3A_115 to %while3A_111 step %while3A_118 iter_args(%while3A_1724 = %while3A_117) -> (i32)  : i32 {
        %mul3A_1725 = arith.constant 8 : i32
        %mul3A_1726 = arith.muli %while3A_1723, %mul3A_1725 : i32
        %add3A_1727 = arith.addi %get3A_78, %mul3A_1726 : i32
        %get3A_1728 = arith.index_cast %add3A_1727 : i32 to index
        %get3A_1729 = arith.constant 0 : index
        %get3A_1730 = vector.load %arg4[%get3A_1728, %get3A_1729] : memref<16672x64xf32, #tpu.memory_space<vmem>>, vector<8x64xf32>
        %iota3A = tpu.iota {dimensions = array<i32: 0>} : vector<8x64xi32>
        %mul3A_1731 = arith.constant 8 : i32
        %mul3A_1732 = arith.muli %while3A_1723, %mul3A_1731 : i32
        %add3A_1733 = vector.broadcast %mul3A_1732 : i32 to vector<8x64xi32>
        %add3A_1734 = arith.addi %iota3A, %add3A_1733 : vector<8x64xi32>
        %lt3A = vector.broadcast %min3A_74 : i32 to vector<8x64xi32>
        %lt3A_1735 = arith.cmpi slt, %add3A_1734, %lt3A : vector<8x64xi32>
        %jit3A_1736 = arith.constant 0.000000e+00 : f32
        %broadcast_in_dim3A_1737 = vector.broadcast %jit3A_1736 : f32 to vector<8x64xf32>
        %select_n3A_1738 = arith.select %lt3A_1735, %get3A_1730, %broadcast_in_dim3A_1737 : vector<8x64xi1>, vector<8x64xf32>
        %mul3A_1739 = arith.constant 8 : i32
        %mul3A_1740 = arith.muli %while3A_1723, %mul3A_1739 : i32
        %add3A_1741 = arith.constant 292 : i32
        %add3A_1742 = arith.addi %add3A_1741, %mul3A_1740 : i32
        %swap3A_1743 = arith.index_cast %add3A_1742 : i32 to index
        %swap3A_1744 = arith.constant 0 : index
        %swap3A_1745 = vector.load %arg26[%swap3A_1743, %swap3A_1744] : memref<2304x64xf32, #tpu.memory_space<vmem>>, vector<8x64xf32>
        tpu.vector_store %arg26[%swap3A_1743, %swap3A_1744], %select_n3A_1738 {strides = array<i32>} : memref<2304x64xf32, #tpu.memory_space<vmem>>, vector<8x64xf32>,
        %while3A_1746 = arith.constant 0 : i32
        scf.yield %while3A_1746 : i32
      }
      %add3A_120 = arith.constant 2 : i32
      %add3A_121 = arith.addi %mul3A_3, %add3A_120 : i32
      %get3A_122 = arith.index_cast %add3A_121 : i32 to index
      %get3A_123 = memref.load %arg1[%get3A_122] : memref<4096xi32, #tpu.memory_space<smem>>
      %min3A_124 = arith.constant 284 : i32
      %min3A_125 = arith.minsi %get3A_123, %min3A_124 : i32
      %add3A_126 = arith.constant 2 : i32
      %add3A_127 = arith.addi %mul3A_3, %add3A_126 : i32
      %get3A_128 = arith.index_cast %add3A_127 : i32 to index
      %get3A_129 = memref.load %arg2[%get3A_128] : memref<4096xi32, #tpu.memory_space<smem>>
      %swap3A_130 = arith.constant 576 : index
      %swap3A_131 = arith.constant 0 : index
      %swap3A_132 = vector.load %arg26[%swap3A_130, %swap3A_131] : memref<2304x64xf32, #tpu.memory_space<vmem>>, vector<4x64xf32>
      tpu.vector_store %arg26[%swap3A_130, %swap3A_131], %add3A_22 {strides = array<i32>} : memref<2304x64xf32, #tpu.memory_space<vmem>>, vector<4x64xf32>,
      %add3A_133 = arith.constant 7 : i32
      %add3A_134 = arith.addi %min3A_125, %add3A_133 : i32
      %jit3A_135 = arith.constant 8 : i32
      %div3A_136 = arith.divsi %add3A_134, %jit3A_135 : i32
      %sign3A_137 = arith.constant 0 : i32
      %sign3A_138 = arith.cmpi sgt, %add3A_134, %sign3A_137 : i32
      %sign3A_139 = arith.extui %sign3A_138 : i1 to i32
      %sign3A_140 = arith.constant 0 : i32
      %sign3A_141 = arith.cmpi slt, %add3A_134, %sign3A_140 : i32
      %sign3A_142 = arith.extui %sign3A_141 : i1 to i32
      %sign3A_143 = arith.subi %sign3A_139, %sign3A_142 : i32
      %sign3A_144 = arith.constant 0 : i32
      %sign3A_145 = arith.cmpi sgt, %jit3A_135, %sign3A_144 : i32
      %sign3A_146 = arith.extui %sign3A_145 : i1 to i32
      %sign3A_147 = arith.constant 0 : i32
      %sign3A_148 = arith.cmpi slt, %jit3A_135, %sign3A_147 : i32
      %sign3A_149 = arith.extui %sign3A_148 : i1 to i32
      %sign3A_150 = arith.subi %sign3A_146, %sign3A_149 : i32
      %ne3A_151 = arith.cmpi ne, %sign3A_143, %sign3A_150 : i32
      %rem3A_152 = arith.remsi %add3A_134, %jit3A_135 : i32
      %ne3A_153 = arith.constant 0 : i32
      %ne3A_154 = arith.cmpi ne, %rem3A_152, %ne3A_153 : i32
      %and3A_155 = arith.andi %ne3A_151, %ne3A_154 : i1
      %sub3A_156 = arith.constant 1 : i32
      %sub3A_157 = arith.subi %div3A_136, %sub3A_156 : i32
      %select_n3A_158 = arith.select %and3A_155, %sub3A_157, %div3A_136 : i32
      %while3A_159 = arith.constant 0 : i32
      %while3A_160 = arith.constant 0 : i32
      %while3A_161 = arith.subi %select_n3A_158, %while3A_159 : i32
      %while3A_162 = arith.addi %while3A_159, %while3A_161 : i32
      %while3A_163 = arith.constant 1 : i32
      %while3A_164 = arith.divsi %while3A_161, %while3A_163 : i32
      %while3A_165 = arith.muli %while3A_164, %while3A_163 : i32
      %while3A_166 = arith.addi %while3A_159, %while3A_165 : i32
      %while3A_167 = arith.constant 1 : i32
      %while3A_168 = scf.for %while3A_1723 = %while3A_159 to %while3A_166 step %while3A_167 iter_args(%while3A_1724 = %while3A_160) -> (i32)  : i32 {
        %mul3A_1725 = arith.constant 8 : i32
        %mul3A_1726 = arith.muli %while3A_1723, %mul3A_1725 : i32
        %add3A_1727 = arith.addi %get3A_129, %mul3A_1726 : i32
        %get3A_1728 = arith.index_cast %add3A_1727 : i32 to index
        %get3A_1729 = arith.constant 0 : index
        %get3A_1730 = vector.load %arg4[%get3A_1728, %get3A_1729] : memref<16672x64xf32, #tpu.memory_space<vmem>>, vector<8x64xf32>
        %iota3A = tpu.iota {dimensions = array<i32: 0>} : vector<8x64xi32>
        %mul3A_1731 = arith.constant 8 : i32
        %mul3A_1732 = arith.muli %while3A_1723, %mul3A_1731 : i32
        %add3A_1733 = vector.broadcast %mul3A_1732 : i32 to vector<8x64xi32>
        %add3A_1734 = arith.addi %iota3A, %add3A_1733 : vector<8x64xi32>
        %lt3A = vector.broadcast %min3A_125 : i32 to vector<8x64xi32>
        %lt3A_1735 = arith.cmpi slt, %add3A_1734, %lt3A : vector<8x64xi32>
        %jit3A_1736 = arith.constant 0.000000e+00 : f32
        %broadcast_in_dim3A_1737 = vector.broadcast %jit3A_1736 : f32 to vector<8x64xf32>
        %select_n3A_1738 = arith.select %lt3A_1735, %get3A_1730, %broadcast_in_dim3A_1737 : vector<8x64xi1>, vector<8x64xf32>
        %mul3A_1739 = arith.constant 8 : i32
        %mul3A_1740 = arith.muli %while3A_1723, %mul3A_1739 : i32
        %add3A_1741 = arith.constant 580 : i32
        %add3A_1742 = arith.addi %add3A_1741, %mul3A_1740 : i32
        %swap3A_1743 = arith.index_cast %add3A_1742 : i32 to index
        %swap3A_1744 = arith.constant 0 : index
        %swap3A_1745 = vector.load %arg26[%swap3A_1743, %swap3A_1744] : memref<2304x64xf32, #tpu.memory_space<vmem>>, vector<8x64xf32>
        tpu.vector_store %arg26[%swap3A_1743, %swap3A_1744], %select_n3A_1738 {strides = array<i32>} : memref<2304x64xf32, #tpu.memory_space<vmem>>, vector<8x64xf32>,
        %while3A_1746 = arith.constant 0 : i32
        scf.yield %while3A_1746 : i32
      }
      %while3A_169 = arith.constant 1 : i32
      %while3A_170 = scf.for %while3A_1723 = %while3A_166 to %while3A_162 step %while3A_169 iter_args(%while3A_1724 = %while3A_168) -> (i32)  : i32 {
        %mul3A_1725 = arith.constant 8 : i32
        %mul3A_1726 = arith.muli %while3A_1723, %mul3A_1725 : i32
        %add3A_1727 = arith.addi %get3A_129, %mul3A_1726 : i32
        %get3A_1728 = arith.index_cast %add3A_1727 : i32 to index
        %get3A_1729 = arith.constant 0 : index
        %get3A_1730 = vector.load %arg4[%get3A_1728, %get3A_1729] : memref<16672x64xf32, #tpu.memory_space<vmem>>, vector<8x64xf32>
        %iota3A = tpu.iota {dimensions = array<i32: 0>} : vector<8x64xi32>
        %mul3A_1731 = arith.constant 8 : i32
        %mul3A_1732 = arith.muli %while3A_1723, %mul3A_1731 : i32
        %add3A_1733 = vector.broadcast %mul3A_1732 : i32 to vector<8x64xi32>
        %add3A_1734 = arith.addi %iota3A, %add3A_1733 : vector<8x64xi32>
        %lt3A = vector.broadcast %min3A_125 : i32 to vector<8x64xi32>
        %lt3A_1735 = arith.cmpi slt, %add3A_1734, %lt3A : vector<8x64xi32>
        %jit3A_1736 = arith.constant 0.000000e+00 : f32
        %broadcast_in_dim3A_1737 = vector.broadcast %jit3A_1736 : f32 to vector<8x64xf32>
        %select_n3A_1738 = arith.select %lt3A_1735, %get3A_1730, %broadcast_in_dim3A_1737 : vector<8x64xi1>, vector<8x64xf32>
        %mul3A_1739 = arith.constant 8 : i32
        %mul3A_1740 = arith.muli %while3A_1723, %mul3A_1739 : i32
        %add3A_1741 = arith.constant 580 : i32
        %add3A_1742 = arith.addi %add3A_1741, %mul3A_1740 : i32
        %swap3A_1743 = arith.index_cast %add3A_1742 : i32 to index
        %swap3A_1744 = arith.constant 0 : index
        %swap3A_1745 = vector.load %arg26[%swap3A_1743, %swap3A_1744] : memref<2304x64xf32, #tpu.memory_space<vmem>>, vector<8x64xf32>
        tpu.vector_store %arg26[%swap3A_1743, %swap3A_1744], %select_n3A_1738 {strides = array<i32>} : memref<2304x64xf32, #tpu.memory_space<vmem>>, vector<8x64xf32>,
        %while3A_1746 = arith.constant 0 : i32
        scf.yield %while3A_1746 : i32
      }
      %add3A_171 = arith.constant 3 : i32
      %add3A_172 = arith.addi %mul3A_3, %add3A_171 : i32
      %get3A_173 = arith.index_cast %add3A_172 : i32 to index
      %get3A_174 = memref.load %arg1[%get3A_173] : memref<4096xi32, #tpu.memory_space<smem>>
      %min3A_175 = arith.constant 284 : i32
      %min3A_176 = arith.minsi %get3A_174, %min3A_175 : i32
      %add3A_177 = arith.constant 3 : i32
      %add3A_178 = arith.addi %mul3A_3, %add3A_177 : i32
      %get3A_179 = arith.index_cast %add3A_178 : i32 to index
      %get3A_180 = memref.load %arg2[%get3A_179] : memref<4096xi32, #tpu.memory_space<smem>>
      %swap3A_181 = arith.constant 864 : index
      %swap3A_182 = arith.constant 0 : index
      %swap3A_183 = vector.load %arg26[%swap3A_181, %swap3A_182] : memref<2304x64xf32, #tpu.memory_space<vmem>>, vector<4x64xf32>
      tpu.vector_store %arg26[%swap3A_181, %swap3A_182], %add3A_22 {strides = array<i32>} : memref<2304x64xf32, #tpu.memory_space<vmem>>, vector<4x64xf32>,
      %add3A_184 = arith.constant 7 : i32
      %add3A_185 = arith.addi %min3A_176, %add3A_184 : i32
      %jit3A_186 = arith.constant 8 : i32
      %div3A_187 = arith.divsi %add3A_185, %jit3A_186 : i32
      %sign3A_188 = arith.constant 0 : i32
      %sign3A_189 = arith.cmpi sgt, %add3A_185, %sign3A_188 : i32
      %sign3A_190 = arith.extui %sign3A_189 : i1 to i32
      %sign3A_191 = arith.constant 0 : i32
      %sign3A_192 = arith.cmpi slt, %add3A_185, %sign3A_191 : i32
      %sign3A_193 = arith.extui %sign3A_192 : i1 to i32
      %sign3A_194 = arith.subi %sign3A_190, %sign3A_193 : i32
      %sign3A_195 = arith.constant 0 : i32
      %sign3A_196 = arith.cmpi sgt, %jit3A_186, %sign3A_195 : i32
      %sign3A_197 = arith.extui %sign3A_196 : i1 to i32
      %sign3A_198 = arith.constant 0 : i32
      %sign3A_199 = arith.cmpi slt, %jit3A_186, %sign3A_198 : i32
      %sign3A_200 = arith.extui %sign3A_199 : i1 to i32
      %sign3A_201 = arith.subi %sign3A_197, %sign3A_200 : i32
      %ne3A_202 = arith.cmpi ne, %sign3A_194, %sign3A_201 : i32
      %rem3A_203 = arith.remsi %add3A_185, %jit3A_186 : i32
      %ne3A_204 = arith.constant 0 : i32
      %ne3A_205 = arith.cmpi ne, %rem3A_203, %ne3A_204 : i32
      %and3A_206 = arith.andi %ne3A_202, %ne3A_205 : i1
      %sub3A_207 = arith.constant 1 : i32
      %sub3A_208 = arith.subi %div3A_187, %sub3A_207 : i32
      %select_n3A_209 = arith.select %and3A_206, %sub3A_208, %div3A_187 : i32
      %while3A_210 = arith.constant 0 : i32
      %while3A_211 = arith.constant 0 : i32
      %while3A_212 = arith.subi %select_n3A_209, %while3A_210 : i32
      %while3A_213 = arith.addi %while3A_210, %while3A_212 : i32
      %while3A_214 = arith.constant 1 : i32
      %while3A_215 = arith.divsi %while3A_212, %while3A_214 : i32
      %while3A_216 = arith.muli %while3A_215, %while3A_214 : i32
      %while3A_217 = arith.addi %while3A_210, %while3A_216 : i32
      %while3A_218 = arith.constant 1 : i32
      %while3A_219 = scf.for %while3A_1723 = %while3A_210 to %while3A_217 step %while3A_218 iter_args(%while3A_1724 = %while3A_211) -> (i32)  : i32 {
        %mul3A_1725 = arith.constant 8 : i32
        %mul3A_1726 = arith.muli %while3A_1723, %mul3A_1725 : i32
        %add3A_1727 = arith.addi %get3A_180, %mul3A_1726 : i32
        %get3A_1728 = arith.index_cast %add3A_1727 : i32 to index
        %get3A_1729 = arith.constant 0 : index
        %get3A_1730 = vector.load %arg4[%get3A_1728, %get3A_1729] : memref<16672x64xf32, #tpu.memory_space<vmem>>, vector<8x64xf32>
        %iota3A = tpu.iota {dimensions = array<i32: 0>} : vector<8x64xi32>
        %mul3A_1731 = arith.constant 8 : i32
        %mul3A_1732 = arith.muli %while3A_1723, %mul3A_1731 : i32
        %add3A_1733 = vector.broadcast %mul3A_1732 : i32 to vector<8x64xi32>
        %add3A_1734 = arith.addi %iota3A, %add3A_1733 : vector<8x64xi32>
        %lt3A = vector.broadcast %min3A_176 : i32 to vector<8x64xi32>
        %lt3A_1735 = arith.cmpi slt, %add3A_1734, %lt3A : vector<8x64xi32>
        %jit3A_1736 = arith.constant 0.000000e+00 : f32
        %broadcast_in_dim3A_1737 = vector.broadcast %jit3A_1736 : f32 to vector<8x64xf32>
        %select_n3A_1738 = arith.select %lt3A_1735, %get3A_1730, %broadcast_in_dim3A_1737 : vector<8x64xi1>, vector<8x64xf32>
        %mul3A_1739 = arith.constant 8 : i32
        %mul3A_1740 = arith.muli %while3A_1723, %mul3A_1739 : i32
        %add3A_1741 = arith.constant 868 : i32
        %add3A_1742 = arith.addi %add3A_1741, %mul3A_1740 : i32
        %swap3A_1743 = arith.index_cast %add3A_1742 : i32 to index
        %swap3A_1744 = arith.constant 0 : index
        %swap3A_1745 = vector.load %arg26[%swap3A_1743, %swap3A_1744] : memref<2304x64xf32, #tpu.memory_space<vmem>>, vector<8x64xf32>
        tpu.vector_store %arg26[%swap3A_1743, %swap3A_1744], %select_n3A_1738 {strides = array<i32>} : memref<2304x64xf32, #tpu.memory_space<vmem>>, vector<8x64xf32>,
        %while3A_1746 = arith.constant 0 : i32
        scf.yield %while3A_1746 : i32
      }
      %while3A_220 = arith.constant 1 : i32
      %while3A_221 = scf.for %while3A_1723 = %while3A_217 to %while3A_213 step %while3A_220 iter_args(%while3A_1724 = %while3A_219) -> (i32)  : i32 {
        %mul3A_1725 = arith.constant 8 : i32
        %mul3A_1726 = arith.muli %while3A_1723, %mul3A_1725 : i32
        %add3A_1727 = arith.addi %get3A_180, %mul3A_1726 : i32
        %get3A_1728 = arith.index_cast %add3A_1727 : i32 to index
        %get3A_1729 = arith.constant 0 : index
        %get3A_1730 = vector.load %arg4[%get3A_1728, %get3A_1729] : memref<16672x64xf32, #tpu.memory_space<vmem>>, vector<8x64xf32>
        %iota3A = tpu.iota {dimensions = array<i32: 0>} : vector<8x64xi32>
        %mul3A_1731 = arith.constant 8 : i32
        %mul3A_1732 = arith.muli %while3A_1723, %mul3A_1731 : i32
        %add3A_1733 = vector.broadcast %mul3A_1732 : i32 to vector<8x64xi32>
        %add3A_1734 = arith.addi %iota3A, %add3A_1733 : vector<8x64xi32>
        %lt3A = vector.broadcast %min3A_176 : i32 to vector<8x64xi32>
        %lt3A_1735 = arith.cmpi slt, %add3A_1734, %lt3A : vector<8x64xi32>
        %jit3A_1736 = arith.constant 0.000000e+00 : f32
        %broadcast_in_dim3A_1737 = vector.broadcast %jit3A_1736 : f32 to vector<8x64xf32>
        %select_n3A_1738 = arith.select %lt3A_1735, %get3A_1730, %broadcast_in_dim3A_1737 : vector<8x64xi1>, vector<8x64xf32>
        %mul3A_1739 = arith.constant 8 : i32
        %mul3A_1740 = arith.muli %while3A_1723, %mul3A_1739 : i32
        %add3A_1741 = arith.constant 868 : i32
        %add3A_1742 = arith.addi %add3A_1741, %mul3A_1740 : i32
        %swap3A_1743 = arith.index_cast %add3A_1742 : i32 to index
        %swap3A_1744 = arith.constant 0 : index
        %swap3A_1745 = vector.load %arg26[%swap3A_1743, %swap3A_1744] : memref<2304x64xf32, #tpu.memory_space<vmem>>, vector<8x64xf32>
        tpu.vector_store %arg26[%swap3A_1743, %swap3A_1744], %select_n3A_1738 {strides = array<i32>} : memref<2304x64xf32, #tpu.memory_space<vmem>>, vector<8x64xf32>,
        %while3A_1746 = arith.constant 0 : i32
        scf.yield %while3A_1746 : i32
      }
      %add3A_222 = arith.constant 4 : i32
      %add3A_223 = arith.addi %mul3A_3, %add3A_222 : i32
      %get3A_224 = arith.index_cast %add3A_223 : i32 to index
      %get3A_225 = memref.load %arg1[%get3A_224] : memref<4096xi32, #tpu.memory_space<smem>>
      %min3A_226 = arith.constant 284 : i32
      %min3A_227 = arith.minsi %get3A_225, %min3A_226 : i32
      %add3A_228 = arith.constant 4 : i32
      %add3A_229 = arith.addi %mul3A_3, %add3A_228 : i32
      %get3A_230 = arith.index_cast %add3A_229 : i32 to index
      %get3A_231 = memref.load %arg2[%get3A_230] : memref<4096xi32, #tpu.memory_space<smem>>
      %swap3A_232 = arith.constant 1152 : index
      %swap3A_233 = arith.constant 0 : index
      %swap3A_234 = vector.load %arg26[%swap3A_232, %swap3A_233] : memref<2304x64xf32, #tpu.memory_space<vmem>>, vector<4x64xf32>
      tpu.vector_store %arg26[%swap3A_232, %swap3A_233], %add3A_22 {strides = array<i32>} : memref<2304x64xf32, #tpu.memory_space<vmem>>, vector<4x64xf32>,
      %add3A_235 = arith.constant 7 : i32
      %add3A_236 = arith.addi %min3A_227, %add3A_235 : i32
      %jit3A_237 = arith.constant 8 : i32
      %div3A_238 = arith.divsi %add3A_236, %jit3A_237 : i32
      %sign3A_239 = arith.constant 0 : i32
      %sign3A_240 = arith.cmpi sgt, %add3A_236, %sign3A_239 : i32
      %sign3A_241 = arith.extui %sign3A_240 : i1 to i32
      %sign3A_242 = arith.constant 0 : i32
      %sign3A_243 = arith.cmpi slt, %add3A_236, %sign3A_242 : i32
      %sign3A_244 = arith.extui %sign3A_243 : i1 to i32
      %sign3A_245 = arith.subi %sign3A_241, %sign3A_244 : i32
      %sign3A_246 = arith.constant 0 : i32
      %sign3A_247 = arith.cmpi sgt, %jit3A_237, %sign3A_246 : i32
      %sign3A_248 = arith.extui %sign3A_247 : i1 to i32
      %sign3A_249 = arith.constant 0 : i32
      %sign3A_250 = arith.cmpi slt, %jit3A_237, %sign3A_249 : i32
      %sign3A_251 = arith.extui %sign3A_250 : i1 to i32
      %sign3A_252 = arith.subi %sign3A_248, %sign3A_251 : i32
      %ne3A_253 = arith.cmpi ne, %sign3A_245, %sign3A_252 : i32
      %rem3A_254 = arith.remsi %add3A_236, %jit3A_237 : i32
      %ne3A_255 = arith.constant 0 : i32
      %ne3A_256 = arith.cmpi ne, %rem3A_254, %ne3A_255 : i32
      %and3A_257 = arith.andi %ne3A_253, %ne3A_256 : i1
      %sub3A_258 = arith.constant 1 : i32
      %sub3A_259 = arith.subi %div3A_238, %sub3A_258 : i32
      %select_n3A_260 = arith.select %and3A_257, %sub3A_259, %div3A_238 : i32
      %while3A_261 = arith.constant 0 : i32
      %while3A_262 = arith.constant 0 : i32
      %while3A_263 = arith.subi %select_n3A_260, %while3A_261 : i32
      %while3A_264 = arith.addi %while3A_261, %while3A_263 : i32
      %while3A_265 = arith.constant 1 : i32
      %while3A_266 = arith.divsi %while3A_263, %while3A_265 : i32
      %while3A_267 = arith.muli %while3A_266, %while3A_265 : i32
      %while3A_268 = arith.addi %while3A_261, %while3A_267 : i32
      %while3A_269 = arith.constant 1 : i32
      %while3A_270 = scf.for %while3A_1723 = %while3A_261 to %while3A_268 step %while3A_269 iter_args(%while3A_1724 = %while3A_262) -> (i32)  : i32 {
        %mul3A_1725 = arith.constant 8 : i32
        %mul3A_1726 = arith.muli %while3A_1723, %mul3A_1725 : i32
        %add3A_1727 = arith.addi %get3A_231, %mul3A_1726 : i32
        %get3A_1728 = arith.index_cast %add3A_1727 : i32 to index
        %get3A_1729 = arith.constant 0 : index
        %get3A_1730 = vector.load %arg4[%get3A_1728, %get3A_1729] : memref<16672x64xf32, #tpu.memory_space<vmem>>, vector<8x64xf32>
        %iota3A = tpu.iota {dimensions = array<i32: 0>} : vector<8x64xi32>
        %mul3A_1731 = arith.constant 8 : i32
        %mul3A_1732 = arith.muli %while3A_1723, %mul3A_1731 : i32
        %add3A_1733 = vector.broadcast %mul3A_1732 : i32 to vector<8x64xi32>
        %add3A_1734 = arith.addi %iota3A, %add3A_1733 : vector<8x64xi32>
        %lt3A = vector.broadcast %min3A_227 : i32 to vector<8x64xi32>
        %lt3A_1735 = arith.cmpi slt, %add3A_1734, %lt3A : vector<8x64xi32>
        %jit3A_1736 = arith.constant 0.000000e+00 : f32
        %broadcast_in_dim3A_1737 = vector.broadcast %jit3A_1736 : f32 to vector<8x64xf32>
        %select_n3A_1738 = arith.select %lt3A_1735, %get3A_1730, %broadcast_in_dim3A_1737 : vector<8x64xi1>, vector<8x64xf32>
        %mul3A_1739 = arith.constant 8 : i32
        %mul3A_1740 = arith.muli %while3A_1723, %mul3A_1739 : i32
        %add3A_1741 = arith.constant 1156 : i32
        %add3A_1742 = arith.addi %add3A_1741, %mul3A_1740 : i32
        %swap3A_1743 = arith.index_cast %add3A_1742 : i32 to index
        %swap3A_1744 = arith.constant 0 : index
        %swap3A_1745 = vector.load %arg26[%swap3A_1743, %swap3A_1744] : memref<2304x64xf32, #tpu.memory_space<vmem>>, vector<8x64xf32>
        tpu.vector_store %arg26[%swap3A_1743, %swap3A_1744], %select_n3A_1738 {strides = array<i32>} : memref<2304x64xf32, #tpu.memory_space<vmem>>, vector<8x64xf32>,
        %while3A_1746 = arith.constant 0 : i32
        scf.yield %while3A_1746 : i32
      }
      %while3A_271 = arith.constant 1 : i32
      %while3A_272 = scf.for %while3A_1723 = %while3A_268 to %while3A_264 step %while3A_271 iter_args(%while3A_1724 = %while3A_270) -> (i32)  : i32 {
        %mul3A_1725 = arith.constant 8 : i32
        %mul3A_1726 = arith.muli %while3A_1723, %mul3A_1725 : i32
        %add3A_1727 = arith.addi %get3A_231, %mul3A_1726 : i32
        %get3A_1728 = arith.index_cast %add3A_1727 : i32 to index
        %get3A_1729 = arith.constant 0 : index
        %get3A_1730 = vector.load %arg4[%get3A_1728, %get3A_1729] : memref<16672x64xf32, #tpu.memory_space<vmem>>, vector<8x64xf32>
        %iota3A = tpu.iota {dimensions = array<i32: 0>} : vector<8x64xi32>
        %mul3A_1731 = arith.constant 8 : i32
        %mul3A_1732 = arith.muli %while3A_1723, %mul3A_1731 : i32
        %add3A_1733 = vector.broadcast %mul3A_1732 : i32 to vector<8x64xi32>
        %add3A_1734 = arith.addi %iota3A, %add3A_1733 : vector<8x64xi32>
        %lt3A = vector.broadcast %min3A_227 : i32 to vector<8x64xi32>
        %lt3A_1735 = arith.cmpi slt, %add3A_1734, %lt3A : vector<8x64xi32>
        %jit3A_1736 = arith.constant 0.000000e+00 : f32
        %broadcast_in_dim3A_1737 = vector.broadcast %jit3A_1736 : f32 to vector<8x64xf32>
        %select_n3A_1738 = arith.select %lt3A_1735, %get3A_1730, %broadcast_in_dim3A_1737 : vector<8x64xi1>, vector<8x64xf32>
        %mul3A_1739 = arith.constant 8 : i32
        %mul3A_1740 = arith.muli %while3A_1723, %mul3A_1739 : i32
        %add3A_1741 = arith.constant 1156 : i32
        %add3A_1742 = arith.addi %add3A_1741, %mul3A_1740 : i32
        %swap3A_1743 = arith.index_cast %add3A_1742 : i32 to index
        %swap3A_1744 = arith.constant 0 : index
        %swap3A_1745 = vector.load %arg26[%swap3A_1743, %swap3A_1744] : memref<2304x64xf32, #tpu.memory_space<vmem>>, vector<8x64xf32>
        tpu.vector_store %arg26[%swap3A_1743, %swap3A_1744], %select_n3A_1738 {strides = array<i32>} : memref<2304x64xf32, #tpu.memory_space<vmem>>, vector<8x64xf32>,
        %while3A_1746 = arith.constant 0 : i32
        scf.yield %while3A_1746 : i32
      }
      %add3A_273 = arith.constant 5 : i32
      %add3A_274 = arith.addi %mul3A_3, %add3A_273 : i32
      %get3A_275 = arith.index_cast %add3A_274 : i32 to index
      %get3A_276 = memref.load %arg1[%get3A_275] : memref<4096xi32, #tpu.memory_space<smem>>
      %min3A_277 = arith.constant 284 : i32
      %min3A_278 = arith.minsi %get3A_276, %min3A_277 : i32
      %add3A_279 = arith.constant 5 : i32
      %add3A_280 = arith.addi %mul3A_3, %add3A_279 : i32
      %get3A_281 = arith.index_cast %add3A_280 : i32 to index
      %get3A_282 = memref.load %arg2[%get3A_281] : memref<4096xi32, #tpu.memory_space<smem>>
      %swap3A_283 = arith.constant 1440 : index
      %swap3A_284 = arith.constant 0 : index
      %swap3A_285 = vector.load %arg26[%swap3A_283, %swap3A_284] : memref<2304x64xf32, #tpu.memory_space<vmem>>, vector<4x64xf32>
      tpu.vector_store %arg26[%swap3A_283, %swap3A_284], %add3A_22 {strides = array<i32>} : memref<2304x64xf32, #tpu.memory_space<vmem>>, vector<4x64xf32>,
      %add3A_286 = arith.constant 7 : i32
      %add3A_287 = arith.addi %min3A_278, %add3A_286 : i32
      %jit3A_288 = arith.constant 8 : i32
      %div3A_289 = arith.divsi %add3A_287, %jit3A_288 : i32
      %sign3A_290 = arith.constant 0 : i32
      %sign3A_291 = arith.cmpi sgt, %add3A_287, %sign3A_290 : i32
      %sign3A_292 = arith.extui %sign3A_291 : i1 to i32
      %sign3A_293 = arith.constant 0 : i32
      %sign3A_294 = arith.cmpi slt, %add3A_287, %sign3A_293 : i32
      %sign3A_295 = arith.extui %sign3A_294 : i1 to i32
      %sign3A_296 = arith.subi %sign3A_292, %sign3A_295 : i32
      %sign3A_297 = arith.constant 0 : i32
      %sign3A_298 = arith.cmpi sgt, %jit3A_288, %sign3A_297 : i32
      %sign3A_299 = arith.extui %sign3A_298 : i1 to i32
      %sign3A_300 = arith.constant 0 : i32
      %sign3A_301 = arith.cmpi slt, %jit3A_288, %sign3A_300 : i32
      %sign3A_302 = arith.extui %sign3A_301 : i1 to i32
      %sign3A_303 = arith.subi %sign3A_299, %sign3A_302 : i32
      %ne3A_304 = arith.cmpi ne, %sign3A_296, %sign3A_303 : i32
      %rem3A_305 = arith.remsi %add3A_287, %jit3A_288 : i32
      %ne3A_306 = arith.constant 0 : i32
      %ne3A_307 = arith.cmpi ne, %rem3A_305, %ne3A_306 : i32
      %and3A_308 = arith.andi %ne3A_304, %ne3A_307 : i1
      %sub3A_309 = arith.constant 1 : i32
      %sub3A_310 = arith.subi %div3A_289, %sub3A_309 : i32
      %select_n3A_311 = arith.select %and3A_308, %sub3A_310, %div3A_289 : i32
      %while3A_312 = arith.constant 0 : i32
      %while3A_313 = arith.constant 0 : i32
      %while3A_314 = arith.subi %select_n3A_311, %while3A_312 : i32
      %while3A_315 = arith.addi %while3A_312, %while3A_314 : i32
      %while3A_316 = arith.constant 1 : i32
      %while3A_317 = arith.divsi %while3A_314, %while3A_316 : i32
      %while3A_318 = arith.muli %while3A_317, %while3A_316 : i32
      %while3A_319 = arith.addi %while3A_312, %while3A_318 : i32
      %while3A_320 = arith.constant 1 : i32
      %while3A_321 = scf.for %while3A_1723 = %while3A_312 to %while3A_319 step %while3A_320 iter_args(%while3A_1724 = %while3A_313) -> (i32)  : i32 {
        %mul3A_1725 = arith.constant 8 : i32
        %mul3A_1726 = arith.muli %while3A_1723, %mul3A_1725 : i32
        %add3A_1727 = arith.addi %get3A_282, %mul3A_1726 : i32
        %get3A_1728 = arith.index_cast %add3A_1727 : i32 to index
        %get3A_1729 = arith.constant 0 : index
        %get3A_1730 = vector.load %arg4[%get3A_1728, %get3A_1729] : memref<16672x64xf32, #tpu.memory_space<vmem>>, vector<8x64xf32>
        %iota3A = tpu.iota {dimensions = array<i32: 0>} : vector<8x64xi32>
        %mul3A_1731 = arith.constant 8 : i32
        %mul3A_1732 = arith.muli %while3A_1723, %mul3A_1731 : i32
        %add3A_1733 = vector.broadcast %mul3A_1732 : i32 to vector<8x64xi32>
        %add3A_1734 = arith.addi %iota3A, %add3A_1733 : vector<8x64xi32>
        %lt3A = vector.broadcast %min3A_278 : i32 to vector<8x64xi32>
        %lt3A_1735 = arith.cmpi slt, %add3A_1734, %lt3A : vector<8x64xi32>
        %jit3A_1736 = arith.constant 0.000000e+00 : f32
        %broadcast_in_dim3A_1737 = vector.broadcast %jit3A_1736 : f32 to vector<8x64xf32>
        %select_n3A_1738 = arith.select %lt3A_1735, %get3A_1730, %broadcast_in_dim3A_1737 : vector<8x64xi1>, vector<8x64xf32>
        %mul3A_1739 = arith.constant 8 : i32
        %mul3A_1740 = arith.muli %while3A_1723, %mul3A_1739 : i32
        %add3A_1741 = arith.constant 1444 : i32
        %add3A_1742 = arith.addi %add3A_1741, %mul3A_1740 : i32
        %swap3A_1743 = arith.index_cast %add3A_1742 : i32 to index
        %swap3A_1744 = arith.constant 0 : index
        %swap3A_1745 = vector.load %arg26[%swap3A_1743, %swap3A_1744] : memref<2304x64xf32, #tpu.memory_space<vmem>>, vector<8x64xf32>
        tpu.vector_store %arg26[%swap3A_1743, %swap3A_1744], %select_n3A_1738 {strides = array<i32>} : memref<2304x64xf32, #tpu.memory_space<vmem>>, vector<8x64xf32>,
        %while3A_1746 = arith.constant 0 : i32
        scf.yield %while3A_1746 : i32
      }
      %while3A_322 = arith.constant 1 : i32
      %while3A_323 = scf.for %while3A_1723 = %while3A_319 to %while3A_315 step %while3A_322 iter_args(%while3A_1724 = %while3A_321) -> (i32)  : i32 {
        %mul3A_1725 = arith.constant 8 : i32
        %mul3A_1726 = arith.muli %while3A_1723, %mul3A_1725 : i32
        %add3A_1727 = arith.addi %get3A_282, %mul3A_1726 : i32
        %get3A_1728 = arith.index_cast %add3A_1727 : i32 to index
        %get3A_1729 = arith.constant 0 : index
        %get3A_1730 = vector.load %arg4[%get3A_1728, %get3A_1729] : memref<16672x64xf32, #tpu.memory_space<vmem>>, vector<8x64xf32>
        %iota3A = tpu.iota {dimensions = array<i32: 0>} : vector<8x64xi32>
        %mul3A_1731 = arith.constant 8 : i32
        %mul3A_1732 = arith.muli %while3A_1723, %mul3A_1731 : i32
        %add3A_1733 = vector.broadcast %mul3A_1732 : i32 to vector<8x64xi32>
        %add3A_1734 = arith.addi %iota3A, %add3A_1733 : vector<8x64xi32>
        %lt3A = vector.broadcast %min3A_278 : i32 to vector<8x64xi32>
        %lt3A_1735 = arith.cmpi slt, %add3A_1734, %lt3A : vector<8x64xi32>
        %jit3A_1736 = arith.constant 0.000000e+00 : f32
        %broadcast_in_dim3A_1737 = vector.broadcast %jit3A_1736 : f32 to vector<8x64xf32>
        %select_n3A_1738 = arith.select %lt3A_1735, %get3A_1730, %broadcast_in_dim3A_1737 : vector<8x64xi1>, vector<8x64xf32>
        %mul3A_1739 = arith.constant 8 : i32
        %mul3A_1740 = arith.muli %while3A_1723, %mul3A_1739 : i32
        %add3A_1741 = arith.constant 1444 : i32
        %add3A_1742 = arith.addi %add3A_1741, %mul3A_1740 : i32
        %swap3A_1743 = arith.index_cast %add3A_1742 : i32 to index
        %swap3A_1744 = arith.constant 0 : index
        %swap3A_1745 = vector.load %arg26[%swap3A_1743, %swap3A_1744] : memref<2304x64xf32, #tpu.memory_space<vmem>>, vector<8x64xf32>
        tpu.vector_store %arg26[%swap3A_1743, %swap3A_1744], %select_n3A_1738 {strides = array<i32>} : memref<2304x64xf32, #tpu.memory_space<vmem>>, vector<8x64xf32>,
        %while3A_1746 = arith.constant 0 : i32
        scf.yield %while3A_1746 : i32
      }
      %add3A_324 = arith.constant 6 : i32
      %add3A_325 = arith.addi %mul3A_3, %add3A_324 : i32
      %get3A_326 = arith.index_cast %add3A_325 : i32 to index
      %get3A_327 = memref.load %arg1[%get3A_326] : memref<4096xi32, #tpu.memory_space<smem>>
      %min3A_328 = arith.constant 284 : i32
      %min3A_329 = arith.minsi %get3A_327, %min3A_328 : i32
      %add3A_330 = arith.constant 6 : i32
      %add3A_331 = arith.addi %mul3A_3, %add3A_330 : i32
      %get3A_332 = arith.index_cast %add3A_331 : i32 to index
      %get3A_333 = memref.load %arg2[%get3A_332] : memref<4096xi32, #tpu.memory_space<smem>>
      %swap3A_334 = arith.constant 1728 : index
      %swap3A_335 = arith.constant 0 : index
      %swap3A_336 = vector.load %arg26[%swap3A_334, %swap3A_335] : memref<2304x64xf32, #tpu.memory_space<vmem>>, vector<4x64xf32>
      tpu.vector_store %arg26[%swap3A_334, %swap3A_335], %add3A_22 {strides = array<i32>} : memref<2304x64xf32, #tpu.memory_space<vmem>>, vector<4x64xf32>,
      %add3A_337 = arith.constant 7 : i32
      %add3A_338 = arith.addi %min3A_329, %add3A_337 : i32
      %jit3A_339 = arith.constant 8 : i32
      %div3A_340 = arith.divsi %add3A_338, %jit3A_339 : i32
      %sign3A_341 = arith.constant 0 : i32
      %sign3A_342 = arith.cmpi sgt, %add3A_338, %sign3A_341 : i32
      %sign3A_343 = arith.extui %sign3A_342 : i1 to i32
      %sign3A_344 = arith.constant 0 : i32
      %sign3A_345 = arith.cmpi slt, %add3A_338, %sign3A_344 : i32
      %sign3A_346 = arith.extui %sign3A_345 : i1 to i32
      %sign3A_347 = arith.subi %sign3A_343, %sign3A_346 : i32
      %sign3A_348 = arith.constant 0 : i32
      %sign3A_349 = arith.cmpi sgt, %jit3A_339, %sign3A_348 : i32
      %sign3A_350 = arith.extui %sign3A_349 : i1 to i32
      %sign3A_351 = arith.constant 0 : i32
      %sign3A_352 = arith.cmpi slt, %jit3A_339, %sign3A_351 : i32
      %sign3A_353 = arith.extui %sign3A_352 : i1 to i32
      %sign3A_354 = arith.subi %sign3A_350, %sign3A_353 : i32
      %ne3A_355 = arith.cmpi ne, %sign3A_347, %sign3A_354 : i32
      %rem3A_356 = arith.remsi %add3A_338, %jit3A_339 : i32
      %ne3A_357 = arith.constant 0 : i32
      %ne3A_358 = arith.cmpi ne, %rem3A_356, %ne3A_357 : i32
      %and3A_359 = arith.andi %ne3A_355, %ne3A_358 : i1
      %sub3A_360 = arith.constant 1 : i32
      %sub3A_361 = arith.subi %div3A_340, %sub3A_360 : i32
      %select_n3A_362 = arith.select %and3A_359, %sub3A_361, %div3A_340 : i32
      %while3A_363 = arith.constant 0 : i32
      %while3A_364 = arith.constant 0 : i32
      %while3A_365 = arith.subi %select_n3A_362, %while3A_363 : i32
      %while3A_366 = arith.addi %while3A_363, %while3A_365 : i32
      %while3A_367 = arith.constant 1 : i32
      %while3A_368 = arith.divsi %while3A_365, %while3A_367 : i32
      %while3A_369 = arith.muli %while3A_368, %while3A_367 : i32
      %while3A_370 = arith.addi %while3A_363, %while3A_369 : i32
      %while3A_371 = arith.constant 1 : i32
      %while3A_372 = scf.for %while3A_1723 = %while3A_363 to %while3A_370 step %while3A_371 iter_args(%while3A_1724 = %while3A_364) -> (i32)  : i32 {
        %mul3A_1725 = arith.constant 8 : i32
        %mul3A_1726 = arith.muli %while3A_1723, %mul3A_1725 : i32
        %add3A_1727 = arith.addi %get3A_333, %mul3A_1726 : i32
        %get3A_1728 = arith.index_cast %add3A_1727 : i32 to index
        %get3A_1729 = arith.constant 0 : index
        %get3A_1730 = vector.load %arg4[%get3A_1728, %get3A_1729] : memref<16672x64xf32, #tpu.memory_space<vmem>>, vector<8x64xf32>
        %iota3A = tpu.iota {dimensions = array<i32: 0>} : vector<8x64xi32>
        %mul3A_1731 = arith.constant 8 : i32
        %mul3A_1732 = arith.muli %while3A_1723, %mul3A_1731 : i32
        %add3A_1733 = vector.broadcast %mul3A_1732 : i32 to vector<8x64xi32>
        %add3A_1734 = arith.addi %iota3A, %add3A_1733 : vector<8x64xi32>
        %lt3A = vector.broadcast %min3A_329 : i32 to vector<8x64xi32>
        %lt3A_1735 = arith.cmpi slt, %add3A_1734, %lt3A : vector<8x64xi32>
        %jit3A_1736 = arith.constant 0.000000e+00 : f32
        %broadcast_in_dim3A_1737 = vector.broadcast %jit3A_1736 : f32 to vector<8x64xf32>
        %select_n3A_1738 = arith.select %lt3A_1735, %get3A_1730, %broadcast_in_dim3A_1737 : vector<8x64xi1>, vector<8x64xf32>
        %mul3A_1739 = arith.constant 8 : i32
        %mul3A_1740 = arith.muli %while3A_1723, %mul3A_1739 : i32
        %add3A_1741 = arith.constant 1732 : i32
        %add3A_1742 = arith.addi %add3A_1741, %mul3A_1740 : i32
        %swap3A_1743 = arith.index_cast %add3A_1742 : i32 to index
        %swap3A_1744 = arith.constant 0 : index
        %swap3A_1745 = vector.load %arg26[%swap3A_1743, %swap3A_1744] : memref<2304x64xf32, #tpu.memory_space<vmem>>, vector<8x64xf32>
        tpu.vector_store %arg26[%swap3A_1743, %swap3A_1744], %select_n3A_1738 {strides = array<i32>} : memref<2304x64xf32, #tpu.memory_space<vmem>>, vector<8x64xf32>,
        %while3A_1746 = arith.constant 0 : i32
        scf.yield %while3A_1746 : i32
      }
      %while3A_373 = arith.constant 1 : i32
      %while3A_374 = scf.for %while3A_1723 = %while3A_370 to %while3A_366 step %while3A_373 iter_args(%while3A_1724 = %while3A_372) -> (i32)  : i32 {
        %mul3A_1725 = arith.constant 8 : i32
        %mul3A_1726 = arith.muli %while3A_1723, %mul3A_1725 : i32
        %add3A_1727 = arith.addi %get3A_333, %mul3A_1726 : i32
        %get3A_1728 = arith.index_cast %add3A_1727 : i32 to index
        %get3A_1729 = arith.constant 0 : index
        %get3A_1730 = vector.load %arg4[%get3A_1728, %get3A_1729] : memref<16672x64xf32, #tpu.memory_space<vmem>>, vector<8x64xf32>
        %iota3A = tpu.iota {dimensions = array<i32: 0>} : vector<8x64xi32>
        %mul3A_1731 = arith.constant 8 : i32
        %mul3A_1732 = arith.muli %while3A_1723, %mul3A_1731 : i32
        %add3A_1733 = vector.broadcast %mul3A_1732 : i32 to vector<8x64xi32>
        %add3A_1734 = arith.addi %iota3A, %add3A_1733 : vector<8x64xi32>
        %lt3A = vector.broadcast %min3A_329 : i32 to vector<8x64xi32>
        %lt3A_1735 = arith.cmpi slt, %add3A_1734, %lt3A : vector<8x64xi32>
        %jit3A_1736 = arith.constant 0.000000e+00 : f32
        %broadcast_in_dim3A_1737 = vector.broadcast %jit3A_1736 : f32 to vector<8x64xf32>
        %select_n3A_1738 = arith.select %lt3A_1735, %get3A_1730, %broadcast_in_dim3A_1737 : vector<8x64xi1>, vector<8x64xf32>
        %mul3A_1739 = arith.constant 8 : i32
        %mul3A_1740 = arith.muli %while3A_1723, %mul3A_1739 : i32
        %add3A_1741 = arith.constant 1732 : i32
        %add3A_1742 = arith.addi %add3A_1741, %mul3A_1740 : i32
        %swap3A_1743 = arith.index_cast %add3A_1742 : i32 to index
        %swap3A_1744 = arith.constant 0 : index
        %swap3A_1745 = vector.load %arg26[%swap3A_1743, %swap3A_1744] : memref<2304x64xf32, #tpu.memory_space<vmem>>, vector<8x64xf32>
        tpu.vector_store %arg26[%swap3A_1743, %swap3A_1744], %select_n3A_1738 {strides = array<i32>} : memref<2304x64xf32, #tpu.memory_space<vmem>>, vector<8x64xf32>,
        %while3A_1746 = arith.constant 0 : i32
        scf.yield %while3A_1746 : i32
      }
      %add3A_375 = arith.constant 7 : i32
      %add3A_376 = arith.addi %mul3A_3, %add3A_375 : i32
      %get3A_377 = arith.index_cast %add3A_376 : i32 to index
      %get3A_378 = memref.load %arg1[%get3A_377] : memref<4096xi32, #tpu.memory_space<smem>>
      %min3A_379 = arith.constant 284 : i32
      %min3A_380 = arith.minsi %get3A_378, %min3A_379 : i32
      %add3A_381 = arith.constant 7 : i32
      %add3A_382 = arith.addi %mul3A_3, %add3A_381 : i32
      %get3A_383 = arith.index_cast %add3A_382 : i32 to index
      %get3A_384 = memref.load %arg2[%get3A_383] : memref<4096xi32, #tpu.memory_space<smem>>
      %swap3A_385 = arith.constant 2016 : index
      %swap3A_386 = arith.constant 0 : index
      %swap3A_387 = vector.load %arg26[%swap3A_385, %swap3A_386] : memref<2304x64xf32, #tpu.memory_space<vmem>>, vector<4x64xf32>
      tpu.vector_store %arg26[%swap3A_385, %swap3A_386], %add3A_22 {strides = array<i32>} : memref<2304x64xf32, #tpu.memory_space<vmem>>, vector<4x64xf32>,
      %add3A_388 = arith.constant 7 : i32
      %add3A_389 = arith.addi %min3A_380, %add3A_388 : i32
      %jit3A_390 = arith.constant 8 : i32
      %div3A_391 = arith.divsi %add3A_389, %jit3A_390 : i32
      %sign3A_392 = arith.constant 0 : i32
      %sign3A_393 = arith.cmpi sgt, %add3A_389, %sign3A_392 : i32
      %sign3A_394 = arith.extui %sign3A_393 : i1 to i32
      %sign3A_395 = arith.constant 0 : i32
      %sign3A_396 = arith.cmpi slt, %add3A_389, %sign3A_395 : i32
      %sign3A_397 = arith.extui %sign3A_396 : i1 to i32
      %sign3A_398 = arith.subi %sign3A_394, %sign3A_397 : i32
      %sign3A_399 = arith.constant 0 : i32
      %sign3A_400 = arith.cmpi sgt, %jit3A_390, %sign3A_399 : i32
      %sign3A_401 = arith.extui %sign3A_400 : i1 to i32
      %sign3A_402 = arith.constant 0 : i32
      %sign3A_403 = arith.cmpi slt, %jit3A_390, %sign3A_402 : i32
      %sign3A_404 = arith.extui %sign3A_403 : i1 to i32
      %sign3A_405 = arith.subi %sign3A_401, %sign3A_404 : i32
      %ne3A_406 = arith.cmpi ne, %sign3A_398, %sign3A_405 : i32
      %rem3A_407 = arith.remsi %add3A_389, %jit3A_390 : i32
      %ne3A_408 = arith.constant 0 : i32
      %ne3A_409 = arith.cmpi ne, %rem3A_407, %ne3A_408 : i32
      %and3A_410 = arith.andi %ne3A_406, %ne3A_409 : i1
      %sub3A_411 = arith.constant 1 : i32
      %sub3A_412 = arith.subi %div3A_391, %sub3A_411 : i32
      %select_n3A_413 = arith.select %and3A_410, %sub3A_412, %div3A_391 : i32
      %while3A_414 = arith.constant 0 : i32
      %while3A_415 = arith.constant 0 : i32
      %while3A_416 = arith.subi %select_n3A_413, %while3A_414 : i32
      %while3A_417 = arith.addi %while3A_414, %while3A_416 : i32
      %while3A_418 = arith.constant 1 : i32
      %while3A_419 = arith.divsi %while3A_416, %while3A_418 : i32
      %while3A_420 = arith.muli %while3A_419, %while3A_418 : i32
      %while3A_421 = arith.addi %while3A_414, %while3A_420 : i32
      %while3A_422 = arith.constant 1 : i32
      %while3A_423 = scf.for %while3A_1723 = %while3A_414 to %while3A_421 step %while3A_422 iter_args(%while3A_1724 = %while3A_415) -> (i32)  : i32 {
        %mul3A_1725 = arith.constant 8 : i32
        %mul3A_1726 = arith.muli %while3A_1723, %mul3A_1725 : i32
        %add3A_1727 = arith.addi %get3A_384, %mul3A_1726 : i32
        %get3A_1728 = arith.index_cast %add3A_1727 : i32 to index
        %get3A_1729 = arith.constant 0 : index
        %get3A_1730 = vector.load %arg4[%get3A_1728, %get3A_1729] : memref<16672x64xf32, #tpu.memory_space<vmem>>, vector<8x64xf32>
        %iota3A = tpu.iota {dimensions = array<i32: 0>} : vector<8x64xi32>
        %mul3A_1731 = arith.constant 8 : i32
        %mul3A_1732 = arith.muli %while3A_1723, %mul3A_1731 : i32
        %add3A_1733 = vector.broadcast %mul3A_1732 : i32 to vector<8x64xi32>
        %add3A_1734 = arith.addi %iota3A, %add3A_1733 : vector<8x64xi32>
        %lt3A = vector.broadcast %min3A_380 : i32 to vector<8x64xi32>
        %lt3A_1735 = arith.cmpi slt, %add3A_1734, %lt3A : vector<8x64xi32>
        %jit3A_1736 = arith.constant 0.000000e+00 : f32
        %broadcast_in_dim3A_1737 = vector.broadcast %jit3A_1736 : f32 to vector<8x64xf32>
        %select_n3A_1738 = arith.select %lt3A_1735, %get3A_1730, %broadcast_in_dim3A_1737 : vector<8x64xi1>, vector<8x64xf32>
        %mul3A_1739 = arith.constant 8 : i32
        %mul3A_1740 = arith.muli %while3A_1723, %mul3A_1739 : i32
        %add3A_1741 = arith.constant 2020 : i32
        %add3A_1742 = arith.addi %add3A_1741, %mul3A_1740 : i32
        %swap3A_1743 = arith.index_cast %add3A_1742 : i32 to index
        %swap3A_1744 = arith.constant 0 : index
        %swap3A_1745 = vector.load %arg26[%swap3A_1743, %swap3A_1744] : memref<2304x64xf32, #tpu.memory_space<vmem>>, vector<8x64xf32>
        tpu.vector_store %arg26[%swap3A_1743, %swap3A_1744], %select_n3A_1738 {strides = array<i32>} : memref<2304x64xf32, #tpu.memory_space<vmem>>, vector<8x64xf32>,
        %while3A_1746 = arith.constant 0 : i32
        scf.yield %while3A_1746 : i32
      }
      %while3A_424 = arith.constant 1 : i32
      %while3A_425 = scf.for %while3A_1723 = %while3A_421 to %while3A_417 step %while3A_424 iter_args(%while3A_1724 = %while3A_423) -> (i32)  : i32 {
        %mul3A_1725 = arith.constant 8 : i32
        %mul3A_1726 = arith.muli %while3A_1723, %mul3A_1725 : i32
        %add3A_1727 = arith.addi %get3A_384, %mul3A_1726 : i32
        %get3A_1728 = arith.index_cast %add3A_1727 : i32 to index
        %get3A_1729 = arith.constant 0 : index
        %get3A_1730 = vector.load %arg4[%get3A_1728, %get3A_1729] : memref<16672x64xf32, #tpu.memory_space<vmem>>, vector<8x64xf32>
        %iota3A = tpu.iota {dimensions = array<i32: 0>} : vector<8x64xi32>
        %mul3A_1731 = arith.constant 8 : i32
        %mul3A_1732 = arith.muli %while3A_1723, %mul3A_1731 : i32
        %add3A_1733 = vector.broadcast %mul3A_1732 : i32 to vector<8x64xi32>
        %add3A_1734 = arith.addi %iota3A, %add3A_1733 : vector<8x64xi32>
        %lt3A = vector.broadcast %min3A_380 : i32 to vector<8x64xi32>
        %lt3A_1735 = arith.cmpi slt, %add3A_1734, %lt3A : vector<8x64xi32>
        %jit3A_1736 = arith.constant 0.000000e+00 : f32
        %broadcast_in_dim3A_1737 = vector.broadcast %jit3A_1736 : f32 to vector<8x64xf32>
        %select_n3A_1738 = arith.select %lt3A_1735, %get3A_1730, %broadcast_in_dim3A_1737 : vector<8x64xi1>, vector<8x64xf32>
        %mul3A_1739 = arith.constant 8 : i32
        %mul3A_1740 = arith.muli %while3A_1723, %mul3A_1739 : i32
        %add3A_1741 = arith.constant 2020 : i32
        %add3A_1742 = arith.addi %add3A_1741, %mul3A_1740 : i32
        %swap3A_1743 = arith.index_cast %add3A_1742 : i32 to index
        %swap3A_1744 = arith.constant 0 : index
        %swap3A_1745 = vector.load %arg26[%swap3A_1743, %swap3A_1744] : memref<2304x64xf32, #tpu.memory_space<vmem>>, vector<8x64xf32>
        tpu.vector_store %arg26[%swap3A_1743, %swap3A_1744], %select_n3A_1738 {strides = array<i32>} : memref<2304x64xf32, #tpu.memory_space<vmem>>, vector<8x64xf32>,
        %while3A_1746 = arith.constant 0 : i32
        scf.yield %while3A_1746 : i32
      }
      %get3A_426 = arith.constant 0 : index
      %get3A_427 = arith.constant 0 : index
      %get3A_428 = vector.load %arg26[%get3A_426, %get3A_427] : memref<2304x64xf32, #tpu.memory_space<vmem>>, vector<2304x64xf32>
      %get3A_429 = arith.constant 0 : index
      %get3A_430 = arith.constant 0 : index
      %get3A_431 = vector.load %arg5[%get3A_429, %get3A_430] : memref<8x288xf32, #tpu.memory_space<vmem>>, vector<8x288xf32>
      %get3A_432 = arith.constant 0 : index
      %get3A_433 = arith.constant 0 : index
      %get3A_434 = vector.load %arg11[%get3A_432, %get3A_433] : memref<6x64xf32, #tpu.memory_space<vmem>>, vector<1x64xf32>
      %get3A_435 = arith.constant 0 : index
      %get3A_436 = arith.constant 0 : index
      %get3A_437 = vector.load %arg12[%get3A_435, %get3A_436] : memref<6x64xf32, #tpu.memory_space<vmem>>, vector<1x64xf32>
      %reduce_sum3A_438 = arith.constant dense<0.000000e+00> : vector<2304xf32>
      %reduce_sum3A_439 = vector.multi_reduction <add>, %get3A_428, %reduce_sum3A_438 [1] : vector<2304x64xf32> to vector<2304xf32>
      %broadcast_in_dim3A_440 = vector.shape_cast %reduce_sum3A_439 : vector<2304xf32> to vector<2304x1xf32>
      %div3A_441 = arith.constant 6.400000e+01 : f32
      %div3A_442 = vector.broadcast %div3A_441 : f32 to vector<2304x1xf32>
      %div3A_443 = arith.divf %broadcast_in_dim3A_440, %div3A_442 : vector<2304x1xf32>
      %mul3A_444 = arith.mulf %get3A_428, %get3A_428 : vector<2304x64xf32>
      %reduce_sum3A_445 = arith.constant dense<0.000000e+00> : vector<2304xf32>
      %reduce_sum3A_446 = vector.multi_reduction <add>, %mul3A_444, %reduce_sum3A_445 [1] : vector<2304x64xf32> to vector<2304xf32>
      %broadcast_in_dim3A_447 = vector.shape_cast %reduce_sum3A_446 : vector<2304xf32> to vector<2304x1xf32>
      %div3A_448 = arith.constant 6.400000e+01 : f32
      %div3A_449 = vector.broadcast %div3A_448 : f32 to vector<2304x1xf32>
      %div3A_450 = arith.divf %broadcast_in_dim3A_447, %div3A_449 : vector<2304x1xf32>
      %mul3A_451 = arith.mulf %div3A_443, %div3A_443 : vector<2304x1xf32>
      %sub3A_452 = arith.subf %div3A_450, %mul3A_451 : vector<2304x1xf32>
      %sub3A_453 = vector.broadcast %div3A_443 : vector<2304x1xf32> to vector<2304x64xf32>
      %sub3A_454 = arith.subf %get3A_428, %sub3A_453 : vector<2304x64xf32>
      %add3A_455 = arith.constant 9.99999974E-6 : f32
      %add3A_456 = vector.broadcast %add3A_455 : f32 to vector<2304x1xf32>
      %add3A_457 = arith.addf %sub3A_452, %add3A_456 : vector<2304x1xf32>
      %rsqrt3A = math.rsqrt %add3A_457 : vector<2304x1xf32>
      %mul3A_458 = vector.broadcast %rsqrt3A : vector<2304x1xf32> to vector<2304x64xf32>
      %mul3A_459 = arith.mulf %sub3A_454, %mul3A_458 : vector<2304x64xf32>
      %mul3A_460 = vector.broadcast %get3A_434 : vector<1x64xf32> to vector<2304x64xf32>
      %mul3A_461 = arith.mulf %mul3A_459, %mul3A_460 : vector<2304x64xf32>
      %add3A_462 = vector.broadcast %get3A_437 : vector<1x64xf32> to vector<2304x64xf32>
      %add3A_463 = arith.addf %mul3A_461, %add3A_462 : vector<2304x64xf32>
      %convert_element_type3A_464 = arith.truncf %add3A_463 : vector<2304x64xf32> to vector<2304x64xbf16>
      %get3A_465 = arith.constant 0 : index
      %get3A_466 = arith.constant 0 : index
      %get3A_467 = arith.constant 0 : index
      %get3A_468 = vector.load %arg13[%get3A_465, %get3A_466, %get3A_467] : memref<6x64x192xbf16, #tpu.memory_space<vmem>>, vector<1x64x192xbf16>
      %get3A_469 = vector.shape_cast %get3A_468 : vector<1x64x192xbf16> to vector<64x192xbf16>
      %dot_general3A_470 = arith.constant dense<0.000000e+00> : vector<2304x192xf32>
      %dot_general3A_471 = tpu.matmul %convert_element_type3A_464, %get3A_469, %dot_general3A_470 {dimension_numbers = #tpu.dot_dimension_numbers<[1], [0], [0], [1], [0, 0, 1, 1], [], []>, transpose_lhs_hint = false} : vector<2304x64xbf16>, vector<64x192xbf16>, vector<2304x192xf32> -> vector<2304x192xf32>
      %get3A_472 = arith.constant 0 : index
      %get3A_473 = arith.constant 0 : index
      %get3A_474 = vector.load %arg14[%get3A_472, %get3A_473] : memref<6x192xf32, #tpu.memory_space<vmem>>, vector<1x192xf32>
      %add3A_475 = vector.broadcast %get3A_474 : vector<1x192xf32> to vector<2304x192xf32>
      %add3A_476 = arith.addf %dot_general3A_471, %add3A_475 : vector<2304x192xf32>
      %slice3A_477 = vector.extract_strided_slice %add3A_476 {offsets = [0, 0], sizes = [2304, 32], strides = [1, 1]} : vector<2304x192xf32> to vector<2304x32xf32>
      %reshape3A = vector.shape_cast %slice3A_477 : vector<2304x32xf32> to vector<8x288x32xf32>
      %slice3A_478 = vector.extract_strided_slice %add3A_476 {offsets = [0, 64], sizes = [2304, 32], strides = [1, 1]} : vector<2304x192xf32> to vector<2304x32xf32>
      %reshape3A_479 = vector.shape_cast %slice3A_478 : vector<2304x32xf32> to vector<8x288x32xf32>
      %slice3A_480 = vector.extract_strided_slice %add3A_476 {offsets = [0, 128], sizes = [2304, 32], strides = [1, 1]} : vector<2304x192xf32> to vector<2304x32xf32>
      %reshape3A_481 = vector.shape_cast %slice3A_480 : vector<2304x32xf32> to vector<8x288x32xf32>
      %convert_element_type3A_482 = arith.truncf %reshape3A : vector<8x288x32xf32> to vector<8x288x32xbf16>
      %convert_element_type3A_483 = arith.truncf %reshape3A_479 : vector<8x288x32xf32> to vector<8x288x32xbf16>
      %dot_general3A_484 = arith.constant dense<0.000000e+00> : vector<8x288x288xf32>
      %dot_general3A_485 = tpu.matmul %convert_element_type3A_482, %convert_element_type3A_483, %dot_general3A_484 {dimension_numbers = #tpu.dot_dimension_numbers<[2], [2], [1], [1], [0, 0, 0, 1, 1, 1], [0], [0]>, transpose_lhs_hint = false} : vector<8x288x32xbf16>, vector<8x288x32xbf16>, vector<8x288x288xf32> -> vector<8x288x288xf32>
      %broadcast_in_dim3A_486 = vector.shape_cast %get3A_431 : vector<8x288xf32> to vector<8x1x288xf32>
      %gt3A = arith.constant 0.000000e+00 : f32
      %gt3A_487 = vector.broadcast %gt3A : f32 to vector<8x1x288xf32>
      %gt3A_488 = arith.cmpf ogt, %broadcast_in_dim3A_486, %gt3A_487 : vector<8x1x288xf32>
      %jit3A_489 = arith.constant -1.000000e+30 : f32
      %broadcast_in_dim3A_490 = vector.shape_cast %gt3A_488 : vector<8x1x288xi1> to vector<8x1x288xi1>
      %broadcast_in_dim3A_491 = vector.broadcast %broadcast_in_dim3A_490 : vector<8x1x288xi1> to vector<8x288x288xi1>
      %broadcast_in_dim3A_492 = vector.broadcast %jit3A_489 : f32 to vector<8x288x288xf32>
      %select_n3A_493 = arith.select %broadcast_in_dim3A_491, %dot_general3A_485, %broadcast_in_dim3A_492 : vector<8x288x288xi1>, vector<8x288x288xf32>
      %reduce_max3A = arith.constant dense<0xFF800000> : vector<8x288xf32>
      %reduce_max3A_494 = vector.multi_reduction <maximumf>, %select_n3A_493, %reduce_max3A [2] : vector<8x288x288xf32> to vector<8x288xf32>
      %broadcast_in_dim3A_495 = vector.shape_cast %reduce_max3A_494 : vector<8x288xf32> to vector<8x288x1xf32>
      %sub3A_496 = vector.broadcast %broadcast_in_dim3A_495 : vector<8x288x1xf32> to vector<8x288x288xf32>
      %sub3A_497 = arith.subf %select_n3A_493, %sub3A_496 : vector<8x288x288xf32>
      %exp3A = math.exp %sub3A_497 : vector<8x288x288xf32>
      %reduce_sum3A_498 = arith.constant dense<0.000000e+00> : vector<8x288xf32>
      %reduce_sum3A_499 = vector.multi_reduction <add>, %exp3A, %reduce_sum3A_498 [2] : vector<8x288x288xf32> to vector<8x288xf32>
      %broadcast_in_dim3A_500 = vector.shape_cast %reduce_sum3A_499 : vector<8x288xf32> to vector<8x288x1xf32>
      %div3A_501 = vector.broadcast %broadcast_in_dim3A_500 : vector<8x288x1xf32> to vector<8x288x288xf32>
      %div3A_502 = arith.divf %exp3A, %div3A_501 : vector<8x288x288xf32>
      %convert_element_type3A_503 = arith.truncf %div3A_502 : vector<8x288x288xf32> to vector<8x288x288xbf16>
      %convert_element_type3A_504 = arith.truncf %reshape3A_481 : vector<8x288x32xf32> to vector<8x288x32xbf16>
      %dot_general3A_505 = arith.constant dense<0.000000e+00> : vector<8x288x32xf32>
      %dot_general3A_506 = tpu.matmul %convert_element_type3A_503, %convert_element_type3A_504, %dot_general3A_505 {dimension_numbers = #tpu.dot_dimension_numbers<[2], [1], [1], [2], [0, 0, 0, 1, 1, 2], [0], [0]>, transpose_lhs_hint = false} : vector<8x288x288xbf16>, vector<8x288x32xbf16>, vector<8x288x32xf32> -> vector<8x288x32xf32>
      %slice3A_507 = vector.extract_strided_slice %add3A_476 {offsets = [0, 32], sizes = [2304, 32], strides = [1, 1]} : vector<2304x192xf32> to vector<2304x32xf32>
      %reshape3A_508 = vector.shape_cast %slice3A_507 : vector<2304x32xf32> to vector<8x288x32xf32>
      %slice3A_509 = vector.extract_strided_slice %add3A_476 {offsets = [0, 96], sizes = [2304, 32], strides = [1, 1]} : vector<2304x192xf32> to vector<2304x32xf32>
      %reshape3A_510 = vector.shape_cast %slice3A_509 : vector<2304x32xf32> to vector<8x288x32xf32>
      %slice3A_511 = vector.extract_strided_slice %add3A_476 {offsets = [0, 160], sizes = [2304, 32], strides = [1, 1]} : vector<2304x192xf32> to vector<2304x32xf32>
      %reshape3A_512 = vector.shape_cast %slice3A_511 : vector<2304x32xf32> to vector<8x288x32xf32>
      %convert_element_type3A_513 = arith.truncf %reshape3A_508 : vector<8x288x32xf32> to vector<8x288x32xbf16>
      %convert_element_type3A_514 = arith.truncf %reshape3A_510 : vector<8x288x32xf32> to vector<8x288x32xbf16>
      %dot_general3A_515 = arith.constant dense<0.000000e+00> : vector<8x288x288xf32>
      %dot_general3A_516 = tpu.matmul %convert_element_type3A_513, %convert_element_type3A_514, %dot_general3A_515 {dimension_numbers = #tpu.dot_dimension_numbers<[2], [2], [1], [1], [0, 0, 0, 1, 1, 1], [0], [0]>, transpose_lhs_hint = false} : vector<8x288x32xbf16>, vector<8x288x32xbf16>, vector<8x288x288xf32> -> vector<8x288x288xf32>
      %broadcast_in_dim3A_517 = vector.shape_cast %get3A_431 : vector<8x288xf32> to vector<8x1x288xf32>
      %gt3A_518 = arith.constant 0.000000e+00 : f32
      %gt3A_519 = vector.broadcast %gt3A_518 : f32 to vector<8x1x288xf32>
      %gt3A_520 = arith.cmpf ogt, %broadcast_in_dim3A_517, %gt3A_519 : vector<8x1x288xf32>
      %jit3A_521 = arith.constant -1.000000e+30 : f32
      %broadcast_in_dim3A_522 = vector.shape_cast %gt3A_520 : vector<8x1x288xi1> to vector<8x1x288xi1>
      %broadcast_in_dim3A_523 = vector.broadcast %broadcast_in_dim3A_522 : vector<8x1x288xi1> to vector<8x288x288xi1>
      %broadcast_in_dim3A_524 = vector.broadcast %jit3A_521 : f32 to vector<8x288x288xf32>
      %select_n3A_525 = arith.select %broadcast_in_dim3A_523, %dot_general3A_516, %broadcast_in_dim3A_524 : vector<8x288x288xi1>, vector<8x288x288xf32>
      %reduce_max3A_526 = arith.constant dense<0xFF800000> : vector<8x288xf32>
      %reduce_max3A_527 = vector.multi_reduction <maximumf>, %select_n3A_525, %reduce_max3A_526 [2] : vector<8x288x288xf32> to vector<8x288xf32>
      %broadcast_in_dim3A_528 = vector.shape_cast %reduce_max3A_527 : vector<8x288xf32> to vector<8x288x1xf32>
      %sub3A_529 = vector.broadcast %broadcast_in_dim3A_528 : vector<8x288x1xf32> to vector<8x288x288xf32>
      %sub3A_530 = arith.subf %select_n3A_525, %sub3A_529 : vector<8x288x288xf32>
      %exp3A_531 = math.exp %sub3A_530 : vector<8x288x288xf32>
      %reduce_sum3A_532 = arith.constant dense<0.000000e+00> : vector<8x288xf32>
      %reduce_sum3A_533 = vector.multi_reduction <add>, %exp3A_531, %reduce_sum3A_532 [2] : vector<8x288x288xf32> to vector<8x288xf32>
      %broadcast_in_dim3A_534 = vector.shape_cast %reduce_sum3A_533 : vector<8x288xf32> to vector<8x288x1xf32>
      %div3A_535 = vector.broadcast %broadcast_in_dim3A_534 : vector<8x288x1xf32> to vector<8x288x288xf32>
      %div3A_536 = arith.divf %exp3A_531, %div3A_535 : vector<8x288x288xf32>
      %convert_element_type3A_537 = arith.truncf %div3A_536 : vector<8x288x288xf32> to vector<8x288x288xbf16>
      %convert_element_type3A_538 = arith.truncf %reshape3A_512 : vector<8x288x32xf32> to vector<8x288x32xbf16>
      %dot_general3A_539 = arith.constant dense<0.000000e+00> : vector<8x288x32xf32>
      %dot_general3A_540 = tpu.matmul %convert_element_type3A_537, %convert_element_type3A_538, %dot_general3A_539 {dimension_numbers = #tpu.dot_dimension_numbers<[2], [1], [1], [2], [0, 0, 0, 1, 1, 2], [0], [0]>, transpose_lhs_hint = false} : vector<8x288x288xbf16>, vector<8x288x32xbf16>, vector<8x288x32xf32> -> vector<8x288x32xf32>
      %concatenate3A_541 = tpu.concatenate %dot_general3A_506, %dot_general3A_540 in 2 : vector<8x288x32xf32>, vector<8x288x32xf32> -> vector<8x288x64xf32>
      %reshape3A_542 = vector.shape_cast %concatenate3A_541 : vector<8x288x64xf32> to vector<2304x64xf32>
      %convert_element_type3A_543 = arith.truncf %reshape3A_542 : vector<2304x64xf32> to vector<2304x64xbf16>
      %get3A_544 = arith.constant 0 : index
      %get3A_545 = arith.constant 0 : index
      %get3A_546 = arith.constant 0 : index
      %get3A_547 = vector.load %arg15[%get3A_544, %get3A_545, %get3A_546] : memref<6x64x64xbf16, #tpu.memory_space<vmem>>, vector<1x64x64xbf16>
      %get3A_548 = vector.shape_cast %get3A_547 : vector<1x64x64xbf16> to vector<64x64xbf16>
      %dot_general3A_549 = arith.constant dense<0.000000e+00> : vector<2304x64xf32>
      %dot_general3A_550 = tpu.matmul %convert_element_type3A_543, %get3A_548, %dot_general3A_549 {dimension_numbers = #tpu.dot_dimension_numbers<[1], [0], [0], [1], [0, 0, 1, 1], [], []>, transpose_lhs_hint = false} : vector<2304x64xbf16>, vector<64x64xbf16>, vector<2304x64xf32> -> vector<2304x64xf32>
      %add3A_551 = arith.addf %get3A_428, %dot_general3A_550 : vector<2304x64xf32>
      %get3A_552 = arith.constant 0 : index
      %get3A_553 = arith.constant 0 : index
      %get3A_554 = vector.load %arg16[%get3A_552, %get3A_553] : memref<6x64xf32, #tpu.memory_space<vmem>>, vector<1x64xf32>
      %add3A_555 = vector.broadcast %get3A_554 : vector<1x64xf32> to vector<2304x64xf32>
      %add3A_556 = arith.addf %add3A_551, %add3A_555 : vector<2304x64xf32>
      %get3A_557 = arith.constant 0 : index
      %get3A_558 = arith.constant 0 : index
      %get3A_559 = vector.load %arg17[%get3A_557, %get3A_558] : memref<6x64xf32, #tpu.memory_space<vmem>>, vector<1x64xf32>
      %get3A_560 = arith.constant 0 : index
      %get3A_561 = arith.constant 0 : index
      %get3A_562 = vector.load %arg18[%get3A_560, %get3A_561] : memref<6x64xf32, #tpu.memory_space<vmem>>, vector<1x64xf32>
      %reduce_sum3A_563 = arith.constant dense<0.000000e+00> : vector<2304xf32>
      %reduce_sum3A_564 = vector.multi_reduction <add>, %add3A_556, %reduce_sum3A_563 [1] : vector<2304x64xf32> to vector<2304xf32>
      %broadcast_in_dim3A_565 = vector.shape_cast %reduce_sum3A_564 : vector<2304xf32> to vector<2304x1xf32>
      %div3A_566 = arith.constant 6.400000e+01 : f32
      %div3A_567 = vector.broadcast %div3A_566 : f32 to vector<2304x1xf32>
      %div3A_568 = arith.divf %broadcast_in_dim3A_565, %div3A_567 : vector<2304x1xf32>
      %mul3A_569 = arith.mulf %add3A_556, %add3A_556 : vector<2304x64xf32>
      %reduce_sum3A_570 = arith.constant dense<0.000000e+00> : vector<2304xf32>
      %reduce_sum3A_571 = vector.multi_reduction <add>, %mul3A_569, %reduce_sum3A_570 [1] : vector<2304x64xf32> to vector<2304xf32>
      %broadcast_in_dim3A_572 = vector.shape_cast %reduce_sum3A_571 : vector<2304xf32> to vector<2304x1xf32>
      %div3A_573 = arith.constant 6.400000e+01 : f32
      %div3A_574 = vector.broadcast %div3A_573 : f32 to vector<2304x1xf32>
      %div3A_575 = arith.divf %broadcast_in_dim3A_572, %div3A_574 : vector<2304x1xf32>
      %mul3A_576 = arith.mulf %div3A_568, %div3A_568 : vector<2304x1xf32>
      %sub3A_577 = arith.subf %div3A_575, %mul3A_576 : vector<2304x1xf32>
      %sub3A_578 = vector.broadcast %div3A_568 : vector<2304x1xf32> to vector<2304x64xf32>
      %sub3A_579 = arith.subf %add3A_556, %sub3A_578 : vector<2304x64xf32>
      %add3A_580 = arith.constant 9.99999974E-6 : f32
      %add3A_581 = vector.broadcast %add3A_580 : f32 to vector<2304x1xf32>
      %add3A_582 = arith.addf %sub3A_577, %add3A_581 : vector<2304x1xf32>
      %rsqrt3A_583 = math.rsqrt %add3A_582 : vector<2304x1xf32>
      %mul3A_584 = vector.broadcast %rsqrt3A_583 : vector<2304x1xf32> to vector<2304x64xf32>
      %mul3A_585 = arith.mulf %sub3A_579, %mul3A_584 : vector<2304x64xf32>
      %mul3A_586 = vector.broadcast %get3A_559 : vector<1x64xf32> to vector<2304x64xf32>
      %mul3A_587 = arith.mulf %mul3A_585, %mul3A_586 : vector<2304x64xf32>
      %add3A_588 = vector.broadcast %get3A_562 : vector<1x64xf32> to vector<2304x64xf32>
      %add3A_589 = arith.addf %mul3A_587, %add3A_588 : vector<2304x64xf32>
      %convert_element_type3A_590 = arith.truncf %add3A_589 : vector<2304x64xf32> to vector<2304x64xbf16>
      %get3A_591 = arith.constant 0 : index
      %get3A_592 = arith.constant 0 : index
      %get3A_593 = arith.constant 0 : index
      %get3A_594 = vector.load %arg19[%get3A_591, %get3A_592, %get3A_593] : memref<6x64x256xbf16, #tpu.memory_space<vmem>>, vector<1x64x256xbf16>
      %get3A_595 = vector.shape_cast %get3A_594 : vector<1x64x256xbf16> to vector<64x256xbf16>
      %dot_general3A_596 = arith.constant dense<0.000000e+00> : vector<2304x256xf32>
      %dot_general3A_597 = tpu.matmul %convert_element_type3A_590, %get3A_595, %dot_general3A_596 {dimension_numbers = #tpu.dot_dimension_numbers<[1], [0], [0], [1], [0, 0, 1, 1], [], []>, transpose_lhs_hint = false} : vector<2304x64xbf16>, vector<64x256xbf16>, vector<2304x256xf32> -> vector<2304x256xf32>
      %get3A_598 = arith.constant 0 : index
      %get3A_599 = arith.constant 0 : index
      %get3A_600 = vector.load %arg20[%get3A_598, %get3A_599] : memref<6x256xf32, #tpu.memory_space<vmem>>, vector<1x256xf32>
      %add3A_601 = vector.broadcast %get3A_600 : vector<1x256xf32> to vector<2304x256xf32>
      %add3A_602 = arith.addf %dot_general3A_597, %add3A_601 : vector<2304x256xf32>
      %integer_pow3A = arith.mulf %add3A_602, %add3A_602 : vector<2304x256xf32>
      %integer_pow3A_603 = arith.mulf %add3A_602, %integer_pow3A : vector<2304x256xf32>
      %mul3A_604 = arith.constant 4.471500e-02 : f32
      %mul3A_605 = vector.broadcast %mul3A_604 : f32 to vector<2304x256xf32>
      %mul3A_606 = arith.mulf %mul3A_605, %integer_pow3A_603 : vector<2304x256xf32>
      %add3A_607 = arith.addf %add3A_602, %mul3A_606 : vector<2304x256xf32>
      %mul3A_608 = arith.constant 0.797884583 : f32
      %mul3A_609 = vector.broadcast %mul3A_608 : f32 to vector<2304x256xf32>
      %mul3A_610 = arith.mulf %mul3A_609, %add3A_607 : vector<2304x256xf32>
      %tanh3A = math.tanh %mul3A_610 : vector<2304x256xf32>
      %add3A_611 = arith.constant 1.000000e+00 : f32
      %add3A_612 = vector.broadcast %add3A_611 : f32 to vector<2304x256xf32>
      %add3A_613 = arith.addf %add3A_612, %tanh3A : vector<2304x256xf32>
      %mul3A_614 = arith.constant 5.000000e-01 : f32
      %mul3A_615 = vector.broadcast %mul3A_614 : f32 to vector<2304x256xf32>
      %mul3A_616 = arith.mulf %mul3A_615, %add3A_613 : vector<2304x256xf32>
      %mul3A_617 = arith.mulf %add3A_602, %mul3A_616 : vector<2304x256xf32>
      %convert_element_type3A_618 = arith.truncf %mul3A_617 : vector<2304x256xf32> to vector<2304x256xbf16>
      %get3A_619 = arith.constant 0 : index
      %get3A_620 = arith.constant 0 : index
      %get3A_621 = arith.constant 0 : index
      %get3A_622 = vector.load %arg21[%get3A_619, %get3A_620, %get3A_621] : memref<6x256x64xbf16, #tpu.memory_space<vmem>>, vector<1x256x64xbf16>
      %get3A_623 = vector.shape_cast %get3A_622 : vector<1x256x64xbf16> to vector<256x64xbf16>
      %dot_general3A_624 = arith.constant dense<0.000000e+00> : vector<2304x64xf32>
      %dot_general3A_625 = tpu.matmul %convert_element_type3A_618, %get3A_623, %dot_general3A_624 {dimension_numbers = #tpu.dot_dimension_numbers<[1], [0], [0], [1], [0, 0, 1, 1], [], []>, transpose_lhs_hint = false} : vector<2304x256xbf16>, vector<256x64xbf16>, vector<2304x64xf32> -> vector<2304x64xf32>
      %add3A_626 = arith.addf %add3A_556, %dot_general3A_625 : vector<2304x64xf32>
      %get3A_627 = arith.constant 0 : index
      %get3A_628 = arith.constant 0 : index
      %get3A_629 = vector.load %arg22[%get3A_627, %get3A_628] : memref<6x64xf32, #tpu.memory_space<vmem>>, vector<1x64xf32>
      %add3A_630 = vector.broadcast %get3A_629 : vector<1x64xf32> to vector<2304x64xf32>
      %add3A_631 = arith.addf %add3A_626, %add3A_630 : vector<2304x64xf32>
      %get3A_632 = arith.constant 1 : index
      %get3A_633 = arith.constant 0 : index
      %get3A_634 = vector.load %arg11[%get3A_632, %get3A_633] : memref<6x64xf32, #tpu.memory_space<vmem>>, vector<1x64xf32>
      %get3A_635 = arith.constant 1 : index
      %get3A_636 = arith.constant 0 : index
      %get3A_637 = vector.load %arg12[%get3A_635, %get3A_636] : memref<6x64xf32, #tpu.memory_space<vmem>>, vector<1x64xf32>
      %reduce_sum3A_638 = arith.constant dense<0.000000e+00> : vector<2304xf32>
      %reduce_sum3A_639 = vector.multi_reduction <add>, %add3A_631, %reduce_sum3A_638 [1] : vector<2304x64xf32> to vector<2304xf32>
      %broadcast_in_dim3A_640 = vector.shape_cast %reduce_sum3A_639 : vector<2304xf32> to vector<2304x1xf32>
      %div3A_641 = arith.constant 6.400000e+01 : f32
      %div3A_642 = vector.broadcast %div3A_641 : f32 to vector<2304x1xf32>
      %div3A_643 = arith.divf %broadcast_in_dim3A_640, %div3A_642 : vector<2304x1xf32>
      %mul3A_644 = arith.mulf %add3A_631, %add3A_631 : vector<2304x64xf32>
      %reduce_sum3A_645 = arith.constant dense<0.000000e+00> : vector<2304xf32>
      %reduce_sum3A_646 = vector.multi_reduction <add>, %mul3A_644, %reduce_sum3A_645 [1] : vector<2304x64xf32> to vector<2304xf32>
      %broadcast_in_dim3A_647 = vector.shape_cast %reduce_sum3A_646 : vector<2304xf32> to vector<2304x1xf32>
      %div3A_648 = arith.constant 6.400000e+01 : f32
      %div3A_649 = vector.broadcast %div3A_648 : f32 to vector<2304x1xf32>
      %div3A_650 = arith.divf %broadcast_in_dim3A_647, %div3A_649 : vector<2304x1xf32>
      %mul3A_651 = arith.mulf %div3A_643, %div3A_643 : vector<2304x1xf32>
      %sub3A_652 = arith.subf %div3A_650, %mul3A_651 : vector<2304x1xf32>
      %sub3A_653 = vector.broadcast %div3A_643 : vector<2304x1xf32> to vector<2304x64xf32>
      %sub3A_654 = arith.subf %add3A_631, %sub3A_653 : vector<2304x64xf32>
      %add3A_655 = arith.constant 9.99999974E-6 : f32
      %add3A_656 = vector.broadcast %add3A_655 : f32 to vector<2304x1xf32>
      %add3A_657 = arith.addf %sub3A_652, %add3A_656 : vector<2304x1xf32>
      %rsqrt3A_658 = math.rsqrt %add3A_657 : vector<2304x1xf32>
      %mul3A_659 = vector.broadcast %rsqrt3A_658 : vector<2304x1xf32> to vector<2304x64xf32>
      %mul3A_660 = arith.mulf %sub3A_654, %mul3A_659 : vector<2304x64xf32>
      %mul3A_661 = vector.broadcast %get3A_634 : vector<1x64xf32> to vector<2304x64xf32>
      %mul3A_662 = arith.mulf %mul3A_660, %mul3A_661 : vector<2304x64xf32>
      %add3A_663 = vector.broadcast %get3A_637 : vector<1x64xf32> to vector<2304x64xf32>
      %add3A_664 = arith.addf %mul3A_662, %add3A_663 : vector<2304x64xf32>
      %convert_element_type3A_665 = arith.truncf %add3A_664 : vector<2304x64xf32> to vector<2304x64xbf16>
      %get3A_666 = arith.constant 1 : index
      %get3A_667 = arith.constant 0 : index
      %get3A_668 = arith.constant 0 : index
      %get3A_669 = vector.load %arg13[%get3A_666, %get3A_667, %get3A_668] : memref<6x64x192xbf16, #tpu.memory_space<vmem>>, vector<1x64x192xbf16>
      %get3A_670 = vector.shape_cast %get3A_669 : vector<1x64x192xbf16> to vector<64x192xbf16>
      %dot_general3A_671 = arith.constant dense<0.000000e+00> : vector<2304x192xf32>
      %dot_general3A_672 = tpu.matmul %convert_element_type3A_665, %get3A_670, %dot_general3A_671 {dimension_numbers = #tpu.dot_dimension_numbers<[1], [0], [0], [1], [0, 0, 1, 1], [], []>, transpose_lhs_hint = false} : vector<2304x64xbf16>, vector<64x192xbf16>, vector<2304x192xf32> -> vector<2304x192xf32>
      %get3A_673 = arith.constant 1 : index
      %get3A_674 = arith.constant 0 : index
      %get3A_675 = vector.load %arg14[%get3A_673, %get3A_674] : memref<6x192xf32, #tpu.memory_space<vmem>>, vector<1x192xf32>
      %add3A_676 = vector.broadcast %get3A_675 : vector<1x192xf32> to vector<2304x192xf32>
      %add3A_677 = arith.addf %dot_general3A_672, %add3A_676 : vector<2304x192xf32>
      %slice3A_678 = vector.extract_strided_slice %add3A_677 {offsets = [0, 0], sizes = [2304, 32], strides = [1, 1]} : vector<2304x192xf32> to vector<2304x32xf32>
      %reshape3A_679 = vector.shape_cast %slice3A_678 : vector<2304x32xf32> to vector<8x288x32xf32>
      %slice3A_680 = vector.extract_strided_slice %add3A_677 {offsets = [0, 64], sizes = [2304, 32], strides = [1, 1]} : vector<2304x192xf32> to vector<2304x32xf32>
      %reshape3A_681 = vector.shape_cast %slice3A_680 : vector<2304x32xf32> to vector<8x288x32xf32>
      %slice3A_682 = vector.extract_strided_slice %add3A_677 {offsets = [0, 128], sizes = [2304, 32], strides = [1, 1]} : vector<2304x192xf32> to vector<2304x32xf32>
      %reshape3A_683 = vector.shape_cast %slice3A_682 : vector<2304x32xf32> to vector<8x288x32xf32>
      %convert_element_type3A_684 = arith.truncf %reshape3A_679 : vector<8x288x32xf32> to vector<8x288x32xbf16>
      %convert_element_type3A_685 = arith.truncf %reshape3A_681 : vector<8x288x32xf32> to vector<8x288x32xbf16>
      %dot_general3A_686 = arith.constant dense<0.000000e+00> : vector<8x288x288xf32>
      %dot_general3A_687 = tpu.matmul %convert_element_type3A_684, %convert_element_type3A_685, %dot_general3A_686 {dimension_numbers = #tpu.dot_dimension_numbers<[2], [2], [1], [1], [0, 0, 0, 1, 1, 1], [0], [0]>, transpose_lhs_hint = false} : vector<8x288x32xbf16>, vector<8x288x32xbf16>, vector<8x288x288xf32> -> vector<8x288x288xf32>
      %broadcast_in_dim3A_688 = vector.shape_cast %get3A_431 : vector<8x288xf32> to vector<8x1x288xf32>
      %gt3A_689 = arith.constant 0.000000e+00 : f32
      %gt3A_690 = vector.broadcast %gt3A_689 : f32 to vector<8x1x288xf32>
      %gt3A_691 = arith.cmpf ogt, %broadcast_in_dim3A_688, %gt3A_690 : vector<8x1x288xf32>
      %jit3A_692 = arith.constant -1.000000e+30 : f32
      %broadcast_in_dim3A_693 = vector.shape_cast %gt3A_691 : vector<8x1x288xi1> to vector<8x1x288xi1>
      %broadcast_in_dim3A_694 = vector.broadcast %broadcast_in_dim3A_693 : vector<8x1x288xi1> to vector<8x288x288xi1>
      %broadcast_in_dim3A_695 = vector.broadcast %jit3A_692 : f32 to vector<8x288x288xf32>
      %select_n3A_696 = arith.select %broadcast_in_dim3A_694, %dot_general3A_687, %broadcast_in_dim3A_695 : vector<8x288x288xi1>, vector<8x288x288xf32>
      %reduce_max3A_697 = arith.constant dense<0xFF800000> : vector<8x288xf32>
      %reduce_max3A_698 = vector.multi_reduction <maximumf>, %select_n3A_696, %reduce_max3A_697 [2] : vector<8x288x288xf32> to vector<8x288xf32>
      %broadcast_in_dim3A_699 = vector.shape_cast %reduce_max3A_698 : vector<8x288xf32> to vector<8x288x1xf32>
      %sub3A_700 = vector.broadcast %broadcast_in_dim3A_699 : vector<8x288x1xf32> to vector<8x288x288xf32>
      %sub3A_701 = arith.subf %select_n3A_696, %sub3A_700 : vector<8x288x288xf32>
      %exp3A_702 = math.exp %sub3A_701 : vector<8x288x288xf32>
      %reduce_sum3A_703 = arith.constant dense<0.000000e+00> : vector<8x288xf32>
      %reduce_sum3A_704 = vector.multi_reduction <add>, %exp3A_702, %reduce_sum3A_703 [2] : vector<8x288x288xf32> to vector<8x288xf32>
      %broadcast_in_dim3A_705 = vector.shape_cast %reduce_sum3A_704 : vector<8x288xf32> to vector<8x288x1xf32>
      %div3A_706 = vector.broadcast %broadcast_in_dim3A_705 : vector<8x288x1xf32> to vector<8x288x288xf32>
      %div3A_707 = arith.divf %exp3A_702, %div3A_706 : vector<8x288x288xf32>
      %convert_element_type3A_708 = arith.truncf %div3A_707 : vector<8x288x288xf32> to vector<8x288x288xbf16>
      %convert_element_type3A_709 = arith.truncf %reshape3A_683 : vector<8x288x32xf32> to vector<8x288x32xbf16>
      %dot_general3A_710 = arith.constant dense<0.000000e+00> : vector<8x288x32xf32>
      %dot_general3A_711 = tpu.matmul %convert_element_type3A_708, %convert_element_type3A_709, %dot_general3A_710 {dimension_numbers = #tpu.dot_dimension_numbers<[2], [1], [1], [2], [0, 0, 0, 1, 1, 2], [0], [0]>, transpose_lhs_hint = false} : vector<8x288x288xbf16>, vector<8x288x32xbf16>, vector<8x288x32xf32> -> vector<8x288x32xf32>
      %slice3A_712 = vector.extract_strided_slice %add3A_677 {offsets = [0, 32], sizes = [2304, 32], strides = [1, 1]} : vector<2304x192xf32> to vector<2304x32xf32>
      %reshape3A_713 = vector.shape_cast %slice3A_712 : vector<2304x32xf32> to vector<8x288x32xf32>
      %slice3A_714 = vector.extract_strided_slice %add3A_677 {offsets = [0, 96], sizes = [2304, 32], strides = [1, 1]} : vector<2304x192xf32> to vector<2304x32xf32>
      %reshape3A_715 = vector.shape_cast %slice3A_714 : vector<2304x32xf32> to vector<8x288x32xf32>
      %slice3A_716 = vector.extract_strided_slice %add3A_677 {offsets = [0, 160], sizes = [2304, 32], strides = [1, 1]} : vector<2304x192xf32> to vector<2304x32xf32>
      %reshape3A_717 = vector.shape_cast %slice3A_716 : vector<2304x32xf32> to vector<8x288x32xf32>
      %convert_element_type3A_718 = arith.truncf %reshape3A_713 : vector<8x288x32xf32> to vector<8x288x32xbf16>
      %convert_element_type3A_719 = arith.truncf %reshape3A_715 : vector<8x288x32xf32> to vector<8x288x32xbf16>
      %dot_general3A_720 = arith.constant dense<0.000000e+00> : vector<8x288x288xf32>
      %dot_general3A_721 = tpu.matmul %convert_element_type3A_718, %convert_element_type3A_719, %dot_general3A_720 {dimension_numbers = #tpu.dot_dimension_numbers<[2], [2], [1], [1], [0, 0, 0, 1, 1, 1], [0], [0]>, transpose_lhs_hint = false} : vector<8x288x32xbf16>, vector<8x288x32xbf16>, vector<8x288x288xf32> -> vector<8x288x288xf32>
      %broadcast_in_dim3A_722 = vector.shape_cast %get3A_431 : vector<8x288xf32> to vector<8x1x288xf32>
      %gt3A_723 = arith.constant 0.000000e+00 : f32
      %gt3A_724 = vector.broadcast %gt3A_723 : f32 to vector<8x1x288xf32>
      %gt3A_725 = arith.cmpf ogt, %broadcast_in_dim3A_722, %gt3A_724 : vector<8x1x288xf32>
      %jit3A_726 = arith.constant -1.000000e+30 : f32
      %broadcast_in_dim3A_727 = vector.shape_cast %gt3A_725 : vector<8x1x288xi1> to vector<8x1x288xi1>
      %broadcast_in_dim3A_728 = vector.broadcast %broadcast_in_dim3A_727 : vector<8x1x288xi1> to vector<8x288x288xi1>
      %broadcast_in_dim3A_729 = vector.broadcast %jit3A_726 : f32 to vector<8x288x288xf32>
      %select_n3A_730 = arith.select %broadcast_in_dim3A_728, %dot_general3A_721, %broadcast_in_dim3A_729 : vector<8x288x288xi1>, vector<8x288x288xf32>
      %reduce_max3A_731 = arith.constant dense<0xFF800000> : vector<8x288xf32>
      %reduce_max3A_732 = vector.multi_reduction <maximumf>, %select_n3A_730, %reduce_max3A_731 [2] : vector<8x288x288xf32> to vector<8x288xf32>
      %broadcast_in_dim3A_733 = vector.shape_cast %reduce_max3A_732 : vector<8x288xf32> to vector<8x288x1xf32>
      %sub3A_734 = vector.broadcast %broadcast_in_dim3A_733 : vector<8x288x1xf32> to vector<8x288x288xf32>
      %sub3A_735 = arith.subf %select_n3A_730, %sub3A_734 : vector<8x288x288xf32>
      %exp3A_736 = math.exp %sub3A_735 : vector<8x288x288xf32>
      %reduce_sum3A_737 = arith.constant dense<0.000000e+00> : vector<8x288xf32>
      %reduce_sum3A_738 = vector.multi_reduction <add>, %exp3A_736, %reduce_sum3A_737 [2] : vector<8x288x288xf32> to vector<8x288xf32>
      %broadcast_in_dim3A_739 = vector.shape_cast %reduce_sum3A_738 : vector<8x288xf32> to vector<8x288x1xf32>
      %div3A_740 = vector.broadcast %broadcast_in_dim3A_739 : vector<8x288x1xf32> to vector<8x288x288xf32>
      %div3A_741 = arith.divf %exp3A_736, %div3A_740 : vector<8x288x288xf32>
      %convert_element_type3A_742 = arith.truncf %div3A_741 : vector<8x288x288xf32> to vector<8x288x288xbf16>
      %convert_element_type3A_743 = arith.truncf %reshape3A_717 : vector<8x288x32xf32> to vector<8x288x32xbf16>
      %dot_general3A_744 = arith.constant dense<0.000000e+00> : vector<8x288x32xf32>
      %dot_general3A_745 = tpu.matmul %convert_element_type3A_742, %convert_element_type3A_743, %dot_general3A_744 {dimension_numbers = #tpu.dot_dimension_numbers<[2], [1], [1], [2], [0, 0, 0, 1, 1, 2], [0], [0]>, transpose_lhs_hint = false} : vector<8x288x288xbf16>, vector<8x288x32xbf16>, vector<8x288x32xf32> -> vector<8x288x32xf32>
      %concatenate3A_746 = tpu.concatenate %dot_general3A_711, %dot_general3A_745 in 2 : vector<8x288x32xf32>, vector<8x288x32xf32> -> vector<8x288x64xf32>
      %reshape3A_747 = vector.shape_cast %concatenate3A_746 : vector<8x288x64xf32> to vector<2304x64xf32>
      %convert_element_type3A_748 = arith.truncf %reshape3A_747 : vector<2304x64xf32> to vector<2304x64xbf16>
      %get3A_749 = arith.constant 1 : index
      %get3A_750 = arith.constant 0 : index
      %get3A_751 = arith.constant 0 : index
      %get3A_752 = vector.load %arg15[%get3A_749, %get3A_750, %get3A_751] : memref<6x64x64xbf16, #tpu.memory_space<vmem>>, vector<1x64x64xbf16>
      %get3A_753 = vector.shape_cast %get3A_752 : vector<1x64x64xbf16> to vector<64x64xbf16>
      %dot_general3A_754 = arith.constant dense<0.000000e+00> : vector<2304x64xf32>
      %dot_general3A_755 = tpu.matmul %convert_element_type3A_748, %get3A_753, %dot_general3A_754 {dimension_numbers = #tpu.dot_dimension_numbers<[1], [0], [0], [1], [0, 0, 1, 1], [], []>, transpose_lhs_hint = false} : vector<2304x64xbf16>, vector<64x64xbf16>, vector<2304x64xf32> -> vector<2304x64xf32>
      %add3A_756 = arith.addf %add3A_631, %dot_general3A_755 : vector<2304x64xf32>
      %get3A_757 = arith.constant 1 : index
      %get3A_758 = arith.constant 0 : index
      %get3A_759 = vector.load %arg16[%get3A_757, %get3A_758] : memref<6x64xf32, #tpu.memory_space<vmem>>, vector<1x64xf32>
      %add3A_760 = vector.broadcast %get3A_759 : vector<1x64xf32> to vector<2304x64xf32>
      %add3A_761 = arith.addf %add3A_756, %add3A_760 : vector<2304x64xf32>
      %get3A_762 = arith.constant 1 : index
      %get3A_763 = arith.constant 0 : index
      %get3A_764 = vector.load %arg17[%get3A_762, %get3A_763] : memref<6x64xf32, #tpu.memory_space<vmem>>, vector<1x64xf32>
      %get3A_765 = arith.constant 1 : index
      %get3A_766 = arith.constant 0 : index
      %get3A_767 = vector.load %arg18[%get3A_765, %get3A_766] : memref<6x64xf32, #tpu.memory_space<vmem>>, vector<1x64xf32>
      %reduce_sum3A_768 = arith.constant dense<0.000000e+00> : vector<2304xf32>
      %reduce_sum3A_769 = vector.multi_reduction <add>, %add3A_761, %reduce_sum3A_768 [1] : vector<2304x64xf32> to vector<2304xf32>
      %broadcast_in_dim3A_770 = vector.shape_cast %reduce_sum3A_769 : vector<2304xf32> to vector<2304x1xf32>
      %div3A_771 = arith.constant 6.400000e+01 : f32
      %div3A_772 = vector.broadcast %div3A_771 : f32 to vector<2304x1xf32>
      %div3A_773 = arith.divf %broadcast_in_dim3A_770, %div3A_772 : vector<2304x1xf32>
      %mul3A_774 = arith.mulf %add3A_761, %add3A_761 : vector<2304x64xf32>
      %reduce_sum3A_775 = arith.constant dense<0.000000e+00> : vector<2304xf32>
      %reduce_sum3A_776 = vector.multi_reduction <add>, %mul3A_774, %reduce_sum3A_775 [1] : vector<2304x64xf32> to vector<2304xf32>
      %broadcast_in_dim3A_777 = vector.shape_cast %reduce_sum3A_776 : vector<2304xf32> to vector<2304x1xf32>
      %div3A_778 = arith.constant 6.400000e+01 : f32
      %div3A_779 = vector.broadcast %div3A_778 : f32 to vector<2304x1xf32>
      %div3A_780 = arith.divf %broadcast_in_dim3A_777, %div3A_779 : vector<2304x1xf32>
      %mul3A_781 = arith.mulf %div3A_773, %div3A_773 : vector<2304x1xf32>
      %sub3A_782 = arith.subf %div3A_780, %mul3A_781 : vector<2304x1xf32>
      %sub3A_783 = vector.broadcast %div3A_773 : vector<2304x1xf32> to vector<2304x64xf32>
      %sub3A_784 = arith.subf %add3A_761, %sub3A_783 : vector<2304x64xf32>
      %add3A_785 = arith.constant 9.99999974E-6 : f32
      %add3A_786 = vector.broadcast %add3A_785 : f32 to vector<2304x1xf32>
      %add3A_787 = arith.addf %sub3A_782, %add3A_786 : vector<2304x1xf32>
      %rsqrt3A_788 = math.rsqrt %add3A_787 : vector<2304x1xf32>
      %mul3A_789 = vector.broadcast %rsqrt3A_788 : vector<2304x1xf32> to vector<2304x64xf32>
      %mul3A_790 = arith.mulf %sub3A_784, %mul3A_789 : vector<2304x64xf32>
      %mul3A_791 = vector.broadcast %get3A_764 : vector<1x64xf32> to vector<2304x64xf32>
      %mul3A_792 = arith.mulf %mul3A_790, %mul3A_791 : vector<2304x64xf32>
      %add3A_793 = vector.broadcast %get3A_767 : vector<1x64xf32> to vector<2304x64xf32>
      %add3A_794 = arith.addf %mul3A_792, %add3A_793 : vector<2304x64xf32>
      %convert_element_type3A_795 = arith.truncf %add3A_794 : vector<2304x64xf32> to vector<2304x64xbf16>
      %get3A_796 = arith.constant 1 : index
      %get3A_797 = arith.constant 0 : index
      %get3A_798 = arith.constant 0 : index
      %get3A_799 = vector.load %arg19[%get3A_796, %get3A_797, %get3A_798] : memref<6x64x256xbf16, #tpu.memory_space<vmem>>, vector<1x64x256xbf16>
      %get3A_800 = vector.shape_cast %get3A_799 : vector<1x64x256xbf16> to vector<64x256xbf16>
      %dot_general3A_801 = arith.constant dense<0.000000e+00> : vector<2304x256xf32>
      %dot_general3A_802 = tpu.matmul %convert_element_type3A_795, %get3A_800, %dot_general3A_801 {dimension_numbers = #tpu.dot_dimension_numbers<[1], [0], [0], [1], [0, 0, 1, 1], [], []>, transpose_lhs_hint = false} : vector<2304x64xbf16>, vector<64x256xbf16>, vector<2304x256xf32> -> vector<2304x256xf32>
      %get3A_803 = arith.constant 1 : index
      %get3A_804 = arith.constant 0 : index
      %get3A_805 = vector.load %arg20[%get3A_803, %get3A_804] : memref<6x256xf32, #tpu.memory_space<vmem>>, vector<1x256xf32>
      %add3A_806 = vector.broadcast %get3A_805 : vector<1x256xf32> to vector<2304x256xf32>
      %add3A_807 = arith.addf %dot_general3A_802, %add3A_806 : vector<2304x256xf32>
      %integer_pow3A_808 = arith.mulf %add3A_807, %add3A_807 : vector<2304x256xf32>
      %integer_pow3A_809 = arith.mulf %add3A_807, %integer_pow3A_808 : vector<2304x256xf32>
      %mul3A_810 = arith.constant 4.471500e-02 : f32
      %mul3A_811 = vector.broadcast %mul3A_810 : f32 to vector<2304x256xf32>
      %mul3A_812 = arith.mulf %mul3A_811, %integer_pow3A_809 : vector<2304x256xf32>
      %add3A_813 = arith.addf %add3A_807, %mul3A_812 : vector<2304x256xf32>
      %mul3A_814 = arith.constant 0.797884583 : f32
      %mul3A_815 = vector.broadcast %mul3A_814 : f32 to vector<2304x256xf32>
      %mul3A_816 = arith.mulf %mul3A_815, %add3A_813 : vector<2304x256xf32>
      %tanh3A_817 = math.tanh %mul3A_816 : vector<2304x256xf32>
      %add3A_818 = arith.constant 1.000000e+00 : f32
      %add3A_819 = vector.broadcast %add3A_818 : f32 to vector<2304x256xf32>
      %add3A_820 = arith.addf %add3A_819, %tanh3A_817 : vector<2304x256xf32>
      %mul3A_821 = arith.constant 5.000000e-01 : f32
      %mul3A_822 = vector.broadcast %mul3A_821 : f32 to vector<2304x256xf32>
      %mul3A_823 = arith.mulf %mul3A_822, %add3A_820 : vector<2304x256xf32>
      %mul3A_824 = arith.mulf %add3A_807, %mul3A_823 : vector<2304x256xf32>
      %convert_element_type3A_825 = arith.truncf %mul3A_824 : vector<2304x256xf32> to vector<2304x256xbf16>
      %get3A_826 = arith.constant 1 : index
      %get3A_827 = arith.constant 0 : index
      %get3A_828 = arith.constant 0 : index
      %get3A_829 = vector.load %arg21[%get3A_826, %get3A_827, %get3A_828] : memref<6x256x64xbf16, #tpu.memory_space<vmem>>, vector<1x256x64xbf16>
      %get3A_830 = vector.shape_cast %get3A_829 : vector<1x256x64xbf16> to vector<256x64xbf16>
      %dot_general3A_831 = arith.constant dense<0.000000e+00> : vector<2304x64xf32>
      %dot_general3A_832 = tpu.matmul %convert_element_type3A_825, %get3A_830, %dot_general3A_831 {dimension_numbers = #tpu.dot_dimension_numbers<[1], [0], [0], [1], [0, 0, 1, 1], [], []>, transpose_lhs_hint = false} : vector<2304x256xbf16>, vector<256x64xbf16>, vector<2304x64xf32> -> vector<2304x64xf32>
      %add3A_833 = arith.addf %add3A_761, %dot_general3A_832 : vector<2304x64xf32>
      %get3A_834 = arith.constant 1 : index
      %get3A_835 = arith.constant 0 : index
      %get3A_836 = vector.load %arg22[%get3A_834, %get3A_835] : memref<6x64xf32, #tpu.memory_space<vmem>>, vector<1x64xf32>
      %add3A_837 = vector.broadcast %get3A_836 : vector<1x64xf32> to vector<2304x64xf32>
      %add3A_838 = arith.addf %add3A_833, %add3A_837 : vector<2304x64xf32>
      %get3A_839 = arith.constant 2 : index
      %get3A_840 = arith.constant 0 : index
      %get3A_841 = vector.load %arg11[%get3A_839, %get3A_840] : memref<6x64xf32, #tpu.memory_space<vmem>>, vector<1x64xf32>
      %get3A_842 = arith.constant 2 : index
      %get3A_843 = arith.constant 0 : index
      %get3A_844 = vector.load %arg12[%get3A_842, %get3A_843] : memref<6x64xf32, #tpu.memory_space<vmem>>, vector<1x64xf32>
      %reduce_sum3A_845 = arith.constant dense<0.000000e+00> : vector<2304xf32>
      %reduce_sum3A_846 = vector.multi_reduction <add>, %add3A_838, %reduce_sum3A_845 [1] : vector<2304x64xf32> to vector<2304xf32>
      %broadcast_in_dim3A_847 = vector.shape_cast %reduce_sum3A_846 : vector<2304xf32> to vector<2304x1xf32>
      %div3A_848 = arith.constant 6.400000e+01 : f32
      %div3A_849 = vector.broadcast %div3A_848 : f32 to vector<2304x1xf32>
      %div3A_850 = arith.divf %broadcast_in_dim3A_847, %div3A_849 : vector<2304x1xf32>
      %mul3A_851 = arith.mulf %add3A_838, %add3A_838 : vector<2304x64xf32>
      %reduce_sum3A_852 = arith.constant dense<0.000000e+00> : vector<2304xf32>
      %reduce_sum3A_853 = vector.multi_reduction <add>, %mul3A_851, %reduce_sum3A_852 [1] : vector<2304x64xf32> to vector<2304xf32>
      %broadcast_in_dim3A_854 = vector.shape_cast %reduce_sum3A_853 : vector<2304xf32> to vector<2304x1xf32>
      %div3A_855 = arith.constant 6.400000e+01 : f32
      %div3A_856 = vector.broadcast %div3A_855 : f32 to vector<2304x1xf32>
      %div3A_857 = arith.divf %broadcast_in_dim3A_854, %div3A_856 : vector<2304x1xf32>
      %mul3A_858 = arith.mulf %div3A_850, %div3A_850 : vector<2304x1xf32>
      %sub3A_859 = arith.subf %div3A_857, %mul3A_858 : vector<2304x1xf32>
      %sub3A_860 = vector.broadcast %div3A_850 : vector<2304x1xf32> to vector<2304x64xf32>
      %sub3A_861 = arith.subf %add3A_838, %sub3A_860 : vector<2304x64xf32>
      %add3A_862 = arith.constant 9.99999974E-6 : f32
      %add3A_863 = vector.broadcast %add3A_862 : f32 to vector<2304x1xf32>
      %add3A_864 = arith.addf %sub3A_859, %add3A_863 : vector<2304x1xf32>
      %rsqrt3A_865 = math.rsqrt %add3A_864 : vector<2304x1xf32>
      %mul3A_866 = vector.broadcast %rsqrt3A_865 : vector<2304x1xf32> to vector<2304x64xf32>
      %mul3A_867 = arith.mulf %sub3A_861, %mul3A_866 : vector<2304x64xf32>
      %mul3A_868 = vector.broadcast %get3A_841 : vector<1x64xf32> to vector<2304x64xf32>
      %mul3A_869 = arith.mulf %mul3A_867, %mul3A_868 : vector<2304x64xf32>
      %add3A_870 = vector.broadcast %get3A_844 : vector<1x64xf32> to vector<2304x64xf32>
      %add3A_871 = arith.addf %mul3A_869, %add3A_870 : vector<2304x64xf32>
      %convert_element_type3A_872 = arith.truncf %add3A_871 : vector<2304x64xf32> to vector<2304x64xbf16>
      %get3A_873 = arith.constant 2 : index
      %get3A_874 = arith.constant 0 : index
      %get3A_875 = arith.constant 0 : index
      %get3A_876 = vector.load %arg13[%get3A_873, %get3A_874, %get3A_875] : memref<6x64x192xbf16, #tpu.memory_space<vmem>>, vector<1x64x192xbf16>
      %get3A_877 = vector.shape_cast %get3A_876 : vector<1x64x192xbf16> to vector<64x192xbf16>
      %dot_general3A_878 = arith.constant dense<0.000000e+00> : vector<2304x192xf32>
      %dot_general3A_879 = tpu.matmul %convert_element_type3A_872, %get3A_877, %dot_general3A_878 {dimension_numbers = #tpu.dot_dimension_numbers<[1], [0], [0], [1], [0, 0, 1, 1], [], []>, transpose_lhs_hint = false} : vector<2304x64xbf16>, vector<64x192xbf16>, vector<2304x192xf32> -> vector<2304x192xf32>
      %get3A_880 = arith.constant 2 : index
      %get3A_881 = arith.constant 0 : index
      %get3A_882 = vector.load %arg14[%get3A_880, %get3A_881] : memref<6x192xf32, #tpu.memory_space<vmem>>, vector<1x192xf32>
      %add3A_883 = vector.broadcast %get3A_882 : vector<1x192xf32> to vector<2304x192xf32>
      %add3A_884 = arith.addf %dot_general3A_879, %add3A_883 : vector<2304x192xf32>
      %slice3A_885 = vector.extract_strided_slice %add3A_884 {offsets = [0, 0], sizes = [2304, 32], strides = [1, 1]} : vector<2304x192xf32> to vector<2304x32xf32>
      %reshape3A_886 = vector.shape_cast %slice3A_885 : vector<2304x32xf32> to vector<8x288x32xf32>
      %slice3A_887 = vector.extract_strided_slice %add3A_884 {offsets = [0, 64], sizes = [2304, 32], strides = [1, 1]} : vector<2304x192xf32> to vector<2304x32xf32>
      %reshape3A_888 = vector.shape_cast %slice3A_887 : vector<2304x32xf32> to vector<8x288x32xf32>
      %slice3A_889 = vector.extract_strided_slice %add3A_884 {offsets = [0, 128], sizes = [2304, 32], strides = [1, 1]} : vector<2304x192xf32> to vector<2304x32xf32>
      %reshape3A_890 = vector.shape_cast %slice3A_889 : vector<2304x32xf32> to vector<8x288x32xf32>
      %convert_element_type3A_891 = arith.truncf %reshape3A_886 : vector<8x288x32xf32> to vector<8x288x32xbf16>
      %convert_element_type3A_892 = arith.truncf %reshape3A_888 : vector<8x288x32xf32> to vector<8x288x32xbf16>
      %dot_general3A_893 = arith.constant dense<0.000000e+00> : vector<8x288x288xf32>
      %dot_general3A_894 = tpu.matmul %convert_element_type3A_891, %convert_element_type3A_892, %dot_general3A_893 {dimension_numbers = #tpu.dot_dimension_numbers<[2], [2], [1], [1], [0, 0, 0, 1, 1, 1], [0], [0]>, transpose_lhs_hint = false} : vector<8x288x32xbf16>, vector<8x288x32xbf16>, vector<8x288x288xf32> -> vector<8x288x288xf32>
      %broadcast_in_dim3A_895 = vector.shape_cast %get3A_431 : vector<8x288xf32> to vector<8x1x288xf32>
      %gt3A_896 = arith.constant 0.000000e+00 : f32
      %gt3A_897 = vector.broadcast %gt3A_896 : f32 to vector<8x1x288xf32>
      %gt3A_898 = arith.cmpf ogt, %broadcast_in_dim3A_895, %gt3A_897 : vector<8x1x288xf32>
      %jit3A_899 = arith.constant -1.000000e+30 : f32
      %broadcast_in_dim3A_900 = vector.shape_cast %gt3A_898 : vector<8x1x288xi1> to vector<8x1x288xi1>
      %broadcast_in_dim3A_901 = vector.broadcast %broadcast_in_dim3A_900 : vector<8x1x288xi1> to vector<8x288x288xi1>
      %broadcast_in_dim3A_902 = vector.broadcast %jit3A_899 : f32 to vector<8x288x288xf32>
      %select_n3A_903 = arith.select %broadcast_in_dim3A_901, %dot_general3A_894, %broadcast_in_dim3A_902 : vector<8x288x288xi1>, vector<8x288x288xf32>
      %reduce_max3A_904 = arith.constant dense<0xFF800000> : vector<8x288xf32>
      %reduce_max3A_905 = vector.multi_reduction <maximumf>, %select_n3A_903, %reduce_max3A_904 [2] : vector<8x288x288xf32> to vector<8x288xf32>
      %broadcast_in_dim3A_906 = vector.shape_cast %reduce_max3A_905 : vector<8x288xf32> to vector<8x288x1xf32>
      %sub3A_907 = vector.broadcast %broadcast_in_dim3A_906 : vector<8x288x1xf32> to vector<8x288x288xf32>
      %sub3A_908 = arith.subf %select_n3A_903, %sub3A_907 : vector<8x288x288xf32>
      %exp3A_909 = math.exp %sub3A_908 : vector<8x288x288xf32>
      %reduce_sum3A_910 = arith.constant dense<0.000000e+00> : vector<8x288xf32>
      %reduce_sum3A_911 = vector.multi_reduction <add>, %exp3A_909, %reduce_sum3A_910 [2] : vector<8x288x288xf32> to vector<8x288xf32>
      %broadcast_in_dim3A_912 = vector.shape_cast %reduce_sum3A_911 : vector<8x288xf32> to vector<8x288x1xf32>
      %div3A_913 = vector.broadcast %broadcast_in_dim3A_912 : vector<8x288x1xf32> to vector<8x288x288xf32>
      %div3A_914 = arith.divf %exp3A_909, %div3A_913 : vector<8x288x288xf32>
      %convert_element_type3A_915 = arith.truncf %div3A_914 : vector<8x288x288xf32> to vector<8x288x288xbf16>
      %convert_element_type3A_916 = arith.truncf %reshape3A_890 : vector<8x288x32xf32> to vector<8x288x32xbf16>
      %dot_general3A_917 = arith.constant dense<0.000000e+00> : vector<8x288x32xf32>
      %dot_general3A_918 = tpu.matmul %convert_element_type3A_915, %convert_element_type3A_916, %dot_general3A_917 {dimension_numbers = #tpu.dot_dimension_numbers<[2], [1], [1], [2], [0, 0, 0, 1, 1, 2], [0], [0]>, transpose_lhs_hint = false} : vector<8x288x288xbf16>, vector<8x288x32xbf16>, vector<8x288x32xf32> -> vector<8x288x32xf32>
      %slice3A_919 = vector.extract_strided_slice %add3A_884 {offsets = [0, 32], sizes = [2304, 32], strides = [1, 1]} : vector<2304x192xf32> to vector<2304x32xf32>
      %reshape3A_920 = vector.shape_cast %slice3A_919 : vector<2304x32xf32> to vector<8x288x32xf32>
      %slice3A_921 = vector.extract_strided_slice %add3A_884 {offsets = [0, 96], sizes = [2304, 32], strides = [1, 1]} : vector<2304x192xf32> to vector<2304x32xf32>
      %reshape3A_922 = vector.shape_cast %slice3A_921 : vector<2304x32xf32> to vector<8x288x32xf32>
      %slice3A_923 = vector.extract_strided_slice %add3A_884 {offsets = [0, 160], sizes = [2304, 32], strides = [1, 1]} : vector<2304x192xf32> to vector<2304x32xf32>
      %reshape3A_924 = vector.shape_cast %slice3A_923 : vector<2304x32xf32> to vector<8x288x32xf32>
      %convert_element_type3A_925 = arith.truncf %reshape3A_920 : vector<8x288x32xf32> to vector<8x288x32xbf16>
      %convert_element_type3A_926 = arith.truncf %reshape3A_922 : vector<8x288x32xf32> to vector<8x288x32xbf16>
      %dot_general3A_927 = arith.constant dense<0.000000e+00> : vector<8x288x288xf32>
      %dot_general3A_928 = tpu.matmul %convert_element_type3A_925, %convert_element_type3A_926, %dot_general3A_927 {dimension_numbers = #tpu.dot_dimension_numbers<[2], [2], [1], [1], [0, 0, 0, 1, 1, 1], [0], [0]>, transpose_lhs_hint = false} : vector<8x288x32xbf16>, vector<8x288x32xbf16>, vector<8x288x288xf32> -> vector<8x288x288xf32>
      %broadcast_in_dim3A_929 = vector.shape_cast %get3A_431 : vector<8x288xf32> to vector<8x1x288xf32>
      %gt3A_930 = arith.constant 0.000000e+00 : f32
      %gt3A_931 = vector.broadcast %gt3A_930 : f32 to vector<8x1x288xf32>
      %gt3A_932 = arith.cmpf ogt, %broadcast_in_dim3A_929, %gt3A_931 : vector<8x1x288xf32>
      %jit3A_933 = arith.constant -1.000000e+30 : f32
      %broadcast_in_dim3A_934 = vector.shape_cast %gt3A_932 : vector<8x1x288xi1> to vector<8x1x288xi1>
      %broadcast_in_dim3A_935 = vector.broadcast %broadcast_in_dim3A_934 : vector<8x1x288xi1> to vector<8x288x288xi1>
      %broadcast_in_dim3A_936 = vector.broadcast %jit3A_933 : f32 to vector<8x288x288xf32>
      %select_n3A_937 = arith.select %broadcast_in_dim3A_935, %dot_general3A_928, %broadcast_in_dim3A_936 : vector<8x288x288xi1>, vector<8x288x288xf32>
      %reduce_max3A_938 = arith.constant dense<0xFF800000> : vector<8x288xf32>
      %reduce_max3A_939 = vector.multi_reduction <maximumf>, %select_n3A_937, %reduce_max3A_938 [2] : vector<8x288x288xf32> to vector<8x288xf32>
      %broadcast_in_dim3A_940 = vector.shape_cast %reduce_max3A_939 : vector<8x288xf32> to vector<8x288x1xf32>
      %sub3A_941 = vector.broadcast %broadcast_in_dim3A_940 : vector<8x288x1xf32> to vector<8x288x288xf32>
      %sub3A_942 = arith.subf %select_n3A_937, %sub3A_941 : vector<8x288x288xf32>
      %exp3A_943 = math.exp %sub3A_942 : vector<8x288x288xf32>
      %reduce_sum3A_944 = arith.constant dense<0.000000e+00> : vector<8x288xf32>
      %reduce_sum3A_945 = vector.multi_reduction <add>, %exp3A_943, %reduce_sum3A_944 [2] : vector<8x288x288xf32> to vector<8x288xf32>
      %broadcast_in_dim3A_946 = vector.shape_cast %reduce_sum3A_945 : vector<8x288xf32> to vector<8x288x1xf32>
      %div3A_947 = vector.broadcast %broadcast_in_dim3A_946 : vector<8x288x1xf32> to vector<8x288x288xf32>
      %div3A_948 = arith.divf %exp3A_943, %div3A_947 : vector<8x288x288xf32>
      %convert_element_type3A_949 = arith.truncf %div3A_948 : vector<8x288x288xf32> to vector<8x288x288xbf16>
      %convert_element_type3A_950 = arith.truncf %reshape3A_924 : vector<8x288x32xf32> to vector<8x288x32xbf16>
      %dot_general3A_951 = arith.constant dense<0.000000e+00> : vector<8x288x32xf32>
      %dot_general3A_952 = tpu.matmul %convert_element_type3A_949, %convert_element_type3A_950, %dot_general3A_951 {dimension_numbers = #tpu.dot_dimension_numbers<[2], [1], [1], [2], [0, 0, 0, 1, 1, 2], [0], [0]>, transpose_lhs_hint = false} : vector<8x288x288xbf16>, vector<8x288x32xbf16>, vector<8x288x32xf32> -> vector<8x288x32xf32>
      %concatenate3A_953 = tpu.concatenate %dot_general3A_918, %dot_general3A_952 in 2 : vector<8x288x32xf32>, vector<8x288x32xf32> -> vector<8x288x64xf32>
      %reshape3A_954 = vector.shape_cast %concatenate3A_953 : vector<8x288x64xf32> to vector<2304x64xf32>
      %convert_element_type3A_955 = arith.truncf %reshape3A_954 : vector<2304x64xf32> to vector<2304x64xbf16>
      %get3A_956 = arith.constant 2 : index
      %get3A_957 = arith.constant 0 : index
      %get3A_958 = arith.constant 0 : index
      %get3A_959 = vector.load %arg15[%get3A_956, %get3A_957, %get3A_958] : memref<6x64x64xbf16, #tpu.memory_space<vmem>>, vector<1x64x64xbf16>
      %get3A_960 = vector.shape_cast %get3A_959 : vector<1x64x64xbf16> to vector<64x64xbf16>
      %dot_general3A_961 = arith.constant dense<0.000000e+00> : vector<2304x64xf32>
      %dot_general3A_962 = tpu.matmul %convert_element_type3A_955, %get3A_960, %dot_general3A_961 {dimension_numbers = #tpu.dot_dimension_numbers<[1], [0], [0], [1], [0, 0, 1, 1], [], []>, transpose_lhs_hint = false} : vector<2304x64xbf16>, vector<64x64xbf16>, vector<2304x64xf32> -> vector<2304x64xf32>
      %add3A_963 = arith.addf %add3A_838, %dot_general3A_962 : vector<2304x64xf32>
      %get3A_964 = arith.constant 2 : index
      %get3A_965 = arith.constant 0 : index
      %get3A_966 = vector.load %arg16[%get3A_964, %get3A_965] : memref<6x64xf32, #tpu.memory_space<vmem>>, vector<1x64xf32>
      %add3A_967 = vector.broadcast %get3A_966 : vector<1x64xf32> to vector<2304x64xf32>
      %add3A_968 = arith.addf %add3A_963, %add3A_967 : vector<2304x64xf32>
      %get3A_969 = arith.constant 2 : index
      %get3A_970 = arith.constant 0 : index
      %get3A_971 = vector.load %arg17[%get3A_969, %get3A_970] : memref<6x64xf32, #tpu.memory_space<vmem>>, vector<1x64xf32>
      %get3A_972 = arith.constant 2 : index
      %get3A_973 = arith.constant 0 : index
      %get3A_974 = vector.load %arg18[%get3A_972, %get3A_973] : memref<6x64xf32, #tpu.memory_space<vmem>>, vector<1x64xf32>
      %reduce_sum3A_975 = arith.constant dense<0.000000e+00> : vector<2304xf32>
      %reduce_sum3A_976 = vector.multi_reduction <add>, %add3A_968, %reduce_sum3A_975 [1] : vector<2304x64xf32> to vector<2304xf32>
      %broadcast_in_dim3A_977 = vector.shape_cast %reduce_sum3A_976 : vector<2304xf32> to vector<2304x1xf32>
      %div3A_978 = arith.constant 6.400000e+01 : f32
      %div3A_979 = vector.broadcast %div3A_978 : f32 to vector<2304x1xf32>
      %div3A_980 = arith.divf %broadcast_in_dim3A_977, %div3A_979 : vector<2304x1xf32>
      %mul3A_981 = arith.mulf %add3A_968, %add3A_968 : vector<2304x64xf32>
      %reduce_sum3A_982 = arith.constant dense<0.000000e+00> : vector<2304xf32>
      %reduce_sum3A_983 = vector.multi_reduction <add>, %mul3A_981, %reduce_sum3A_982 [1] : vector<2304x64xf32> to vector<2304xf32>
      %broadcast_in_dim3A_984 = vector.shape_cast %reduce_sum3A_983 : vector<2304xf32> to vector<2304x1xf32>
      %div3A_985 = arith.constant 6.400000e+01 : f32
      %div3A_986 = vector.broadcast %div3A_985 : f32 to vector<2304x1xf32>
      %div3A_987 = arith.divf %broadcast_in_dim3A_984, %div3A_986 : vector<2304x1xf32>
      %mul3A_988 = arith.mulf %div3A_980, %div3A_980 : vector<2304x1xf32>
      %sub3A_989 = arith.subf %div3A_987, %mul3A_988 : vector<2304x1xf32>
      %sub3A_990 = vector.broadcast %div3A_980 : vector<2304x1xf32> to vector<2304x64xf32>
      %sub3A_991 = arith.subf %add3A_968, %sub3A_990 : vector<2304x64xf32>
      %add3A_992 = arith.constant 9.99999974E-6 : f32
      %add3A_993 = vector.broadcast %add3A_992 : f32 to vector<2304x1xf32>
      %add3A_994 = arith.addf %sub3A_989, %add3A_993 : vector<2304x1xf32>
      %rsqrt3A_995 = math.rsqrt %add3A_994 : vector<2304x1xf32>
      %mul3A_996 = vector.broadcast %rsqrt3A_995 : vector<2304x1xf32> to vector<2304x64xf32>
      %mul3A_997 = arith.mulf %sub3A_991, %mul3A_996 : vector<2304x64xf32>
      %mul3A_998 = vector.broadcast %get3A_971 : vector<1x64xf32> to vector<2304x64xf32>
      %mul3A_999 = arith.mulf %mul3A_997, %mul3A_998 : vector<2304x64xf32>
      %add3A_1000 = vector.broadcast %get3A_974 : vector<1x64xf32> to vector<2304x64xf32>
      %add3A_1001 = arith.addf %mul3A_999, %add3A_1000 : vector<2304x64xf32>
      %convert_element_type3A_1002 = arith.truncf %add3A_1001 : vector<2304x64xf32> to vector<2304x64xbf16>
      %get3A_1003 = arith.constant 2 : index
      %get3A_1004 = arith.constant 0 : index
      %get3A_1005 = arith.constant 0 : index
      %get3A_1006 = vector.load %arg19[%get3A_1003, %get3A_1004, %get3A_1005] : memref<6x64x256xbf16, #tpu.memory_space<vmem>>, vector<1x64x256xbf16>
      %get3A_1007 = vector.shape_cast %get3A_1006 : vector<1x64x256xbf16> to vector<64x256xbf16>
      %dot_general3A_1008 = arith.constant dense<0.000000e+00> : vector<2304x256xf32>
      %dot_general3A_1009 = tpu.matmul %convert_element_type3A_1002, %get3A_1007, %dot_general3A_1008 {dimension_numbers = #tpu.dot_dimension_numbers<[1], [0], [0], [1], [0, 0, 1, 1], [], []>, transpose_lhs_hint = false} : vector<2304x64xbf16>, vector<64x256xbf16>, vector<2304x256xf32> -> vector<2304x256xf32>
      %get3A_1010 = arith.constant 2 : index
      %get3A_1011 = arith.constant 0 : index
      %get3A_1012 = vector.load %arg20[%get3A_1010, %get3A_1011] : memref<6x256xf32, #tpu.memory_space<vmem>>, vector<1x256xf32>
      %add3A_1013 = vector.broadcast %get3A_1012 : vector<1x256xf32> to vector<2304x256xf32>
      %add3A_1014 = arith.addf %dot_general3A_1009, %add3A_1013 : vector<2304x256xf32>
      %integer_pow3A_1015 = arith.mulf %add3A_1014, %add3A_1014 : vector<2304x256xf32>
      %integer_pow3A_1016 = arith.mulf %add3A_1014, %integer_pow3A_1015 : vector<2304x256xf32>
      %mul3A_1017 = arith.constant 4.471500e-02 : f32
      %mul3A_1018 = vector.broadcast %mul3A_1017 : f32 to vector<2304x256xf32>
      %mul3A_1019 = arith.mulf %mul3A_1018, %integer_pow3A_1016 : vector<2304x256xf32>
      %add3A_1020 = arith.addf %add3A_1014, %mul3A_1019 : vector<2304x256xf32>
      %mul3A_1021 = arith.constant 0.797884583 : f32
      %mul3A_1022 = vector.broadcast %mul3A_1021 : f32 to vector<2304x256xf32>
      %mul3A_1023 = arith.mulf %mul3A_1022, %add3A_1020 : vector<2304x256xf32>
      %tanh3A_1024 = math.tanh %mul3A_1023 : vector<2304x256xf32>
      %add3A_1025 = arith.constant 1.000000e+00 : f32
      %add3A_1026 = vector.broadcast %add3A_1025 : f32 to vector<2304x256xf32>
      %add3A_1027 = arith.addf %add3A_1026, %tanh3A_1024 : vector<2304x256xf32>
      %mul3A_1028 = arith.constant 5.000000e-01 : f32
      %mul3A_1029 = vector.broadcast %mul3A_1028 : f32 to vector<2304x256xf32>
      %mul3A_1030 = arith.mulf %mul3A_1029, %add3A_1027 : vector<2304x256xf32>
      %mul3A_1031 = arith.mulf %add3A_1014, %mul3A_1030 : vector<2304x256xf32>
      %convert_element_type3A_1032 = arith.truncf %mul3A_1031 : vector<2304x256xf32> to vector<2304x256xbf16>
      %get3A_1033 = arith.constant 2 : index
      %get3A_1034 = arith.constant 0 : index
      %get3A_1035 = arith.constant 0 : index
      %get3A_1036 = vector.load %arg21[%get3A_1033, %get3A_1034, %get3A_1035] : memref<6x256x64xbf16, #tpu.memory_space<vmem>>, vector<1x256x64xbf16>
      %get3A_1037 = vector.shape_cast %get3A_1036 : vector<1x256x64xbf16> to vector<256x64xbf16>
      %dot_general3A_1038 = arith.constant dense<0.000000e+00> : vector<2304x64xf32>
      %dot_general3A_1039 = tpu.matmul %convert_element_type3A_1032, %get3A_1037, %dot_general3A_1038 {dimension_numbers = #tpu.dot_dimension_numbers<[1], [0], [0], [1], [0, 0, 1, 1], [], []>, transpose_lhs_hint = false} : vector<2304x256xbf16>, vector<256x64xbf16>, vector<2304x64xf32> -> vector<2304x64xf32>
      %add3A_1040 = arith.addf %add3A_968, %dot_general3A_1039 : vector<2304x64xf32>
      %get3A_1041 = arith.constant 2 : index
      %get3A_1042 = arith.constant 0 : index
      %get3A_1043 = vector.load %arg22[%get3A_1041, %get3A_1042] : memref<6x64xf32, #tpu.memory_space<vmem>>, vector<1x64xf32>
      %add3A_1044 = vector.broadcast %get3A_1043 : vector<1x64xf32> to vector<2304x64xf32>
      %add3A_1045 = arith.addf %add3A_1040, %add3A_1044 : vector<2304x64xf32>
      %get3A_1046 = arith.constant 3 : index
      %get3A_1047 = arith.constant 0 : index
      %get3A_1048 = vector.load %arg11[%get3A_1046, %get3A_1047] : memref<6x64xf32, #tpu.memory_space<vmem>>, vector<1x64xf32>
      %get3A_1049 = arith.constant 3 : index
      %get3A_1050 = arith.constant 0 : index
      %get3A_1051 = vector.load %arg12[%get3A_1049, %get3A_1050] : memref<6x64xf32, #tpu.memory_space<vmem>>, vector<1x64xf32>
      %reduce_sum3A_1052 = arith.constant dense<0.000000e+00> : vector<2304xf32>
      %reduce_sum3A_1053 = vector.multi_reduction <add>, %add3A_1045, %reduce_sum3A_1052 [1] : vector<2304x64xf32> to vector<2304xf32>
      %broadcast_in_dim3A_1054 = vector.shape_cast %reduce_sum3A_1053 : vector<2304xf32> to vector<2304x1xf32>
      %div3A_1055 = arith.constant 6.400000e+01 : f32
      %div3A_1056 = vector.broadcast %div3A_1055 : f32 to vector<2304x1xf32>
      %div3A_1057 = arith.divf %broadcast_in_dim3A_1054, %div3A_1056 : vector<2304x1xf32>
      %mul3A_1058 = arith.mulf %add3A_1045, %add3A_1045 : vector<2304x64xf32>
      %reduce_sum3A_1059 = arith.constant dense<0.000000e+00> : vector<2304xf32>
      %reduce_sum3A_1060 = vector.multi_reduction <add>, %mul3A_1058, %reduce_sum3A_1059 [1] : vector<2304x64xf32> to vector<2304xf32>
      %broadcast_in_dim3A_1061 = vector.shape_cast %reduce_sum3A_1060 : vector<2304xf32> to vector<2304x1xf32>
      %div3A_1062 = arith.constant 6.400000e+01 : f32
      %div3A_1063 = vector.broadcast %div3A_1062 : f32 to vector<2304x1xf32>
      %div3A_1064 = arith.divf %broadcast_in_dim3A_1061, %div3A_1063 : vector<2304x1xf32>
      %mul3A_1065 = arith.mulf %div3A_1057, %div3A_1057 : vector<2304x1xf32>
      %sub3A_1066 = arith.subf %div3A_1064, %mul3A_1065 : vector<2304x1xf32>
      %sub3A_1067 = vector.broadcast %div3A_1057 : vector<2304x1xf32> to vector<2304x64xf32>
      %sub3A_1068 = arith.subf %add3A_1045, %sub3A_1067 : vector<2304x64xf32>
      %add3A_1069 = arith.constant 9.99999974E-6 : f32
      %add3A_1070 = vector.broadcast %add3A_1069 : f32 to vector<2304x1xf32>
      %add3A_1071 = arith.addf %sub3A_1066, %add3A_1070 : vector<2304x1xf32>
      %rsqrt3A_1072 = math.rsqrt %add3A_1071 : vector<2304x1xf32>
      %mul3A_1073 = vector.broadcast %rsqrt3A_1072 : vector<2304x1xf32> to vector<2304x64xf32>
      %mul3A_1074 = arith.mulf %sub3A_1068, %mul3A_1073 : vector<2304x64xf32>
      %mul3A_1075 = vector.broadcast %get3A_1048 : vector<1x64xf32> to vector<2304x64xf32>
      %mul3A_1076 = arith.mulf %mul3A_1074, %mul3A_1075 : vector<2304x64xf32>
      %add3A_1077 = vector.broadcast %get3A_1051 : vector<1x64xf32> to vector<2304x64xf32>
      %add3A_1078 = arith.addf %mul3A_1076, %add3A_1077 : vector<2304x64xf32>
      %convert_element_type3A_1079 = arith.truncf %add3A_1078 : vector<2304x64xf32> to vector<2304x64xbf16>
      %get3A_1080 = arith.constant 3 : index
      %get3A_1081 = arith.constant 0 : index
      %get3A_1082 = arith.constant 0 : index
      %get3A_1083 = vector.load %arg13[%get3A_1080, %get3A_1081, %get3A_1082] : memref<6x64x192xbf16, #tpu.memory_space<vmem>>, vector<1x64x192xbf16>
      %get3A_1084 = vector.shape_cast %get3A_1083 : vector<1x64x192xbf16> to vector<64x192xbf16>
      %dot_general3A_1085 = arith.constant dense<0.000000e+00> : vector<2304x192xf32>
      %dot_general3A_1086 = tpu.matmul %convert_element_type3A_1079, %get3A_1084, %dot_general3A_1085 {dimension_numbers = #tpu.dot_dimension_numbers<[1], [0], [0], [1], [0, 0, 1, 1], [], []>, transpose_lhs_hint = false} : vector<2304x64xbf16>, vector<64x192xbf16>, vector<2304x192xf32> -> vector<2304x192xf32>
      %get3A_1087 = arith.constant 3 : index
      %get3A_1088 = arith.constant 0 : index
      %get3A_1089 = vector.load %arg14[%get3A_1087, %get3A_1088] : memref<6x192xf32, #tpu.memory_space<vmem>>, vector<1x192xf32>
      %add3A_1090 = vector.broadcast %get3A_1089 : vector<1x192xf32> to vector<2304x192xf32>
      %add3A_1091 = arith.addf %dot_general3A_1086, %add3A_1090 : vector<2304x192xf32>
      %slice3A_1092 = vector.extract_strided_slice %add3A_1091 {offsets = [0, 0], sizes = [2304, 32], strides = [1, 1]} : vector<2304x192xf32> to vector<2304x32xf32>
      %reshape3A_1093 = vector.shape_cast %slice3A_1092 : vector<2304x32xf32> to vector<8x288x32xf32>
      %slice3A_1094 = vector.extract_strided_slice %add3A_1091 {offsets = [0, 64], sizes = [2304, 32], strides = [1, 1]} : vector<2304x192xf32> to vector<2304x32xf32>
      %reshape3A_1095 = vector.shape_cast %slice3A_1094 : vector<2304x32xf32> to vector<8x288x32xf32>
      %slice3A_1096 = vector.extract_strided_slice %add3A_1091 {offsets = [0, 128], sizes = [2304, 32], strides = [1, 1]} : vector<2304x192xf32> to vector<2304x32xf32>
      %reshape3A_1097 = vector.shape_cast %slice3A_1096 : vector<2304x32xf32> to vector<8x288x32xf32>
      %convert_element_type3A_1098 = arith.truncf %reshape3A_1093 : vector<8x288x32xf32> to vector<8x288x32xbf16>
      %convert_element_type3A_1099 = arith.truncf %reshape3A_1095 : vector<8x288x32xf32> to vector<8x288x32xbf16>
      %dot_general3A_1100 = arith.constant dense<0.000000e+00> : vector<8x288x288xf32>
      %dot_general3A_1101 = tpu.matmul %convert_element_type3A_1098, %convert_element_type3A_1099, %dot_general3A_1100 {dimension_numbers = #tpu.dot_dimension_numbers<[2], [2], [1], [1], [0, 0, 0, 1, 1, 1], [0], [0]>, transpose_lhs_hint = false} : vector<8x288x32xbf16>, vector<8x288x32xbf16>, vector<8x288x288xf32> -> vector<8x288x288xf32>
      %broadcast_in_dim3A_1102 = vector.shape_cast %get3A_431 : vector<8x288xf32> to vector<8x1x288xf32>
      %gt3A_1103 = arith.constant 0.000000e+00 : f32
      %gt3A_1104 = vector.broadcast %gt3A_1103 : f32 to vector<8x1x288xf32>
      %gt3A_1105 = arith.cmpf ogt, %broadcast_in_dim3A_1102, %gt3A_1104 : vector<8x1x288xf32>
      %jit3A_1106 = arith.constant -1.000000e+30 : f32
      %broadcast_in_dim3A_1107 = vector.shape_cast %gt3A_1105 : vector<8x1x288xi1> to vector<8x1x288xi1>
      %broadcast_in_dim3A_1108 = vector.broadcast %broadcast_in_dim3A_1107 : vector<8x1x288xi1> to vector<8x288x288xi1>
      %broadcast_in_dim3A_1109 = vector.broadcast %jit3A_1106 : f32 to vector<8x288x288xf32>
      %select_n3A_1110 = arith.select %broadcast_in_dim3A_1108, %dot_general3A_1101, %broadcast_in_dim3A_1109 : vector<8x288x288xi1>, vector<8x288x288xf32>
      %reduce_max3A_1111 = arith.constant dense<0xFF800000> : vector<8x288xf32>
      %reduce_max3A_1112 = vector.multi_reduction <maximumf>, %select_n3A_1110, %reduce_max3A_1111 [2] : vector<8x288x288xf32> to vector<8x288xf32>
      %broadcast_in_dim3A_1113 = vector.shape_cast %reduce_max3A_1112 : vector<8x288xf32> to vector<8x288x1xf32>
      %sub3A_1114 = vector.broadcast %broadcast_in_dim3A_1113 : vector<8x288x1xf32> to vector<8x288x288xf32>
      %sub3A_1115 = arith.subf %select_n3A_1110, %sub3A_1114 : vector<8x288x288xf32>
      %exp3A_1116 = math.exp %sub3A_1115 : vector<8x288x288xf32>
      %reduce_sum3A_1117 = arith.constant dense<0.000000e+00> : vector<8x288xf32>
      %reduce_sum3A_1118 = vector.multi_reduction <add>, %exp3A_1116, %reduce_sum3A_1117 [2] : vector<8x288x288xf32> to vector<8x288xf32>
      %broadcast_in_dim3A_1119 = vector.shape_cast %reduce_sum3A_1118 : vector<8x288xf32> to vector<8x288x1xf32>
      %div3A_1120 = vector.broadcast %broadcast_in_dim3A_1119 : vector<8x288x1xf32> to vector<8x288x288xf32>
      %div3A_1121 = arith.divf %exp3A_1116, %div3A_1120 : vector<8x288x288xf32>
      %convert_element_type3A_1122 = arith.truncf %div3A_1121 : vector<8x288x288xf32> to vector<8x288x288xbf16>
      %convert_element_type3A_1123 = arith.truncf %reshape3A_1097 : vector<8x288x32xf32> to vector<8x288x32xbf16>
      %dot_general3A_1124 = arith.constant dense<0.000000e+00> : vector<8x288x32xf32>
      %dot_general3A_1125 = tpu.matmul %convert_element_type3A_1122, %convert_element_type3A_1123, %dot_general3A_1124 {dimension_numbers = #tpu.dot_dimension_numbers<[2], [1], [1], [2], [0, 0, 0, 1, 1, 2], [0], [0]>, transpose_lhs_hint = false} : vector<8x288x288xbf16>, vector<8x288x32xbf16>, vector<8x288x32xf32> -> vector<8x288x32xf32>
      %slice3A_1126 = vector.extract_strided_slice %add3A_1091 {offsets = [0, 32], sizes = [2304, 32], strides = [1, 1]} : vector<2304x192xf32> to vector<2304x32xf32>
      %reshape3A_1127 = vector.shape_cast %slice3A_1126 : vector<2304x32xf32> to vector<8x288x32xf32>
      %slice3A_1128 = vector.extract_strided_slice %add3A_1091 {offsets = [0, 96], sizes = [2304, 32], strides = [1, 1]} : vector<2304x192xf32> to vector<2304x32xf32>
      %reshape3A_1129 = vector.shape_cast %slice3A_1128 : vector<2304x32xf32> to vector<8x288x32xf32>
      %slice3A_1130 = vector.extract_strided_slice %add3A_1091 {offsets = [0, 160], sizes = [2304, 32], strides = [1, 1]} : vector<2304x192xf32> to vector<2304x32xf32>
      %reshape3A_1131 = vector.shape_cast %slice3A_1130 : vector<2304x32xf32> to vector<8x288x32xf32>
      %convert_element_type3A_1132 = arith.truncf %reshape3A_1127 : vector<8x288x32xf32> to vector<8x288x32xbf16>
      %convert_element_type3A_1133 = arith.truncf %reshape3A_1129 : vector<8x288x32xf32> to vector<8x288x32xbf16>
      %dot_general3A_1134 = arith.constant dense<0.000000e+00> : vector<8x288x288xf32>
      %dot_general3A_1135 = tpu.matmul %convert_element_type3A_1132, %convert_element_type3A_1133, %dot_general3A_1134 {dimension_numbers = #tpu.dot_dimension_numbers<[2], [2], [1], [1], [0, 0, 0, 1, 1, 1], [0], [0]>, transpose_lhs_hint = false} : vector<8x288x32xbf16>, vector<8x288x32xbf16>, vector<8x288x288xf32> -> vector<8x288x288xf32>
      %broadcast_in_dim3A_1136 = vector.shape_cast %get3A_431 : vector<8x288xf32> to vector<8x1x288xf32>
      %gt3A_1137 = arith.constant 0.000000e+00 : f32
      %gt3A_1138 = vector.broadcast %gt3A_1137 : f32 to vector<8x1x288xf32>
      %gt3A_1139 = arith.cmpf ogt, %broadcast_in_dim3A_1136, %gt3A_1138 : vector<8x1x288xf32>
      %jit3A_1140 = arith.constant -1.000000e+30 : f32
      %broadcast_in_dim3A_1141 = vector.shape_cast %gt3A_1139 : vector<8x1x288xi1> to vector<8x1x288xi1>
      %broadcast_in_dim3A_1142 = vector.broadcast %broadcast_in_dim3A_1141 : vector<8x1x288xi1> to vector<8x288x288xi1>
      %broadcast_in_dim3A_1143 = vector.broadcast %jit3A_1140 : f32 to vector<8x288x288xf32>
      %select_n3A_1144 = arith.select %broadcast_in_dim3A_1142, %dot_general3A_1135, %broadcast_in_dim3A_1143 : vector<8x288x288xi1>, vector<8x288x288xf32>
      %reduce_max3A_1145 = arith.constant dense<0xFF800000> : vector<8x288xf32>
      %reduce_max3A_1146 = vector.multi_reduction <maximumf>, %select_n3A_1144, %reduce_max3A_1145 [2] : vector<8x288x288xf32> to vector<8x288xf32>
      %broadcast_in_dim3A_1147 = vector.shape_cast %reduce_max3A_1146 : vector<8x288xf32> to vector<8x288x1xf32>
      %sub3A_1148 = vector.broadcast %broadcast_in_dim3A_1147 : vector<8x288x1xf32> to vector<8x288x288xf32>
      %sub3A_1149 = arith.subf %select_n3A_1144, %sub3A_1148 : vector<8x288x288xf32>
      %exp3A_1150 = math.exp %sub3A_1149 : vector<8x288x288xf32>
      %reduce_sum3A_1151 = arith.constant dense<0.000000e+00> : vector<8x288xf32>
      %reduce_sum3A_1152 = vector.multi_reduction <add>, %exp3A_1150, %reduce_sum3A_1151 [2] : vector<8x288x288xf32> to vector<8x288xf32>
      %broadcast_in_dim3A_1153 = vector.shape_cast %reduce_sum3A_1152 : vector<8x288xf32> to vector<8x288x1xf32>
      %div3A_1154 = vector.broadcast %broadcast_in_dim3A_1153 : vector<8x288x1xf32> to vector<8x288x288xf32>
      %div3A_1155 = arith.divf %exp3A_1150, %div3A_1154 : vector<8x288x288xf32>
      %convert_element_type3A_1156 = arith.truncf %div3A_1155 : vector<8x288x288xf32> to vector<8x288x288xbf16>
      %convert_element_type3A_1157 = arith.truncf %reshape3A_1131 : vector<8x288x32xf32> to vector<8x288x32xbf16>
      %dot_general3A_1158 = arith.constant dense<0.000000e+00> : vector<8x288x32xf32>
      %dot_general3A_1159 = tpu.matmul %convert_element_type3A_1156, %convert_element_type3A_1157, %dot_general3A_1158 {dimension_numbers = #tpu.dot_dimension_numbers<[2], [1], [1], [2], [0, 0, 0, 1, 1, 2], [0], [0]>, transpose_lhs_hint = false} : vector<8x288x288xbf16>, vector<8x288x32xbf16>, vector<8x288x32xf32> -> vector<8x288x32xf32>
      %concatenate3A_1160 = tpu.concatenate %dot_general3A_1125, %dot_general3A_1159 in 2 : vector<8x288x32xf32>, vector<8x288x32xf32> -> vector<8x288x64xf32>
      %reshape3A_1161 = vector.shape_cast %concatenate3A_1160 : vector<8x288x64xf32> to vector<2304x64xf32>
      %convert_element_type3A_1162 = arith.truncf %reshape3A_1161 : vector<2304x64xf32> to vector<2304x64xbf16>
      %get3A_1163 = arith.constant 3 : index
      %get3A_1164 = arith.constant 0 : index
      %get3A_1165 = arith.constant 0 : index
      %get3A_1166 = vector.load %arg15[%get3A_1163, %get3A_1164, %get3A_1165] : memref<6x64x64xbf16, #tpu.memory_space<vmem>>, vector<1x64x64xbf16>
      %get3A_1167 = vector.shape_cast %get3A_1166 : vector<1x64x64xbf16> to vector<64x64xbf16>
      %dot_general3A_1168 = arith.constant dense<0.000000e+00> : vector<2304x64xf32>
      %dot_general3A_1169 = tpu.matmul %convert_element_type3A_1162, %get3A_1167, %dot_general3A_1168 {dimension_numbers = #tpu.dot_dimension_numbers<[1], [0], [0], [1], [0, 0, 1, 1], [], []>, transpose_lhs_hint = false} : vector<2304x64xbf16>, vector<64x64xbf16>, vector<2304x64xf32> -> vector<2304x64xf32>
      %add3A_1170 = arith.addf %add3A_1045, %dot_general3A_1169 : vector<2304x64xf32>
      %get3A_1171 = arith.constant 3 : index
      %get3A_1172 = arith.constant 0 : index
      %get3A_1173 = vector.load %arg16[%get3A_1171, %get3A_1172] : memref<6x64xf32, #tpu.memory_space<vmem>>, vector<1x64xf32>
      %add3A_1174 = vector.broadcast %get3A_1173 : vector<1x64xf32> to vector<2304x64xf32>
      %add3A_1175 = arith.addf %add3A_1170, %add3A_1174 : vector<2304x64xf32>
      %get3A_1176 = arith.constant 3 : index
      %get3A_1177 = arith.constant 0 : index
      %get3A_1178 = vector.load %arg17[%get3A_1176, %get3A_1177] : memref<6x64xf32, #tpu.memory_space<vmem>>, vector<1x64xf32>
      %get3A_1179 = arith.constant 3 : index
      %get3A_1180 = arith.constant 0 : index
      %get3A_1181 = vector.load %arg18[%get3A_1179, %get3A_1180] : memref<6x64xf32, #tpu.memory_space<vmem>>, vector<1x64xf32>
      %reduce_sum3A_1182 = arith.constant dense<0.000000e+00> : vector<2304xf32>
      %reduce_sum3A_1183 = vector.multi_reduction <add>, %add3A_1175, %reduce_sum3A_1182 [1] : vector<2304x64xf32> to vector<2304xf32>
      %broadcast_in_dim3A_1184 = vector.shape_cast %reduce_sum3A_1183 : vector<2304xf32> to vector<2304x1xf32>
      %div3A_1185 = arith.constant 6.400000e+01 : f32
      %div3A_1186 = vector.broadcast %div3A_1185 : f32 to vector<2304x1xf32>
      %div3A_1187 = arith.divf %broadcast_in_dim3A_1184, %div3A_1186 : vector<2304x1xf32>
      %mul3A_1188 = arith.mulf %add3A_1175, %add3A_1175 : vector<2304x64xf32>
      %reduce_sum3A_1189 = arith.constant dense<0.000000e+00> : vector<2304xf32>
      %reduce_sum3A_1190 = vector.multi_reduction <add>, %mul3A_1188, %reduce_sum3A_1189 [1] : vector<2304x64xf32> to vector<2304xf32>
      %broadcast_in_dim3A_1191 = vector.shape_cast %reduce_sum3A_1190 : vector<2304xf32> to vector<2304x1xf32>
      %div3A_1192 = arith.constant 6.400000e+01 : f32
      %div3A_1193 = vector.broadcast %div3A_1192 : f32 to vector<2304x1xf32>
      %div3A_1194 = arith.divf %broadcast_in_dim3A_1191, %div3A_1193 : vector<2304x1xf32>
      %mul3A_1195 = arith.mulf %div3A_1187, %div3A_1187 : vector<2304x1xf32>
      %sub3A_1196 = arith.subf %div3A_1194, %mul3A_1195 : vector<2304x1xf32>
      %sub3A_1197 = vector.broadcast %div3A_1187 : vector<2304x1xf32> to vector<2304x64xf32>
      %sub3A_1198 = arith.subf %add3A_1175, %sub3A_1197 : vector<2304x64xf32>
      %add3A_1199 = arith.constant 9.99999974E-6 : f32
      %add3A_1200 = vector.broadcast %add3A_1199 : f32 to vector<2304x1xf32>
      %add3A_1201 = arith.addf %sub3A_1196, %add3A_1200 : vector<2304x1xf32>
      %rsqrt3A_1202 = math.rsqrt %add3A_1201 : vector<2304x1xf32>
      %mul3A_1203 = vector.broadcast %rsqrt3A_1202 : vector<2304x1xf32> to vector<2304x64xf32>
      %mul3A_1204 = arith.mulf %sub3A_1198, %mul3A_1203 : vector<2304x64xf32>
      %mul3A_1205 = vector.broadcast %get3A_1178 : vector<1x64xf32> to vector<2304x64xf32>
      %mul3A_1206 = arith.mulf %mul3A_1204, %mul3A_1205 : vector<2304x64xf32>
      %add3A_1207 = vector.broadcast %get3A_1181 : vector<1x64xf32> to vector<2304x64xf32>
      %add3A_1208 = arith.addf %mul3A_1206, %add3A_1207 : vector<2304x64xf32>
      %convert_element_type3A_1209 = arith.truncf %add3A_1208 : vector<2304x64xf32> to vector<2304x64xbf16>
      %get3A_1210 = arith.constant 3 : index
      %get3A_1211 = arith.constant 0 : index
      %get3A_1212 = arith.constant 0 : index
      %get3A_1213 = vector.load %arg19[%get3A_1210, %get3A_1211, %get3A_1212] : memref<6x64x256xbf16, #tpu.memory_space<vmem>>, vector<1x64x256xbf16>
      %get3A_1214 = vector.shape_cast %get3A_1213 : vector<1x64x256xbf16> to vector<64x256xbf16>
      %dot_general3A_1215 = arith.constant dense<0.000000e+00> : vector<2304x256xf32>
      %dot_general3A_1216 = tpu.matmul %convert_element_type3A_1209, %get3A_1214, %dot_general3A_1215 {dimension_numbers = #tpu.dot_dimension_numbers<[1], [0], [0], [1], [0, 0, 1, 1], [], []>, transpose_lhs_hint = false} : vector<2304x64xbf16>, vector<64x256xbf16>, vector<2304x256xf32> -> vector<2304x256xf32>
      %get3A_1217 = arith.constant 3 : index
      %get3A_1218 = arith.constant 0 : index
      %get3A_1219 = vector.load %arg20[%get3A_1217, %get3A_1218] : memref<6x256xf32, #tpu.memory_space<vmem>>, vector<1x256xf32>
      %add3A_1220 = vector.broadcast %get3A_1219 : vector<1x256xf32> to vector<2304x256xf32>
      %add3A_1221 = arith.addf %dot_general3A_1216, %add3A_1220 : vector<2304x256xf32>
      %integer_pow3A_1222 = arith.mulf %add3A_1221, %add3A_1221 : vector<2304x256xf32>
      %integer_pow3A_1223 = arith.mulf %add3A_1221, %integer_pow3A_1222 : vector<2304x256xf32>
      %mul3A_1224 = arith.constant 4.471500e-02 : f32
      %mul3A_1225 = vector.broadcast %mul3A_1224 : f32 to vector<2304x256xf32>
      %mul3A_1226 = arith.mulf %mul3A_1225, %integer_pow3A_1223 : vector<2304x256xf32>
      %add3A_1227 = arith.addf %add3A_1221, %mul3A_1226 : vector<2304x256xf32>
      %mul3A_1228 = arith.constant 0.797884583 : f32
      %mul3A_1229 = vector.broadcast %mul3A_1228 : f32 to vector<2304x256xf32>
      %mul3A_1230 = arith.mulf %mul3A_1229, %add3A_1227 : vector<2304x256xf32>
      %tanh3A_1231 = math.tanh %mul3A_1230 : vector<2304x256xf32>
      %add3A_1232 = arith.constant 1.000000e+00 : f32
      %add3A_1233 = vector.broadcast %add3A_1232 : f32 to vector<2304x256xf32>
      %add3A_1234 = arith.addf %add3A_1233, %tanh3A_1231 : vector<2304x256xf32>
      %mul3A_1235 = arith.constant 5.000000e-01 : f32
      %mul3A_1236 = vector.broadcast %mul3A_1235 : f32 to vector<2304x256xf32>
      %mul3A_1237 = arith.mulf %mul3A_1236, %add3A_1234 : vector<2304x256xf32>
      %mul3A_1238 = arith.mulf %add3A_1221, %mul3A_1237 : vector<2304x256xf32>
      %convert_element_type3A_1239 = arith.truncf %mul3A_1238 : vector<2304x256xf32> to vector<2304x256xbf16>
      %get3A_1240 = arith.constant 3 : index
      %get3A_1241 = arith.constant 0 : index
      %get3A_1242 = arith.constant 0 : index
      %get3A_1243 = vector.load %arg21[%get3A_1240, %get3A_1241, %get3A_1242] : memref<6x256x64xbf16, #tpu.memory_space<vmem>>, vector<1x256x64xbf16>
      %get3A_1244 = vector.shape_cast %get3A_1243 : vector<1x256x64xbf16> to vector<256x64xbf16>
      %dot_general3A_1245 = arith.constant dense<0.000000e+00> : vector<2304x64xf32>
      %dot_general3A_1246 = tpu.matmul %convert_element_type3A_1239, %get3A_1244, %dot_general3A_1245 {dimension_numbers = #tpu.dot_dimension_numbers<[1], [0], [0], [1], [0, 0, 1, 1], [], []>, transpose_lhs_hint = false} : vector<2304x256xbf16>, vector<256x64xbf16>, vector<2304x64xf32> -> vector<2304x64xf32>
      %add3A_1247 = arith.addf %add3A_1175, %dot_general3A_1246 : vector<2304x64xf32>
      %get3A_1248 = arith.constant 3 : index
      %get3A_1249 = arith.constant 0 : index
      %get3A_1250 = vector.load %arg22[%get3A_1248, %get3A_1249] : memref<6x64xf32, #tpu.memory_space<vmem>>, vector<1x64xf32>
      %add3A_1251 = vector.broadcast %get3A_1250 : vector<1x64xf32> to vector<2304x64xf32>
      %add3A_1252 = arith.addf %add3A_1247, %add3A_1251 : vector<2304x64xf32>
      %get3A_1253 = arith.constant 4 : index
      %get3A_1254 = arith.constant 0 : index
      %get3A_1255 = vector.load %arg11[%get3A_1253, %get3A_1254] : memref<6x64xf32, #tpu.memory_space<vmem>>, vector<1x64xf32>
      %get3A_1256 = arith.constant 4 : index
      %get3A_1257 = arith.constant 0 : index
      %get3A_1258 = vector.load %arg12[%get3A_1256, %get3A_1257] : memref<6x64xf32, #tpu.memory_space<vmem>>, vector<1x64xf32>
      %reduce_sum3A_1259 = arith.constant dense<0.000000e+00> : vector<2304xf32>
      %reduce_sum3A_1260 = vector.multi_reduction <add>, %add3A_1252, %reduce_sum3A_1259 [1] : vector<2304x64xf32> to vector<2304xf32>
      %broadcast_in_dim3A_1261 = vector.shape_cast %reduce_sum3A_1260 : vector<2304xf32> to vector<2304x1xf32>
      %div3A_1262 = arith.constant 6.400000e+01 : f32
      %div3A_1263 = vector.broadcast %div3A_1262 : f32 to vector<2304x1xf32>
      %div3A_1264 = arith.divf %broadcast_in_dim3A_1261, %div3A_1263 : vector<2304x1xf32>
      %mul3A_1265 = arith.mulf %add3A_1252, %add3A_1252 : vector<2304x64xf32>
      %reduce_sum3A_1266 = arith.constant dense<0.000000e+00> : vector<2304xf32>
      %reduce_sum3A_1267 = vector.multi_reduction <add>, %mul3A_1265, %reduce_sum3A_1266 [1] : vector<2304x64xf32> to vector<2304xf32>
      %broadcast_in_dim3A_1268 = vector.shape_cast %reduce_sum3A_1267 : vector<2304xf32> to vector<2304x1xf32>
      %div3A_1269 = arith.constant 6.400000e+01 : f32
      %div3A_1270 = vector.broadcast %div3A_1269 : f32 to vector<2304x1xf32>
      %div3A_1271 = arith.divf %broadcast_in_dim3A_1268, %div3A_1270 : vector<2304x1xf32>
      %mul3A_1272 = arith.mulf %div3A_1264, %div3A_1264 : vector<2304x1xf32>
      %sub3A_1273 = arith.subf %div3A_1271, %mul3A_1272 : vector<2304x1xf32>
      %sub3A_1274 = vector.broadcast %div3A_1264 : vector<2304x1xf32> to vector<2304x64xf32>
      %sub3A_1275 = arith.subf %add3A_1252, %sub3A_1274 : vector<2304x64xf32>
      %add3A_1276 = arith.constant 9.99999974E-6 : f32
      %add3A_1277 = vector.broadcast %add3A_1276 : f32 to vector<2304x1xf32>
      %add3A_1278 = arith.addf %sub3A_1273, %add3A_1277 : vector<2304x1xf32>
      %rsqrt3A_1279 = math.rsqrt %add3A_1278 : vector<2304x1xf32>
      %mul3A_1280 = vector.broadcast %rsqrt3A_1279 : vector<2304x1xf32> to vector<2304x64xf32>
      %mul3A_1281 = arith.mulf %sub3A_1275, %mul3A_1280 : vector<2304x64xf32>
      %mul3A_1282 = vector.broadcast %get3A_1255 : vector<1x64xf32> to vector<2304x64xf32>
      %mul3A_1283 = arith.mulf %mul3A_1281, %mul3A_1282 : vector<2304x64xf32>
      %add3A_1284 = vector.broadcast %get3A_1258 : vector<1x64xf32> to vector<2304x64xf32>
      %add3A_1285 = arith.addf %mul3A_1283, %add3A_1284 : vector<2304x64xf32>
      %convert_element_type3A_1286 = arith.truncf %add3A_1285 : vector<2304x64xf32> to vector<2304x64xbf16>
      %get3A_1287 = arith.constant 4 : index
      %get3A_1288 = arith.constant 0 : index
      %get3A_1289 = arith.constant 0 : index
      %get3A_1290 = vector.load %arg13[%get3A_1287, %get3A_1288, %get3A_1289] : memref<6x64x192xbf16, #tpu.memory_space<vmem>>, vector<1x64x192xbf16>
      %get3A_1291 = vector.shape_cast %get3A_1290 : vector<1x64x192xbf16> to vector<64x192xbf16>
      %dot_general3A_1292 = arith.constant dense<0.000000e+00> : vector<2304x192xf32>
      %dot_general3A_1293 = tpu.matmul %convert_element_type3A_1286, %get3A_1291, %dot_general3A_1292 {dimension_numbers = #tpu.dot_dimension_numbers<[1], [0], [0], [1], [0, 0, 1, 1], [], []>, transpose_lhs_hint = false} : vector<2304x64xbf16>, vector<64x192xbf16>, vector<2304x192xf32> -> vector<2304x192xf32>
      %get3A_1294 = arith.constant 4 : index
      %get3A_1295 = arith.constant 0 : index
      %get3A_1296 = vector.load %arg14[%get3A_1294, %get3A_1295] : memref<6x192xf32, #tpu.memory_space<vmem>>, vector<1x192xf32>
      %add3A_1297 = vector.broadcast %get3A_1296 : vector<1x192xf32> to vector<2304x192xf32>
      %add3A_1298 = arith.addf %dot_general3A_1293, %add3A_1297 : vector<2304x192xf32>
      %slice3A_1299 = vector.extract_strided_slice %add3A_1298 {offsets = [0, 0], sizes = [2304, 32], strides = [1, 1]} : vector<2304x192xf32> to vector<2304x32xf32>
      %reshape3A_1300 = vector.shape_cast %slice3A_1299 : vector<2304x32xf32> to vector<8x288x32xf32>
      %slice3A_1301 = vector.extract_strided_slice %add3A_1298 {offsets = [0, 64], sizes = [2304, 32], strides = [1, 1]} : vector<2304x192xf32> to vector<2304x32xf32>
      %reshape3A_1302 = vector.shape_cast %slice3A_1301 : vector<2304x32xf32> to vector<8x288x32xf32>
      %slice3A_1303 = vector.extract_strided_slice %add3A_1298 {offsets = [0, 128], sizes = [2304, 32], strides = [1, 1]} : vector<2304x192xf32> to vector<2304x32xf32>
      %reshape3A_1304 = vector.shape_cast %slice3A_1303 : vector<2304x32xf32> to vector<8x288x32xf32>
      %convert_element_type3A_1305 = arith.truncf %reshape3A_1300 : vector<8x288x32xf32> to vector<8x288x32xbf16>
      %convert_element_type3A_1306 = arith.truncf %reshape3A_1302 : vector<8x288x32xf32> to vector<8x288x32xbf16>
      %dot_general3A_1307 = arith.constant dense<0.000000e+00> : vector<8x288x288xf32>
      %dot_general3A_1308 = tpu.matmul %convert_element_type3A_1305, %convert_element_type3A_1306, %dot_general3A_1307 {dimension_numbers = #tpu.dot_dimension_numbers<[2], [2], [1], [1], [0, 0, 0, 1, 1, 1], [0], [0]>, transpose_lhs_hint = false} : vector<8x288x32xbf16>, vector<8x288x32xbf16>, vector<8x288x288xf32> -> vector<8x288x288xf32>
      %broadcast_in_dim3A_1309 = vector.shape_cast %get3A_431 : vector<8x288xf32> to vector<8x1x288xf32>
      %gt3A_1310 = arith.constant 0.000000e+00 : f32
      %gt3A_1311 = vector.broadcast %gt3A_1310 : f32 to vector<8x1x288xf32>
      %gt3A_1312 = arith.cmpf ogt, %broadcast_in_dim3A_1309, %gt3A_1311 : vector<8x1x288xf32>
      %jit3A_1313 = arith.constant -1.000000e+30 : f32
      %broadcast_in_dim3A_1314 = vector.shape_cast %gt3A_1312 : vector<8x1x288xi1> to vector<8x1x288xi1>
      %broadcast_in_dim3A_1315 = vector.broadcast %broadcast_in_dim3A_1314 : vector<8x1x288xi1> to vector<8x288x288xi1>
      %broadcast_in_dim3A_1316 = vector.broadcast %jit3A_1313 : f32 to vector<8x288x288xf32>
      %select_n3A_1317 = arith.select %broadcast_in_dim3A_1315, %dot_general3A_1308, %broadcast_in_dim3A_1316 : vector<8x288x288xi1>, vector<8x288x288xf32>
      %reduce_max3A_1318 = arith.constant dense<0xFF800000> : vector<8x288xf32>
      %reduce_max3A_1319 = vector.multi_reduction <maximumf>, %select_n3A_1317, %reduce_max3A_1318 [2] : vector<8x288x288xf32> to vector<8x288xf32>
      %broadcast_in_dim3A_1320 = vector.shape_cast %reduce_max3A_1319 : vector<8x288xf32> to vector<8x288x1xf32>
      %sub3A_1321 = vector.broadcast %broadcast_in_dim3A_1320 : vector<8x288x1xf32> to vector<8x288x288xf32>
      %sub3A_1322 = arith.subf %select_n3A_1317, %sub3A_1321 : vector<8x288x288xf32>
      %exp3A_1323 = math.exp %sub3A_1322 : vector<8x288x288xf32>
      %reduce_sum3A_1324 = arith.constant dense<0.000000e+00> : vector<8x288xf32>
      %reduce_sum3A_1325 = vector.multi_reduction <add>, %exp3A_1323, %reduce_sum3A_1324 [2] : vector<8x288x288xf32> to vector<8x288xf32>
      %broadcast_in_dim3A_1326 = vector.shape_cast %reduce_sum3A_1325 : vector<8x288xf32> to vector<8x288x1xf32>
      %div3A_1327 = vector.broadcast %broadcast_in_dim3A_1326 : vector<8x288x1xf32> to vector<8x288x288xf32>
      %div3A_1328 = arith.divf %exp3A_1323, %div3A_1327 : vector<8x288x288xf32>
      %convert_element_type3A_1329 = arith.truncf %div3A_1328 : vector<8x288x288xf32> to vector<8x288x288xbf16>
      %convert_element_type3A_1330 = arith.truncf %reshape3A_1304 : vector<8x288x32xf32> to vector<8x288x32xbf16>
      %dot_general3A_1331 = arith.constant dense<0.000000e+00> : vector<8x288x32xf32>
      %dot_general3A_1332 = tpu.matmul %convert_element_type3A_1329, %convert_element_type3A_1330, %dot_general3A_1331 {dimension_numbers = #tpu.dot_dimension_numbers<[2], [1], [1], [2], [0, 0, 0, 1, 1, 2], [0], [0]>, transpose_lhs_hint = false} : vector<8x288x288xbf16>, vector<8x288x32xbf16>, vector<8x288x32xf32> -> vector<8x288x32xf32>
      %slice3A_1333 = vector.extract_strided_slice %add3A_1298 {offsets = [0, 32], sizes = [2304, 32], strides = [1, 1]} : vector<2304x192xf32> to vector<2304x32xf32>
      %reshape3A_1334 = vector.shape_cast %slice3A_1333 : vector<2304x32xf32> to vector<8x288x32xf32>
      %slice3A_1335 = vector.extract_strided_slice %add3A_1298 {offsets = [0, 96], sizes = [2304, 32], strides = [1, 1]} : vector<2304x192xf32> to vector<2304x32xf32>
      %reshape3A_1336 = vector.shape_cast %slice3A_1335 : vector<2304x32xf32> to vector<8x288x32xf32>
      %slice3A_1337 = vector.extract_strided_slice %add3A_1298 {offsets = [0, 160], sizes = [2304, 32], strides = [1, 1]} : vector<2304x192xf32> to vector<2304x32xf32>
      %reshape3A_1338 = vector.shape_cast %slice3A_1337 : vector<2304x32xf32> to vector<8x288x32xf32>
      %convert_element_type3A_1339 = arith.truncf %reshape3A_1334 : vector<8x288x32xf32> to vector<8x288x32xbf16>
      %convert_element_type3A_1340 = arith.truncf %reshape3A_1336 : vector<8x288x32xf32> to vector<8x288x32xbf16>
      %dot_general3A_1341 = arith.constant dense<0.000000e+00> : vector<8x288x288xf32>
      %dot_general3A_1342 = tpu.matmul %convert_element_type3A_1339, %convert_element_type3A_1340, %dot_general3A_1341 {dimension_numbers = #tpu.dot_dimension_numbers<[2], [2], [1], [1], [0, 0, 0, 1, 1, 1], [0], [0]>, transpose_lhs_hint = false} : vector<8x288x32xbf16>, vector<8x288x32xbf16>, vector<8x288x288xf32> -> vector<8x288x288xf32>
      %broadcast_in_dim3A_1343 = vector.shape_cast %get3A_431 : vector<8x288xf32> to vector<8x1x288xf32>
      %gt3A_1344 = arith.constant 0.000000e+00 : f32
      %gt3A_1345 = vector.broadcast %gt3A_1344 : f32 to vector<8x1x288xf32>
      %gt3A_1346 = arith.cmpf ogt, %broadcast_in_dim3A_1343, %gt3A_1345 : vector<8x1x288xf32>
      %jit3A_1347 = arith.constant -1.000000e+30 : f32
      %broadcast_in_dim3A_1348 = vector.shape_cast %gt3A_1346 : vector<8x1x288xi1> to vector<8x1x288xi1>
      %broadcast_in_dim3A_1349 = vector.broadcast %broadcast_in_dim3A_1348 : vector<8x1x288xi1> to vector<8x288x288xi1>
      %broadcast_in_dim3A_1350 = vector.broadcast %jit3A_1347 : f32 to vector<8x288x288xf32>
      %select_n3A_1351 = arith.select %broadcast_in_dim3A_1349, %dot_general3A_1342, %broadcast_in_dim3A_1350 : vector<8x288x288xi1>, vector<8x288x288xf32>
      %reduce_max3A_1352 = arith.constant dense<0xFF800000> : vector<8x288xf32>
      %reduce_max3A_1353 = vector.multi_reduction <maximumf>, %select_n3A_1351, %reduce_max3A_1352 [2] : vector<8x288x288xf32> to vector<8x288xf32>
      %broadcast_in_dim3A_1354 = vector.shape_cast %reduce_max3A_1353 : vector<8x288xf32> to vector<8x288x1xf32>
      %sub3A_1355 = vector.broadcast %broadcast_in_dim3A_1354 : vector<8x288x1xf32> to vector<8x288x288xf32>
      %sub3A_1356 = arith.subf %select_n3A_1351, %sub3A_1355 : vector<8x288x288xf32>
      %exp3A_1357 = math.exp %sub3A_1356 : vector<8x288x288xf32>
      %reduce_sum3A_1358 = arith.constant dense<0.000000e+00> : vector<8x288xf32>
      %reduce_sum3A_1359 = vector.multi_reduction <add>, %exp3A_1357, %reduce_sum3A_1358 [2] : vector<8x288x288xf32> to vector<8x288xf32>
      %broadcast_in_dim3A_1360 = vector.shape_cast %reduce_sum3A_1359 : vector<8x288xf32> to vector<8x288x1xf32>
      %div3A_1361 = vector.broadcast %broadcast_in_dim3A_1360 : vector<8x288x1xf32> to vector<8x288x288xf32>
      %div3A_1362 = arith.divf %exp3A_1357, %div3A_1361 : vector<8x288x288xf32>
      %convert_element_type3A_1363 = arith.truncf %div3A_1362 : vector<8x288x288xf32> to vector<8x288x288xbf16>
      %convert_element_type3A_1364 = arith.truncf %reshape3A_1338 : vector<8x288x32xf32> to vector<8x288x32xbf16>
      %dot_general3A_1365 = arith.constant dense<0.000000e+00> : vector<8x288x32xf32>
      %dot_general3A_1366 = tpu.matmul %convert_element_type3A_1363, %convert_element_type3A_1364, %dot_general3A_1365 {dimension_numbers = #tpu.dot_dimension_numbers<[2], [1], [1], [2], [0, 0, 0, 1, 1, 2], [0], [0]>, transpose_lhs_hint = false} : vector<8x288x288xbf16>, vector<8x288x32xbf16>, vector<8x288x32xf32> -> vector<8x288x32xf32>
      %concatenate3A_1367 = tpu.concatenate %dot_general3A_1332, %dot_general3A_1366 in 2 : vector<8x288x32xf32>, vector<8x288x32xf32> -> vector<8x288x64xf32>
      %reshape3A_1368 = vector.shape_cast %concatenate3A_1367 : vector<8x288x64xf32> to vector<2304x64xf32>
      %convert_element_type3A_1369 = arith.truncf %reshape3A_1368 : vector<2304x64xf32> to vector<2304x64xbf16>
      %get3A_1370 = arith.constant 4 : index
      %get3A_1371 = arith.constant 0 : index
      %get3A_1372 = arith.constant 0 : index
      %get3A_1373 = vector.load %arg15[%get3A_1370, %get3A_1371, %get3A_1372] : memref<6x64x64xbf16, #tpu.memory_space<vmem>>, vector<1x64x64xbf16>
      %get3A_1374 = vector.shape_cast %get3A_1373 : vector<1x64x64xbf16> to vector<64x64xbf16>
      %dot_general3A_1375 = arith.constant dense<0.000000e+00> : vector<2304x64xf32>
      %dot_general3A_1376 = tpu.matmul %convert_element_type3A_1369, %get3A_1374, %dot_general3A_1375 {dimension_numbers = #tpu.dot_dimension_numbers<[1], [0], [0], [1], [0, 0, 1, 1], [], []>, transpose_lhs_hint = false} : vector<2304x64xbf16>, vector<64x64xbf16>, vector<2304x64xf32> -> vector<2304x64xf32>
      %add3A_1377 = arith.addf %add3A_1252, %dot_general3A_1376 : vector<2304x64xf32>
      %get3A_1378 = arith.constant 4 : index
      %get3A_1379 = arith.constant 0 : index
      %get3A_1380 = vector.load %arg16[%get3A_1378, %get3A_1379] : memref<6x64xf32, #tpu.memory_space<vmem>>, vector<1x64xf32>
      %add3A_1381 = vector.broadcast %get3A_1380 : vector<1x64xf32> to vector<2304x64xf32>
      %add3A_1382 = arith.addf %add3A_1377, %add3A_1381 : vector<2304x64xf32>
      %get3A_1383 = arith.constant 4 : index
      %get3A_1384 = arith.constant 0 : index
      %get3A_1385 = vector.load %arg17[%get3A_1383, %get3A_1384] : memref<6x64xf32, #tpu.memory_space<vmem>>, vector<1x64xf32>
      %get3A_1386 = arith.constant 4 : index
      %get3A_1387 = arith.constant 0 : index
      %get3A_1388 = vector.load %arg18[%get3A_1386, %get3A_1387] : memref<6x64xf32, #tpu.memory_space<vmem>>, vector<1x64xf32>
      %reduce_sum3A_1389 = arith.constant dense<0.000000e+00> : vector<2304xf32>
      %reduce_sum3A_1390 = vector.multi_reduction <add>, %add3A_1382, %reduce_sum3A_1389 [1] : vector<2304x64xf32> to vector<2304xf32>
      %broadcast_in_dim3A_1391 = vector.shape_cast %reduce_sum3A_1390 : vector<2304xf32> to vector<2304x1xf32>
      %div3A_1392 = arith.constant 6.400000e+01 : f32
      %div3A_1393 = vector.broadcast %div3A_1392 : f32 to vector<2304x1xf32>
      %div3A_1394 = arith.divf %broadcast_in_dim3A_1391, %div3A_1393 : vector<2304x1xf32>
      %mul3A_1395 = arith.mulf %add3A_1382, %add3A_1382 : vector<2304x64xf32>
      %reduce_sum3A_1396 = arith.constant dense<0.000000e+00> : vector<2304xf32>
      %reduce_sum3A_1397 = vector.multi_reduction <add>, %mul3A_1395, %reduce_sum3A_1396 [1] : vector<2304x64xf32> to vector<2304xf32>
      %broadcast_in_dim3A_1398 = vector.shape_cast %reduce_sum3A_1397 : vector<2304xf32> to vector<2304x1xf32>
      %div3A_1399 = arith.constant 6.400000e+01 : f32
      %div3A_1400 = vector.broadcast %div3A_1399 : f32 to vector<2304x1xf32>
      %div3A_1401 = arith.divf %broadcast_in_dim3A_1398, %div3A_1400 : vector<2304x1xf32>
      %mul3A_1402 = arith.mulf %div3A_1394, %div3A_1394 : vector<2304x1xf32>
      %sub3A_1403 = arith.subf %div3A_1401, %mul3A_1402 : vector<2304x1xf32>
      %sub3A_1404 = vector.broadcast %div3A_1394 : vector<2304x1xf32> to vector<2304x64xf32>
      %sub3A_1405 = arith.subf %add3A_1382, %sub3A_1404 : vector<2304x64xf32>
      %add3A_1406 = arith.constant 9.99999974E-6 : f32
      %add3A_1407 = vector.broadcast %add3A_1406 : f32 to vector<2304x1xf32>
      %add3A_1408 = arith.addf %sub3A_1403, %add3A_1407 : vector<2304x1xf32>
      %rsqrt3A_1409 = math.rsqrt %add3A_1408 : vector<2304x1xf32>
      %mul3A_1410 = vector.broadcast %rsqrt3A_1409 : vector<2304x1xf32> to vector<2304x64xf32>
      %mul3A_1411 = arith.mulf %sub3A_1405, %mul3A_1410 : vector<2304x64xf32>
      %mul3A_1412 = vector.broadcast %get3A_1385 : vector<1x64xf32> to vector<2304x64xf32>
      %mul3A_1413 = arith.mulf %mul3A_1411, %mul3A_1412 : vector<2304x64xf32>
      %add3A_1414 = vector.broadcast %get3A_1388 : vector<1x64xf32> to vector<2304x64xf32>
      %add3A_1415 = arith.addf %mul3A_1413, %add3A_1414 : vector<2304x64xf32>
      %convert_element_type3A_1416 = arith.truncf %add3A_1415 : vector<2304x64xf32> to vector<2304x64xbf16>
      %get3A_1417 = arith.constant 4 : index
      %get3A_1418 = arith.constant 0 : index
      %get3A_1419 = arith.constant 0 : index
      %get3A_1420 = vector.load %arg19[%get3A_1417, %get3A_1418, %get3A_1419] : memref<6x64x256xbf16, #tpu.memory_space<vmem>>, vector<1x64x256xbf16>
      %get3A_1421 = vector.shape_cast %get3A_1420 : vector<1x64x256xbf16> to vector<64x256xbf16>
      %dot_general3A_1422 = arith.constant dense<0.000000e+00> : vector<2304x256xf32>
      %dot_general3A_1423 = tpu.matmul %convert_element_type3A_1416, %get3A_1421, %dot_general3A_1422 {dimension_numbers = #tpu.dot_dimension_numbers<[1], [0], [0], [1], [0, 0, 1, 1], [], []>, transpose_lhs_hint = false} : vector<2304x64xbf16>, vector<64x256xbf16>, vector<2304x256xf32> -> vector<2304x256xf32>
      %get3A_1424 = arith.constant 4 : index
      %get3A_1425 = arith.constant 0 : index
      %get3A_1426 = vector.load %arg20[%get3A_1424, %get3A_1425] : memref<6x256xf32, #tpu.memory_space<vmem>>, vector<1x256xf32>
      %add3A_1427 = vector.broadcast %get3A_1426 : vector<1x256xf32> to vector<2304x256xf32>
      %add3A_1428 = arith.addf %dot_general3A_1423, %add3A_1427 : vector<2304x256xf32>
      %integer_pow3A_1429 = arith.mulf %add3A_1428, %add3A_1428 : vector<2304x256xf32>
      %integer_pow3A_1430 = arith.mulf %add3A_1428, %integer_pow3A_1429 : vector<2304x256xf32>
      %mul3A_1431 = arith.constant 4.471500e-02 : f32
      %mul3A_1432 = vector.broadcast %mul3A_1431 : f32 to vector<2304x256xf32>
      %mul3A_1433 = arith.mulf %mul3A_1432, %integer_pow3A_1430 : vector<2304x256xf32>
      %add3A_1434 = arith.addf %add3A_1428, %mul3A_1433 : vector<2304x256xf32>
      %mul3A_1435 = arith.constant 0.797884583 : f32
      %mul3A_1436 = vector.broadcast %mul3A_1435 : f32 to vector<2304x256xf32>
      %mul3A_1437 = arith.mulf %mul3A_1436, %add3A_1434 : vector<2304x256xf32>
      %tanh3A_1438 = math.tanh %mul3A_1437 : vector<2304x256xf32>
      %add3A_1439 = arith.constant 1.000000e+00 : f32
      %add3A_1440 = vector.broadcast %add3A_1439 : f32 to vector<2304x256xf32>
      %add3A_1441 = arith.addf %add3A_1440, %tanh3A_1438 : vector<2304x256xf32>
      %mul3A_1442 = arith.constant 5.000000e-01 : f32
      %mul3A_1443 = vector.broadcast %mul3A_1442 : f32 to vector<2304x256xf32>
      %mul3A_1444 = arith.mulf %mul3A_1443, %add3A_1441 : vector<2304x256xf32>
      %mul3A_1445 = arith.mulf %add3A_1428, %mul3A_1444 : vector<2304x256xf32>
      %convert_element_type3A_1446 = arith.truncf %mul3A_1445 : vector<2304x256xf32> to vector<2304x256xbf16>
      %get3A_1447 = arith.constant 4 : index
      %get3A_1448 = arith.constant 0 : index
      %get3A_1449 = arith.constant 0 : index
      %get3A_1450 = vector.load %arg21[%get3A_1447, %get3A_1448, %get3A_1449] : memref<6x256x64xbf16, #tpu.memory_space<vmem>>, vector<1x256x64xbf16>
      %get3A_1451 = vector.shape_cast %get3A_1450 : vector<1x256x64xbf16> to vector<256x64xbf16>
      %dot_general3A_1452 = arith.constant dense<0.000000e+00> : vector<2304x64xf32>
      %dot_general3A_1453 = tpu.matmul %convert_element_type3A_1446, %get3A_1451, %dot_general3A_1452 {dimension_numbers = #tpu.dot_dimension_numbers<[1], [0], [0], [1], [0, 0, 1, 1], [], []>, transpose_lhs_hint = false} : vector<2304x256xbf16>, vector<256x64xbf16>, vector<2304x64xf32> -> vector<2304x64xf32>
      %add3A_1454 = arith.addf %add3A_1382, %dot_general3A_1453 : vector<2304x64xf32>
      %get3A_1455 = arith.constant 4 : index
      %get3A_1456 = arith.constant 0 : index
      %get3A_1457 = vector.load %arg22[%get3A_1455, %get3A_1456] : memref<6x64xf32, #tpu.memory_space<vmem>>, vector<1x64xf32>
      %add3A_1458 = vector.broadcast %get3A_1457 : vector<1x64xf32> to vector<2304x64xf32>
      %add3A_1459 = arith.addf %add3A_1454, %add3A_1458 : vector<2304x64xf32>
      %get3A_1460 = arith.constant 5 : index
      %get3A_1461 = arith.constant 0 : index
      %get3A_1462 = vector.load %arg11[%get3A_1460, %get3A_1461] : memref<6x64xf32, #tpu.memory_space<vmem>>, vector<1x64xf32>
      %get3A_1463 = arith.constant 5 : index
      %get3A_1464 = arith.constant 0 : index
      %get3A_1465 = vector.load %arg12[%get3A_1463, %get3A_1464] : memref<6x64xf32, #tpu.memory_space<vmem>>, vector<1x64xf32>
      %reduce_sum3A_1466 = arith.constant dense<0.000000e+00> : vector<2304xf32>
      %reduce_sum3A_1467 = vector.multi_reduction <add>, %add3A_1459, %reduce_sum3A_1466 [1] : vector<2304x64xf32> to vector<2304xf32>
      %broadcast_in_dim3A_1468 = vector.shape_cast %reduce_sum3A_1467 : vector<2304xf32> to vector<2304x1xf32>
      %div3A_1469 = arith.constant 6.400000e+01 : f32
      %div3A_1470 = vector.broadcast %div3A_1469 : f32 to vector<2304x1xf32>
      %div3A_1471 = arith.divf %broadcast_in_dim3A_1468, %div3A_1470 : vector<2304x1xf32>
      %mul3A_1472 = arith.mulf %add3A_1459, %add3A_1459 : vector<2304x64xf32>
      %reduce_sum3A_1473 = arith.constant dense<0.000000e+00> : vector<2304xf32>
      %reduce_sum3A_1474 = vector.multi_reduction <add>, %mul3A_1472, %reduce_sum3A_1473 [1] : vector<2304x64xf32> to vector<2304xf32>
      %broadcast_in_dim3A_1475 = vector.shape_cast %reduce_sum3A_1474 : vector<2304xf32> to vector<2304x1xf32>
      %div3A_1476 = arith.constant 6.400000e+01 : f32
      %div3A_1477 = vector.broadcast %div3A_1476 : f32 to vector<2304x1xf32>
      %div3A_1478 = arith.divf %broadcast_in_dim3A_1475, %div3A_1477 : vector<2304x1xf32>
      %mul3A_1479 = arith.mulf %div3A_1471, %div3A_1471 : vector<2304x1xf32>
      %sub3A_1480 = arith.subf %div3A_1478, %mul3A_1479 : vector<2304x1xf32>
      %sub3A_1481 = vector.broadcast %div3A_1471 : vector<2304x1xf32> to vector<2304x64xf32>
      %sub3A_1482 = arith.subf %add3A_1459, %sub3A_1481 : vector<2304x64xf32>
      %add3A_1483 = arith.constant 9.99999974E-6 : f32
      %add3A_1484 = vector.broadcast %add3A_1483 : f32 to vector<2304x1xf32>
      %add3A_1485 = arith.addf %sub3A_1480, %add3A_1484 : vector<2304x1xf32>
      %rsqrt3A_1486 = math.rsqrt %add3A_1485 : vector<2304x1xf32>
      %mul3A_1487 = vector.broadcast %rsqrt3A_1486 : vector<2304x1xf32> to vector<2304x64xf32>
      %mul3A_1488 = arith.mulf %sub3A_1482, %mul3A_1487 : vector<2304x64xf32>
      %mul3A_1489 = vector.broadcast %get3A_1462 : vector<1x64xf32> to vector<2304x64xf32>
      %mul3A_1490 = arith.mulf %mul3A_1488, %mul3A_1489 : vector<2304x64xf32>
      %add3A_1491 = vector.broadcast %get3A_1465 : vector<1x64xf32> to vector<2304x64xf32>
      %add3A_1492 = arith.addf %mul3A_1490, %add3A_1491 : vector<2304x64xf32>
      %convert_element_type3A_1493 = arith.truncf %add3A_1492 : vector<2304x64xf32> to vector<2304x64xbf16>
      %get3A_1494 = arith.constant 5 : index
      %get3A_1495 = arith.constant 0 : index
      %get3A_1496 = arith.constant 0 : index
      %get3A_1497 = vector.load %arg13[%get3A_1494, %get3A_1495, %get3A_1496] : memref<6x64x192xbf16, #tpu.memory_space<vmem>>, vector<1x64x192xbf16>
      %get3A_1498 = vector.shape_cast %get3A_1497 : vector<1x64x192xbf16> to vector<64x192xbf16>
      %dot_general3A_1499 = arith.constant dense<0.000000e+00> : vector<2304x192xf32>
      %dot_general3A_1500 = tpu.matmul %convert_element_type3A_1493, %get3A_1498, %dot_general3A_1499 {dimension_numbers = #tpu.dot_dimension_numbers<[1], [0], [0], [1], [0, 0, 1, 1], [], []>, transpose_lhs_hint = false} : vector<2304x64xbf16>, vector<64x192xbf16>, vector<2304x192xf32> -> vector<2304x192xf32>
      %get3A_1501 = arith.constant 5 : index
      %get3A_1502 = arith.constant 0 : index
      %get3A_1503 = vector.load %arg14[%get3A_1501, %get3A_1502] : memref<6x192xf32, #tpu.memory_space<vmem>>, vector<1x192xf32>
      %add3A_1504 = vector.broadcast %get3A_1503 : vector<1x192xf32> to vector<2304x192xf32>
      %add3A_1505 = arith.addf %dot_general3A_1500, %add3A_1504 : vector<2304x192xf32>
      %slice3A_1506 = vector.extract_strided_slice %add3A_1505 {offsets = [0, 0], sizes = [2304, 32], strides = [1, 1]} : vector<2304x192xf32> to vector<2304x32xf32>
      %reshape3A_1507 = vector.shape_cast %slice3A_1506 : vector<2304x32xf32> to vector<8x288x32xf32>
      %slice3A_1508 = vector.extract_strided_slice %add3A_1505 {offsets = [0, 64], sizes = [2304, 32], strides = [1, 1]} : vector<2304x192xf32> to vector<2304x32xf32>
      %reshape3A_1509 = vector.shape_cast %slice3A_1508 : vector<2304x32xf32> to vector<8x288x32xf32>
      %slice3A_1510 = vector.extract_strided_slice %add3A_1505 {offsets = [0, 128], sizes = [2304, 32], strides = [1, 1]} : vector<2304x192xf32> to vector<2304x32xf32>
      %reshape3A_1511 = vector.shape_cast %slice3A_1510 : vector<2304x32xf32> to vector<8x288x32xf32>
      %convert_element_type3A_1512 = arith.truncf %reshape3A_1507 : vector<8x288x32xf32> to vector<8x288x32xbf16>
      %convert_element_type3A_1513 = arith.truncf %reshape3A_1509 : vector<8x288x32xf32> to vector<8x288x32xbf16>
      %dot_general3A_1514 = arith.constant dense<0.000000e+00> : vector<8x288x288xf32>
      %dot_general3A_1515 = tpu.matmul %convert_element_type3A_1512, %convert_element_type3A_1513, %dot_general3A_1514 {dimension_numbers = #tpu.dot_dimension_numbers<[2], [2], [1], [1], [0, 0, 0, 1, 1, 1], [0], [0]>, transpose_lhs_hint = false} : vector<8x288x32xbf16>, vector<8x288x32xbf16>, vector<8x288x288xf32> -> vector<8x288x288xf32>
      %broadcast_in_dim3A_1516 = vector.shape_cast %get3A_431 : vector<8x288xf32> to vector<8x1x288xf32>
      %gt3A_1517 = arith.constant 0.000000e+00 : f32
      %gt3A_1518 = vector.broadcast %gt3A_1517 : f32 to vector<8x1x288xf32>
      %gt3A_1519 = arith.cmpf ogt, %broadcast_in_dim3A_1516, %gt3A_1518 : vector<8x1x288xf32>
      %jit3A_1520 = arith.constant -1.000000e+30 : f32
      %broadcast_in_dim3A_1521 = vector.shape_cast %gt3A_1519 : vector<8x1x288xi1> to vector<8x1x288xi1>
      %broadcast_in_dim3A_1522 = vector.broadcast %broadcast_in_dim3A_1521 : vector<8x1x288xi1> to vector<8x288x288xi1>
      %broadcast_in_dim3A_1523 = vector.broadcast %jit3A_1520 : f32 to vector<8x288x288xf32>
      %select_n3A_1524 = arith.select %broadcast_in_dim3A_1522, %dot_general3A_1515, %broadcast_in_dim3A_1523 : vector<8x288x288xi1>, vector<8x288x288xf32>
      %reduce_max3A_1525 = arith.constant dense<0xFF800000> : vector<8x288xf32>
      %reduce_max3A_1526 = vector.multi_reduction <maximumf>, %select_n3A_1524, %reduce_max3A_1525 [2] : vector<8x288x288xf32> to vector<8x288xf32>
      %broadcast_in_dim3A_1527 = vector.shape_cast %reduce_max3A_1526 : vector<8x288xf32> to vector<8x288x1xf32>
      %sub3A_1528 = vector.broadcast %broadcast_in_dim3A_1527 : vector<8x288x1xf32> to vector<8x288x288xf32>
      %sub3A_1529 = arith.subf %select_n3A_1524, %sub3A_1528 : vector<8x288x288xf32>
      %exp3A_1530 = math.exp %sub3A_1529 : vector<8x288x288xf32>
      %reduce_sum3A_1531 = arith.constant dense<0.000000e+00> : vector<8x288xf32>
      %reduce_sum3A_1532 = vector.multi_reduction <add>, %exp3A_1530, %reduce_sum3A_1531 [2] : vector<8x288x288xf32> to vector<8x288xf32>
      %broadcast_in_dim3A_1533 = vector.shape_cast %reduce_sum3A_1532 : vector<8x288xf32> to vector<8x288x1xf32>
      %div3A_1534 = vector.broadcast %broadcast_in_dim3A_1533 : vector<8x288x1xf32> to vector<8x288x288xf32>
      %div3A_1535 = arith.divf %exp3A_1530, %div3A_1534 : vector<8x288x288xf32>
      %convert_element_type3A_1536 = arith.truncf %div3A_1535 : vector<8x288x288xf32> to vector<8x288x288xbf16>
      %convert_element_type3A_1537 = arith.truncf %reshape3A_1511 : vector<8x288x32xf32> to vector<8x288x32xbf16>
      %dot_general3A_1538 = arith.constant dense<0.000000e+00> : vector<8x288x32xf32>
      %dot_general3A_1539 = tpu.matmul %convert_element_type3A_1536, %convert_element_type3A_1537, %dot_general3A_1538 {dimension_numbers = #tpu.dot_dimension_numbers<[2], [1], [1], [2], [0, 0, 0, 1, 1, 2], [0], [0]>, transpose_lhs_hint = false} : vector<8x288x288xbf16>, vector<8x288x32xbf16>, vector<8x288x32xf32> -> vector<8x288x32xf32>
      %slice3A_1540 = vector.extract_strided_slice %add3A_1505 {offsets = [0, 32], sizes = [2304, 32], strides = [1, 1]} : vector<2304x192xf32> to vector<2304x32xf32>
      %reshape3A_1541 = vector.shape_cast %slice3A_1540 : vector<2304x32xf32> to vector<8x288x32xf32>
      %slice3A_1542 = vector.extract_strided_slice %add3A_1505 {offsets = [0, 96], sizes = [2304, 32], strides = [1, 1]} : vector<2304x192xf32> to vector<2304x32xf32>
      %reshape3A_1543 = vector.shape_cast %slice3A_1542 : vector<2304x32xf32> to vector<8x288x32xf32>
      %slice3A_1544 = vector.extract_strided_slice %add3A_1505 {offsets = [0, 160], sizes = [2304, 32], strides = [1, 1]} : vector<2304x192xf32> to vector<2304x32xf32>
      %reshape3A_1545 = vector.shape_cast %slice3A_1544 : vector<2304x32xf32> to vector<8x288x32xf32>
      %convert_element_type3A_1546 = arith.truncf %reshape3A_1541 : vector<8x288x32xf32> to vector<8x288x32xbf16>
      %convert_element_type3A_1547 = arith.truncf %reshape3A_1543 : vector<8x288x32xf32> to vector<8x288x32xbf16>
      %dot_general3A_1548 = arith.constant dense<0.000000e+00> : vector<8x288x288xf32>
      %dot_general3A_1549 = tpu.matmul %convert_element_type3A_1546, %convert_element_type3A_1547, %dot_general3A_1548 {dimension_numbers = #tpu.dot_dimension_numbers<[2], [2], [1], [1], [0, 0, 0, 1, 1, 1], [0], [0]>, transpose_lhs_hint = false} : vector<8x288x32xbf16>, vector<8x288x32xbf16>, vector<8x288x288xf32> -> vector<8x288x288xf32>
      %broadcast_in_dim3A_1550 = vector.shape_cast %get3A_431 : vector<8x288xf32> to vector<8x1x288xf32>
      %gt3A_1551 = arith.constant 0.000000e+00 : f32
      %gt3A_1552 = vector.broadcast %gt3A_1551 : f32 to vector<8x1x288xf32>
      %gt3A_1553 = arith.cmpf ogt, %broadcast_in_dim3A_1550, %gt3A_1552 : vector<8x1x288xf32>
      %jit3A_1554 = arith.constant -1.000000e+30 : f32
      %broadcast_in_dim3A_1555 = vector.shape_cast %gt3A_1553 : vector<8x1x288xi1> to vector<8x1x288xi1>
      %broadcast_in_dim3A_1556 = vector.broadcast %broadcast_in_dim3A_1555 : vector<8x1x288xi1> to vector<8x288x288xi1>
      %broadcast_in_dim3A_1557 = vector.broadcast %jit3A_1554 : f32 to vector<8x288x288xf32>
      %select_n3A_1558 = arith.select %broadcast_in_dim3A_1556, %dot_general3A_1549, %broadcast_in_dim3A_1557 : vector<8x288x288xi1>, vector<8x288x288xf32>
      %reduce_max3A_1559 = arith.constant dense<0xFF800000> : vector<8x288xf32>
      %reduce_max3A_1560 = vector.multi_reduction <maximumf>, %select_n3A_1558, %reduce_max3A_1559 [2] : vector<8x288x288xf32> to vector<8x288xf32>
      %broadcast_in_dim3A_1561 = vector.shape_cast %reduce_max3A_1560 : vector<8x288xf32> to vector<8x288x1xf32>
      %sub3A_1562 = vector.broadcast %broadcast_in_dim3A_1561 : vector<8x288x1xf32> to vector<8x288x288xf32>
      %sub3A_1563 = arith.subf %select_n3A_1558, %sub3A_1562 : vector<8x288x288xf32>
      %exp3A_1564 = math.exp %sub3A_1563 : vector<8x288x288xf32>
      %reduce_sum3A_1565 = arith.constant dense<0.000000e+00> : vector<8x288xf32>
      %reduce_sum3A_1566 = vector.multi_reduction <add>, %exp3A_1564, %reduce_sum3A_1565 [2] : vector<8x288x288xf32> to vector<8x288xf32>
      %broadcast_in_dim3A_1567 = vector.shape_cast %reduce_sum3A_1566 : vector<8x288xf32> to vector<8x288x1xf32>
      %div3A_1568 = vector.broadcast %broadcast_in_dim3A_1567 : vector<8x288x1xf32> to vector<8x288x288xf32>
      %div3A_1569 = arith.divf %exp3A_1564, %div3A_1568 : vector<8x288x288xf32>
      %convert_element_type3A_1570 = arith.truncf %div3A_1569 : vector<8x288x288xf32> to vector<8x288x288xbf16>
      %convert_element_type3A_1571 = arith.truncf %reshape3A_1545 : vector<8x288x32xf32> to vector<8x288x32xbf16>
      %dot_general3A_1572 = arith.constant dense<0.000000e+00> : vector<8x288x32xf32>
      %dot_general3A_1573 = tpu.matmul %convert_element_type3A_1570, %convert_element_type3A_1571, %dot_general3A_1572 {dimension_numbers = #tpu.dot_dimension_numbers<[2], [1], [1], [2], [0, 0, 0, 1, 1, 2], [0], [0]>, transpose_lhs_hint = false} : vector<8x288x288xbf16>, vector<8x288x32xbf16>, vector<8x288x32xf32> -> vector<8x288x32xf32>
      %concatenate3A_1574 = tpu.concatenate %dot_general3A_1539, %dot_general3A_1573 in 2 : vector<8x288x32xf32>, vector<8x288x32xf32> -> vector<8x288x64xf32>
      %reshape3A_1575 = vector.shape_cast %concatenate3A_1574 : vector<8x288x64xf32> to vector<2304x64xf32>
      %convert_element_type3A_1576 = arith.truncf %reshape3A_1575 : vector<2304x64xf32> to vector<2304x64xbf16>
      %get3A_1577 = arith.constant 5 : index
      %get3A_1578 = arith.constant 0 : index
      %get3A_1579 = arith.constant 0 : index
      %get3A_1580 = vector.load %arg15[%get3A_1577, %get3A_1578, %get3A_1579] : memref<6x64x64xbf16, #tpu.memory_space<vmem>>, vector<1x64x64xbf16>
      %get3A_1581 = vector.shape_cast %get3A_1580 : vector<1x64x64xbf16> to vector<64x64xbf16>
      %dot_general3A_1582 = arith.constant dense<0.000000e+00> : vector<2304x64xf32>
      %dot_general3A_1583 = tpu.matmul %convert_element_type3A_1576, %get3A_1581, %dot_general3A_1582 {dimension_numbers = #tpu.dot_dimension_numbers<[1], [0], [0], [1], [0, 0, 1, 1], [], []>, transpose_lhs_hint = false} : vector<2304x64xbf16>, vector<64x64xbf16>, vector<2304x64xf32> -> vector<2304x64xf32>
      %add3A_1584 = arith.addf %add3A_1459, %dot_general3A_1583 : vector<2304x64xf32>
      %get3A_1585 = arith.constant 5 : index
      %get3A_1586 = arith.constant 0 : index
      %get3A_1587 = vector.load %arg16[%get3A_1585, %get3A_1586] : memref<6x64xf32, #tpu.memory_space<vmem>>, vector<1x64xf32>
      %add3A_1588 = vector.broadcast %get3A_1587 : vector<1x64xf32> to vector<2304x64xf32>
      %add3A_1589 = arith.addf %add3A_1584, %add3A_1588 : vector<2304x64xf32>
      %get3A_1590 = arith.constant 5 : index
      %get3A_1591 = arith.constant 0 : index
      %get3A_1592 = vector.load %arg17[%get3A_1590, %get3A_1591] : memref<6x64xf32, #tpu.memory_space<vmem>>, vector<1x64xf32>
      %get3A_1593 = arith.constant 5 : index
      %get3A_1594 = arith.constant 0 : index
      %get3A_1595 = vector.load %arg18[%get3A_1593, %get3A_1594] : memref<6x64xf32, #tpu.memory_space<vmem>>, vector<1x64xf32>
      %reduce_sum3A_1596 = arith.constant dense<0.000000e+00> : vector<2304xf32>
      %reduce_sum3A_1597 = vector.multi_reduction <add>, %add3A_1589, %reduce_sum3A_1596 [1] : vector<2304x64xf32> to vector<2304xf32>
      %broadcast_in_dim3A_1598 = vector.shape_cast %reduce_sum3A_1597 : vector<2304xf32> to vector<2304x1xf32>
      %div3A_1599 = arith.constant 6.400000e+01 : f32
      %div3A_1600 = vector.broadcast %div3A_1599 : f32 to vector<2304x1xf32>
      %div3A_1601 = arith.divf %broadcast_in_dim3A_1598, %div3A_1600 : vector<2304x1xf32>
      %mul3A_1602 = arith.mulf %add3A_1589, %add3A_1589 : vector<2304x64xf32>
      %reduce_sum3A_1603 = arith.constant dense<0.000000e+00> : vector<2304xf32>
      %reduce_sum3A_1604 = vector.multi_reduction <add>, %mul3A_1602, %reduce_sum3A_1603 [1] : vector<2304x64xf32> to vector<2304xf32>
      %broadcast_in_dim3A_1605 = vector.shape_cast %reduce_sum3A_1604 : vector<2304xf32> to vector<2304x1xf32>
      %div3A_1606 = arith.constant 6.400000e+01 : f32
      %div3A_1607 = vector.broadcast %div3A_1606 : f32 to vector<2304x1xf32>
      %div3A_1608 = arith.divf %broadcast_in_dim3A_1605, %div3A_1607 : vector<2304x1xf32>
      %mul3A_1609 = arith.mulf %div3A_1601, %div3A_1601 : vector<2304x1xf32>
      %sub3A_1610 = arith.subf %div3A_1608, %mul3A_1609 : vector<2304x1xf32>
      %sub3A_1611 = vector.broadcast %div3A_1601 : vector<2304x1xf32> to vector<2304x64xf32>
      %sub3A_1612 = arith.subf %add3A_1589, %sub3A_1611 : vector<2304x64xf32>
      %add3A_1613 = arith.constant 9.99999974E-6 : f32
      %add3A_1614 = vector.broadcast %add3A_1613 : f32 to vector<2304x1xf32>
      %add3A_1615 = arith.addf %sub3A_1610, %add3A_1614 : vector<2304x1xf32>
      %rsqrt3A_1616 = math.rsqrt %add3A_1615 : vector<2304x1xf32>
      %mul3A_1617 = vector.broadcast %rsqrt3A_1616 : vector<2304x1xf32> to vector<2304x64xf32>
      %mul3A_1618 = arith.mulf %sub3A_1612, %mul3A_1617 : vector<2304x64xf32>
      %mul3A_1619 = vector.broadcast %get3A_1592 : vector<1x64xf32> to vector<2304x64xf32>
      %mul3A_1620 = arith.mulf %mul3A_1618, %mul3A_1619 : vector<2304x64xf32>
      %add3A_1621 = vector.broadcast %get3A_1595 : vector<1x64xf32> to vector<2304x64xf32>
      %add3A_1622 = arith.addf %mul3A_1620, %add3A_1621 : vector<2304x64xf32>
      %convert_element_type3A_1623 = arith.truncf %add3A_1622 : vector<2304x64xf32> to vector<2304x64xbf16>
      %get3A_1624 = arith.constant 5 : index
      %get3A_1625 = arith.constant 0 : index
      %get3A_1626 = arith.constant 0 : index
      %get3A_1627 = vector.load %arg19[%get3A_1624, %get3A_1625, %get3A_1626] : memref<6x64x256xbf16, #tpu.memory_space<vmem>>, vector<1x64x256xbf16>
      %get3A_1628 = vector.shape_cast %get3A_1627 : vector<1x64x256xbf16> to vector<64x256xbf16>
      %dot_general3A_1629 = arith.constant dense<0.000000e+00> : vector<2304x256xf32>
      %dot_general3A_1630 = tpu.matmul %convert_element_type3A_1623, %get3A_1628, %dot_general3A_1629 {dimension_numbers = #tpu.dot_dimension_numbers<[1], [0], [0], [1], [0, 0, 1, 1], [], []>, transpose_lhs_hint = false} : vector<2304x64xbf16>, vector<64x256xbf16>, vector<2304x256xf32> -> vector<2304x256xf32>
      %get3A_1631 = arith.constant 5 : index
      %get3A_1632 = arith.constant 0 : index
      %get3A_1633 = vector.load %arg20[%get3A_1631, %get3A_1632] : memref<6x256xf32, #tpu.memory_space<vmem>>, vector<1x256xf32>
      %add3A_1634 = vector.broadcast %get3A_1633 : vector<1x256xf32> to vector<2304x256xf32>
      %add3A_1635 = arith.addf %dot_general3A_1630, %add3A_1634 : vector<2304x256xf32>
      %integer_pow3A_1636 = arith.mulf %add3A_1635, %add3A_1635 : vector<2304x256xf32>
      %integer_pow3A_1637 = arith.mulf %add3A_1635, %integer_pow3A_1636 : vector<2304x256xf32>
      %mul3A_1638 = arith.constant 4.471500e-02 : f32
      %mul3A_1639 = vector.broadcast %mul3A_1638 : f32 to vector<2304x256xf32>
      %mul3A_1640 = arith.mulf %mul3A_1639, %integer_pow3A_1637 : vector<2304x256xf32>
      %add3A_1641 = arith.addf %add3A_1635, %mul3A_1640 : vector<2304x256xf32>
      %mul3A_1642 = arith.constant 0.797884583 : f32
      %mul3A_1643 = vector.broadcast %mul3A_1642 : f32 to vector<2304x256xf32>
      %mul3A_1644 = arith.mulf %mul3A_1643, %add3A_1641 : vector<2304x256xf32>
      %tanh3A_1645 = math.tanh %mul3A_1644 : vector<2304x256xf32>
      %add3A_1646 = arith.constant 1.000000e+00 : f32
      %add3A_1647 = vector.broadcast %add3A_1646 : f32 to vector<2304x256xf32>
      %add3A_1648 = arith.addf %add3A_1647, %tanh3A_1645 : vector<2304x256xf32>
      %mul3A_1649 = arith.constant 5.000000e-01 : f32
      %mul3A_1650 = vector.broadcast %mul3A_1649 : f32 to vector<2304x256xf32>
      %mul3A_1651 = arith.mulf %mul3A_1650, %add3A_1648 : vector<2304x256xf32>
      %mul3A_1652 = arith.mulf %add3A_1635, %mul3A_1651 : vector<2304x256xf32>
      %convert_element_type3A_1653 = arith.truncf %mul3A_1652 : vector<2304x256xf32> to vector<2304x256xbf16>
      %get3A_1654 = arith.constant 5 : index
      %get3A_1655 = arith.constant 0 : index
      %get3A_1656 = arith.constant 0 : index
      %get3A_1657 = vector.load %arg21[%get3A_1654, %get3A_1655, %get3A_1656] : memref<6x256x64xbf16, #tpu.memory_space<vmem>>, vector<1x256x64xbf16>
      %get3A_1658 = vector.shape_cast %get3A_1657 : vector<1x256x64xbf16> to vector<256x64xbf16>
      %dot_general3A_1659 = arith.constant dense<0.000000e+00> : vector<2304x64xf32>
      %dot_general3A_1660 = tpu.matmul %convert_element_type3A_1653, %get3A_1658, %dot_general3A_1659 {dimension_numbers = #tpu.dot_dimension_numbers<[1], [0], [0], [1], [0, 0, 1, 1], [], []>, transpose_lhs_hint = false} : vector<2304x256xbf16>, vector<256x64xbf16>, vector<2304x64xf32> -> vector<2304x64xf32>
      %add3A_1661 = arith.addf %add3A_1589, %dot_general3A_1660 : vector<2304x64xf32>
      %get3A_1662 = arith.constant 5 : index
      %get3A_1663 = arith.constant 0 : index
      %get3A_1664 = vector.load %arg22[%get3A_1662, %get3A_1663] : memref<6x64xf32, #tpu.memory_space<vmem>>, vector<1x64xf32>
      %add3A_1665 = vector.broadcast %get3A_1664 : vector<1x64xf32> to vector<2304x64xf32>
      %add3A_1666 = arith.addf %add3A_1661, %add3A_1665 : vector<2304x64xf32>
      %get3A_1667 = arith.constant 0 : index
      %get3A_1668 = arith.constant 0 : index
      %get3A_1669 = vector.load %arg23[%get3A_1667, %get3A_1668] : memref<1x64xf32, #tpu.memory_space<vmem>>, vector<1x64xf32>
      %get3A_1670 = arith.constant 0 : index
      %get3A_1671 = arith.constant 0 : index
      %get3A_1672 = vector.load %arg24[%get3A_1670, %get3A_1671] : memref<1x64xf32, #tpu.memory_space<vmem>>, vector<1x64xf32>
      %reduce_sum3A_1673 = arith.constant dense<0.000000e+00> : vector<2304xf32>
      %reduce_sum3A_1674 = vector.multi_reduction <add>, %add3A_1666, %reduce_sum3A_1673 [1] : vector<2304x64xf32> to vector<2304xf32>
      %broadcast_in_dim3A_1675 = vector.shape_cast %reduce_sum3A_1674 : vector<2304xf32> to vector<2304x1xf32>
      %div3A_1676 = arith.constant 6.400000e+01 : f32
      %div3A_1677 = vector.broadcast %div3A_1676 : f32 to vector<2304x1xf32>
      %div3A_1678 = arith.divf %broadcast_in_dim3A_1675, %div3A_1677 : vector<2304x1xf32>
      %mul3A_1679 = arith.mulf %add3A_1666, %add3A_1666 : vector<2304x64xf32>
      %reduce_sum3A_1680 = arith.constant dense<0.000000e+00> : vector<2304xf32>
      %reduce_sum3A_1681 = vector.multi_reduction <add>, %mul3A_1679, %reduce_sum3A_1680 [1] : vector<2304x64xf32> to vector<2304xf32>
      %broadcast_in_dim3A_1682 = vector.shape_cast %reduce_sum3A_1681 : vector<2304xf32> to vector<2304x1xf32>
      %div3A_1683 = arith.constant 6.400000e+01 : f32
      %div3A_1684 = vector.broadcast %div3A_1683 : f32 to vector<2304x1xf32>
      %div3A_1685 = arith.divf %broadcast_in_dim3A_1682, %div3A_1684 : vector<2304x1xf32>
      %mul3A_1686 = arith.mulf %div3A_1678, %div3A_1678 : vector<2304x1xf32>
      %sub3A_1687 = arith.subf %div3A_1685, %mul3A_1686 : vector<2304x1xf32>
      %sub3A_1688 = vector.broadcast %div3A_1678 : vector<2304x1xf32> to vector<2304x64xf32>
      %sub3A_1689 = arith.subf %add3A_1666, %sub3A_1688 : vector<2304x64xf32>
      %add3A_1690 = arith.constant 9.99999974E-6 : f32
      %add3A_1691 = vector.broadcast %add3A_1690 : f32 to vector<2304x1xf32>
      %add3A_1692 = arith.addf %sub3A_1687, %add3A_1691 : vector<2304x1xf32>
      %rsqrt3A_1693 = math.rsqrt %add3A_1692 : vector<2304x1xf32>
      %mul3A_1694 = vector.broadcast %rsqrt3A_1693 : vector<2304x1xf32> to vector<2304x64xf32>
      %mul3A_1695 = arith.mulf %sub3A_1689, %mul3A_1694 : vector<2304x64xf32>
      %mul3A_1696 = vector.broadcast %get3A_1669 : vector<1x64xf32> to vector<2304x64xf32>
      %mul3A_1697 = arith.mulf %mul3A_1695, %mul3A_1696 : vector<2304x64xf32>
      %add3A_1698 = vector.broadcast %get3A_1672 : vector<1x64xf32> to vector<2304x64xf32>
      %add3A_1699 = arith.addf %mul3A_1697, %add3A_1698 : vector<2304x64xf32>
      %reshape3A_1700 = vector.shape_cast %add3A_1699 : vector<2304x64xf32> to vector<8x288x64xf32>
      %slice3A_1701 = vector.extract_strided_slice %reshape3A_1700 {offsets = [0, 0, 0], sizes = [8, 1, 64], strides = [1, 1, 1]} : vector<8x288x64xf32> to vector<8x1x64xf32>
      %squeeze3A = vector.shape_cast %slice3A_1701 : vector<8x1x64xf32> to vector<8x64xf32>
      %slice3A_1702 = vector.extract_strided_slice %reshape3A_1700 {offsets = [0, 1, 0], sizes = [8, 1, 64], strides = [1, 1, 1]} : vector<8x288x64xf32> to vector<8x1x64xf32>
      %squeeze3A_1703 = vector.shape_cast %slice3A_1702 : vector<8x1x64xf32> to vector<8x64xf32>
      %slice3A_1704 = vector.extract_strided_slice %reshape3A_1700 {offsets = [0, 2, 0], sizes = [8, 1, 64], strides = [1, 1, 1]} : vector<8x288x64xf32> to vector<8x1x64xf32>
      %squeeze3A_1705 = vector.shape_cast %slice3A_1704 : vector<8x1x64xf32> to vector<8x64xf32>
      %slice3A_1706 = vector.extract_strided_slice %reshape3A_1700 {offsets = [0, 3, 0], sizes = [8, 1, 64], strides = [1, 1, 1]} : vector<8x288x64xf32> to vector<8x1x64xf32>
      %squeeze3A_1707 = vector.shape_cast %slice3A_1706 : vector<8x1x64xf32> to vector<8x64xf32>
      %concatenate3A_1708 = tpu.concatenate %squeeze3A, %squeeze3A_1703, %squeeze3A_1705, %squeeze3A_1707 in 1 : vector<8x64xf32>, vector<8x64xf32>, vector<8x64xf32>, vector<8x64xf32> -> vector<8x256xf32>
      %convert_element_type3A_1709 = arith.truncf %concatenate3A_1708 : vector<8x256xf32> to vector<8x256xbf16>
      %get3A_1710 = arith.constant 0 : index
      %get3A_1711 = arith.constant 0 : index
      %get3A_1712 = vector.load %arg9[%get3A_1710, %get3A_1711] : memref<256x256xbf16, #tpu.memory_space<vmem>>, vector<256x256xbf16>
      %dot_general3A_1713 = arith.constant dense<0.000000e+00> : vector<8x256xf32>
      %dot_general3A_1714 = tpu.matmul %convert_element_type3A_1709, %get3A_1712, %dot_general3A_1713 {dimension_numbers = #tpu.dot_dimension_numbers<[1], [0], [0], [1], [0, 0, 1, 1], [], []>, transpose_lhs_hint = false} : vector<8x256xbf16>, vector<256x256xbf16>, vector<8x256xf32> -> vector<8x256xf32>
      %get3A_1715 = arith.constant 0 : index
      %get3A_1716 = arith.constant 0 : index
      %get3A_1717 = vector.load %arg10[%get3A_1715, %get3A_1716] : memref<1x256xf32, #tpu.memory_space<vmem>>, vector<1x256xf32>
      %add3A_1718 = vector.broadcast %get3A_1717 : vector<1x256xf32> to vector<8x256xf32>
      %add3A_1719 = arith.addf %dot_general3A_1714, %add3A_1718 : vector<8x256xf32>
      %swap3A_1720 = arith.constant 0 : index
      %swap3A_1721 = arith.constant 0 : index
      %swap3A_1722 = vector.load %arg25[%swap3A_1720, %swap3A_1721] : memref<8x256xf32, #tpu.memory_space<vmem>>, vector<8x256xf32>
      tpu.vector_store %arg25[%swap3A_1720, %swap3A_1721], %add3A_1719 {strides = array<i32>} : memref<8x256xf32, #tpu.memory_space<vmem>>, vector<8x256xf32>,
    } else {
    }
    return
  }
  func.func @transform_0(%arg0: i32, %arg1: memref<4096xi32, #tpu.memory_space<smem>>, %arg2: memref<4096xi32, #tpu.memory_space<smem>>, %arg3: memref<512xi32, #tpu.memory_space<smem>>) -> (i32, i32) {
    %c0_i32 = arith.constant 0 : i32
    %c0_i32_0 = arith.constant 0 : i32
    %c0_i32_1 = arith.constant 0 : i32
    return %c0_i32, %c0_i32_0 : i32, i32
  }
  func.func @transform_1(%arg0: i32, %arg1: memref<4096xi32, #tpu.memory_space<smem>>, %arg2: memref<4096xi32, #tpu.memory_space<smem>>, %arg3: memref<512xi32, #tpu.memory_space<smem>>) -> (i32, i32) {
    %c0_i32 = arith.constant 0 : i32
    %c0_i32_0 = arith.constant 0 : i32
    return %arg0, %c0_i32 : i32, i32
  }
  func.func @transform_2(%arg0: i32, %arg1: memref<4096xi32, #tpu.memory_space<smem>>, %arg2: memref<4096xi32, #tpu.memory_space<smem>>, %arg3: memref<512xi32, #tpu.memory_space<smem>>) -> (i32, i32) {
    %c0_i32 = arith.constant 0 : i32
    %c0_i32_0 = arith.constant 0 : i32
    %c0_i32_1 = arith.constant 0 : i32
    return %c0_i32, %c0_i32_0 : i32, i32
  }
  func.func @transform_3(%arg0: i32, %arg1: memref<4096xi32, #tpu.memory_space<smem>>, %arg2: memref<4096xi32, #tpu.memory_space<smem>>, %arg3: memref<512xi32, #tpu.memory_space<smem>>) -> (i32, i32) {
    %c0_i32 = arith.constant 0 : i32
    %c0_i32_0 = arith.constant 0 : i32
    %c0_i32_1 = arith.constant 0 : i32
    return %c0_i32, %c0_i32_0 : i32, i32
  }
  func.func @transform_4(%arg0: i32, %arg1: memref<4096xi32, #tpu.memory_space<smem>>, %arg2: memref<4096xi32, #tpu.memory_space<smem>>, %arg3: memref<512xi32, #tpu.memory_space<smem>>) -> (i32, i32) {
    %c0_i32 = arith.constant 0 : i32
    %c0_i32_0 = arith.constant 0 : i32
    %c0_i32_1 = arith.constant 0 : i32
    return %c0_i32, %c0_i32_0 : i32, i32
  }
  func.func @transform_5(%arg0: i32, %arg1: memref<4096xi32, #tpu.memory_space<smem>>, %arg2: memref<4096xi32, #tpu.memory_space<smem>>, %arg3: memref<512xi32, #tpu.memory_space<smem>>) -> (i32, i32) {
    %c0_i32 = arith.constant 0 : i32
    %c0_i32_0 = arith.constant 0 : i32
    %c0_i32_1 = arith.constant 0 : i32
    return %c0_i32, %c0_i32_0 : i32, i32
  }
  func.func @transform_6(%arg0: i32, %arg1: memref<4096xi32, #tpu.memory_space<smem>>, %arg2: memref<4096xi32, #tpu.memory_space<smem>>, %arg3: memref<512xi32, #tpu.memory_space<smem>>) -> (i32, i32) {
    %c0_i32 = arith.constant 0 : i32
    %c0_i32_0 = arith.constant 0 : i32
    %c0_i32_1 = arith.constant 0 : i32
    return %c0_i32, %c0_i32_0 : i32, i32
  }
  func.func @transform_7(%arg0: i32, %arg1: memref<4096xi32, #tpu.memory_space<smem>>, %arg2: memref<4096xi32, #tpu.memory_space<smem>>, %arg3: memref<512xi32, #tpu.memory_space<smem>>) -> (i32, i32) {
    %c0_i32 = arith.constant 0 : i32
    %c0_i32_0 = arith.constant 0 : i32
    %c0_i32_1 = arith.constant 0 : i32
    return %c0_i32, %c0_i32_0 : i32, i32
  }
  func.func @transform_8(%arg0: i32, %arg1: memref<4096xi32, #tpu.memory_space<smem>>, %arg2: memref<4096xi32, #tpu.memory_space<smem>>, %arg3: memref<512xi32, #tpu.memory_space<smem>>) -> (i32, i32) {
    %c0_i32 = arith.constant 0 : i32
    %c0_i32_0 = arith.constant 0 : i32
    %c0_i32_1 = arith.constant 0 : i32
    return %c0_i32, %c0_i32_0 : i32, i32
  }
  func.func @transform_9(%arg0: i32, %arg1: memref<4096xi32, #tpu.memory_space<smem>>, %arg2: memref<4096xi32, #tpu.memory_space<smem>>, %arg3: memref<512xi32, #tpu.memory_space<smem>>) -> (i32, i32, i32) {
    %c0_i32 = arith.constant 0 : i32
    %c0_i32_0 = arith.constant 0 : i32
    %c0_i32_1 = arith.constant 0 : i32
    %c0_i32_2 = arith.constant 0 : i32
    return %c0_i32, %c0_i32_0, %c0_i32_1 : i32, i32, i32
  }
  func.func @transform_10(%arg0: i32, %arg1: memref<4096xi32, #tpu.memory_space<smem>>, %arg2: memref<4096xi32, #tpu.memory_space<smem>>, %arg3: memref<512xi32, #tpu.memory_space<smem>>) -> (i32, i32) {
    %c0_i32 = arith.constant 0 : i32
    %c0_i32_0 = arith.constant 0 : i32
    %c0_i32_1 = arith.constant 0 : i32
    return %c0_i32, %c0_i32_0 : i32, i32
  }
  func.func @transform_11(%arg0: i32, %arg1: memref<4096xi32, #tpu.memory_space<smem>>, %arg2: memref<4096xi32, #tpu.memory_space<smem>>, %arg3: memref<512xi32, #tpu.memory_space<smem>>) -> (i32, i32, i32) {
    %c0_i32 = arith.constant 0 : i32
    %c0_i32_0 = arith.constant 0 : i32
    %c0_i32_1 = arith.constant 0 : i32
    %c0_i32_2 = arith.constant 0 : i32
    return %c0_i32, %c0_i32_0, %c0_i32_1 : i32, i32, i32
  }
  func.func @transform_12(%arg0: i32, %arg1: memref<4096xi32, #tpu.memory_space<smem>>, %arg2: memref<4096xi32, #tpu.memory_space<smem>>, %arg3: memref<512xi32, #tpu.memory_space<smem>>) -> (i32, i32) {
    %c0_i32 = arith.constant 0 : i32
    %c0_i32_0 = arith.constant 0 : i32
    %c0_i32_1 = arith.constant 0 : i32
    return %c0_i32, %c0_i32_0 : i32, i32
  }
  func.func @transform_13(%arg0: i32, %arg1: memref<4096xi32, #tpu.memory_space<smem>>, %arg2: memref<4096xi32, #tpu.memory_space<smem>>, %arg3: memref<512xi32, #tpu.memory_space<smem>>) -> (i32, i32) {
    %c0_i32 = arith.constant 0 : i32
    %c0_i32_0 = arith.constant 0 : i32
    %c0_i32_1 = arith.constant 0 : i32
    return %c0_i32, %c0_i32_0 : i32, i32
  }
  func.func @transform_14(%arg0: i32, %arg1: memref<4096xi32, #tpu.memory_space<smem>>, %arg2: memref<4096xi32, #tpu.memory_space<smem>>, %arg3: memref<512xi32, #tpu.memory_space<smem>>) -> (i32, i32) {
    %c0_i32 = arith.constant 0 : i32
    %c0_i32_0 = arith.constant 0 : i32
    %c0_i32_1 = arith.constant 0 : i32
    return %c0_i32, %c0_i32_0 : i32, i32
  }
  func.func @transform_15(%arg0: i32, %arg1: memref<4096xi32, #tpu.memory_space<smem>>, %arg2: memref<4096xi32, #tpu.memory_space<smem>>, %arg3: memref<512xi32, #tpu.memory_space<smem>>) -> (i32, i32, i32) {
    %c0_i32 = arith.constant 0 : i32
    %c0_i32_0 = arith.constant 0 : i32
    %c0_i32_1 = arith.constant 0 : i32
    %c0_i32_2 = arith.constant 0 : i32
    return %c0_i32, %c0_i32_0, %c0_i32_1 : i32, i32, i32
  }
  func.func @transform_16(%arg0: i32, %arg1: memref<4096xi32, #tpu.memory_space<smem>>, %arg2: memref<4096xi32, #tpu.memory_space<smem>>, %arg3: memref<512xi32, #tpu.memory_space<smem>>) -> (i32, i32) {
    %c0_i32 = arith.constant 0 : i32
    %c0_i32_0 = arith.constant 0 : i32
    %c0_i32_1 = arith.constant 0 : i32
    return %c0_i32, %c0_i32_0 : i32, i32
  }
  func.func @transform_17(%arg0: i32, %arg1: memref<4096xi32, #tpu.memory_space<smem>>, %arg2: memref<4096xi32, #tpu.memory_space<smem>>, %arg3: memref<512xi32, #tpu.memory_space<smem>>) -> (i32, i32, i32) {
    %c0_i32 = arith.constant 0 : i32
    %c0_i32_0 = arith.constant 0 : i32
    %c0_i32_1 = arith.constant 0 : i32
    %c0_i32_2 = arith.constant 0 : i32
    return %c0_i32, %c0_i32_0, %c0_i32_1 : i32, i32, i32
  }
  func.func @transform_18(%arg0: i32, %arg1: memref<4096xi32, #tpu.memory_space<smem>>, %arg2: memref<4096xi32, #tpu.memory_space<smem>>, %arg3: memref<512xi32, #tpu.memory_space<smem>>) -> (i32, i32) {
    %c0_i32 = arith.constant 0 : i32
    %c0_i32_0 = arith.constant 0 : i32
    %c0_i32_1 = arith.constant 0 : i32
    return %c0_i32, %c0_i32_0 : i32, i32
  }
  func.func @transform_19(%arg0: i32, %arg1: memref<4096xi32, #tpu.memory_space<smem>>, %arg2: memref<4096xi32, #tpu.memory_space<smem>>, %arg3: memref<512xi32, #tpu.memory_space<smem>>) -> (i32, i32) {
    %c0_i32 = arith.constant 0 : i32
    %c0_i32_0 = arith.constant 0 : i32
    %c0_i32_1 = arith.constant 0 : i32
    return %c0_i32, %c0_i32_0 : i32, i32
  }
  func.func @transform_20(%arg0: i32, %arg1: memref<4096xi32, #tpu.memory_space<smem>>, %arg2: memref<4096xi32, #tpu.memory_space<smem>>, %arg3: memref<512xi32, #tpu.memory_space<smem>>) -> (i32, i32) {
    %c0_i32 = arith.constant 0 : i32
    %c0_i32_0 = arith.constant 0 : i32
    %c0_i32_1 = arith.constant 0 : i32
    return %c0_i32, %c0_i32_0 : i32, i32
  }
  func.func @transform_21(%arg0: i32, %arg1: memref<4096xi32, #tpu.memory_space<smem>>, %arg2: memref<4096xi32, #tpu.memory_space<smem>>, %arg3: memref<512xi32, #tpu.memory_space<smem>>) -> (i32, i32) {
    %c0_i32 = arith.constant 0 : i32
    %c0_i32_0 = arith.constant 0 : i32
    return %arg0, %c0_i32 : i32, i32
  }
}

module attributes {stable_mosaic.version = 14 : i64} {
  func.func @_small_body(%arg0: i32, %arg1: memref<4096xi32, #tpu.memory_space<smem>>, %arg2: memref<16672x64xf32, #tpu.memory_space<vmem>>, %arg3: memref<64x32xf32, #tpu.memory_space<vmem>>, %arg4: memref<2048x1xf32, #tpu.memory_space<vmem>>, %arg5: memref<4x64xf32, #tpu.memory_space<vmem>>, %arg6: memref<64x256xbf16, #tpu.memory_space<vmem>>, %arg7: memref<1x256xf32, #tpu.memory_space<vmem>>, %arg8: memref<256x256xbf16, #tpu.memory_space<vmem>>, %arg9: memref<1x256xf32, #tpu.memory_space<vmem>>, %arg10: memref<6x64xf32, #tpu.memory_space<vmem>>, %arg11: memref<6x64xf32, #tpu.memory_space<vmem>>, %arg12: memref<6x64x192xbf16, #tpu.memory_space<vmem>>, %arg13: memref<6x192xf32, #tpu.memory_space<vmem>>, %arg14: memref<6x64x64xbf16, #tpu.memory_space<vmem>>, %arg15: memref<6x64xf32, #tpu.memory_space<vmem>>, %arg16: memref<6x64xf32, #tpu.memory_space<vmem>>, %arg17: memref<6x64xf32, #tpu.memory_space<vmem>>, %arg18: memref<6x64x256xbf16, #tpu.memory_space<vmem>>, %arg19: memref<6x256xf32, #tpu.memory_space<vmem>>, %arg20: memref<6x256x64xbf16, #tpu.memory_space<vmem>>, %arg21: memref<6x64xf32, #tpu.memory_space<vmem>>, %arg22: memref<1x64xf32, #tpu.memory_space<vmem>>, %arg23: memref<1x64xf32, #tpu.memory_space<vmem>>, %arg24: memref<64x256xf32, #tpu.memory_space<vmem>>, %arg25: memref<2048x64xf32, #tpu.memory_space<vmem>>) attributes {dimension_semantics = [#tpu.dimension_semantics<arbitrary>], iteration_bounds = array<i64: 64>, scalar_prefetch = 1 : i64, scratch_operands = 1 : i64, tpu.core_type = #tpu.core_type<tc>, window_params = [{pipeline_mode = #tpu.pipeline_mode<synchronous>, transform_indices = @transform_0, window_bounds = array<i64: 16672, 64>}, {transform_indices = @transform_1, window_bounds = array<i64: 64, 32>}, {transform_indices = @transform_2, window_bounds = array<i64: 2048, 1>}, {pipeline_mode = #tpu.pipeline_mode<synchronous>, transform_indices = @transform_3, window_bounds = array<i64: 4, 64>}, {pipeline_mode = #tpu.pipeline_mode<synchronous>, transform_indices = @transform_4, window_bounds = array<i64: 64, 256>}, {pipeline_mode = #tpu.pipeline_mode<synchronous>, transform_indices = @transform_5, window_bounds = array<i64: 1, 256>}, {pipeline_mode = #tpu.pipeline_mode<synchronous>, transform_indices = @transform_6, window_bounds = array<i64: 256, 256>}, {pipeline_mode = #tpu.pipeline_mode<synchronous>, transform_indices = @transform_7, window_bounds = array<i64: 1, 256>}, {pipeline_mode = #tpu.pipeline_mode<synchronous>, transform_indices = @transform_8, window_bounds = array<i64: 6, 64>}, {pipeline_mode = #tpu.pipeline_mode<synchronous>, transform_indices = @transform_9, window_bounds = array<i64: 6, 64>}, {pipeline_mode = #tpu.pipeline_mode<synchronous>, transform_indices = @transform_10, window_bounds = array<i64: 6, 64, 192>}, {pipeline_mode = #tpu.pipeline_mode<synchronous>, transform_indices = @transform_11, window_bounds = array<i64: 6, 192>}, {pipeline_mode = #tpu.pipeline_mode<synchronous>, transform_indices = @transform_12, window_bounds = array<i64: 6, 64, 64>}, {pipeline_mode = #tpu.pipeline_mode<synchronous>, transform_indices = @transform_13, window_bounds = array<i64: 6, 64>}, {pipeline_mode = #tpu.pipeline_mode<synchronous>, transform_indices = @transform_14, window_bounds = array<i64: 6, 64>}, {pipeline_mode = #tpu.pipeline_mode<synchronous>, transform_indices = @transform_15, window_bounds = array<i64: 6, 64>}, {pipeline_mode = #tpu.pipeline_mode<synchronous>, transform_indices = @transform_16, window_bounds = array<i64: 6, 64, 256>}, {pipeline_mode = #tpu.pipeline_mode<synchronous>, transform_indices = @transform_17, window_bounds = array<i64: 6, 256>}, {pipeline_mode = #tpu.pipeline_mode<synchronous>, transform_indices = @transform_18, window_bounds = array<i64: 6, 256, 64>}, {pipeline_mode = #tpu.pipeline_mode<synchronous>, transform_indices = @transform_19, window_bounds = array<i64: 6, 64>}, {pipeline_mode = #tpu.pipeline_mode<synchronous>, transform_indices = @transform_20, window_bounds = array<i64: 1, 64>}, {pipeline_mode = #tpu.pipeline_mode<synchronous>, transform_indices = @transform_21, window_bounds = array<i64: 1, 64>}, {transform_indices = @transform_22, window_bounds = array<i64: 64, 256>}]} {
    %mul3A = arith.constant 64 : i32
    %mul3A_0 = arith.muli %arg0, %mul3A : i32
    %get3A = arith.constant 0 : index
    %get3A_1 = arith.constant 0 : index
    %get3A_2 = vector.load %arg5[%get3A, %get3A_1] : memref<4x64xf32, #tpu.memory_space<vmem>>, vector<4x64xf32>
    %convert_element_type3A = arith.truncf %get3A_2 : vector<4x64xf32> to vector<4x64xbf16>
    %get3A_3 = arith.constant 0 : index
    %get3A_4 = arith.constant 0 : index
    %get3A_5 = vector.load %arg6[%get3A_3, %get3A_4] : memref<64x256xbf16, #tpu.memory_space<vmem>>, vector<64x256xbf16>
    %dot_general3A = arith.constant dense<0.000000e+00> : vector<4x256xf32>
    %dot_general3A_6 = tpu.matmul %convert_element_type3A, %get3A_5, %dot_general3A {dimension_numbers = #tpu.dot_dimension_numbers<[1], [0], [0], [1], [0, 0, 1, 1], [], []>, transpose_lhs_hint = false} : vector<4x64xbf16>, vector<64x256xbf16>, vector<4x256xf32> -> vector<4x256xf32>
    %get3A_7 = arith.constant 0 : index
    %get3A_8 = arith.constant 0 : index
    %get3A_9 = vector.load %arg7[%get3A_7, %get3A_8] : memref<1x256xf32, #tpu.memory_space<vmem>>, vector<1x256xf32>
    %add3A = vector.broadcast %get3A_9 : vector<1x256xf32> to vector<4x256xf32>
    %add3A_10 = arith.addf %dot_general3A_6, %add3A : vector<4x256xf32>
    %reduce_sum3A = arith.constant dense<0.000000e+00> : vector<256xf32>
    %reduce_sum3A_11 = vector.multi_reduction <add>, %add3A_10, %reduce_sum3A [0] : vector<4x256xf32> to vector<256xf32>
    %broadcast_in_dim3A = vector.shape_cast %reduce_sum3A_11 : vector<256xf32> to vector<1x256xf32>
    %div3A = arith.constant 4.000000e+00 : f32
    %div3A_12 = vector.broadcast %div3A : f32 to vector<1x256xf32>
    %div3A_13 = arith.divf %broadcast_in_dim3A, %div3A_12 : vector<1x256xf32>
    %slice3A = vector.extract_strided_slice %div3A_13 {offsets = [0, 0], sizes = [1, 64], strides = [1, 1]} : vector<1x256xf32> to vector<1x64xf32>
    %slice3A_14 = vector.extract_strided_slice %div3A_13 {offsets = [0, 64], sizes = [1, 64], strides = [1, 1]} : vector<1x256xf32> to vector<1x64xf32>
    %slice3A_15 = vector.extract_strided_slice %div3A_13 {offsets = [0, 128], sizes = [1, 64], strides = [1, 1]} : vector<1x256xf32> to vector<1x64xf32>
    %slice3A_16 = vector.extract_strided_slice %div3A_13 {offsets = [0, 192], sizes = [1, 64], strides = [1, 1]} : vector<1x256xf32> to vector<1x64xf32>
    %concatenate3A = tpu.concatenate %slice3A, %slice3A_14, %slice3A_15, %slice3A_16 in 0 : vector<1x64xf32>, vector<1x64xf32>, vector<1x64xf32>, vector<1x64xf32> -> vector<4x64xf32>
    %add3A_17 = arith.addf %get3A_2, %concatenate3A : vector<4x64xf32>
    %add3A_18 = arith.constant 0 : i32
    %add3A_19 = arith.addi %mul3A_0, %add3A_18 : i32
    %get3A_20 = arith.index_cast %add3A_19 : i32 to index
    %get3A_21 = memref.load %arg1[%get3A_20] : memref<4096xi32, #tpu.memory_space<smem>>
    %get3A_22 = arith.index_cast %get3A_21 : i32 to index
    %get3A_23 = arith.constant 0 : index
    %get3A_24 = vector.load %arg2[%get3A_22, %get3A_23] : memref<16672x64xf32, #tpu.memory_space<vmem>>, vector<28x64xf32>
    %swap3A = arith.constant 0 : index
    %swap3A_25 = arith.constant 0 : index
    %swap3A_26 = vector.load %arg25[%swap3A, %swap3A_25] : memref<2048x64xf32, #tpu.memory_space<vmem>>, vector<28x64xf32>
    tpu.vector_store %arg25[%swap3A, %swap3A_25], %get3A_24 {strides = array<i32>} : memref<2048x64xf32, #tpu.memory_space<vmem>>, vector<28x64xf32>,
    %add3A_27 = arith.constant 1 : i32
    %add3A_28 = arith.addi %mul3A_0, %add3A_27 : i32
    %get3A_29 = arith.index_cast %add3A_28 : i32 to index
    %get3A_30 = memref.load %arg1[%get3A_29] : memref<4096xi32, #tpu.memory_space<smem>>
    %get3A_31 = arith.index_cast %get3A_30 : i32 to index
    %get3A_32 = arith.constant 0 : index
    %get3A_33 = vector.load %arg2[%get3A_31, %get3A_32] : memref<16672x64xf32, #tpu.memory_space<vmem>>, vector<28x64xf32>
    %swap3A_34 = arith.constant 32 : index
    %swap3A_35 = arith.constant 0 : index
    %swap3A_36 = vector.load %arg25[%swap3A_34, %swap3A_35] : memref<2048x64xf32, #tpu.memory_space<vmem>>, vector<28x64xf32>
    tpu.vector_store %arg25[%swap3A_34, %swap3A_35], %get3A_33 {strides = array<i32>} : memref<2048x64xf32, #tpu.memory_space<vmem>>, vector<28x64xf32>,
    %add3A_37 = arith.constant 2 : i32
    %add3A_38 = arith.addi %mul3A_0, %add3A_37 : i32
    %get3A_39 = arith.index_cast %add3A_38 : i32 to index
    %get3A_40 = memref.load %arg1[%get3A_39] : memref<4096xi32, #tpu.memory_space<smem>>
    %get3A_41 = arith.index_cast %get3A_40 : i32 to index
    %get3A_42 = arith.constant 0 : index
    %get3A_43 = vector.load %arg2[%get3A_41, %get3A_42] : memref<16672x64xf32, #tpu.memory_space<vmem>>, vector<28x64xf32>
    %swap3A_44 = arith.constant 64 : index
    %swap3A_45 = arith.constant 0 : index
    %swap3A_46 = vector.load %arg25[%swap3A_44, %swap3A_45] : memref<2048x64xf32, #tpu.memory_space<vmem>>, vector<28x64xf32>
    tpu.vector_store %arg25[%swap3A_44, %swap3A_45], %get3A_43 {strides = array<i32>} : memref<2048x64xf32, #tpu.memory_space<vmem>>, vector<28x64xf32>,
    %add3A_47 = arith.constant 3 : i32
    %add3A_48 = arith.addi %mul3A_0, %add3A_47 : i32
    %get3A_49 = arith.index_cast %add3A_48 : i32 to index
    %get3A_50 = memref.load %arg1[%get3A_49] : memref<4096xi32, #tpu.memory_space<smem>>
    %get3A_51 = arith.index_cast %get3A_50 : i32 to index
    %get3A_52 = arith.constant 0 : index
    %get3A_53 = vector.load %arg2[%get3A_51, %get3A_52] : memref<16672x64xf32, #tpu.memory_space<vmem>>, vector<28x64xf32>
    %swap3A_54 = arith.constant 96 : index
    %swap3A_55 = arith.constant 0 : index
    %swap3A_56 = vector.load %arg25[%swap3A_54, %swap3A_55] : memref<2048x64xf32, #tpu.memory_space<vmem>>, vector<28x64xf32>
    tpu.vector_store %arg25[%swap3A_54, %swap3A_55], %get3A_53 {strides = array<i32>} : memref<2048x64xf32, #tpu.memory_space<vmem>>, vector<28x64xf32>,
    %add3A_57 = arith.constant 4 : i32
    %add3A_58 = arith.addi %mul3A_0, %add3A_57 : i32
    %get3A_59 = arith.index_cast %add3A_58 : i32 to index
    %get3A_60 = memref.load %arg1[%get3A_59] : memref<4096xi32, #tpu.memory_space<smem>>
    %get3A_61 = arith.index_cast %get3A_60 : i32 to index
    %get3A_62 = arith.constant 0 : index
    %get3A_63 = vector.load %arg2[%get3A_61, %get3A_62] : memref<16672x64xf32, #tpu.memory_space<vmem>>, vector<28x64xf32>
    %swap3A_64 = arith.constant 128 : index
    %swap3A_65 = arith.constant 0 : index
    %swap3A_66 = vector.load %arg25[%swap3A_64, %swap3A_65] : memref<2048x64xf32, #tpu.memory_space<vmem>>, vector<28x64xf32>
    tpu.vector_store %arg25[%swap3A_64, %swap3A_65], %get3A_63 {strides = array<i32>} : memref<2048x64xf32, #tpu.memory_space<vmem>>, vector<28x64xf32>,
    %add3A_67 = arith.constant 5 : i32
    %add3A_68 = arith.addi %mul3A_0, %add3A_67 : i32
    %get3A_69 = arith.index_cast %add3A_68 : i32 to index
    %get3A_70 = memref.load %arg1[%get3A_69] : memref<4096xi32, #tpu.memory_space<smem>>
    %get3A_71 = arith.index_cast %get3A_70 : i32 to index
    %get3A_72 = arith.constant 0 : index
    %get3A_73 = vector.load %arg2[%get3A_71, %get3A_72] : memref<16672x64xf32, #tpu.memory_space<vmem>>, vector<28x64xf32>
    %swap3A_74 = arith.constant 160 : index
    %swap3A_75 = arith.constant 0 : index
    %swap3A_76 = vector.load %arg25[%swap3A_74, %swap3A_75] : memref<2048x64xf32, #tpu.memory_space<vmem>>, vector<28x64xf32>
    tpu.vector_store %arg25[%swap3A_74, %swap3A_75], %get3A_73 {strides = array<i32>} : memref<2048x64xf32, #tpu.memory_space<vmem>>, vector<28x64xf32>,
    %add3A_77 = arith.constant 6 : i32
    %add3A_78 = arith.addi %mul3A_0, %add3A_77 : i32
    %get3A_79 = arith.index_cast %add3A_78 : i32 to index
    %get3A_80 = memref.load %arg1[%get3A_79] : memref<4096xi32, #tpu.memory_space<smem>>
    %get3A_81 = arith.index_cast %get3A_80 : i32 to index
    %get3A_82 = arith.constant 0 : index
    %get3A_83 = vector.load %arg2[%get3A_81, %get3A_82] : memref<16672x64xf32, #tpu.memory_space<vmem>>, vector<28x64xf32>
    %swap3A_84 = arith.constant 192 : index
    %swap3A_85 = arith.constant 0 : index
    %swap3A_86 = vector.load %arg25[%swap3A_84, %swap3A_85] : memref<2048x64xf32, #tpu.memory_space<vmem>>, vector<28x64xf32>
    tpu.vector_store %arg25[%swap3A_84, %swap3A_85], %get3A_83 {strides = array<i32>} : memref<2048x64xf32, #tpu.memory_space<vmem>>, vector<28x64xf32>,
    %add3A_87 = arith.constant 7 : i32
    %add3A_88 = arith.addi %mul3A_0, %add3A_87 : i32
    %get3A_89 = arith.index_cast %add3A_88 : i32 to index
    %get3A_90 = memref.load %arg1[%get3A_89] : memref<4096xi32, #tpu.memory_space<smem>>
    %get3A_91 = arith.index_cast %get3A_90 : i32 to index
    %get3A_92 = arith.constant 0 : index
    %get3A_93 = vector.load %arg2[%get3A_91, %get3A_92] : memref<16672x64xf32, #tpu.memory_space<vmem>>, vector<28x64xf32>
    %swap3A_94 = arith.constant 224 : index
    %swap3A_95 = arith.constant 0 : index
    %swap3A_96 = vector.load %arg25[%swap3A_94, %swap3A_95] : memref<2048x64xf32, #tpu.memory_space<vmem>>, vector<28x64xf32>
    tpu.vector_store %arg25[%swap3A_94, %swap3A_95], %get3A_93 {strides = array<i32>} : memref<2048x64xf32, #tpu.memory_space<vmem>>, vector<28x64xf32>,
    %add3A_97 = arith.constant 8 : i32
    %add3A_98 = arith.addi %mul3A_0, %add3A_97 : i32
    %get3A_99 = arith.index_cast %add3A_98 : i32 to index
    %get3A_100 = memref.load %arg1[%get3A_99] : memref<4096xi32, #tpu.memory_space<smem>>
    %get3A_101 = arith.index_cast %get3A_100 : i32 to index
    %get3A_102 = arith.constant 0 : index
    %get3A_103 = vector.load %arg2[%get3A_101, %get3A_102] : memref<16672x64xf32, #tpu.memory_space<vmem>>, vector<28x64xf32>
    %swap3A_104 = arith.constant 256 : index
    %swap3A_105 = arith.constant 0 : index
    %swap3A_106 = vector.load %arg25[%swap3A_104, %swap3A_105] : memref<2048x64xf32, #tpu.memory_space<vmem>>, vector<28x64xf32>
    tpu.vector_store %arg25[%swap3A_104, %swap3A_105], %get3A_103 {strides = array<i32>} : memref<2048x64xf32, #tpu.memory_space<vmem>>, vector<28x64xf32>,
    %add3A_107 = arith.constant 9 : i32
    %add3A_108 = arith.addi %mul3A_0, %add3A_107 : i32
    %get3A_109 = arith.index_cast %add3A_108 : i32 to index
    %get3A_110 = memref.load %arg1[%get3A_109] : memref<4096xi32, #tpu.memory_space<smem>>
    %get3A_111 = arith.index_cast %get3A_110 : i32 to index
    %get3A_112 = arith.constant 0 : index
    %get3A_113 = vector.load %arg2[%get3A_111, %get3A_112] : memref<16672x64xf32, #tpu.memory_space<vmem>>, vector<28x64xf32>
    %swap3A_114 = arith.constant 288 : index
    %swap3A_115 = arith.constant 0 : index
    %swap3A_116 = vector.load %arg25[%swap3A_114, %swap3A_115] : memref<2048x64xf32, #tpu.memory_space<vmem>>, vector<28x64xf32>
    tpu.vector_store %arg25[%swap3A_114, %swap3A_115], %get3A_113 {strides = array<i32>} : memref<2048x64xf32, #tpu.memory_space<vmem>>, vector<28x64xf32>,
    %add3A_117 = arith.constant 10 : i32
    %add3A_118 = arith.addi %mul3A_0, %add3A_117 : i32
    %get3A_119 = arith.index_cast %add3A_118 : i32 to index
    %get3A_120 = memref.load %arg1[%get3A_119] : memref<4096xi32, #tpu.memory_space<smem>>
    %get3A_121 = arith.index_cast %get3A_120 : i32 to index
    %get3A_122 = arith.constant 0 : index
    %get3A_123 = vector.load %arg2[%get3A_121, %get3A_122] : memref<16672x64xf32, #tpu.memory_space<vmem>>, vector<28x64xf32>
    %swap3A_124 = arith.constant 320 : index
    %swap3A_125 = arith.constant 0 : index
    %swap3A_126 = vector.load %arg25[%swap3A_124, %swap3A_125] : memref<2048x64xf32, #tpu.memory_space<vmem>>, vector<28x64xf32>
    tpu.vector_store %arg25[%swap3A_124, %swap3A_125], %get3A_123 {strides = array<i32>} : memref<2048x64xf32, #tpu.memory_space<vmem>>, vector<28x64xf32>,
    %add3A_127 = arith.constant 11 : i32
    %add3A_128 = arith.addi %mul3A_0, %add3A_127 : i32
    %get3A_129 = arith.index_cast %add3A_128 : i32 to index
    %get3A_130 = memref.load %arg1[%get3A_129] : memref<4096xi32, #tpu.memory_space<smem>>
    %get3A_131 = arith.index_cast %get3A_130 : i32 to index
    %get3A_132 = arith.constant 0 : index
    %get3A_133 = vector.load %arg2[%get3A_131, %get3A_132] : memref<16672x64xf32, #tpu.memory_space<vmem>>, vector<28x64xf32>
    %swap3A_134 = arith.constant 352 : index
    %swap3A_135 = arith.constant 0 : index
    %swap3A_136 = vector.load %arg25[%swap3A_134, %swap3A_135] : memref<2048x64xf32, #tpu.memory_space<vmem>>, vector<28x64xf32>
    tpu.vector_store %arg25[%swap3A_134, %swap3A_135], %get3A_133 {strides = array<i32>} : memref<2048x64xf32, #tpu.memory_space<vmem>>, vector<28x64xf32>,
    %add3A_137 = arith.constant 12 : i32
    %add3A_138 = arith.addi %mul3A_0, %add3A_137 : i32
    %get3A_139 = arith.index_cast %add3A_138 : i32 to index
    %get3A_140 = memref.load %arg1[%get3A_139] : memref<4096xi32, #tpu.memory_space<smem>>
    %get3A_141 = arith.index_cast %get3A_140 : i32 to index
    %get3A_142 = arith.constant 0 : index
    %get3A_143 = vector.load %arg2[%get3A_141, %get3A_142] : memref<16672x64xf32, #tpu.memory_space<vmem>>, vector<28x64xf32>
    %swap3A_144 = arith.constant 384 : index
    %swap3A_145 = arith.constant 0 : index
    %swap3A_146 = vector.load %arg25[%swap3A_144, %swap3A_145] : memref<2048x64xf32, #tpu.memory_space<vmem>>, vector<28x64xf32>
    tpu.vector_store %arg25[%swap3A_144, %swap3A_145], %get3A_143 {strides = array<i32>} : memref<2048x64xf32, #tpu.memory_space<vmem>>, vector<28x64xf32>,
    %add3A_147 = arith.constant 13 : i32
    %add3A_148 = arith.addi %mul3A_0, %add3A_147 : i32
    %get3A_149 = arith.index_cast %add3A_148 : i32 to index
    %get3A_150 = memref.load %arg1[%get3A_149] : memref<4096xi32, #tpu.memory_space<smem>>
    %get3A_151 = arith.index_cast %get3A_150 : i32 to index
    %get3A_152 = arith.constant 0 : index
    %get3A_153 = vector.load %arg2[%get3A_151, %get3A_152] : memref<16672x64xf32, #tpu.memory_space<vmem>>, vector<28x64xf32>
    %swap3A_154 = arith.constant 416 : index
    %swap3A_155 = arith.constant 0 : index
    %swap3A_156 = vector.load %arg25[%swap3A_154, %swap3A_155] : memref<2048x64xf32, #tpu.memory_space<vmem>>, vector<28x64xf32>
    tpu.vector_store %arg25[%swap3A_154, %swap3A_155], %get3A_153 {strides = array<i32>} : memref<2048x64xf32, #tpu.memory_space<vmem>>, vector<28x64xf32>,
    %add3A_157 = arith.constant 14 : i32
    %add3A_158 = arith.addi %mul3A_0, %add3A_157 : i32
    %get3A_159 = arith.index_cast %add3A_158 : i32 to index
    %get3A_160 = memref.load %arg1[%get3A_159] : memref<4096xi32, #tpu.memory_space<smem>>
    %get3A_161 = arith.index_cast %get3A_160 : i32 to index
    %get3A_162 = arith.constant 0 : index
    %get3A_163 = vector.load %arg2[%get3A_161, %get3A_162] : memref<16672x64xf32, #tpu.memory_space<vmem>>, vector<28x64xf32>
    %swap3A_164 = arith.constant 448 : index
    %swap3A_165 = arith.constant 0 : index
    %swap3A_166 = vector.load %arg25[%swap3A_164, %swap3A_165] : memref<2048x64xf32, #tpu.memory_space<vmem>>, vector<28x64xf32>
    tpu.vector_store %arg25[%swap3A_164, %swap3A_165], %get3A_163 {strides = array<i32>} : memref<2048x64xf32, #tpu.memory_space<vmem>>, vector<28x64xf32>,
    %add3A_167 = arith.constant 15 : i32
    %add3A_168 = arith.addi %mul3A_0, %add3A_167 : i32
    %get3A_169 = arith.index_cast %add3A_168 : i32 to index
    %get3A_170 = memref.load %arg1[%get3A_169] : memref<4096xi32, #tpu.memory_space<smem>>
    %get3A_171 = arith.index_cast %get3A_170 : i32 to index
    %get3A_172 = arith.constant 0 : index
    %get3A_173 = vector.load %arg2[%get3A_171, %get3A_172] : memref<16672x64xf32, #tpu.memory_space<vmem>>, vector<28x64xf32>
    %swap3A_174 = arith.constant 480 : index
    %swap3A_175 = arith.constant 0 : index
    %swap3A_176 = vector.load %arg25[%swap3A_174, %swap3A_175] : memref<2048x64xf32, #tpu.memory_space<vmem>>, vector<28x64xf32>
    tpu.vector_store %arg25[%swap3A_174, %swap3A_175], %get3A_173 {strides = array<i32>} : memref<2048x64xf32, #tpu.memory_space<vmem>>, vector<28x64xf32>,
    %add3A_177 = arith.constant 16 : i32
    %add3A_178 = arith.addi %mul3A_0, %add3A_177 : i32
    %get3A_179 = arith.index_cast %add3A_178 : i32 to index
    %get3A_180 = memref.load %arg1[%get3A_179] : memref<4096xi32, #tpu.memory_space<smem>>
    %get3A_181 = arith.index_cast %get3A_180 : i32 to index
    %get3A_182 = arith.constant 0 : index
    %get3A_183 = vector.load %arg2[%get3A_181, %get3A_182] : memref<16672x64xf32, #tpu.memory_space<vmem>>, vector<28x64xf32>
    %swap3A_184 = arith.constant 512 : index
    %swap3A_185 = arith.constant 0 : index
    %swap3A_186 = vector.load %arg25[%swap3A_184, %swap3A_185] : memref<2048x64xf32, #tpu.memory_space<vmem>>, vector<28x64xf32>
    tpu.vector_store %arg25[%swap3A_184, %swap3A_185], %get3A_183 {strides = array<i32>} : memref<2048x64xf32, #tpu.memory_space<vmem>>, vector<28x64xf32>,
    %add3A_187 = arith.constant 17 : i32
    %add3A_188 = arith.addi %mul3A_0, %add3A_187 : i32
    %get3A_189 = arith.index_cast %add3A_188 : i32 to index
    %get3A_190 = memref.load %arg1[%get3A_189] : memref<4096xi32, #tpu.memory_space<smem>>
    %get3A_191 = arith.index_cast %get3A_190 : i32 to index
    %get3A_192 = arith.constant 0 : index
    %get3A_193 = vector.load %arg2[%get3A_191, %get3A_192] : memref<16672x64xf32, #tpu.memory_space<vmem>>, vector<28x64xf32>
    %swap3A_194 = arith.constant 544 : index
    %swap3A_195 = arith.constant 0 : index
    %swap3A_196 = vector.load %arg25[%swap3A_194, %swap3A_195] : memref<2048x64xf32, #tpu.memory_space<vmem>>, vector<28x64xf32>
    tpu.vector_store %arg25[%swap3A_194, %swap3A_195], %get3A_193 {strides = array<i32>} : memref<2048x64xf32, #tpu.memory_space<vmem>>, vector<28x64xf32>,
    %add3A_197 = arith.constant 18 : i32
    %add3A_198 = arith.addi %mul3A_0, %add3A_197 : i32
    %get3A_199 = arith.index_cast %add3A_198 : i32 to index
    %get3A_200 = memref.load %arg1[%get3A_199] : memref<4096xi32, #tpu.memory_space<smem>>
    %get3A_201 = arith.index_cast %get3A_200 : i32 to index
    %get3A_202 = arith.constant 0 : index
    %get3A_203 = vector.load %arg2[%get3A_201, %get3A_202] : memref<16672x64xf32, #tpu.memory_space<vmem>>, vector<28x64xf32>
    %swap3A_204 = arith.constant 576 : index
    %swap3A_205 = arith.constant 0 : index
    %swap3A_206 = vector.load %arg25[%swap3A_204, %swap3A_205] : memref<2048x64xf32, #tpu.memory_space<vmem>>, vector<28x64xf32>
    tpu.vector_store %arg25[%swap3A_204, %swap3A_205], %get3A_203 {strides = array<i32>} : memref<2048x64xf32, #tpu.memory_space<vmem>>, vector<28x64xf32>,
    %add3A_207 = arith.constant 19 : i32
    %add3A_208 = arith.addi %mul3A_0, %add3A_207 : i32
    %get3A_209 = arith.index_cast %add3A_208 : i32 to index
    %get3A_210 = memref.load %arg1[%get3A_209] : memref<4096xi32, #tpu.memory_space<smem>>
    %get3A_211 = arith.index_cast %get3A_210 : i32 to index
    %get3A_212 = arith.constant 0 : index
    %get3A_213 = vector.load %arg2[%get3A_211, %get3A_212] : memref<16672x64xf32, #tpu.memory_space<vmem>>, vector<28x64xf32>
    %swap3A_214 = arith.constant 608 : index
    %swap3A_215 = arith.constant 0 : index
    %swap3A_216 = vector.load %arg25[%swap3A_214, %swap3A_215] : memref<2048x64xf32, #tpu.memory_space<vmem>>, vector<28x64xf32>
    tpu.vector_store %arg25[%swap3A_214, %swap3A_215], %get3A_213 {strides = array<i32>} : memref<2048x64xf32, #tpu.memory_space<vmem>>, vector<28x64xf32>,
    %add3A_217 = arith.constant 20 : i32
    %add3A_218 = arith.addi %mul3A_0, %add3A_217 : i32
    %get3A_219 = arith.index_cast %add3A_218 : i32 to index
    %get3A_220 = memref.load %arg1[%get3A_219] : memref<4096xi32, #tpu.memory_space<smem>>
    %get3A_221 = arith.index_cast %get3A_220 : i32 to index
    %get3A_222 = arith.constant 0 : index
    %get3A_223 = vector.load %arg2[%get3A_221, %get3A_222] : memref<16672x64xf32, #tpu.memory_space<vmem>>, vector<28x64xf32>
    %swap3A_224 = arith.constant 640 : index
    %swap3A_225 = arith.constant 0 : index
    %swap3A_226 = vector.load %arg25[%swap3A_224, %swap3A_225] : memref<2048x64xf32, #tpu.memory_space<vmem>>, vector<28x64xf32>
    tpu.vector_store %arg25[%swap3A_224, %swap3A_225], %get3A_223 {strides = array<i32>} : memref<2048x64xf32, #tpu.memory_space<vmem>>, vector<28x64xf32>,
    %add3A_227 = arith.constant 21 : i32
    %add3A_228 = arith.addi %mul3A_0, %add3A_227 : i32
    %get3A_229 = arith.index_cast %add3A_228 : i32 to index
    %get3A_230 = memref.load %arg1[%get3A_229] : memref<4096xi32, #tpu.memory_space<smem>>
    %get3A_231 = arith.index_cast %get3A_230 : i32 to index
    %get3A_232 = arith.constant 0 : index
    %get3A_233 = vector.load %arg2[%get3A_231, %get3A_232] : memref<16672x64xf32, #tpu.memory_space<vmem>>, vector<28x64xf32>
    %swap3A_234 = arith.constant 672 : index
    %swap3A_235 = arith.constant 0 : index
    %swap3A_236 = vector.load %arg25[%swap3A_234, %swap3A_235] : memref<2048x64xf32, #tpu.memory_space<vmem>>, vector<28x64xf32>
    tpu.vector_store %arg25[%swap3A_234, %swap3A_235], %get3A_233 {strides = array<i32>} : memref<2048x64xf32, #tpu.memory_space<vmem>>, vector<28x64xf32>,
    %add3A_237 = arith.constant 22 : i32
    %add3A_238 = arith.addi %mul3A_0, %add3A_237 : i32
    %get3A_239 = arith.index_cast %add3A_238 : i32 to index
    %get3A_240 = memref.load %arg1[%get3A_239] : memref<4096xi32, #tpu.memory_space<smem>>
    %get3A_241 = arith.index_cast %get3A_240 : i32 to index
    %get3A_242 = arith.constant 0 : index
    %get3A_243 = vector.load %arg2[%get3A_241, %get3A_242] : memref<16672x64xf32, #tpu.memory_space<vmem>>, vector<28x64xf32>
    %swap3A_244 = arith.constant 704 : index
    %swap3A_245 = arith.constant 0 : index
    %swap3A_246 = vector.load %arg25[%swap3A_244, %swap3A_245] : memref<2048x64xf32, #tpu.memory_space<vmem>>, vector<28x64xf32>
    tpu.vector_store %arg25[%swap3A_244, %swap3A_245], %get3A_243 {strides = array<i32>} : memref<2048x64xf32, #tpu.memory_space<vmem>>, vector<28x64xf32>,
    %add3A_247 = arith.constant 23 : i32
    %add3A_248 = arith.addi %mul3A_0, %add3A_247 : i32
    %get3A_249 = arith.index_cast %add3A_248 : i32 to index
    %get3A_250 = memref.load %arg1[%get3A_249] : memref<4096xi32, #tpu.memory_space<smem>>
    %get3A_251 = arith.index_cast %get3A_250 : i32 to index
    %get3A_252 = arith.constant 0 : index
    %get3A_253 = vector.load %arg2[%get3A_251, %get3A_252] : memref<16672x64xf32, #tpu.memory_space<vmem>>, vector<28x64xf32>
    %swap3A_254 = arith.constant 736 : index
    %swap3A_255 = arith.constant 0 : index
    %swap3A_256 = vector.load %arg25[%swap3A_254, %swap3A_255] : memref<2048x64xf32, #tpu.memory_space<vmem>>, vector<28x64xf32>
    tpu.vector_store %arg25[%swap3A_254, %swap3A_255], %get3A_253 {strides = array<i32>} : memref<2048x64xf32, #tpu.memory_space<vmem>>, vector<28x64xf32>,
    %add3A_257 = arith.constant 24 : i32
    %add3A_258 = arith.addi %mul3A_0, %add3A_257 : i32
    %get3A_259 = arith.index_cast %add3A_258 : i32 to index
    %get3A_260 = memref.load %arg1[%get3A_259] : memref<4096xi32, #tpu.memory_space<smem>>
    %get3A_261 = arith.index_cast %get3A_260 : i32 to index
    %get3A_262 = arith.constant 0 : index
    %get3A_263 = vector.load %arg2[%get3A_261, %get3A_262] : memref<16672x64xf32, #tpu.memory_space<vmem>>, vector<28x64xf32>
    %swap3A_264 = arith.constant 768 : index
    %swap3A_265 = arith.constant 0 : index
    %swap3A_266 = vector.load %arg25[%swap3A_264, %swap3A_265] : memref<2048x64xf32, #tpu.memory_space<vmem>>, vector<28x64xf32>
    tpu.vector_store %arg25[%swap3A_264, %swap3A_265], %get3A_263 {strides = array<i32>} : memref<2048x64xf32, #tpu.memory_space<vmem>>, vector<28x64xf32>,
    %add3A_267 = arith.constant 25 : i32
    %add3A_268 = arith.addi %mul3A_0, %add3A_267 : i32
    %get3A_269 = arith.index_cast %add3A_268 : i32 to index
    %get3A_270 = memref.load %arg1[%get3A_269] : memref<4096xi32, #tpu.memory_space<smem>>
    %get3A_271 = arith.index_cast %get3A_270 : i32 to index
    %get3A_272 = arith.constant 0 : index
    %get3A_273 = vector.load %arg2[%get3A_271, %get3A_272] : memref<16672x64xf32, #tpu.memory_space<vmem>>, vector<28x64xf32>
    %swap3A_274 = arith.constant 800 : index
    %swap3A_275 = arith.constant 0 : index
    %swap3A_276 = vector.load %arg25[%swap3A_274, %swap3A_275] : memref<2048x64xf32, #tpu.memory_space<vmem>>, vector<28x64xf32>
    tpu.vector_store %arg25[%swap3A_274, %swap3A_275], %get3A_273 {strides = array<i32>} : memref<2048x64xf32, #tpu.memory_space<vmem>>, vector<28x64xf32>,
    %add3A_277 = arith.constant 26 : i32
    %add3A_278 = arith.addi %mul3A_0, %add3A_277 : i32
    %get3A_279 = arith.index_cast %add3A_278 : i32 to index
    %get3A_280 = memref.load %arg1[%get3A_279] : memref<4096xi32, #tpu.memory_space<smem>>
    %get3A_281 = arith.index_cast %get3A_280 : i32 to index
    %get3A_282 = arith.constant 0 : index
    %get3A_283 = vector.load %arg2[%get3A_281, %get3A_282] : memref<16672x64xf32, #tpu.memory_space<vmem>>, vector<28x64xf32>
    %swap3A_284 = arith.constant 832 : index
    %swap3A_285 = arith.constant 0 : index
    %swap3A_286 = vector.load %arg25[%swap3A_284, %swap3A_285] : memref<2048x64xf32, #tpu.memory_space<vmem>>, vector<28x64xf32>
    tpu.vector_store %arg25[%swap3A_284, %swap3A_285], %get3A_283 {strides = array<i32>} : memref<2048x64xf32, #tpu.memory_space<vmem>>, vector<28x64xf32>,
    %add3A_287 = arith.constant 27 : i32
    %add3A_288 = arith.addi %mul3A_0, %add3A_287 : i32
    %get3A_289 = arith.index_cast %add3A_288 : i32 to index
    %get3A_290 = memref.load %arg1[%get3A_289] : memref<4096xi32, #tpu.memory_space<smem>>
    %get3A_291 = arith.index_cast %get3A_290 : i32 to index
    %get3A_292 = arith.constant 0 : index
    %get3A_293 = vector.load %arg2[%get3A_291, %get3A_292] : memref<16672x64xf32, #tpu.memory_space<vmem>>, vector<28x64xf32>
    %swap3A_294 = arith.constant 864 : index
    %swap3A_295 = arith.constant 0 : index
    %swap3A_296 = vector.load %arg25[%swap3A_294, %swap3A_295] : memref<2048x64xf32, #tpu.memory_space<vmem>>, vector<28x64xf32>
    tpu.vector_store %arg25[%swap3A_294, %swap3A_295], %get3A_293 {strides = array<i32>} : memref<2048x64xf32, #tpu.memory_space<vmem>>, vector<28x64xf32>,
    %add3A_297 = arith.constant 28 : i32
    %add3A_298 = arith.addi %mul3A_0, %add3A_297 : i32
    %get3A_299 = arith.index_cast %add3A_298 : i32 to index
    %get3A_300 = memref.load %arg1[%get3A_299] : memref<4096xi32, #tpu.memory_space<smem>>
    %get3A_301 = arith.index_cast %get3A_300 : i32 to index
    %get3A_302 = arith.constant 0 : index
    %get3A_303 = vector.load %arg2[%get3A_301, %get3A_302] : memref<16672x64xf32, #tpu.memory_space<vmem>>, vector<28x64xf32>
    %swap3A_304 = arith.constant 896 : index
    %swap3A_305 = arith.constant 0 : index
    %swap3A_306 = vector.load %arg25[%swap3A_304, %swap3A_305] : memref<2048x64xf32, #tpu.memory_space<vmem>>, vector<28x64xf32>
    tpu.vector_store %arg25[%swap3A_304, %swap3A_305], %get3A_303 {strides = array<i32>} : memref<2048x64xf32, #tpu.memory_space<vmem>>, vector<28x64xf32>,
    %add3A_307 = arith.constant 29 : i32
    %add3A_308 = arith.addi %mul3A_0, %add3A_307 : i32
    %get3A_309 = arith.index_cast %add3A_308 : i32 to index
    %get3A_310 = memref.load %arg1[%get3A_309] : memref<4096xi32, #tpu.memory_space<smem>>
    %get3A_311 = arith.index_cast %get3A_310 : i32 to index
    %get3A_312 = arith.constant 0 : index
    %get3A_313 = vector.load %arg2[%get3A_311, %get3A_312] : memref<16672x64xf32, #tpu.memory_space<vmem>>, vector<28x64xf32>
    %swap3A_314 = arith.constant 928 : index
    %swap3A_315 = arith.constant 0 : index
    %swap3A_316 = vector.load %arg25[%swap3A_314, %swap3A_315] : memref<2048x64xf32, #tpu.memory_space<vmem>>, vector<28x64xf32>
    tpu.vector_store %arg25[%swap3A_314, %swap3A_315], %get3A_313 {strides = array<i32>} : memref<2048x64xf32, #tpu.memory_space<vmem>>, vector<28x64xf32>,
    %add3A_317 = arith.constant 30 : i32
    %add3A_318 = arith.addi %mul3A_0, %add3A_317 : i32
    %get3A_319 = arith.index_cast %add3A_318 : i32 to index
    %get3A_320 = memref.load %arg1[%get3A_319] : memref<4096xi32, #tpu.memory_space<smem>>
    %get3A_321 = arith.index_cast %get3A_320 : i32 to index
    %get3A_322 = arith.constant 0 : index
    %get3A_323 = vector.load %arg2[%get3A_321, %get3A_322] : memref<16672x64xf32, #tpu.memory_space<vmem>>, vector<28x64xf32>
    %swap3A_324 = arith.constant 960 : index
    %swap3A_325 = arith.constant 0 : index
    %swap3A_326 = vector.load %arg25[%swap3A_324, %swap3A_325] : memref<2048x64xf32, #tpu.memory_space<vmem>>, vector<28x64xf32>
    tpu.vector_store %arg25[%swap3A_324, %swap3A_325], %get3A_323 {strides = array<i32>} : memref<2048x64xf32, #tpu.memory_space<vmem>>, vector<28x64xf32>,
    %add3A_327 = arith.constant 31 : i32
    %add3A_328 = arith.addi %mul3A_0, %add3A_327 : i32
    %get3A_329 = arith.index_cast %add3A_328 : i32 to index
    %get3A_330 = memref.load %arg1[%get3A_329] : memref<4096xi32, #tpu.memory_space<smem>>
    %get3A_331 = arith.index_cast %get3A_330 : i32 to index
    %get3A_332 = arith.constant 0 : index
    %get3A_333 = vector.load %arg2[%get3A_331, %get3A_332] : memref<16672x64xf32, #tpu.memory_space<vmem>>, vector<28x64xf32>
    %swap3A_334 = arith.constant 992 : index
    %swap3A_335 = arith.constant 0 : index
    %swap3A_336 = vector.load %arg25[%swap3A_334, %swap3A_335] : memref<2048x64xf32, #tpu.memory_space<vmem>>, vector<28x64xf32>
    tpu.vector_store %arg25[%swap3A_334, %swap3A_335], %get3A_333 {strides = array<i32>} : memref<2048x64xf32, #tpu.memory_space<vmem>>, vector<28x64xf32>,
    %add3A_337 = arith.constant 32 : i32
    %add3A_338 = arith.addi %mul3A_0, %add3A_337 : i32
    %get3A_339 = arith.index_cast %add3A_338 : i32 to index
    %get3A_340 = memref.load %arg1[%get3A_339] : memref<4096xi32, #tpu.memory_space<smem>>
    %get3A_341 = arith.index_cast %get3A_340 : i32 to index
    %get3A_342 = arith.constant 0 : index
    %get3A_343 = vector.load %arg2[%get3A_341, %get3A_342] : memref<16672x64xf32, #tpu.memory_space<vmem>>, vector<28x64xf32>
    %swap3A_344 = arith.constant 1024 : index
    %swap3A_345 = arith.constant 0 : index
    %swap3A_346 = vector.load %arg25[%swap3A_344, %swap3A_345] : memref<2048x64xf32, #tpu.memory_space<vmem>>, vector<28x64xf32>
    tpu.vector_store %arg25[%swap3A_344, %swap3A_345], %get3A_343 {strides = array<i32>} : memref<2048x64xf32, #tpu.memory_space<vmem>>, vector<28x64xf32>,
    %add3A_347 = arith.constant 33 : i32
    %add3A_348 = arith.addi %mul3A_0, %add3A_347 : i32
    %get3A_349 = arith.index_cast %add3A_348 : i32 to index
    %get3A_350 = memref.load %arg1[%get3A_349] : memref<4096xi32, #tpu.memory_space<smem>>
    %get3A_351 = arith.index_cast %get3A_350 : i32 to index
    %get3A_352 = arith.constant 0 : index
    %get3A_353 = vector.load %arg2[%get3A_351, %get3A_352] : memref<16672x64xf32, #tpu.memory_space<vmem>>, vector<28x64xf32>
    %swap3A_354 = arith.constant 1056 : index
    %swap3A_355 = arith.constant 0 : index
    %swap3A_356 = vector.load %arg25[%swap3A_354, %swap3A_355] : memref<2048x64xf32, #tpu.memory_space<vmem>>, vector<28x64xf32>
    tpu.vector_store %arg25[%swap3A_354, %swap3A_355], %get3A_353 {strides = array<i32>} : memref<2048x64xf32, #tpu.memory_space<vmem>>, vector<28x64xf32>,
    %add3A_357 = arith.constant 34 : i32
    %add3A_358 = arith.addi %mul3A_0, %add3A_357 : i32
    %get3A_359 = arith.index_cast %add3A_358 : i32 to index
    %get3A_360 = memref.load %arg1[%get3A_359] : memref<4096xi32, #tpu.memory_space<smem>>
    %get3A_361 = arith.index_cast %get3A_360 : i32 to index
    %get3A_362 = arith.constant 0 : index
    %get3A_363 = vector.load %arg2[%get3A_361, %get3A_362] : memref<16672x64xf32, #tpu.memory_space<vmem>>, vector<28x64xf32>
    %swap3A_364 = arith.constant 1088 : index
    %swap3A_365 = arith.constant 0 : index
    %swap3A_366 = vector.load %arg25[%swap3A_364, %swap3A_365] : memref<2048x64xf32, #tpu.memory_space<vmem>>, vector<28x64xf32>
    tpu.vector_store %arg25[%swap3A_364, %swap3A_365], %get3A_363 {strides = array<i32>} : memref<2048x64xf32, #tpu.memory_space<vmem>>, vector<28x64xf32>,
    %add3A_367 = arith.constant 35 : i32
    %add3A_368 = arith.addi %mul3A_0, %add3A_367 : i32
    %get3A_369 = arith.index_cast %add3A_368 : i32 to index
    %get3A_370 = memref.load %arg1[%get3A_369] : memref<4096xi32, #tpu.memory_space<smem>>
    %get3A_371 = arith.index_cast %get3A_370 : i32 to index
    %get3A_372 = arith.constant 0 : index
    %get3A_373 = vector.load %arg2[%get3A_371, %get3A_372] : memref<16672x64xf32, #tpu.memory_space<vmem>>, vector<28x64xf32>
    %swap3A_374 = arith.constant 1120 : index
    %swap3A_375 = arith.constant 0 : index
    %swap3A_376 = vector.load %arg25[%swap3A_374, %swap3A_375] : memref<2048x64xf32, #tpu.memory_space<vmem>>, vector<28x64xf32>
    tpu.vector_store %arg25[%swap3A_374, %swap3A_375], %get3A_373 {strides = array<i32>} : memref<2048x64xf32, #tpu.memory_space<vmem>>, vector<28x64xf32>,
    %add3A_377 = arith.constant 36 : i32
    %add3A_378 = arith.addi %mul3A_0, %add3A_377 : i32
    %get3A_379 = arith.index_cast %add3A_378 : i32 to index
    %get3A_380 = memref.load %arg1[%get3A_379] : memref<4096xi32, #tpu.memory_space<smem>>
    %get3A_381 = arith.index_cast %get3A_380 : i32 to index
    %get3A_382 = arith.constant 0 : index
    %get3A_383 = vector.load %arg2[%get3A_381, %get3A_382] : memref<16672x64xf32, #tpu.memory_space<vmem>>, vector<28x64xf32>
    %swap3A_384 = arith.constant 1152 : index
    %swap3A_385 = arith.constant 0 : index
    %swap3A_386 = vector.load %arg25[%swap3A_384, %swap3A_385] : memref<2048x64xf32, #tpu.memory_space<vmem>>, vector<28x64xf32>
    tpu.vector_store %arg25[%swap3A_384, %swap3A_385], %get3A_383 {strides = array<i32>} : memref<2048x64xf32, #tpu.memory_space<vmem>>, vector<28x64xf32>,
    %add3A_387 = arith.constant 37 : i32
    %add3A_388 = arith.addi %mul3A_0, %add3A_387 : i32
    %get3A_389 = arith.index_cast %add3A_388 : i32 to index
    %get3A_390 = memref.load %arg1[%get3A_389] : memref<4096xi32, #tpu.memory_space<smem>>
    %get3A_391 = arith.index_cast %get3A_390 : i32 to index
    %get3A_392 = arith.constant 0 : index
    %get3A_393 = vector.load %arg2[%get3A_391, %get3A_392] : memref<16672x64xf32, #tpu.memory_space<vmem>>, vector<28x64xf32>
    %swap3A_394 = arith.constant 1184 : index
    %swap3A_395 = arith.constant 0 : index
    %swap3A_396 = vector.load %arg25[%swap3A_394, %swap3A_395] : memref<2048x64xf32, #tpu.memory_space<vmem>>, vector<28x64xf32>
    tpu.vector_store %arg25[%swap3A_394, %swap3A_395], %get3A_393 {strides = array<i32>} : memref<2048x64xf32, #tpu.memory_space<vmem>>, vector<28x64xf32>,
    %add3A_397 = arith.constant 38 : i32
    %add3A_398 = arith.addi %mul3A_0, %add3A_397 : i32
    %get3A_399 = arith.index_cast %add3A_398 : i32 to index
    %get3A_400 = memref.load %arg1[%get3A_399] : memref<4096xi32, #tpu.memory_space<smem>>
    %get3A_401 = arith.index_cast %get3A_400 : i32 to index
    %get3A_402 = arith.constant 0 : index
    %get3A_403 = vector.load %arg2[%get3A_401, %get3A_402] : memref<16672x64xf32, #tpu.memory_space<vmem>>, vector<28x64xf32>
    %swap3A_404 = arith.constant 1216 : index
    %swap3A_405 = arith.constant 0 : index
    %swap3A_406 = vector.load %arg25[%swap3A_404, %swap3A_405] : memref<2048x64xf32, #tpu.memory_space<vmem>>, vector<28x64xf32>
    tpu.vector_store %arg25[%swap3A_404, %swap3A_405], %get3A_403 {strides = array<i32>} : memref<2048x64xf32, #tpu.memory_space<vmem>>, vector<28x64xf32>,
    %add3A_407 = arith.constant 39 : i32
    %add3A_408 = arith.addi %mul3A_0, %add3A_407 : i32
    %get3A_409 = arith.index_cast %add3A_408 : i32 to index
    %get3A_410 = memref.load %arg1[%get3A_409] : memref<4096xi32, #tpu.memory_space<smem>>
    %get3A_411 = arith.index_cast %get3A_410 : i32 to index
    %get3A_412 = arith.constant 0 : index
    %get3A_413 = vector.load %arg2[%get3A_411, %get3A_412] : memref<16672x64xf32, #tpu.memory_space<vmem>>, vector<28x64xf32>
    %swap3A_414 = arith.constant 1248 : index
    %swap3A_415 = arith.constant 0 : index
    %swap3A_416 = vector.load %arg25[%swap3A_414, %swap3A_415] : memref<2048x64xf32, #tpu.memory_space<vmem>>, vector<28x64xf32>
    tpu.vector_store %arg25[%swap3A_414, %swap3A_415], %get3A_413 {strides = array<i32>} : memref<2048x64xf32, #tpu.memory_space<vmem>>, vector<28x64xf32>,
    %add3A_417 = arith.constant 40 : i32
    %add3A_418 = arith.addi %mul3A_0, %add3A_417 : i32
    %get3A_419 = arith.index_cast %add3A_418 : i32 to index
    %get3A_420 = memref.load %arg1[%get3A_419] : memref<4096xi32, #tpu.memory_space<smem>>
    %get3A_421 = arith.index_cast %get3A_420 : i32 to index
    %get3A_422 = arith.constant 0 : index
    %get3A_423 = vector.load %arg2[%get3A_421, %get3A_422] : memref<16672x64xf32, #tpu.memory_space<vmem>>, vector<28x64xf32>
    %swap3A_424 = arith.constant 1280 : index
    %swap3A_425 = arith.constant 0 : index
    %swap3A_426 = vector.load %arg25[%swap3A_424, %swap3A_425] : memref<2048x64xf32, #tpu.memory_space<vmem>>, vector<28x64xf32>
    tpu.vector_store %arg25[%swap3A_424, %swap3A_425], %get3A_423 {strides = array<i32>} : memref<2048x64xf32, #tpu.memory_space<vmem>>, vector<28x64xf32>,
    %add3A_427 = arith.constant 41 : i32
    %add3A_428 = arith.addi %mul3A_0, %add3A_427 : i32
    %get3A_429 = arith.index_cast %add3A_428 : i32 to index
    %get3A_430 = memref.load %arg1[%get3A_429] : memref<4096xi32, #tpu.memory_space<smem>>
    %get3A_431 = arith.index_cast %get3A_430 : i32 to index
    %get3A_432 = arith.constant 0 : index
    %get3A_433 = vector.load %arg2[%get3A_431, %get3A_432] : memref<16672x64xf32, #tpu.memory_space<vmem>>, vector<28x64xf32>
    %swap3A_434 = arith.constant 1312 : index
    %swap3A_435 = arith.constant 0 : index
    %swap3A_436 = vector.load %arg25[%swap3A_434, %swap3A_435] : memref<2048x64xf32, #tpu.memory_space<vmem>>, vector<28x64xf32>
    tpu.vector_store %arg25[%swap3A_434, %swap3A_435], %get3A_433 {strides = array<i32>} : memref<2048x64xf32, #tpu.memory_space<vmem>>, vector<28x64xf32>,
    %add3A_437 = arith.constant 42 : i32
    %add3A_438 = arith.addi %mul3A_0, %add3A_437 : i32
    %get3A_439 = arith.index_cast %add3A_438 : i32 to index
    %get3A_440 = memref.load %arg1[%get3A_439] : memref<4096xi32, #tpu.memory_space<smem>>
    %get3A_441 = arith.index_cast %get3A_440 : i32 to index
    %get3A_442 = arith.constant 0 : index
    %get3A_443 = vector.load %arg2[%get3A_441, %get3A_442] : memref<16672x64xf32, #tpu.memory_space<vmem>>, vector<28x64xf32>
    %swap3A_444 = arith.constant 1344 : index
    %swap3A_445 = arith.constant 0 : index
    %swap3A_446 = vector.load %arg25[%swap3A_444, %swap3A_445] : memref<2048x64xf32, #tpu.memory_space<vmem>>, vector<28x64xf32>
    tpu.vector_store %arg25[%swap3A_444, %swap3A_445], %get3A_443 {strides = array<i32>} : memref<2048x64xf32, #tpu.memory_space<vmem>>, vector<28x64xf32>,
    %add3A_447 = arith.constant 43 : i32
    %add3A_448 = arith.addi %mul3A_0, %add3A_447 : i32
    %get3A_449 = arith.index_cast %add3A_448 : i32 to index
    %get3A_450 = memref.load %arg1[%get3A_449] : memref<4096xi32, #tpu.memory_space<smem>>
    %get3A_451 = arith.index_cast %get3A_450 : i32 to index
    %get3A_452 = arith.constant 0 : index
    %get3A_453 = vector.load %arg2[%get3A_451, %get3A_452] : memref<16672x64xf32, #tpu.memory_space<vmem>>, vector<28x64xf32>
    %swap3A_454 = arith.constant 1376 : index
    %swap3A_455 = arith.constant 0 : index
    %swap3A_456 = vector.load %arg25[%swap3A_454, %swap3A_455] : memref<2048x64xf32, #tpu.memory_space<vmem>>, vector<28x64xf32>
    tpu.vector_store %arg25[%swap3A_454, %swap3A_455], %get3A_453 {strides = array<i32>} : memref<2048x64xf32, #tpu.memory_space<vmem>>, vector<28x64xf32>,
    %add3A_457 = arith.constant 44 : i32
    %add3A_458 = arith.addi %mul3A_0, %add3A_457 : i32
    %get3A_459 = arith.index_cast %add3A_458 : i32 to index
    %get3A_460 = memref.load %arg1[%get3A_459] : memref<4096xi32, #tpu.memory_space<smem>>
    %get3A_461 = arith.index_cast %get3A_460 : i32 to index
    %get3A_462 = arith.constant 0 : index
    %get3A_463 = vector.load %arg2[%get3A_461, %get3A_462] : memref<16672x64xf32, #tpu.memory_space<vmem>>, vector<28x64xf32>
    %swap3A_464 = arith.constant 1408 : index
    %swap3A_465 = arith.constant 0 : index
    %swap3A_466 = vector.load %arg25[%swap3A_464, %swap3A_465] : memref<2048x64xf32, #tpu.memory_space<vmem>>, vector<28x64xf32>
    tpu.vector_store %arg25[%swap3A_464, %swap3A_465], %get3A_463 {strides = array<i32>} : memref<2048x64xf32, #tpu.memory_space<vmem>>, vector<28x64xf32>,
    %add3A_467 = arith.constant 45 : i32
    %add3A_468 = arith.addi %mul3A_0, %add3A_467 : i32
    %get3A_469 = arith.index_cast %add3A_468 : i32 to index
    %get3A_470 = memref.load %arg1[%get3A_469] : memref<4096xi32, #tpu.memory_space<smem>>
    %get3A_471 = arith.index_cast %get3A_470 : i32 to index
    %get3A_472 = arith.constant 0 : index
    %get3A_473 = vector.load %arg2[%get3A_471, %get3A_472] : memref<16672x64xf32, #tpu.memory_space<vmem>>, vector<28x64xf32>
    %swap3A_474 = arith.constant 1440 : index
    %swap3A_475 = arith.constant 0 : index
    %swap3A_476 = vector.load %arg25[%swap3A_474, %swap3A_475] : memref<2048x64xf32, #tpu.memory_space<vmem>>, vector<28x64xf32>
    tpu.vector_store %arg25[%swap3A_474, %swap3A_475], %get3A_473 {strides = array<i32>} : memref<2048x64xf32, #tpu.memory_space<vmem>>, vector<28x64xf32>,
    %add3A_477 = arith.constant 46 : i32
    %add3A_478 = arith.addi %mul3A_0, %add3A_477 : i32
    %get3A_479 = arith.index_cast %add3A_478 : i32 to index
    %get3A_480 = memref.load %arg1[%get3A_479] : memref<4096xi32, #tpu.memory_space<smem>>
    %get3A_481 = arith.index_cast %get3A_480 : i32 to index
    %get3A_482 = arith.constant 0 : index
    %get3A_483 = vector.load %arg2[%get3A_481, %get3A_482] : memref<16672x64xf32, #tpu.memory_space<vmem>>, vector<28x64xf32>
    %swap3A_484 = arith.constant 1472 : index
    %swap3A_485 = arith.constant 0 : index
    %swap3A_486 = vector.load %arg25[%swap3A_484, %swap3A_485] : memref<2048x64xf32, #tpu.memory_space<vmem>>, vector<28x64xf32>
    tpu.vector_store %arg25[%swap3A_484, %swap3A_485], %get3A_483 {strides = array<i32>} : memref<2048x64xf32, #tpu.memory_space<vmem>>, vector<28x64xf32>,
    %add3A_487 = arith.constant 47 : i32
    %add3A_488 = arith.addi %mul3A_0, %add3A_487 : i32
    %get3A_489 = arith.index_cast %add3A_488 : i32 to index
    %get3A_490 = memref.load %arg1[%get3A_489] : memref<4096xi32, #tpu.memory_space<smem>>
    %get3A_491 = arith.index_cast %get3A_490 : i32 to index
    %get3A_492 = arith.constant 0 : index
    %get3A_493 = vector.load %arg2[%get3A_491, %get3A_492] : memref<16672x64xf32, #tpu.memory_space<vmem>>, vector<28x64xf32>
    %swap3A_494 = arith.constant 1504 : index
    %swap3A_495 = arith.constant 0 : index
    %swap3A_496 = vector.load %arg25[%swap3A_494, %swap3A_495] : memref<2048x64xf32, #tpu.memory_space<vmem>>, vector<28x64xf32>
    tpu.vector_store %arg25[%swap3A_494, %swap3A_495], %get3A_493 {strides = array<i32>} : memref<2048x64xf32, #tpu.memory_space<vmem>>, vector<28x64xf32>,
    %add3A_497 = arith.constant 48 : i32
    %add3A_498 = arith.addi %mul3A_0, %add3A_497 : i32
    %get3A_499 = arith.index_cast %add3A_498 : i32 to index
    %get3A_500 = memref.load %arg1[%get3A_499] : memref<4096xi32, #tpu.memory_space<smem>>
    %get3A_501 = arith.index_cast %get3A_500 : i32 to index
    %get3A_502 = arith.constant 0 : index
    %get3A_503 = vector.load %arg2[%get3A_501, %get3A_502] : memref<16672x64xf32, #tpu.memory_space<vmem>>, vector<28x64xf32>
    %swap3A_504 = arith.constant 1536 : index
    %swap3A_505 = arith.constant 0 : index
    %swap3A_506 = vector.load %arg25[%swap3A_504, %swap3A_505] : memref<2048x64xf32, #tpu.memory_space<vmem>>, vector<28x64xf32>
    tpu.vector_store %arg25[%swap3A_504, %swap3A_505], %get3A_503 {strides = array<i32>} : memref<2048x64xf32, #tpu.memory_space<vmem>>, vector<28x64xf32>,
    %add3A_507 = arith.constant 49 : i32
    %add3A_508 = arith.addi %mul3A_0, %add3A_507 : i32
    %get3A_509 = arith.index_cast %add3A_508 : i32 to index
    %get3A_510 = memref.load %arg1[%get3A_509] : memref<4096xi32, #tpu.memory_space<smem>>
    %get3A_511 = arith.index_cast %get3A_510 : i32 to index
    %get3A_512 = arith.constant 0 : index
    %get3A_513 = vector.load %arg2[%get3A_511, %get3A_512] : memref<16672x64xf32, #tpu.memory_space<vmem>>, vector<28x64xf32>
    %swap3A_514 = arith.constant 1568 : index
    %swap3A_515 = arith.constant 0 : index
    %swap3A_516 = vector.load %arg25[%swap3A_514, %swap3A_515] : memref<2048x64xf32, #tpu.memory_space<vmem>>, vector<28x64xf32>
    tpu.vector_store %arg25[%swap3A_514, %swap3A_515], %get3A_513 {strides = array<i32>} : memref<2048x64xf32, #tpu.memory_space<vmem>>, vector<28x64xf32>,
    %add3A_517 = arith.constant 50 : i32
    %add3A_518 = arith.addi %mul3A_0, %add3A_517 : i32
    %get3A_519 = arith.index_cast %add3A_518 : i32 to index
    %get3A_520 = memref.load %arg1[%get3A_519] : memref<4096xi32, #tpu.memory_space<smem>>
    %get3A_521 = arith.index_cast %get3A_520 : i32 to index
    %get3A_522 = arith.constant 0 : index
    %get3A_523 = vector.load %arg2[%get3A_521, %get3A_522] : memref<16672x64xf32, #tpu.memory_space<vmem>>, vector<28x64xf32>
    %swap3A_524 = arith.constant 1600 : index
    %swap3A_525 = arith.constant 0 : index
    %swap3A_526 = vector.load %arg25[%swap3A_524, %swap3A_525] : memref<2048x64xf32, #tpu.memory_space<vmem>>, vector<28x64xf32>
    tpu.vector_store %arg25[%swap3A_524, %swap3A_525], %get3A_523 {strides = array<i32>} : memref<2048x64xf32, #tpu.memory_space<vmem>>, vector<28x64xf32>,
    %add3A_527 = arith.constant 51 : i32
    %add3A_528 = arith.addi %mul3A_0, %add3A_527 : i32
    %get3A_529 = arith.index_cast %add3A_528 : i32 to index
    %get3A_530 = memref.load %arg1[%get3A_529] : memref<4096xi32, #tpu.memory_space<smem>>
    %get3A_531 = arith.index_cast %get3A_530 : i32 to index
    %get3A_532 = arith.constant 0 : index
    %get3A_533 = vector.load %arg2[%get3A_531, %get3A_532] : memref<16672x64xf32, #tpu.memory_space<vmem>>, vector<28x64xf32>
    %swap3A_534 = arith.constant 1632 : index
    %swap3A_535 = arith.constant 0 : index
    %swap3A_536 = vector.load %arg25[%swap3A_534, %swap3A_535] : memref<2048x64xf32, #tpu.memory_space<vmem>>, vector<28x64xf32>
    tpu.vector_store %arg25[%swap3A_534, %swap3A_535], %get3A_533 {strides = array<i32>} : memref<2048x64xf32, #tpu.memory_space<vmem>>, vector<28x64xf32>,
    %add3A_537 = arith.constant 52 : i32
    %add3A_538 = arith.addi %mul3A_0, %add3A_537 : i32
    %get3A_539 = arith.index_cast %add3A_538 : i32 to index
    %get3A_540 = memref.load %arg1[%get3A_539] : memref<4096xi32, #tpu.memory_space<smem>>
    %get3A_541 = arith.index_cast %get3A_540 : i32 to index
    %get3A_542 = arith.constant 0 : index
    %get3A_543 = vector.load %arg2[%get3A_541, %get3A_542] : memref<16672x64xf32, #tpu.memory_space<vmem>>, vector<28x64xf32>
    %swap3A_544 = arith.constant 1664 : index
    %swap3A_545 = arith.constant 0 : index
    %swap3A_546 = vector.load %arg25[%swap3A_544, %swap3A_545] : memref<2048x64xf32, #tpu.memory_space<vmem>>, vector<28x64xf32>
    tpu.vector_store %arg25[%swap3A_544, %swap3A_545], %get3A_543 {strides = array<i32>} : memref<2048x64xf32, #tpu.memory_space<vmem>>, vector<28x64xf32>,
    %add3A_547 = arith.constant 53 : i32
    %add3A_548 = arith.addi %mul3A_0, %add3A_547 : i32
    %get3A_549 = arith.index_cast %add3A_548 : i32 to index
    %get3A_550 = memref.load %arg1[%get3A_549] : memref<4096xi32, #tpu.memory_space<smem>>
    %get3A_551 = arith.index_cast %get3A_550 : i32 to index
    %get3A_552 = arith.constant 0 : index
    %get3A_553 = vector.load %arg2[%get3A_551, %get3A_552] : memref<16672x64xf32, #tpu.memory_space<vmem>>, vector<28x64xf32>
    %swap3A_554 = arith.constant 1696 : index
    %swap3A_555 = arith.constant 0 : index
    %swap3A_556 = vector.load %arg25[%swap3A_554, %swap3A_555] : memref<2048x64xf32, #tpu.memory_space<vmem>>, vector<28x64xf32>
    tpu.vector_store %arg25[%swap3A_554, %swap3A_555], %get3A_553 {strides = array<i32>} : memref<2048x64xf32, #tpu.memory_space<vmem>>, vector<28x64xf32>,
    %add3A_557 = arith.constant 54 : i32
    %add3A_558 = arith.addi %mul3A_0, %add3A_557 : i32
    %get3A_559 = arith.index_cast %add3A_558 : i32 to index
    %get3A_560 = memref.load %arg1[%get3A_559] : memref<4096xi32, #tpu.memory_space<smem>>
    %get3A_561 = arith.index_cast %get3A_560 : i32 to index
    %get3A_562 = arith.constant 0 : index
    %get3A_563 = vector.load %arg2[%get3A_561, %get3A_562] : memref<16672x64xf32, #tpu.memory_space<vmem>>, vector<28x64xf32>
    %swap3A_564 = arith.constant 1728 : index
    %swap3A_565 = arith.constant 0 : index
    %swap3A_566 = vector.load %arg25[%swap3A_564, %swap3A_565] : memref<2048x64xf32, #tpu.memory_space<vmem>>, vector<28x64xf32>
    tpu.vector_store %arg25[%swap3A_564, %swap3A_565], %get3A_563 {strides = array<i32>} : memref<2048x64xf32, #tpu.memory_space<vmem>>, vector<28x64xf32>,
    %add3A_567 = arith.constant 55 : i32
    %add3A_568 = arith.addi %mul3A_0, %add3A_567 : i32
    %get3A_569 = arith.index_cast %add3A_568 : i32 to index
    %get3A_570 = memref.load %arg1[%get3A_569] : memref<4096xi32, #tpu.memory_space<smem>>
    %get3A_571 = arith.index_cast %get3A_570 : i32 to index
    %get3A_572 = arith.constant 0 : index
    %get3A_573 = vector.load %arg2[%get3A_571, %get3A_572] : memref<16672x64xf32, #tpu.memory_space<vmem>>, vector<28x64xf32>
    %swap3A_574 = arith.constant 1760 : index
    %swap3A_575 = arith.constant 0 : index
    %swap3A_576 = vector.load %arg25[%swap3A_574, %swap3A_575] : memref<2048x64xf32, #tpu.memory_space<vmem>>, vector<28x64xf32>
    tpu.vector_store %arg25[%swap3A_574, %swap3A_575], %get3A_573 {strides = array<i32>} : memref<2048x64xf32, #tpu.memory_space<vmem>>, vector<28x64xf32>,
    %add3A_577 = arith.constant 56 : i32
    %add3A_578 = arith.addi %mul3A_0, %add3A_577 : i32
    %get3A_579 = arith.index_cast %add3A_578 : i32 to index
    %get3A_580 = memref.load %arg1[%get3A_579] : memref<4096xi32, #tpu.memory_space<smem>>
    %get3A_581 = arith.index_cast %get3A_580 : i32 to index
    %get3A_582 = arith.constant 0 : index
    %get3A_583 = vector.load %arg2[%get3A_581, %get3A_582] : memref<16672x64xf32, #tpu.memory_space<vmem>>, vector<28x64xf32>
    %swap3A_584 = arith.constant 1792 : index
    %swap3A_585 = arith.constant 0 : index
    %swap3A_586 = vector.load %arg25[%swap3A_584, %swap3A_585] : memref<2048x64xf32, #tpu.memory_space<vmem>>, vector<28x64xf32>
    tpu.vector_store %arg25[%swap3A_584, %swap3A_585], %get3A_583 {strides = array<i32>} : memref<2048x64xf32, #tpu.memory_space<vmem>>, vector<28x64xf32>,
    %add3A_587 = arith.constant 57 : i32
    %add3A_588 = arith.addi %mul3A_0, %add3A_587 : i32
    %get3A_589 = arith.index_cast %add3A_588 : i32 to index
    %get3A_590 = memref.load %arg1[%get3A_589] : memref<4096xi32, #tpu.memory_space<smem>>
    %get3A_591 = arith.index_cast %get3A_590 : i32 to index
    %get3A_592 = arith.constant 0 : index
    %get3A_593 = vector.load %arg2[%get3A_591, %get3A_592] : memref<16672x64xf32, #tpu.memory_space<vmem>>, vector<28x64xf32>
    %swap3A_594 = arith.constant 1824 : index
    %swap3A_595 = arith.constant 0 : index
    %swap3A_596 = vector.load %arg25[%swap3A_594, %swap3A_595] : memref<2048x64xf32, #tpu.memory_space<vmem>>, vector<28x64xf32>
    tpu.vector_store %arg25[%swap3A_594, %swap3A_595], %get3A_593 {strides = array<i32>} : memref<2048x64xf32, #tpu.memory_space<vmem>>, vector<28x64xf32>,
    %add3A_597 = arith.constant 58 : i32
    %add3A_598 = arith.addi %mul3A_0, %add3A_597 : i32
    %get3A_599 = arith.index_cast %add3A_598 : i32 to index
    %get3A_600 = memref.load %arg1[%get3A_599] : memref<4096xi32, #tpu.memory_space<smem>>
    %get3A_601 = arith.index_cast %get3A_600 : i32 to index
    %get3A_602 = arith.constant 0 : index
    %get3A_603 = vector.load %arg2[%get3A_601, %get3A_602] : memref<16672x64xf32, #tpu.memory_space<vmem>>, vector<28x64xf32>
    %swap3A_604 = arith.constant 1856 : index
    %swap3A_605 = arith.constant 0 : index
    %swap3A_606 = vector.load %arg25[%swap3A_604, %swap3A_605] : memref<2048x64xf32, #tpu.memory_space<vmem>>, vector<28x64xf32>
    tpu.vector_store %arg25[%swap3A_604, %swap3A_605], %get3A_603 {strides = array<i32>} : memref<2048x64xf32, #tpu.memory_space<vmem>>, vector<28x64xf32>,
    %add3A_607 = arith.constant 59 : i32
    %add3A_608 = arith.addi %mul3A_0, %add3A_607 : i32
    %get3A_609 = arith.index_cast %add3A_608 : i32 to index
    %get3A_610 = memref.load %arg1[%get3A_609] : memref<4096xi32, #tpu.memory_space<smem>>
    %get3A_611 = arith.index_cast %get3A_610 : i32 to index
    %get3A_612 = arith.constant 0 : index
    %get3A_613 = vector.load %arg2[%get3A_611, %get3A_612] : memref<16672x64xf32, #tpu.memory_space<vmem>>, vector<28x64xf32>
    %swap3A_614 = arith.constant 1888 : index
    %swap3A_615 = arith.constant 0 : index
    %swap3A_616 = vector.load %arg25[%swap3A_614, %swap3A_615] : memref<2048x64xf32, #tpu.memory_space<vmem>>, vector<28x64xf32>
    tpu.vector_store %arg25[%swap3A_614, %swap3A_615], %get3A_613 {strides = array<i32>} : memref<2048x64xf32, #tpu.memory_space<vmem>>, vector<28x64xf32>,
    %add3A_617 = arith.constant 60 : i32
    %add3A_618 = arith.addi %mul3A_0, %add3A_617 : i32
    %get3A_619 = arith.index_cast %add3A_618 : i32 to index
    %get3A_620 = memref.load %arg1[%get3A_619] : memref<4096xi32, #tpu.memory_space<smem>>
    %get3A_621 = arith.index_cast %get3A_620 : i32 to index
    %get3A_622 = arith.constant 0 : index
    %get3A_623 = vector.load %arg2[%get3A_621, %get3A_622] : memref<16672x64xf32, #tpu.memory_space<vmem>>, vector<28x64xf32>
    %swap3A_624 = arith.constant 1920 : index
    %swap3A_625 = arith.constant 0 : index
    %swap3A_626 = vector.load %arg25[%swap3A_624, %swap3A_625] : memref<2048x64xf32, #tpu.memory_space<vmem>>, vector<28x64xf32>
    tpu.vector_store %arg25[%swap3A_624, %swap3A_625], %get3A_623 {strides = array<i32>} : memref<2048x64xf32, #tpu.memory_space<vmem>>, vector<28x64xf32>,
    %add3A_627 = arith.constant 61 : i32
    %add3A_628 = arith.addi %mul3A_0, %add3A_627 : i32
    %get3A_629 = arith.index_cast %add3A_628 : i32 to index
    %get3A_630 = memref.load %arg1[%get3A_629] : memref<4096xi32, #tpu.memory_space<smem>>
    %get3A_631 = arith.index_cast %get3A_630 : i32 to index
    %get3A_632 = arith.constant 0 : index
    %get3A_633 = vector.load %arg2[%get3A_631, %get3A_632] : memref<16672x64xf32, #tpu.memory_space<vmem>>, vector<28x64xf32>
    %swap3A_634 = arith.constant 1952 : index
    %swap3A_635 = arith.constant 0 : index
    %swap3A_636 = vector.load %arg25[%swap3A_634, %swap3A_635] : memref<2048x64xf32, #tpu.memory_space<vmem>>, vector<28x64xf32>
    tpu.vector_store %arg25[%swap3A_634, %swap3A_635], %get3A_633 {strides = array<i32>} : memref<2048x64xf32, #tpu.memory_space<vmem>>, vector<28x64xf32>,
    %add3A_637 = arith.constant 62 : i32
    %add3A_638 = arith.addi %mul3A_0, %add3A_637 : i32
    %get3A_639 = arith.index_cast %add3A_638 : i32 to index
    %get3A_640 = memref.load %arg1[%get3A_639] : memref<4096xi32, #tpu.memory_space<smem>>
    %get3A_641 = arith.index_cast %get3A_640 : i32 to index
    %get3A_642 = arith.constant 0 : index
    %get3A_643 = vector.load %arg2[%get3A_641, %get3A_642] : memref<16672x64xf32, #tpu.memory_space<vmem>>, vector<28x64xf32>
    %swap3A_644 = arith.constant 1984 : index
    %swap3A_645 = arith.constant 0 : index
    %swap3A_646 = vector.load %arg25[%swap3A_644, %swap3A_645] : memref<2048x64xf32, #tpu.memory_space<vmem>>, vector<28x64xf32>
    tpu.vector_store %arg25[%swap3A_644, %swap3A_645], %get3A_643 {strides = array<i32>} : memref<2048x64xf32, #tpu.memory_space<vmem>>, vector<28x64xf32>,
    %add3A_647 = arith.constant 63 : i32
    %add3A_648 = arith.addi %mul3A_0, %add3A_647 : i32
    %get3A_649 = arith.index_cast %add3A_648 : i32 to index
    %get3A_650 = memref.load %arg1[%get3A_649] : memref<4096xi32, #tpu.memory_space<smem>>
    %get3A_651 = arith.index_cast %get3A_650 : i32 to index
    %get3A_652 = arith.constant 0 : index
    %get3A_653 = vector.load %arg2[%get3A_651, %get3A_652] : memref<16672x64xf32, #tpu.memory_space<vmem>>, vector<28x64xf32>
    %swap3A_654 = arith.constant 2016 : index
    %swap3A_655 = arith.constant 0 : index
    %swap3A_656 = vector.load %arg25[%swap3A_654, %swap3A_655] : memref<2048x64xf32, #tpu.memory_space<vmem>>, vector<28x64xf32>
    tpu.vector_store %arg25[%swap3A_654, %swap3A_655], %get3A_653 {strides = array<i32>} : memref<2048x64xf32, #tpu.memory_space<vmem>>, vector<28x64xf32>,
    %broadcast_in_dim3A_657 = arith.constant 0.000000e+00 : f32
    %broadcast_in_dim3A_658 = vector.broadcast %broadcast_in_dim3A_657 : f32 to vector<28x64xf32>
    %concatenate3A_659 = tpu.concatenate %broadcast_in_dim3A_658, %add3A_17 in 0 : vector<28x64xf32>, vector<4x64xf32> -> vector<32x64xf32>
    %broadcast_in_dim3A_660 = vector.shape_cast %concatenate3A_659 : vector<32x64xf32> to vector<1x32x64xf32>
    %broadcast_in_dim3A_661 = vector.shape_cast %broadcast_in_dim3A_660 : vector<1x32x64xf32> to vector<1x32x64xf32>
    %broadcast_in_dim3A_662 = vector.broadcast %broadcast_in_dim3A_661 : vector<1x32x64xf32> to vector<64x32x64xf32>
    %reshape3A = vector.shape_cast %broadcast_in_dim3A_662 : vector<64x32x64xf32> to vector<2048x64xf32>
    %get3A_663 = arith.constant 0 : index
    %get3A_664 = arith.constant 0 : index
    %get3A_665 = vector.load %arg4[%get3A_663, %get3A_664] : memref<2048x1xf32, #tpu.memory_space<vmem>>, vector<2048x1xf32>
    %gt3A = arith.constant 0.000000e+00 : f32
    %gt3A_666 = vector.broadcast %gt3A : f32 to vector<2048x1xf32>
    %gt3A_667 = arith.cmpf ogt, %get3A_665, %gt3A_666 : vector<2048x1xf32>
    %get3A_668 = arith.constant 0 : index
    %get3A_669 = arith.constant 0 : index
    %get3A_670 = vector.load %arg25[%get3A_668, %get3A_669] : memref<2048x64xf32, #tpu.memory_space<vmem>>, vector<2048x64xf32>
    %jit3A = arith.constant 0.000000e+00 : f32
    %broadcast_in_dim3A_671 = vector.shape_cast %gt3A_667 : vector<2048x1xi1> to vector<2048x1xi1>
    %broadcast_in_dim3A_672 = vector.broadcast %broadcast_in_dim3A_671 : vector<2048x1xi1> to vector<2048x64xi1>
    %broadcast_in_dim3A_673 = vector.broadcast %jit3A : f32 to vector<2048x64xf32>
    %select_n3A = arith.select %broadcast_in_dim3A_672, %get3A_670, %broadcast_in_dim3A_673 : vector<2048x64xi1>, vector<2048x64xf32>
    %add3A_674 = arith.addf %select_n3A, %reshape3A : vector<2048x64xf32>
    %get3A_675 = arith.constant 0 : index
    %get3A_676 = arith.constant 0 : index
    %get3A_677 = vector.load %arg3[%get3A_675, %get3A_676] : memref<64x32xf32, #tpu.memory_space<vmem>>, vector<64x32xf32>
    %get3A_678 = arith.constant 0 : index
    %get3A_679 = arith.constant 0 : index
    %get3A_680 = vector.load %arg10[%get3A_678, %get3A_679] : memref<6x64xf32, #tpu.memory_space<vmem>>, vector<1x64xf32>
    %get3A_681 = arith.constant 0 : index
    %get3A_682 = arith.constant 0 : index
    %get3A_683 = vector.load %arg11[%get3A_681, %get3A_682] : memref<6x64xf32, #tpu.memory_space<vmem>>, vector<1x64xf32>
    %reduce_sum3A_684 = arith.constant dense<0.000000e+00> : vector<2048xf32>
    %reduce_sum3A_685 = vector.multi_reduction <add>, %add3A_674, %reduce_sum3A_684 [1] : vector<2048x64xf32> to vector<2048xf32>
    %broadcast_in_dim3A_686 = vector.shape_cast %reduce_sum3A_685 : vector<2048xf32> to vector<2048x1xf32>
    %div3A_687 = arith.constant 6.400000e+01 : f32
    %div3A_688 = vector.broadcast %div3A_687 : f32 to vector<2048x1xf32>
    %div3A_689 = arith.divf %broadcast_in_dim3A_686, %div3A_688 : vector<2048x1xf32>
    %mul3A_690 = arith.mulf %add3A_674, %add3A_674 : vector<2048x64xf32>
    %reduce_sum3A_691 = arith.constant dense<0.000000e+00> : vector<2048xf32>
    %reduce_sum3A_692 = vector.multi_reduction <add>, %mul3A_690, %reduce_sum3A_691 [1] : vector<2048x64xf32> to vector<2048xf32>
    %broadcast_in_dim3A_693 = vector.shape_cast %reduce_sum3A_692 : vector<2048xf32> to vector<2048x1xf32>
    %div3A_694 = arith.constant 6.400000e+01 : f32
    %div3A_695 = vector.broadcast %div3A_694 : f32 to vector<2048x1xf32>
    %div3A_696 = arith.divf %broadcast_in_dim3A_693, %div3A_695 : vector<2048x1xf32>
    %mul3A_697 = arith.mulf %div3A_689, %div3A_689 : vector<2048x1xf32>
    %sub3A = arith.subf %div3A_696, %mul3A_697 : vector<2048x1xf32>
    %sub3A_698 = vector.broadcast %div3A_689 : vector<2048x1xf32> to vector<2048x64xf32>
    %sub3A_699 = arith.subf %add3A_674, %sub3A_698 : vector<2048x64xf32>
    %add3A_700 = arith.constant 9.99999974E-6 : f32
    %add3A_701 = vector.broadcast %add3A_700 : f32 to vector<2048x1xf32>
    %add3A_702 = arith.addf %sub3A, %add3A_701 : vector<2048x1xf32>
    %rsqrt3A = math.rsqrt %add3A_702 : vector<2048x1xf32>
    %mul3A_703 = vector.broadcast %rsqrt3A : vector<2048x1xf32> to vector<2048x64xf32>
    %mul3A_704 = arith.mulf %sub3A_699, %mul3A_703 : vector<2048x64xf32>
    %mul3A_705 = vector.broadcast %get3A_680 : vector<1x64xf32> to vector<2048x64xf32>
    %mul3A_706 = arith.mulf %mul3A_704, %mul3A_705 : vector<2048x64xf32>
    %add3A_707 = vector.broadcast %get3A_683 : vector<1x64xf32> to vector<2048x64xf32>
    %add3A_708 = arith.addf %mul3A_706, %add3A_707 : vector<2048x64xf32>
    %convert_element_type3A_709 = arith.truncf %add3A_708 : vector<2048x64xf32> to vector<2048x64xbf16>
    %get3A_710 = arith.constant 0 : index
    %get3A_711 = arith.constant 0 : index
    %get3A_712 = arith.constant 0 : index
    %get3A_713 = vector.load %arg12[%get3A_710, %get3A_711, %get3A_712] : memref<6x64x192xbf16, #tpu.memory_space<vmem>>, vector<1x64x192xbf16>
    %get3A_714 = vector.shape_cast %get3A_713 : vector<1x64x192xbf16> to vector<64x192xbf16>
    %dot_general3A_715 = arith.constant dense<0.000000e+00> : vector<2048x192xf32>
    %dot_general3A_716 = tpu.matmul %convert_element_type3A_709, %get3A_714, %dot_general3A_715 {dimension_numbers = #tpu.dot_dimension_numbers<[1], [0], [0], [1], [0, 0, 1, 1], [], []>, transpose_lhs_hint = false} : vector<2048x64xbf16>, vector<64x192xbf16>, vector<2048x192xf32> -> vector<2048x192xf32>
    %get3A_717 = arith.constant 0 : index
    %get3A_718 = arith.constant 0 : index
    %get3A_719 = vector.load %arg13[%get3A_717, %get3A_718] : memref<6x192xf32, #tpu.memory_space<vmem>>, vector<1x192xf32>
    %add3A_720 = vector.broadcast %get3A_719 : vector<1x192xf32> to vector<2048x192xf32>
    %add3A_721 = arith.addf %dot_general3A_716, %add3A_720 : vector<2048x192xf32>
    %slice3A_722 = vector.extract_strided_slice %add3A_721 {offsets = [0, 0], sizes = [2048, 32], strides = [1, 1]} : vector<2048x192xf32> to vector<2048x32xf32>
    %reshape3A_723 = vector.shape_cast %slice3A_722 : vector<2048x32xf32> to vector<64x32x32xf32>
    %slice3A_724 = vector.extract_strided_slice %add3A_721 {offsets = [0, 64], sizes = [2048, 32], strides = [1, 1]} : vector<2048x192xf32> to vector<2048x32xf32>
    %reshape3A_725 = vector.shape_cast %slice3A_724 : vector<2048x32xf32> to vector<64x32x32xf32>
    %slice3A_726 = vector.extract_strided_slice %add3A_721 {offsets = [0, 128], sizes = [2048, 32], strides = [1, 1]} : vector<2048x192xf32> to vector<2048x32xf32>
    %reshape3A_727 = vector.shape_cast %slice3A_726 : vector<2048x32xf32> to vector<64x32x32xf32>
    %convert_element_type3A_728 = arith.truncf %reshape3A_723 : vector<64x32x32xf32> to vector<64x32x32xbf16>
    %convert_element_type3A_729 = arith.truncf %reshape3A_725 : vector<64x32x32xf32> to vector<64x32x32xbf16>
    %dot_general3A_730 = arith.constant dense<0.000000e+00> : vector<64x32x32xf32>
    %dot_general3A_731 = tpu.matmul %convert_element_type3A_728, %convert_element_type3A_729, %dot_general3A_730 {dimension_numbers = #tpu.dot_dimension_numbers<[2], [2], [1], [1], [0, 0, 0, 1, 1, 1], [0], [0]>, transpose_lhs_hint = false} : vector<64x32x32xbf16>, vector<64x32x32xbf16>, vector<64x32x32xf32> -> vector<64x32x32xf32>
    %broadcast_in_dim3A_732 = vector.shape_cast %get3A_677 : vector<64x32xf32> to vector<64x1x32xf32>
    %add3A_733 = vector.broadcast %broadcast_in_dim3A_732 : vector<64x1x32xf32> to vector<64x32x32xf32>
    %add3A_734 = arith.addf %dot_general3A_731, %add3A_733 : vector<64x32x32xf32>
    %reduce_max3A = arith.constant dense<0xFF800000> : vector<64x32xf32>
    %reduce_max3A_735 = vector.multi_reduction <maximumf>, %add3A_734, %reduce_max3A [2] : vector<64x32x32xf32> to vector<64x32xf32>
    %broadcast_in_dim3A_736 = vector.shape_cast %reduce_max3A_735 : vector<64x32xf32> to vector<64x32x1xf32>
    %sub3A_737 = vector.broadcast %broadcast_in_dim3A_736 : vector<64x32x1xf32> to vector<64x32x32xf32>
    %sub3A_738 = arith.subf %add3A_734, %sub3A_737 : vector<64x32x32xf32>
    %exp3A = math.exp %sub3A_738 : vector<64x32x32xf32>
    %reduce_sum3A_739 = arith.constant dense<0.000000e+00> : vector<64x32xf32>
    %reduce_sum3A_740 = vector.multi_reduction <add>, %exp3A, %reduce_sum3A_739 [2] : vector<64x32x32xf32> to vector<64x32xf32>
    %broadcast_in_dim3A_741 = vector.shape_cast %reduce_sum3A_740 : vector<64x32xf32> to vector<64x32x1xf32>
    %div3A_742 = vector.broadcast %broadcast_in_dim3A_741 : vector<64x32x1xf32> to vector<64x32x32xf32>
    %div3A_743 = arith.divf %exp3A, %div3A_742 : vector<64x32x32xf32>
    %convert_element_type3A_744 = arith.truncf %div3A_743 : vector<64x32x32xf32> to vector<64x32x32xbf16>
    %convert_element_type3A_745 = arith.truncf %reshape3A_727 : vector<64x32x32xf32> to vector<64x32x32xbf16>
    %dot_general3A_746 = arith.constant dense<0.000000e+00> : vector<64x32x32xf32>
    %dot_general3A_747 = tpu.matmul %convert_element_type3A_744, %convert_element_type3A_745, %dot_general3A_746 {dimension_numbers = #tpu.dot_dimension_numbers<[2], [1], [1], [2], [0, 0, 0, 1, 1, 2], [0], [0]>, transpose_lhs_hint = false} : vector<64x32x32xbf16>, vector<64x32x32xbf16>, vector<64x32x32xf32> -> vector<64x32x32xf32>
    %slice3A_748 = vector.extract_strided_slice %add3A_721 {offsets = [0, 32], sizes = [2048, 32], strides = [1, 1]} : vector<2048x192xf32> to vector<2048x32xf32>
    %reshape3A_749 = vector.shape_cast %slice3A_748 : vector<2048x32xf32> to vector<64x32x32xf32>
    %slice3A_750 = vector.extract_strided_slice %add3A_721 {offsets = [0, 96], sizes = [2048, 32], strides = [1, 1]} : vector<2048x192xf32> to vector<2048x32xf32>
    %reshape3A_751 = vector.shape_cast %slice3A_750 : vector<2048x32xf32> to vector<64x32x32xf32>
    %slice3A_752 = vector.extract_strided_slice %add3A_721 {offsets = [0, 160], sizes = [2048, 32], strides = [1, 1]} : vector<2048x192xf32> to vector<2048x32xf32>
    %reshape3A_753 = vector.shape_cast %slice3A_752 : vector<2048x32xf32> to vector<64x32x32xf32>
    %convert_element_type3A_754 = arith.truncf %reshape3A_749 : vector<64x32x32xf32> to vector<64x32x32xbf16>
    %convert_element_type3A_755 = arith.truncf %reshape3A_751 : vector<64x32x32xf32> to vector<64x32x32xbf16>
    %dot_general3A_756 = arith.constant dense<0.000000e+00> : vector<64x32x32xf32>
    %dot_general3A_757 = tpu.matmul %convert_element_type3A_754, %convert_element_type3A_755, %dot_general3A_756 {dimension_numbers = #tpu.dot_dimension_numbers<[2], [2], [1], [1], [0, 0, 0, 1, 1, 1], [0], [0]>, transpose_lhs_hint = false} : vector<64x32x32xbf16>, vector<64x32x32xbf16>, vector<64x32x32xf32> -> vector<64x32x32xf32>
    %broadcast_in_dim3A_758 = vector.shape_cast %get3A_677 : vector<64x32xf32> to vector<64x1x32xf32>
    %add3A_759 = vector.broadcast %broadcast_in_dim3A_758 : vector<64x1x32xf32> to vector<64x32x32xf32>
    %add3A_760 = arith.addf %dot_general3A_757, %add3A_759 : vector<64x32x32xf32>
    %reduce_max3A_761 = arith.constant dense<0xFF800000> : vector<64x32xf32>
    %reduce_max3A_762 = vector.multi_reduction <maximumf>, %add3A_760, %reduce_max3A_761 [2] : vector<64x32x32xf32> to vector<64x32xf32>
    %broadcast_in_dim3A_763 = vector.shape_cast %reduce_max3A_762 : vector<64x32xf32> to vector<64x32x1xf32>
    %sub3A_764 = vector.broadcast %broadcast_in_dim3A_763 : vector<64x32x1xf32> to vector<64x32x32xf32>
    %sub3A_765 = arith.subf %add3A_760, %sub3A_764 : vector<64x32x32xf32>
    %exp3A_766 = math.exp %sub3A_765 : vector<64x32x32xf32>
    %reduce_sum3A_767 = arith.constant dense<0.000000e+00> : vector<64x32xf32>
    %reduce_sum3A_768 = vector.multi_reduction <add>, %exp3A_766, %reduce_sum3A_767 [2] : vector<64x32x32xf32> to vector<64x32xf32>
    %broadcast_in_dim3A_769 = vector.shape_cast %reduce_sum3A_768 : vector<64x32xf32> to vector<64x32x1xf32>
    %div3A_770 = vector.broadcast %broadcast_in_dim3A_769 : vector<64x32x1xf32> to vector<64x32x32xf32>
    %div3A_771 = arith.divf %exp3A_766, %div3A_770 : vector<64x32x32xf32>
    %convert_element_type3A_772 = arith.truncf %div3A_771 : vector<64x32x32xf32> to vector<64x32x32xbf16>
    %convert_element_type3A_773 = arith.truncf %reshape3A_753 : vector<64x32x32xf32> to vector<64x32x32xbf16>
    %dot_general3A_774 = arith.constant dense<0.000000e+00> : vector<64x32x32xf32>
    %dot_general3A_775 = tpu.matmul %convert_element_type3A_772, %convert_element_type3A_773, %dot_general3A_774 {dimension_numbers = #tpu.dot_dimension_numbers<[2], [1], [1], [2], [0, 0, 0, 1, 1, 2], [0], [0]>, transpose_lhs_hint = false} : vector<64x32x32xbf16>, vector<64x32x32xbf16>, vector<64x32x32xf32> -> vector<64x32x32xf32>
    %concatenate3A_776 = tpu.concatenate %dot_general3A_747, %dot_general3A_775 in 2 : vector<64x32x32xf32>, vector<64x32x32xf32> -> vector<64x32x64xf32>
    %reshape3A_777 = vector.shape_cast %concatenate3A_776 : vector<64x32x64xf32> to vector<2048x64xf32>
    %convert_element_type3A_778 = arith.truncf %reshape3A_777 : vector<2048x64xf32> to vector<2048x64xbf16>
    %get3A_779 = arith.constant 0 : index
    %get3A_780 = arith.constant 0 : index
    %get3A_781 = arith.constant 0 : index
    %get3A_782 = vector.load %arg14[%get3A_779, %get3A_780, %get3A_781] : memref<6x64x64xbf16, #tpu.memory_space<vmem>>, vector<1x64x64xbf16>
    %get3A_783 = vector.shape_cast %get3A_782 : vector<1x64x64xbf16> to vector<64x64xbf16>
    %dot_general3A_784 = arith.constant dense<0.000000e+00> : vector<2048x64xf32>
    %dot_general3A_785 = tpu.matmul %convert_element_type3A_778, %get3A_783, %dot_general3A_784 {dimension_numbers = #tpu.dot_dimension_numbers<[1], [0], [0], [1], [0, 0, 1, 1], [], []>, transpose_lhs_hint = false} : vector<2048x64xbf16>, vector<64x64xbf16>, vector<2048x64xf32> -> vector<2048x64xf32>
    %add3A_786 = arith.addf %add3A_674, %dot_general3A_785 : vector<2048x64xf32>
    %get3A_787 = arith.constant 0 : index
    %get3A_788 = arith.constant 0 : index
    %get3A_789 = vector.load %arg15[%get3A_787, %get3A_788] : memref<6x64xf32, #tpu.memory_space<vmem>>, vector<1x64xf32>
    %add3A_790 = vector.broadcast %get3A_789 : vector<1x64xf32> to vector<2048x64xf32>
    %add3A_791 = arith.addf %add3A_786, %add3A_790 : vector<2048x64xf32>
    %get3A_792 = arith.constant 0 : index
    %get3A_793 = arith.constant 0 : index
    %get3A_794 = vector.load %arg16[%get3A_792, %get3A_793] : memref<6x64xf32, #tpu.memory_space<vmem>>, vector<1x64xf32>
    %get3A_795 = arith.constant 0 : index
    %get3A_796 = arith.constant 0 : index
    %get3A_797 = vector.load %arg17[%get3A_795, %get3A_796] : memref<6x64xf32, #tpu.memory_space<vmem>>, vector<1x64xf32>
    %reduce_sum3A_798 = arith.constant dense<0.000000e+00> : vector<2048xf32>
    %reduce_sum3A_799 = vector.multi_reduction <add>, %add3A_791, %reduce_sum3A_798 [1] : vector<2048x64xf32> to vector<2048xf32>
    %broadcast_in_dim3A_800 = vector.shape_cast %reduce_sum3A_799 : vector<2048xf32> to vector<2048x1xf32>
    %div3A_801 = arith.constant 6.400000e+01 : f32
    %div3A_802 = vector.broadcast %div3A_801 : f32 to vector<2048x1xf32>
    %div3A_803 = arith.divf %broadcast_in_dim3A_800, %div3A_802 : vector<2048x1xf32>
    %mul3A_804 = arith.mulf %add3A_791, %add3A_791 : vector<2048x64xf32>
    %reduce_sum3A_805 = arith.constant dense<0.000000e+00> : vector<2048xf32>
    %reduce_sum3A_806 = vector.multi_reduction <add>, %mul3A_804, %reduce_sum3A_805 [1] : vector<2048x64xf32> to vector<2048xf32>
    %broadcast_in_dim3A_807 = vector.shape_cast %reduce_sum3A_806 : vector<2048xf32> to vector<2048x1xf32>
    %div3A_808 = arith.constant 6.400000e+01 : f32
    %div3A_809 = vector.broadcast %div3A_808 : f32 to vector<2048x1xf32>
    %div3A_810 = arith.divf %broadcast_in_dim3A_807, %div3A_809 : vector<2048x1xf32>
    %mul3A_811 = arith.mulf %div3A_803, %div3A_803 : vector<2048x1xf32>
    %sub3A_812 = arith.subf %div3A_810, %mul3A_811 : vector<2048x1xf32>
    %sub3A_813 = vector.broadcast %div3A_803 : vector<2048x1xf32> to vector<2048x64xf32>
    %sub3A_814 = arith.subf %add3A_791, %sub3A_813 : vector<2048x64xf32>
    %add3A_815 = arith.constant 9.99999974E-6 : f32
    %add3A_816 = vector.broadcast %add3A_815 : f32 to vector<2048x1xf32>
    %add3A_817 = arith.addf %sub3A_812, %add3A_816 : vector<2048x1xf32>
    %rsqrt3A_818 = math.rsqrt %add3A_817 : vector<2048x1xf32>
    %mul3A_819 = vector.broadcast %rsqrt3A_818 : vector<2048x1xf32> to vector<2048x64xf32>
    %mul3A_820 = arith.mulf %sub3A_814, %mul3A_819 : vector<2048x64xf32>
    %mul3A_821 = vector.broadcast %get3A_794 : vector<1x64xf32> to vector<2048x64xf32>
    %mul3A_822 = arith.mulf %mul3A_820, %mul3A_821 : vector<2048x64xf32>
    %add3A_823 = vector.broadcast %get3A_797 : vector<1x64xf32> to vector<2048x64xf32>
    %add3A_824 = arith.addf %mul3A_822, %add3A_823 : vector<2048x64xf32>
    %convert_element_type3A_825 = arith.truncf %add3A_824 : vector<2048x64xf32> to vector<2048x64xbf16>
    %get3A_826 = arith.constant 0 : index
    %get3A_827 = arith.constant 0 : index
    %get3A_828 = arith.constant 0 : index
    %get3A_829 = vector.load %arg18[%get3A_826, %get3A_827, %get3A_828] : memref<6x64x256xbf16, #tpu.memory_space<vmem>>, vector<1x64x256xbf16>
    %get3A_830 = vector.shape_cast %get3A_829 : vector<1x64x256xbf16> to vector<64x256xbf16>
    %dot_general3A_831 = arith.constant dense<0.000000e+00> : vector<2048x256xf32>
    %dot_general3A_832 = tpu.matmul %convert_element_type3A_825, %get3A_830, %dot_general3A_831 {dimension_numbers = #tpu.dot_dimension_numbers<[1], [0], [0], [1], [0, 0, 1, 1], [], []>, transpose_lhs_hint = false} : vector<2048x64xbf16>, vector<64x256xbf16>, vector<2048x256xf32> -> vector<2048x256xf32>
    %get3A_833 = arith.constant 0 : index
    %get3A_834 = arith.constant 0 : index
    %get3A_835 = vector.load %arg19[%get3A_833, %get3A_834] : memref<6x256xf32, #tpu.memory_space<vmem>>, vector<1x256xf32>
    %add3A_836 = vector.broadcast %get3A_835 : vector<1x256xf32> to vector<2048x256xf32>
    %add3A_837 = arith.addf %dot_general3A_832, %add3A_836 : vector<2048x256xf32>
    %convert_element_type3A_838 = arith.truncf %add3A_837 : vector<2048x256xf32> to vector<2048x256xbf16>
    %integer_pow3A = arith.mulf %convert_element_type3A_838, %convert_element_type3A_838 : vector<2048x256xbf16>
    %integer_pow3A_839 = arith.mulf %convert_element_type3A_838, %integer_pow3A : vector<2048x256xbf16>
    %mul3A_840 = arith.constant 4.467770e-02 : bf16
    %mul3A_841 = vector.broadcast %mul3A_840 : bf16 to vector<2048x256xbf16>
    %mul3A_842 = arith.mulf %mul3A_841, %integer_pow3A_839 : vector<2048x256xbf16>
    %add3A_843 = arith.addf %convert_element_type3A_838, %mul3A_842 : vector<2048x256xbf16>
    %mul3A_844 = arith.constant 7.968750e-01 : bf16
    %mul3A_845 = vector.broadcast %mul3A_844 : bf16 to vector<2048x256xbf16>
    %mul3A_846 = arith.mulf %mul3A_845, %add3A_843 : vector<2048x256xbf16>
    %tanh3A = math.tanh %mul3A_846 : vector<2048x256xbf16>
    %add3A_847 = arith.constant 1.000000e+00 : bf16
    %add3A_848 = vector.broadcast %add3A_847 : bf16 to vector<2048x256xbf16>
    %add3A_849 = arith.addf %add3A_848, %tanh3A : vector<2048x256xbf16>
    %mul3A_850 = arith.constant 5.000000e-01 : bf16
    %mul3A_851 = vector.broadcast %mul3A_850 : bf16 to vector<2048x256xbf16>
    %mul3A_852 = arith.mulf %mul3A_851, %add3A_849 : vector<2048x256xbf16>
    %mul3A_853 = arith.mulf %convert_element_type3A_838, %mul3A_852 : vector<2048x256xbf16>
    %get3A_854 = arith.constant 0 : index
    %get3A_855 = arith.constant 0 : index
    %get3A_856 = arith.constant 0 : index
    %get3A_857 = vector.load %arg20[%get3A_854, %get3A_855, %get3A_856] : memref<6x256x64xbf16, #tpu.memory_space<vmem>>, vector<1x256x64xbf16>
    %get3A_858 = vector.shape_cast %get3A_857 : vector<1x256x64xbf16> to vector<256x64xbf16>
    %dot_general3A_859 = arith.constant dense<0.000000e+00> : vector<2048x64xf32>
    %dot_general3A_860 = tpu.matmul %mul3A_853, %get3A_858, %dot_general3A_859 {dimension_numbers = #tpu.dot_dimension_numbers<[1], [0], [0], [1], [0, 0, 1, 1], [], []>, transpose_lhs_hint = false} : vector<2048x256xbf16>, vector<256x64xbf16>, vector<2048x64xf32> -> vector<2048x64xf32>
    %add3A_861 = arith.addf %add3A_791, %dot_general3A_860 : vector<2048x64xf32>
    %get3A_862 = arith.constant 0 : index
    %get3A_863 = arith.constant 0 : index
    %get3A_864 = vector.load %arg21[%get3A_862, %get3A_863] : memref<6x64xf32, #tpu.memory_space<vmem>>, vector<1x64xf32>
    %add3A_865 = vector.broadcast %get3A_864 : vector<1x64xf32> to vector<2048x64xf32>
    %add3A_866 = arith.addf %add3A_861, %add3A_865 : vector<2048x64xf32>
    %get3A_867 = arith.constant 1 : index
    %get3A_868 = arith.constant 0 : index
    %get3A_869 = vector.load %arg10[%get3A_867, %get3A_868] : memref<6x64xf32, #tpu.memory_space<vmem>>, vector<1x64xf32>
    %get3A_870 = arith.constant 1 : index
    %get3A_871 = arith.constant 0 : index
    %get3A_872 = vector.load %arg11[%get3A_870, %get3A_871] : memref<6x64xf32, #tpu.memory_space<vmem>>, vector<1x64xf32>
    %reduce_sum3A_873 = arith.constant dense<0.000000e+00> : vector<2048xf32>
    %reduce_sum3A_874 = vector.multi_reduction <add>, %add3A_866, %reduce_sum3A_873 [1] : vector<2048x64xf32> to vector<2048xf32>
    %broadcast_in_dim3A_875 = vector.shape_cast %reduce_sum3A_874 : vector<2048xf32> to vector<2048x1xf32>
    %div3A_876 = arith.constant 6.400000e+01 : f32
    %div3A_877 = vector.broadcast %div3A_876 : f32 to vector<2048x1xf32>
    %div3A_878 = arith.divf %broadcast_in_dim3A_875, %div3A_877 : vector<2048x1xf32>
    %mul3A_879 = arith.mulf %add3A_866, %add3A_866 : vector<2048x64xf32>
    %reduce_sum3A_880 = arith.constant dense<0.000000e+00> : vector<2048xf32>
    %reduce_sum3A_881 = vector.multi_reduction <add>, %mul3A_879, %reduce_sum3A_880 [1] : vector<2048x64xf32> to vector<2048xf32>
    %broadcast_in_dim3A_882 = vector.shape_cast %reduce_sum3A_881 : vector<2048xf32> to vector<2048x1xf32>
    %div3A_883 = arith.constant 6.400000e+01 : f32
    %div3A_884 = vector.broadcast %div3A_883 : f32 to vector<2048x1xf32>
    %div3A_885 = arith.divf %broadcast_in_dim3A_882, %div3A_884 : vector<2048x1xf32>
    %mul3A_886 = arith.mulf %div3A_878, %div3A_878 : vector<2048x1xf32>
    %sub3A_887 = arith.subf %div3A_885, %mul3A_886 : vector<2048x1xf32>
    %sub3A_888 = vector.broadcast %div3A_878 : vector<2048x1xf32> to vector<2048x64xf32>
    %sub3A_889 = arith.subf %add3A_866, %sub3A_888 : vector<2048x64xf32>
    %add3A_890 = arith.constant 9.99999974E-6 : f32
    %add3A_891 = vector.broadcast %add3A_890 : f32 to vector<2048x1xf32>
    %add3A_892 = arith.addf %sub3A_887, %add3A_891 : vector<2048x1xf32>
    %rsqrt3A_893 = math.rsqrt %add3A_892 : vector<2048x1xf32>
    %mul3A_894 = vector.broadcast %rsqrt3A_893 : vector<2048x1xf32> to vector<2048x64xf32>
    %mul3A_895 = arith.mulf %sub3A_889, %mul3A_894 : vector<2048x64xf32>
    %mul3A_896 = vector.broadcast %get3A_869 : vector<1x64xf32> to vector<2048x64xf32>
    %mul3A_897 = arith.mulf %mul3A_895, %mul3A_896 : vector<2048x64xf32>
    %add3A_898 = vector.broadcast %get3A_872 : vector<1x64xf32> to vector<2048x64xf32>
    %add3A_899 = arith.addf %mul3A_897, %add3A_898 : vector<2048x64xf32>
    %convert_element_type3A_900 = arith.truncf %add3A_899 : vector<2048x64xf32> to vector<2048x64xbf16>
    %get3A_901 = arith.constant 1 : index
    %get3A_902 = arith.constant 0 : index
    %get3A_903 = arith.constant 0 : index
    %get3A_904 = vector.load %arg12[%get3A_901, %get3A_902, %get3A_903] : memref<6x64x192xbf16, #tpu.memory_space<vmem>>, vector<1x64x192xbf16>
    %get3A_905 = vector.shape_cast %get3A_904 : vector<1x64x192xbf16> to vector<64x192xbf16>
    %dot_general3A_906 = arith.constant dense<0.000000e+00> : vector<2048x192xf32>
    %dot_general3A_907 = tpu.matmul %convert_element_type3A_900, %get3A_905, %dot_general3A_906 {dimension_numbers = #tpu.dot_dimension_numbers<[1], [0], [0], [1], [0, 0, 1, 1], [], []>, transpose_lhs_hint = false} : vector<2048x64xbf16>, vector<64x192xbf16>, vector<2048x192xf32> -> vector<2048x192xf32>
    %get3A_908 = arith.constant 1 : index
    %get3A_909 = arith.constant 0 : index
    %get3A_910 = vector.load %arg13[%get3A_908, %get3A_909] : memref<6x192xf32, #tpu.memory_space<vmem>>, vector<1x192xf32>
    %add3A_911 = vector.broadcast %get3A_910 : vector<1x192xf32> to vector<2048x192xf32>
    %add3A_912 = arith.addf %dot_general3A_907, %add3A_911 : vector<2048x192xf32>
    %slice3A_913 = vector.extract_strided_slice %add3A_912 {offsets = [0, 0], sizes = [2048, 32], strides = [1, 1]} : vector<2048x192xf32> to vector<2048x32xf32>
    %reshape3A_914 = vector.shape_cast %slice3A_913 : vector<2048x32xf32> to vector<64x32x32xf32>
    %slice3A_915 = vector.extract_strided_slice %add3A_912 {offsets = [0, 64], sizes = [2048, 32], strides = [1, 1]} : vector<2048x192xf32> to vector<2048x32xf32>
    %reshape3A_916 = vector.shape_cast %slice3A_915 : vector<2048x32xf32> to vector<64x32x32xf32>
    %slice3A_917 = vector.extract_strided_slice %add3A_912 {offsets = [0, 128], sizes = [2048, 32], strides = [1, 1]} : vector<2048x192xf32> to vector<2048x32xf32>
    %reshape3A_918 = vector.shape_cast %slice3A_917 : vector<2048x32xf32> to vector<64x32x32xf32>
    %convert_element_type3A_919 = arith.truncf %reshape3A_914 : vector<64x32x32xf32> to vector<64x32x32xbf16>
    %convert_element_type3A_920 = arith.truncf %reshape3A_916 : vector<64x32x32xf32> to vector<64x32x32xbf16>
    %dot_general3A_921 = arith.constant dense<0.000000e+00> : vector<64x32x32xf32>
    %dot_general3A_922 = tpu.matmul %convert_element_type3A_919, %convert_element_type3A_920, %dot_general3A_921 {dimension_numbers = #tpu.dot_dimension_numbers<[2], [2], [1], [1], [0, 0, 0, 1, 1, 1], [0], [0]>, transpose_lhs_hint = false} : vector<64x32x32xbf16>, vector<64x32x32xbf16>, vector<64x32x32xf32> -> vector<64x32x32xf32>
    %broadcast_in_dim3A_923 = vector.shape_cast %get3A_677 : vector<64x32xf32> to vector<64x1x32xf32>
    %add3A_924 = vector.broadcast %broadcast_in_dim3A_923 : vector<64x1x32xf32> to vector<64x32x32xf32>
    %add3A_925 = arith.addf %dot_general3A_922, %add3A_924 : vector<64x32x32xf32>
    %reduce_max3A_926 = arith.constant dense<0xFF800000> : vector<64x32xf32>
    %reduce_max3A_927 = vector.multi_reduction <maximumf>, %add3A_925, %reduce_max3A_926 [2] : vector<64x32x32xf32> to vector<64x32xf32>
    %broadcast_in_dim3A_928 = vector.shape_cast %reduce_max3A_927 : vector<64x32xf32> to vector<64x32x1xf32>
    %sub3A_929 = vector.broadcast %broadcast_in_dim3A_928 : vector<64x32x1xf32> to vector<64x32x32xf32>
    %sub3A_930 = arith.subf %add3A_925, %sub3A_929 : vector<64x32x32xf32>
    %exp3A_931 = math.exp %sub3A_930 : vector<64x32x32xf32>
    %reduce_sum3A_932 = arith.constant dense<0.000000e+00> : vector<64x32xf32>
    %reduce_sum3A_933 = vector.multi_reduction <add>, %exp3A_931, %reduce_sum3A_932 [2] : vector<64x32x32xf32> to vector<64x32xf32>
    %broadcast_in_dim3A_934 = vector.shape_cast %reduce_sum3A_933 : vector<64x32xf32> to vector<64x32x1xf32>
    %div3A_935 = vector.broadcast %broadcast_in_dim3A_934 : vector<64x32x1xf32> to vector<64x32x32xf32>
    %div3A_936 = arith.divf %exp3A_931, %div3A_935 : vector<64x32x32xf32>
    %convert_element_type3A_937 = arith.truncf %div3A_936 : vector<64x32x32xf32> to vector<64x32x32xbf16>
    %convert_element_type3A_938 = arith.truncf %reshape3A_918 : vector<64x32x32xf32> to vector<64x32x32xbf16>
    %dot_general3A_939 = arith.constant dense<0.000000e+00> : vector<64x32x32xf32>
    %dot_general3A_940 = tpu.matmul %convert_element_type3A_937, %convert_element_type3A_938, %dot_general3A_939 {dimension_numbers = #tpu.dot_dimension_numbers<[2], [1], [1], [2], [0, 0, 0, 1, 1, 2], [0], [0]>, transpose_lhs_hint = false} : vector<64x32x32xbf16>, vector<64x32x32xbf16>, vector<64x32x32xf32> -> vector<64x32x32xf32>
    %slice3A_941 = vector.extract_strided_slice %add3A_912 {offsets = [0, 32], sizes = [2048, 32], strides = [1, 1]} : vector<2048x192xf32> to vector<2048x32xf32>
    %reshape3A_942 = vector.shape_cast %slice3A_941 : vector<2048x32xf32> to vector<64x32x32xf32>
    %slice3A_943 = vector.extract_strided_slice %add3A_912 {offsets = [0, 96], sizes = [2048, 32], strides = [1, 1]} : vector<2048x192xf32> to vector<2048x32xf32>
    %reshape3A_944 = vector.shape_cast %slice3A_943 : vector<2048x32xf32> to vector<64x32x32xf32>
    %slice3A_945 = vector.extract_strided_slice %add3A_912 {offsets = [0, 160], sizes = [2048, 32], strides = [1, 1]} : vector<2048x192xf32> to vector<2048x32xf32>
    %reshape3A_946 = vector.shape_cast %slice3A_945 : vector<2048x32xf32> to vector<64x32x32xf32>
    %convert_element_type3A_947 = arith.truncf %reshape3A_942 : vector<64x32x32xf32> to vector<64x32x32xbf16>
    %convert_element_type3A_948 = arith.truncf %reshape3A_944 : vector<64x32x32xf32> to vector<64x32x32xbf16>
    %dot_general3A_949 = arith.constant dense<0.000000e+00> : vector<64x32x32xf32>
    %dot_general3A_950 = tpu.matmul %convert_element_type3A_947, %convert_element_type3A_948, %dot_general3A_949 {dimension_numbers = #tpu.dot_dimension_numbers<[2], [2], [1], [1], [0, 0, 0, 1, 1, 1], [0], [0]>, transpose_lhs_hint = false} : vector<64x32x32xbf16>, vector<64x32x32xbf16>, vector<64x32x32xf32> -> vector<64x32x32xf32>
    %broadcast_in_dim3A_951 = vector.shape_cast %get3A_677 : vector<64x32xf32> to vector<64x1x32xf32>
    %add3A_952 = vector.broadcast %broadcast_in_dim3A_951 : vector<64x1x32xf32> to vector<64x32x32xf32>
    %add3A_953 = arith.addf %dot_general3A_950, %add3A_952 : vector<64x32x32xf32>
    %reduce_max3A_954 = arith.constant dense<0xFF800000> : vector<64x32xf32>
    %reduce_max3A_955 = vector.multi_reduction <maximumf>, %add3A_953, %reduce_max3A_954 [2] : vector<64x32x32xf32> to vector<64x32xf32>
    %broadcast_in_dim3A_956 = vector.shape_cast %reduce_max3A_955 : vector<64x32xf32> to vector<64x32x1xf32>
    %sub3A_957 = vector.broadcast %broadcast_in_dim3A_956 : vector<64x32x1xf32> to vector<64x32x32xf32>
    %sub3A_958 = arith.subf %add3A_953, %sub3A_957 : vector<64x32x32xf32>
    %exp3A_959 = math.exp %sub3A_958 : vector<64x32x32xf32>
    %reduce_sum3A_960 = arith.constant dense<0.000000e+00> : vector<64x32xf32>
    %reduce_sum3A_961 = vector.multi_reduction <add>, %exp3A_959, %reduce_sum3A_960 [2] : vector<64x32x32xf32> to vector<64x32xf32>
    %broadcast_in_dim3A_962 = vector.shape_cast %reduce_sum3A_961 : vector<64x32xf32> to vector<64x32x1xf32>
    %div3A_963 = vector.broadcast %broadcast_in_dim3A_962 : vector<64x32x1xf32> to vector<64x32x32xf32>
    %div3A_964 = arith.divf %exp3A_959, %div3A_963 : vector<64x32x32xf32>
    %convert_element_type3A_965 = arith.truncf %div3A_964 : vector<64x32x32xf32> to vector<64x32x32xbf16>
    %convert_element_type3A_966 = arith.truncf %reshape3A_946 : vector<64x32x32xf32> to vector<64x32x32xbf16>
    %dot_general3A_967 = arith.constant dense<0.000000e+00> : vector<64x32x32xf32>
    %dot_general3A_968 = tpu.matmul %convert_element_type3A_965, %convert_element_type3A_966, %dot_general3A_967 {dimension_numbers = #tpu.dot_dimension_numbers<[2], [1], [1], [2], [0, 0, 0, 1, 1, 2], [0], [0]>, transpose_lhs_hint = false} : vector<64x32x32xbf16>, vector<64x32x32xbf16>, vector<64x32x32xf32> -> vector<64x32x32xf32>
    %concatenate3A_969 = tpu.concatenate %dot_general3A_940, %dot_general3A_968 in 2 : vector<64x32x32xf32>, vector<64x32x32xf32> -> vector<64x32x64xf32>
    %reshape3A_970 = vector.shape_cast %concatenate3A_969 : vector<64x32x64xf32> to vector<2048x64xf32>
    %convert_element_type3A_971 = arith.truncf %reshape3A_970 : vector<2048x64xf32> to vector<2048x64xbf16>
    %get3A_972 = arith.constant 1 : index
    %get3A_973 = arith.constant 0 : index
    %get3A_974 = arith.constant 0 : index
    %get3A_975 = vector.load %arg14[%get3A_972, %get3A_973, %get3A_974] : memref<6x64x64xbf16, #tpu.memory_space<vmem>>, vector<1x64x64xbf16>
    %get3A_976 = vector.shape_cast %get3A_975 : vector<1x64x64xbf16> to vector<64x64xbf16>
    %dot_general3A_977 = arith.constant dense<0.000000e+00> : vector<2048x64xf32>
    %dot_general3A_978 = tpu.matmul %convert_element_type3A_971, %get3A_976, %dot_general3A_977 {dimension_numbers = #tpu.dot_dimension_numbers<[1], [0], [0], [1], [0, 0, 1, 1], [], []>, transpose_lhs_hint = false} : vector<2048x64xbf16>, vector<64x64xbf16>, vector<2048x64xf32> -> vector<2048x64xf32>
    %add3A_979 = arith.addf %add3A_866, %dot_general3A_978 : vector<2048x64xf32>
    %get3A_980 = arith.constant 1 : index
    %get3A_981 = arith.constant 0 : index
    %get3A_982 = vector.load %arg15[%get3A_980, %get3A_981] : memref<6x64xf32, #tpu.memory_space<vmem>>, vector<1x64xf32>
    %add3A_983 = vector.broadcast %get3A_982 : vector<1x64xf32> to vector<2048x64xf32>
    %add3A_984 = arith.addf %add3A_979, %add3A_983 : vector<2048x64xf32>
    %get3A_985 = arith.constant 1 : index
    %get3A_986 = arith.constant 0 : index
    %get3A_987 = vector.load %arg16[%get3A_985, %get3A_986] : memref<6x64xf32, #tpu.memory_space<vmem>>, vector<1x64xf32>
    %get3A_988 = arith.constant 1 : index
    %get3A_989 = arith.constant 0 : index
    %get3A_990 = vector.load %arg17[%get3A_988, %get3A_989] : memref<6x64xf32, #tpu.memory_space<vmem>>, vector<1x64xf32>
    %reduce_sum3A_991 = arith.constant dense<0.000000e+00> : vector<2048xf32>
    %reduce_sum3A_992 = vector.multi_reduction <add>, %add3A_984, %reduce_sum3A_991 [1] : vector<2048x64xf32> to vector<2048xf32>
    %broadcast_in_dim3A_993 = vector.shape_cast %reduce_sum3A_992 : vector<2048xf32> to vector<2048x1xf32>
    %div3A_994 = arith.constant 6.400000e+01 : f32
    %div3A_995 = vector.broadcast %div3A_994 : f32 to vector<2048x1xf32>
    %div3A_996 = arith.divf %broadcast_in_dim3A_993, %div3A_995 : vector<2048x1xf32>
    %mul3A_997 = arith.mulf %add3A_984, %add3A_984 : vector<2048x64xf32>
    %reduce_sum3A_998 = arith.constant dense<0.000000e+00> : vector<2048xf32>
    %reduce_sum3A_999 = vector.multi_reduction <add>, %mul3A_997, %reduce_sum3A_998 [1] : vector<2048x64xf32> to vector<2048xf32>
    %broadcast_in_dim3A_1000 = vector.shape_cast %reduce_sum3A_999 : vector<2048xf32> to vector<2048x1xf32>
    %div3A_1001 = arith.constant 6.400000e+01 : f32
    %div3A_1002 = vector.broadcast %div3A_1001 : f32 to vector<2048x1xf32>
    %div3A_1003 = arith.divf %broadcast_in_dim3A_1000, %div3A_1002 : vector<2048x1xf32>
    %mul3A_1004 = arith.mulf %div3A_996, %div3A_996 : vector<2048x1xf32>
    %sub3A_1005 = arith.subf %div3A_1003, %mul3A_1004 : vector<2048x1xf32>
    %sub3A_1006 = vector.broadcast %div3A_996 : vector<2048x1xf32> to vector<2048x64xf32>
    %sub3A_1007 = arith.subf %add3A_984, %sub3A_1006 : vector<2048x64xf32>
    %add3A_1008 = arith.constant 9.99999974E-6 : f32
    %add3A_1009 = vector.broadcast %add3A_1008 : f32 to vector<2048x1xf32>
    %add3A_1010 = arith.addf %sub3A_1005, %add3A_1009 : vector<2048x1xf32>
    %rsqrt3A_1011 = math.rsqrt %add3A_1010 : vector<2048x1xf32>
    %mul3A_1012 = vector.broadcast %rsqrt3A_1011 : vector<2048x1xf32> to vector<2048x64xf32>
    %mul3A_1013 = arith.mulf %sub3A_1007, %mul3A_1012 : vector<2048x64xf32>
    %mul3A_1014 = vector.broadcast %get3A_987 : vector<1x64xf32> to vector<2048x64xf32>
    %mul3A_1015 = arith.mulf %mul3A_1013, %mul3A_1014 : vector<2048x64xf32>
    %add3A_1016 = vector.broadcast %get3A_990 : vector<1x64xf32> to vector<2048x64xf32>
    %add3A_1017 = arith.addf %mul3A_1015, %add3A_1016 : vector<2048x64xf32>
    %convert_element_type3A_1018 = arith.truncf %add3A_1017 : vector<2048x64xf32> to vector<2048x64xbf16>
    %get3A_1019 = arith.constant 1 : index
    %get3A_1020 = arith.constant 0 : index
    %get3A_1021 = arith.constant 0 : index
    %get3A_1022 = vector.load %arg18[%get3A_1019, %get3A_1020, %get3A_1021] : memref<6x64x256xbf16, #tpu.memory_space<vmem>>, vector<1x64x256xbf16>
    %get3A_1023 = vector.shape_cast %get3A_1022 : vector<1x64x256xbf16> to vector<64x256xbf16>
    %dot_general3A_1024 = arith.constant dense<0.000000e+00> : vector<2048x256xf32>
    %dot_general3A_1025 = tpu.matmul %convert_element_type3A_1018, %get3A_1023, %dot_general3A_1024 {dimension_numbers = #tpu.dot_dimension_numbers<[1], [0], [0], [1], [0, 0, 1, 1], [], []>, transpose_lhs_hint = false} : vector<2048x64xbf16>, vector<64x256xbf16>, vector<2048x256xf32> -> vector<2048x256xf32>
    %get3A_1026 = arith.constant 1 : index
    %get3A_1027 = arith.constant 0 : index
    %get3A_1028 = vector.load %arg19[%get3A_1026, %get3A_1027] : memref<6x256xf32, #tpu.memory_space<vmem>>, vector<1x256xf32>
    %add3A_1029 = vector.broadcast %get3A_1028 : vector<1x256xf32> to vector<2048x256xf32>
    %add3A_1030 = arith.addf %dot_general3A_1025, %add3A_1029 : vector<2048x256xf32>
    %convert_element_type3A_1031 = arith.truncf %add3A_1030 : vector<2048x256xf32> to vector<2048x256xbf16>
    %integer_pow3A_1032 = arith.mulf %convert_element_type3A_1031, %convert_element_type3A_1031 : vector<2048x256xbf16>
    %integer_pow3A_1033 = arith.mulf %convert_element_type3A_1031, %integer_pow3A_1032 : vector<2048x256xbf16>
    %mul3A_1034 = arith.constant 4.467770e-02 : bf16
    %mul3A_1035 = vector.broadcast %mul3A_1034 : bf16 to vector<2048x256xbf16>
    %mul3A_1036 = arith.mulf %mul3A_1035, %integer_pow3A_1033 : vector<2048x256xbf16>
    %add3A_1037 = arith.addf %convert_element_type3A_1031, %mul3A_1036 : vector<2048x256xbf16>
    %mul3A_1038 = arith.constant 7.968750e-01 : bf16
    %mul3A_1039 = vector.broadcast %mul3A_1038 : bf16 to vector<2048x256xbf16>
    %mul3A_1040 = arith.mulf %mul3A_1039, %add3A_1037 : vector<2048x256xbf16>
    %tanh3A_1041 = math.tanh %mul3A_1040 : vector<2048x256xbf16>
    %add3A_1042 = arith.constant 1.000000e+00 : bf16
    %add3A_1043 = vector.broadcast %add3A_1042 : bf16 to vector<2048x256xbf16>
    %add3A_1044 = arith.addf %add3A_1043, %tanh3A_1041 : vector<2048x256xbf16>
    %mul3A_1045 = arith.constant 5.000000e-01 : bf16
    %mul3A_1046 = vector.broadcast %mul3A_1045 : bf16 to vector<2048x256xbf16>
    %mul3A_1047 = arith.mulf %mul3A_1046, %add3A_1044 : vector<2048x256xbf16>
    %mul3A_1048 = arith.mulf %convert_element_type3A_1031, %mul3A_1047 : vector<2048x256xbf16>
    %get3A_1049 = arith.constant 1 : index
    %get3A_1050 = arith.constant 0 : index
    %get3A_1051 = arith.constant 0 : index
    %get3A_1052 = vector.load %arg20[%get3A_1049, %get3A_1050, %get3A_1051] : memref<6x256x64xbf16, #tpu.memory_space<vmem>>, vector<1x256x64xbf16>
    %get3A_1053 = vector.shape_cast %get3A_1052 : vector<1x256x64xbf16> to vector<256x64xbf16>
    %dot_general3A_1054 = arith.constant dense<0.000000e+00> : vector<2048x64xf32>
    %dot_general3A_1055 = tpu.matmul %mul3A_1048, %get3A_1053, %dot_general3A_1054 {dimension_numbers = #tpu.dot_dimension_numbers<[1], [0], [0], [1], [0, 0, 1, 1], [], []>, transpose_lhs_hint = false} : vector<2048x256xbf16>, vector<256x64xbf16>, vector<2048x64xf32> -> vector<2048x64xf32>
    %add3A_1056 = arith.addf %add3A_984, %dot_general3A_1055 : vector<2048x64xf32>
    %get3A_1057 = arith.constant 1 : index
    %get3A_1058 = arith.constant 0 : index
    %get3A_1059 = vector.load %arg21[%get3A_1057, %get3A_1058] : memref<6x64xf32, #tpu.memory_space<vmem>>, vector<1x64xf32>
    %add3A_1060 = vector.broadcast %get3A_1059 : vector<1x64xf32> to vector<2048x64xf32>
    %add3A_1061 = arith.addf %add3A_1056, %add3A_1060 : vector<2048x64xf32>
    %get3A_1062 = arith.constant 2 : index
    %get3A_1063 = arith.constant 0 : index
    %get3A_1064 = vector.load %arg10[%get3A_1062, %get3A_1063] : memref<6x64xf32, #tpu.memory_space<vmem>>, vector<1x64xf32>
    %get3A_1065 = arith.constant 2 : index
    %get3A_1066 = arith.constant 0 : index
    %get3A_1067 = vector.load %arg11[%get3A_1065, %get3A_1066] : memref<6x64xf32, #tpu.memory_space<vmem>>, vector<1x64xf32>
    %reduce_sum3A_1068 = arith.constant dense<0.000000e+00> : vector<2048xf32>
    %reduce_sum3A_1069 = vector.multi_reduction <add>, %add3A_1061, %reduce_sum3A_1068 [1] : vector<2048x64xf32> to vector<2048xf32>
    %broadcast_in_dim3A_1070 = vector.shape_cast %reduce_sum3A_1069 : vector<2048xf32> to vector<2048x1xf32>
    %div3A_1071 = arith.constant 6.400000e+01 : f32
    %div3A_1072 = vector.broadcast %div3A_1071 : f32 to vector<2048x1xf32>
    %div3A_1073 = arith.divf %broadcast_in_dim3A_1070, %div3A_1072 : vector<2048x1xf32>
    %mul3A_1074 = arith.mulf %add3A_1061, %add3A_1061 : vector<2048x64xf32>
    %reduce_sum3A_1075 = arith.constant dense<0.000000e+00> : vector<2048xf32>
    %reduce_sum3A_1076 = vector.multi_reduction <add>, %mul3A_1074, %reduce_sum3A_1075 [1] : vector<2048x64xf32> to vector<2048xf32>
    %broadcast_in_dim3A_1077 = vector.shape_cast %reduce_sum3A_1076 : vector<2048xf32> to vector<2048x1xf32>
    %div3A_1078 = arith.constant 6.400000e+01 : f32
    %div3A_1079 = vector.broadcast %div3A_1078 : f32 to vector<2048x1xf32>
    %div3A_1080 = arith.divf %broadcast_in_dim3A_1077, %div3A_1079 : vector<2048x1xf32>
    %mul3A_1081 = arith.mulf %div3A_1073, %div3A_1073 : vector<2048x1xf32>
    %sub3A_1082 = arith.subf %div3A_1080, %mul3A_1081 : vector<2048x1xf32>
    %sub3A_1083 = vector.broadcast %div3A_1073 : vector<2048x1xf32> to vector<2048x64xf32>
    %sub3A_1084 = arith.subf %add3A_1061, %sub3A_1083 : vector<2048x64xf32>
    %add3A_1085 = arith.constant 9.99999974E-6 : f32
    %add3A_1086 = vector.broadcast %add3A_1085 : f32 to vector<2048x1xf32>
    %add3A_1087 = arith.addf %sub3A_1082, %add3A_1086 : vector<2048x1xf32>
    %rsqrt3A_1088 = math.rsqrt %add3A_1087 : vector<2048x1xf32>
    %mul3A_1089 = vector.broadcast %rsqrt3A_1088 : vector<2048x1xf32> to vector<2048x64xf32>
    %mul3A_1090 = arith.mulf %sub3A_1084, %mul3A_1089 : vector<2048x64xf32>
    %mul3A_1091 = vector.broadcast %get3A_1064 : vector<1x64xf32> to vector<2048x64xf32>
    %mul3A_1092 = arith.mulf %mul3A_1090, %mul3A_1091 : vector<2048x64xf32>
    %add3A_1093 = vector.broadcast %get3A_1067 : vector<1x64xf32> to vector<2048x64xf32>
    %add3A_1094 = arith.addf %mul3A_1092, %add3A_1093 : vector<2048x64xf32>
    %convert_element_type3A_1095 = arith.truncf %add3A_1094 : vector<2048x64xf32> to vector<2048x64xbf16>
    %get3A_1096 = arith.constant 2 : index
    %get3A_1097 = arith.constant 0 : index
    %get3A_1098 = arith.constant 0 : index
    %get3A_1099 = vector.load %arg12[%get3A_1096, %get3A_1097, %get3A_1098] : memref<6x64x192xbf16, #tpu.memory_space<vmem>>, vector<1x64x192xbf16>
    %get3A_1100 = vector.shape_cast %get3A_1099 : vector<1x64x192xbf16> to vector<64x192xbf16>
    %dot_general3A_1101 = arith.constant dense<0.000000e+00> : vector<2048x192xf32>
    %dot_general3A_1102 = tpu.matmul %convert_element_type3A_1095, %get3A_1100, %dot_general3A_1101 {dimension_numbers = #tpu.dot_dimension_numbers<[1], [0], [0], [1], [0, 0, 1, 1], [], []>, transpose_lhs_hint = false} : vector<2048x64xbf16>, vector<64x192xbf16>, vector<2048x192xf32> -> vector<2048x192xf32>
    %get3A_1103 = arith.constant 2 : index
    %get3A_1104 = arith.constant 0 : index
    %get3A_1105 = vector.load %arg13[%get3A_1103, %get3A_1104] : memref<6x192xf32, #tpu.memory_space<vmem>>, vector<1x192xf32>
    %add3A_1106 = vector.broadcast %get3A_1105 : vector<1x192xf32> to vector<2048x192xf32>
    %add3A_1107 = arith.addf %dot_general3A_1102, %add3A_1106 : vector<2048x192xf32>
    %slice3A_1108 = vector.extract_strided_slice %add3A_1107 {offsets = [0, 0], sizes = [2048, 32], strides = [1, 1]} : vector<2048x192xf32> to vector<2048x32xf32>
    %reshape3A_1109 = vector.shape_cast %slice3A_1108 : vector<2048x32xf32> to vector<64x32x32xf32>
    %slice3A_1110 = vector.extract_strided_slice %add3A_1107 {offsets = [0, 64], sizes = [2048, 32], strides = [1, 1]} : vector<2048x192xf32> to vector<2048x32xf32>
    %reshape3A_1111 = vector.shape_cast %slice3A_1110 : vector<2048x32xf32> to vector<64x32x32xf32>
    %slice3A_1112 = vector.extract_strided_slice %add3A_1107 {offsets = [0, 128], sizes = [2048, 32], strides = [1, 1]} : vector<2048x192xf32> to vector<2048x32xf32>
    %reshape3A_1113 = vector.shape_cast %slice3A_1112 : vector<2048x32xf32> to vector<64x32x32xf32>
    %convert_element_type3A_1114 = arith.truncf %reshape3A_1109 : vector<64x32x32xf32> to vector<64x32x32xbf16>
    %convert_element_type3A_1115 = arith.truncf %reshape3A_1111 : vector<64x32x32xf32> to vector<64x32x32xbf16>
    %dot_general3A_1116 = arith.constant dense<0.000000e+00> : vector<64x32x32xf32>
    %dot_general3A_1117 = tpu.matmul %convert_element_type3A_1114, %convert_element_type3A_1115, %dot_general3A_1116 {dimension_numbers = #tpu.dot_dimension_numbers<[2], [2], [1], [1], [0, 0, 0, 1, 1, 1], [0], [0]>, transpose_lhs_hint = false} : vector<64x32x32xbf16>, vector<64x32x32xbf16>, vector<64x32x32xf32> -> vector<64x32x32xf32>
    %broadcast_in_dim3A_1118 = vector.shape_cast %get3A_677 : vector<64x32xf32> to vector<64x1x32xf32>
    %add3A_1119 = vector.broadcast %broadcast_in_dim3A_1118 : vector<64x1x32xf32> to vector<64x32x32xf32>
    %add3A_1120 = arith.addf %dot_general3A_1117, %add3A_1119 : vector<64x32x32xf32>
    %reduce_max3A_1121 = arith.constant dense<0xFF800000> : vector<64x32xf32>
    %reduce_max3A_1122 = vector.multi_reduction <maximumf>, %add3A_1120, %reduce_max3A_1121 [2] : vector<64x32x32xf32> to vector<64x32xf32>
    %broadcast_in_dim3A_1123 = vector.shape_cast %reduce_max3A_1122 : vector<64x32xf32> to vector<64x32x1xf32>
    %sub3A_1124 = vector.broadcast %broadcast_in_dim3A_1123 : vector<64x32x1xf32> to vector<64x32x32xf32>
    %sub3A_1125 = arith.subf %add3A_1120, %sub3A_1124 : vector<64x32x32xf32>
    %exp3A_1126 = math.exp %sub3A_1125 : vector<64x32x32xf32>
    %reduce_sum3A_1127 = arith.constant dense<0.000000e+00> : vector<64x32xf32>
    %reduce_sum3A_1128 = vector.multi_reduction <add>, %exp3A_1126, %reduce_sum3A_1127 [2] : vector<64x32x32xf32> to vector<64x32xf32>
    %broadcast_in_dim3A_1129 = vector.shape_cast %reduce_sum3A_1128 : vector<64x32xf32> to vector<64x32x1xf32>
    %div3A_1130 = vector.broadcast %broadcast_in_dim3A_1129 : vector<64x32x1xf32> to vector<64x32x32xf32>
    %div3A_1131 = arith.divf %exp3A_1126, %div3A_1130 : vector<64x32x32xf32>
    %convert_element_type3A_1132 = arith.truncf %div3A_1131 : vector<64x32x32xf32> to vector<64x32x32xbf16>
    %convert_element_type3A_1133 = arith.truncf %reshape3A_1113 : vector<64x32x32xf32> to vector<64x32x32xbf16>
    %dot_general3A_1134 = arith.constant dense<0.000000e+00> : vector<64x32x32xf32>
    %dot_general3A_1135 = tpu.matmul %convert_element_type3A_1132, %convert_element_type3A_1133, %dot_general3A_1134 {dimension_numbers = #tpu.dot_dimension_numbers<[2], [1], [1], [2], [0, 0, 0, 1, 1, 2], [0], [0]>, transpose_lhs_hint = false} : vector<64x32x32xbf16>, vector<64x32x32xbf16>, vector<64x32x32xf32> -> vector<64x32x32xf32>
    %slice3A_1136 = vector.extract_strided_slice %add3A_1107 {offsets = [0, 32], sizes = [2048, 32], strides = [1, 1]} : vector<2048x192xf32> to vector<2048x32xf32>
    %reshape3A_1137 = vector.shape_cast %slice3A_1136 : vector<2048x32xf32> to vector<64x32x32xf32>
    %slice3A_1138 = vector.extract_strided_slice %add3A_1107 {offsets = [0, 96], sizes = [2048, 32], strides = [1, 1]} : vector<2048x192xf32> to vector<2048x32xf32>
    %reshape3A_1139 = vector.shape_cast %slice3A_1138 : vector<2048x32xf32> to vector<64x32x32xf32>
    %slice3A_1140 = vector.extract_strided_slice %add3A_1107 {offsets = [0, 160], sizes = [2048, 32], strides = [1, 1]} : vector<2048x192xf32> to vector<2048x32xf32>
    %reshape3A_1141 = vector.shape_cast %slice3A_1140 : vector<2048x32xf32> to vector<64x32x32xf32>
    %convert_element_type3A_1142 = arith.truncf %reshape3A_1137 : vector<64x32x32xf32> to vector<64x32x32xbf16>
    %convert_element_type3A_1143 = arith.truncf %reshape3A_1139 : vector<64x32x32xf32> to vector<64x32x32xbf16>
    %dot_general3A_1144 = arith.constant dense<0.000000e+00> : vector<64x32x32xf32>
    %dot_general3A_1145 = tpu.matmul %convert_element_type3A_1142, %convert_element_type3A_1143, %dot_general3A_1144 {dimension_numbers = #tpu.dot_dimension_numbers<[2], [2], [1], [1], [0, 0, 0, 1, 1, 1], [0], [0]>, transpose_lhs_hint = false} : vector<64x32x32xbf16>, vector<64x32x32xbf16>, vector<64x32x32xf32> -> vector<64x32x32xf32>
    %broadcast_in_dim3A_1146 = vector.shape_cast %get3A_677 : vector<64x32xf32> to vector<64x1x32xf32>
    %add3A_1147 = vector.broadcast %broadcast_in_dim3A_1146 : vector<64x1x32xf32> to vector<64x32x32xf32>
    %add3A_1148 = arith.addf %dot_general3A_1145, %add3A_1147 : vector<64x32x32xf32>
    %reduce_max3A_1149 = arith.constant dense<0xFF800000> : vector<64x32xf32>
    %reduce_max3A_1150 = vector.multi_reduction <maximumf>, %add3A_1148, %reduce_max3A_1149 [2] : vector<64x32x32xf32> to vector<64x32xf32>
    %broadcast_in_dim3A_1151 = vector.shape_cast %reduce_max3A_1150 : vector<64x32xf32> to vector<64x32x1xf32>
    %sub3A_1152 = vector.broadcast %broadcast_in_dim3A_1151 : vector<64x32x1xf32> to vector<64x32x32xf32>
    %sub3A_1153 = arith.subf %add3A_1148, %sub3A_1152 : vector<64x32x32xf32>
    %exp3A_1154 = math.exp %sub3A_1153 : vector<64x32x32xf32>
    %reduce_sum3A_1155 = arith.constant dense<0.000000e+00> : vector<64x32xf32>
    %reduce_sum3A_1156 = vector.multi_reduction <add>, %exp3A_1154, %reduce_sum3A_1155 [2] : vector<64x32x32xf32> to vector<64x32xf32>
    %broadcast_in_dim3A_1157 = vector.shape_cast %reduce_sum3A_1156 : vector<64x32xf32> to vector<64x32x1xf32>
    %div3A_1158 = vector.broadcast %broadcast_in_dim3A_1157 : vector<64x32x1xf32> to vector<64x32x32xf32>
    %div3A_1159 = arith.divf %exp3A_1154, %div3A_1158 : vector<64x32x32xf32>
    %convert_element_type3A_1160 = arith.truncf %div3A_1159 : vector<64x32x32xf32> to vector<64x32x32xbf16>
    %convert_element_type3A_1161 = arith.truncf %reshape3A_1141 : vector<64x32x32xf32> to vector<64x32x32xbf16>
    %dot_general3A_1162 = arith.constant dense<0.000000e+00> : vector<64x32x32xf32>
    %dot_general3A_1163 = tpu.matmul %convert_element_type3A_1160, %convert_element_type3A_1161, %dot_general3A_1162 {dimension_numbers = #tpu.dot_dimension_numbers<[2], [1], [1], [2], [0, 0, 0, 1, 1, 2], [0], [0]>, transpose_lhs_hint = false} : vector<64x32x32xbf16>, vector<64x32x32xbf16>, vector<64x32x32xf32> -> vector<64x32x32xf32>
    %concatenate3A_1164 = tpu.concatenate %dot_general3A_1135, %dot_general3A_1163 in 2 : vector<64x32x32xf32>, vector<64x32x32xf32> -> vector<64x32x64xf32>
    %reshape3A_1165 = vector.shape_cast %concatenate3A_1164 : vector<64x32x64xf32> to vector<2048x64xf32>
    %convert_element_type3A_1166 = arith.truncf %reshape3A_1165 : vector<2048x64xf32> to vector<2048x64xbf16>
    %get3A_1167 = arith.constant 2 : index
    %get3A_1168 = arith.constant 0 : index
    %get3A_1169 = arith.constant 0 : index
    %get3A_1170 = vector.load %arg14[%get3A_1167, %get3A_1168, %get3A_1169] : memref<6x64x64xbf16, #tpu.memory_space<vmem>>, vector<1x64x64xbf16>
    %get3A_1171 = vector.shape_cast %get3A_1170 : vector<1x64x64xbf16> to vector<64x64xbf16>
    %dot_general3A_1172 = arith.constant dense<0.000000e+00> : vector<2048x64xf32>
    %dot_general3A_1173 = tpu.matmul %convert_element_type3A_1166, %get3A_1171, %dot_general3A_1172 {dimension_numbers = #tpu.dot_dimension_numbers<[1], [0], [0], [1], [0, 0, 1, 1], [], []>, transpose_lhs_hint = false} : vector<2048x64xbf16>, vector<64x64xbf16>, vector<2048x64xf32> -> vector<2048x64xf32>
    %add3A_1174 = arith.addf %add3A_1061, %dot_general3A_1173 : vector<2048x64xf32>
    %get3A_1175 = arith.constant 2 : index
    %get3A_1176 = arith.constant 0 : index
    %get3A_1177 = vector.load %arg15[%get3A_1175, %get3A_1176] : memref<6x64xf32, #tpu.memory_space<vmem>>, vector<1x64xf32>
    %add3A_1178 = vector.broadcast %get3A_1177 : vector<1x64xf32> to vector<2048x64xf32>
    %add3A_1179 = arith.addf %add3A_1174, %add3A_1178 : vector<2048x64xf32>
    %get3A_1180 = arith.constant 2 : index
    %get3A_1181 = arith.constant 0 : index
    %get3A_1182 = vector.load %arg16[%get3A_1180, %get3A_1181] : memref<6x64xf32, #tpu.memory_space<vmem>>, vector<1x64xf32>
    %get3A_1183 = arith.constant 2 : index
    %get3A_1184 = arith.constant 0 : index
    %get3A_1185 = vector.load %arg17[%get3A_1183, %get3A_1184] : memref<6x64xf32, #tpu.memory_space<vmem>>, vector<1x64xf32>
    %reduce_sum3A_1186 = arith.constant dense<0.000000e+00> : vector<2048xf32>
    %reduce_sum3A_1187 = vector.multi_reduction <add>, %add3A_1179, %reduce_sum3A_1186 [1] : vector<2048x64xf32> to vector<2048xf32>
    %broadcast_in_dim3A_1188 = vector.shape_cast %reduce_sum3A_1187 : vector<2048xf32> to vector<2048x1xf32>
    %div3A_1189 = arith.constant 6.400000e+01 : f32
    %div3A_1190 = vector.broadcast %div3A_1189 : f32 to vector<2048x1xf32>
    %div3A_1191 = arith.divf %broadcast_in_dim3A_1188, %div3A_1190 : vector<2048x1xf32>
    %mul3A_1192 = arith.mulf %add3A_1179, %add3A_1179 : vector<2048x64xf32>
    %reduce_sum3A_1193 = arith.constant dense<0.000000e+00> : vector<2048xf32>
    %reduce_sum3A_1194 = vector.multi_reduction <add>, %mul3A_1192, %reduce_sum3A_1193 [1] : vector<2048x64xf32> to vector<2048xf32>
    %broadcast_in_dim3A_1195 = vector.shape_cast %reduce_sum3A_1194 : vector<2048xf32> to vector<2048x1xf32>
    %div3A_1196 = arith.constant 6.400000e+01 : f32
    %div3A_1197 = vector.broadcast %div3A_1196 : f32 to vector<2048x1xf32>
    %div3A_1198 = arith.divf %broadcast_in_dim3A_1195, %div3A_1197 : vector<2048x1xf32>
    %mul3A_1199 = arith.mulf %div3A_1191, %div3A_1191 : vector<2048x1xf32>
    %sub3A_1200 = arith.subf %div3A_1198, %mul3A_1199 : vector<2048x1xf32>
    %sub3A_1201 = vector.broadcast %div3A_1191 : vector<2048x1xf32> to vector<2048x64xf32>
    %sub3A_1202 = arith.subf %add3A_1179, %sub3A_1201 : vector<2048x64xf32>
    %add3A_1203 = arith.constant 9.99999974E-6 : f32
    %add3A_1204 = vector.broadcast %add3A_1203 : f32 to vector<2048x1xf32>
    %add3A_1205 = arith.addf %sub3A_1200, %add3A_1204 : vector<2048x1xf32>
    %rsqrt3A_1206 = math.rsqrt %add3A_1205 : vector<2048x1xf32>
    %mul3A_1207 = vector.broadcast %rsqrt3A_1206 : vector<2048x1xf32> to vector<2048x64xf32>
    %mul3A_1208 = arith.mulf %sub3A_1202, %mul3A_1207 : vector<2048x64xf32>
    %mul3A_1209 = vector.broadcast %get3A_1182 : vector<1x64xf32> to vector<2048x64xf32>
    %mul3A_1210 = arith.mulf %mul3A_1208, %mul3A_1209 : vector<2048x64xf32>
    %add3A_1211 = vector.broadcast %get3A_1185 : vector<1x64xf32> to vector<2048x64xf32>
    %add3A_1212 = arith.addf %mul3A_1210, %add3A_1211 : vector<2048x64xf32>
    %convert_element_type3A_1213 = arith.truncf %add3A_1212 : vector<2048x64xf32> to vector<2048x64xbf16>
    %get3A_1214 = arith.constant 2 : index
    %get3A_1215 = arith.constant 0 : index
    %get3A_1216 = arith.constant 0 : index
    %get3A_1217 = vector.load %arg18[%get3A_1214, %get3A_1215, %get3A_1216] : memref<6x64x256xbf16, #tpu.memory_space<vmem>>, vector<1x64x256xbf16>
    %get3A_1218 = vector.shape_cast %get3A_1217 : vector<1x64x256xbf16> to vector<64x256xbf16>
    %dot_general3A_1219 = arith.constant dense<0.000000e+00> : vector<2048x256xf32>
    %dot_general3A_1220 = tpu.matmul %convert_element_type3A_1213, %get3A_1218, %dot_general3A_1219 {dimension_numbers = #tpu.dot_dimension_numbers<[1], [0], [0], [1], [0, 0, 1, 1], [], []>, transpose_lhs_hint = false} : vector<2048x64xbf16>, vector<64x256xbf16>, vector<2048x256xf32> -> vector<2048x256xf32>
    %get3A_1221 = arith.constant 2 : index
    %get3A_1222 = arith.constant 0 : index
    %get3A_1223 = vector.load %arg19[%get3A_1221, %get3A_1222] : memref<6x256xf32, #tpu.memory_space<vmem>>, vector<1x256xf32>
    %add3A_1224 = vector.broadcast %get3A_1223 : vector<1x256xf32> to vector<2048x256xf32>
    %add3A_1225 = arith.addf %dot_general3A_1220, %add3A_1224 : vector<2048x256xf32>
    %convert_element_type3A_1226 = arith.truncf %add3A_1225 : vector<2048x256xf32> to vector<2048x256xbf16>
    %integer_pow3A_1227 = arith.mulf %convert_element_type3A_1226, %convert_element_type3A_1226 : vector<2048x256xbf16>
    %integer_pow3A_1228 = arith.mulf %convert_element_type3A_1226, %integer_pow3A_1227 : vector<2048x256xbf16>
    %mul3A_1229 = arith.constant 4.467770e-02 : bf16
    %mul3A_1230 = vector.broadcast %mul3A_1229 : bf16 to vector<2048x256xbf16>
    %mul3A_1231 = arith.mulf %mul3A_1230, %integer_pow3A_1228 : vector<2048x256xbf16>
    %add3A_1232 = arith.addf %convert_element_type3A_1226, %mul3A_1231 : vector<2048x256xbf16>
    %mul3A_1233 = arith.constant 7.968750e-01 : bf16
    %mul3A_1234 = vector.broadcast %mul3A_1233 : bf16 to vector<2048x256xbf16>
    %mul3A_1235 = arith.mulf %mul3A_1234, %add3A_1232 : vector<2048x256xbf16>
    %tanh3A_1236 = math.tanh %mul3A_1235 : vector<2048x256xbf16>
    %add3A_1237 = arith.constant 1.000000e+00 : bf16
    %add3A_1238 = vector.broadcast %add3A_1237 : bf16 to vector<2048x256xbf16>
    %add3A_1239 = arith.addf %add3A_1238, %tanh3A_1236 : vector<2048x256xbf16>
    %mul3A_1240 = arith.constant 5.000000e-01 : bf16
    %mul3A_1241 = vector.broadcast %mul3A_1240 : bf16 to vector<2048x256xbf16>
    %mul3A_1242 = arith.mulf %mul3A_1241, %add3A_1239 : vector<2048x256xbf16>
    %mul3A_1243 = arith.mulf %convert_element_type3A_1226, %mul3A_1242 : vector<2048x256xbf16>
    %get3A_1244 = arith.constant 2 : index
    %get3A_1245 = arith.constant 0 : index
    %get3A_1246 = arith.constant 0 : index
    %get3A_1247 = vector.load %arg20[%get3A_1244, %get3A_1245, %get3A_1246] : memref<6x256x64xbf16, #tpu.memory_space<vmem>>, vector<1x256x64xbf16>
    %get3A_1248 = vector.shape_cast %get3A_1247 : vector<1x256x64xbf16> to vector<256x64xbf16>
    %dot_general3A_1249 = arith.constant dense<0.000000e+00> : vector<2048x64xf32>
    %dot_general3A_1250 = tpu.matmul %mul3A_1243, %get3A_1248, %dot_general3A_1249 {dimension_numbers = #tpu.dot_dimension_numbers<[1], [0], [0], [1], [0, 0, 1, 1], [], []>, transpose_lhs_hint = false} : vector<2048x256xbf16>, vector<256x64xbf16>, vector<2048x64xf32> -> vector<2048x64xf32>
    %add3A_1251 = arith.addf %add3A_1179, %dot_general3A_1250 : vector<2048x64xf32>
    %get3A_1252 = arith.constant 2 : index
    %get3A_1253 = arith.constant 0 : index
    %get3A_1254 = vector.load %arg21[%get3A_1252, %get3A_1253] : memref<6x64xf32, #tpu.memory_space<vmem>>, vector<1x64xf32>
    %add3A_1255 = vector.broadcast %get3A_1254 : vector<1x64xf32> to vector<2048x64xf32>
    %add3A_1256 = arith.addf %add3A_1251, %add3A_1255 : vector<2048x64xf32>
    %get3A_1257 = arith.constant 3 : index
    %get3A_1258 = arith.constant 0 : index
    %get3A_1259 = vector.load %arg10[%get3A_1257, %get3A_1258] : memref<6x64xf32, #tpu.memory_space<vmem>>, vector<1x64xf32>
    %get3A_1260 = arith.constant 3 : index
    %get3A_1261 = arith.constant 0 : index
    %get3A_1262 = vector.load %arg11[%get3A_1260, %get3A_1261] : memref<6x64xf32, #tpu.memory_space<vmem>>, vector<1x64xf32>
    %reduce_sum3A_1263 = arith.constant dense<0.000000e+00> : vector<2048xf32>
    %reduce_sum3A_1264 = vector.multi_reduction <add>, %add3A_1256, %reduce_sum3A_1263 [1] : vector<2048x64xf32> to vector<2048xf32>
    %broadcast_in_dim3A_1265 = vector.shape_cast %reduce_sum3A_1264 : vector<2048xf32> to vector<2048x1xf32>
    %div3A_1266 = arith.constant 6.400000e+01 : f32
    %div3A_1267 = vector.broadcast %div3A_1266 : f32 to vector<2048x1xf32>
    %div3A_1268 = arith.divf %broadcast_in_dim3A_1265, %div3A_1267 : vector<2048x1xf32>
    %mul3A_1269 = arith.mulf %add3A_1256, %add3A_1256 : vector<2048x64xf32>
    %reduce_sum3A_1270 = arith.constant dense<0.000000e+00> : vector<2048xf32>
    %reduce_sum3A_1271 = vector.multi_reduction <add>, %mul3A_1269, %reduce_sum3A_1270 [1] : vector<2048x64xf32> to vector<2048xf32>
    %broadcast_in_dim3A_1272 = vector.shape_cast %reduce_sum3A_1271 : vector<2048xf32> to vector<2048x1xf32>
    %div3A_1273 = arith.constant 6.400000e+01 : f32
    %div3A_1274 = vector.broadcast %div3A_1273 : f32 to vector<2048x1xf32>
    %div3A_1275 = arith.divf %broadcast_in_dim3A_1272, %div3A_1274 : vector<2048x1xf32>
    %mul3A_1276 = arith.mulf %div3A_1268, %div3A_1268 : vector<2048x1xf32>
    %sub3A_1277 = arith.subf %div3A_1275, %mul3A_1276 : vector<2048x1xf32>
    %sub3A_1278 = vector.broadcast %div3A_1268 : vector<2048x1xf32> to vector<2048x64xf32>
    %sub3A_1279 = arith.subf %add3A_1256, %sub3A_1278 : vector<2048x64xf32>
    %add3A_1280 = arith.constant 9.99999974E-6 : f32
    %add3A_1281 = vector.broadcast %add3A_1280 : f32 to vector<2048x1xf32>
    %add3A_1282 = arith.addf %sub3A_1277, %add3A_1281 : vector<2048x1xf32>
    %rsqrt3A_1283 = math.rsqrt %add3A_1282 : vector<2048x1xf32>
    %mul3A_1284 = vector.broadcast %rsqrt3A_1283 : vector<2048x1xf32> to vector<2048x64xf32>
    %mul3A_1285 = arith.mulf %sub3A_1279, %mul3A_1284 : vector<2048x64xf32>
    %mul3A_1286 = vector.broadcast %get3A_1259 : vector<1x64xf32> to vector<2048x64xf32>
    %mul3A_1287 = arith.mulf %mul3A_1285, %mul3A_1286 : vector<2048x64xf32>
    %add3A_1288 = vector.broadcast %get3A_1262 : vector<1x64xf32> to vector<2048x64xf32>
    %add3A_1289 = arith.addf %mul3A_1287, %add3A_1288 : vector<2048x64xf32>
    %convert_element_type3A_1290 = arith.truncf %add3A_1289 : vector<2048x64xf32> to vector<2048x64xbf16>
    %get3A_1291 = arith.constant 3 : index
    %get3A_1292 = arith.constant 0 : index
    %get3A_1293 = arith.constant 0 : index
    %get3A_1294 = vector.load %arg12[%get3A_1291, %get3A_1292, %get3A_1293] : memref<6x64x192xbf16, #tpu.memory_space<vmem>>, vector<1x64x192xbf16>
    %get3A_1295 = vector.shape_cast %get3A_1294 : vector<1x64x192xbf16> to vector<64x192xbf16>
    %dot_general3A_1296 = arith.constant dense<0.000000e+00> : vector<2048x192xf32>
    %dot_general3A_1297 = tpu.matmul %convert_element_type3A_1290, %get3A_1295, %dot_general3A_1296 {dimension_numbers = #tpu.dot_dimension_numbers<[1], [0], [0], [1], [0, 0, 1, 1], [], []>, transpose_lhs_hint = false} : vector<2048x64xbf16>, vector<64x192xbf16>, vector<2048x192xf32> -> vector<2048x192xf32>
    %get3A_1298 = arith.constant 3 : index
    %get3A_1299 = arith.constant 0 : index
    %get3A_1300 = vector.load %arg13[%get3A_1298, %get3A_1299] : memref<6x192xf32, #tpu.memory_space<vmem>>, vector<1x192xf32>
    %add3A_1301 = vector.broadcast %get3A_1300 : vector<1x192xf32> to vector<2048x192xf32>
    %add3A_1302 = arith.addf %dot_general3A_1297, %add3A_1301 : vector<2048x192xf32>
    %slice3A_1303 = vector.extract_strided_slice %add3A_1302 {offsets = [0, 0], sizes = [2048, 32], strides = [1, 1]} : vector<2048x192xf32> to vector<2048x32xf32>
    %reshape3A_1304 = vector.shape_cast %slice3A_1303 : vector<2048x32xf32> to vector<64x32x32xf32>
    %slice3A_1305 = vector.extract_strided_slice %add3A_1302 {offsets = [0, 64], sizes = [2048, 32], strides = [1, 1]} : vector<2048x192xf32> to vector<2048x32xf32>
    %reshape3A_1306 = vector.shape_cast %slice3A_1305 : vector<2048x32xf32> to vector<64x32x32xf32>
    %slice3A_1307 = vector.extract_strided_slice %add3A_1302 {offsets = [0, 128], sizes = [2048, 32], strides = [1, 1]} : vector<2048x192xf32> to vector<2048x32xf32>
    %reshape3A_1308 = vector.shape_cast %slice3A_1307 : vector<2048x32xf32> to vector<64x32x32xf32>
    %convert_element_type3A_1309 = arith.truncf %reshape3A_1304 : vector<64x32x32xf32> to vector<64x32x32xbf16>
    %convert_element_type3A_1310 = arith.truncf %reshape3A_1306 : vector<64x32x32xf32> to vector<64x32x32xbf16>
    %dot_general3A_1311 = arith.constant dense<0.000000e+00> : vector<64x32x32xf32>
    %dot_general3A_1312 = tpu.matmul %convert_element_type3A_1309, %convert_element_type3A_1310, %dot_general3A_1311 {dimension_numbers = #tpu.dot_dimension_numbers<[2], [2], [1], [1], [0, 0, 0, 1, 1, 1], [0], [0]>, transpose_lhs_hint = false} : vector<64x32x32xbf16>, vector<64x32x32xbf16>, vector<64x32x32xf32> -> vector<64x32x32xf32>
    %broadcast_in_dim3A_1313 = vector.shape_cast %get3A_677 : vector<64x32xf32> to vector<64x1x32xf32>
    %add3A_1314 = vector.broadcast %broadcast_in_dim3A_1313 : vector<64x1x32xf32> to vector<64x32x32xf32>
    %add3A_1315 = arith.addf %dot_general3A_1312, %add3A_1314 : vector<64x32x32xf32>
    %reduce_max3A_1316 = arith.constant dense<0xFF800000> : vector<64x32xf32>
    %reduce_max3A_1317 = vector.multi_reduction <maximumf>, %add3A_1315, %reduce_max3A_1316 [2] : vector<64x32x32xf32> to vector<64x32xf32>
    %broadcast_in_dim3A_1318 = vector.shape_cast %reduce_max3A_1317 : vector<64x32xf32> to vector<64x32x1xf32>
    %sub3A_1319 = vector.broadcast %broadcast_in_dim3A_1318 : vector<64x32x1xf32> to vector<64x32x32xf32>
    %sub3A_1320 = arith.subf %add3A_1315, %sub3A_1319 : vector<64x32x32xf32>
    %exp3A_1321 = math.exp %sub3A_1320 : vector<64x32x32xf32>
    %reduce_sum3A_1322 = arith.constant dense<0.000000e+00> : vector<64x32xf32>
    %reduce_sum3A_1323 = vector.multi_reduction <add>, %exp3A_1321, %reduce_sum3A_1322 [2] : vector<64x32x32xf32> to vector<64x32xf32>
    %broadcast_in_dim3A_1324 = vector.shape_cast %reduce_sum3A_1323 : vector<64x32xf32> to vector<64x32x1xf32>
    %div3A_1325 = vector.broadcast %broadcast_in_dim3A_1324 : vector<64x32x1xf32> to vector<64x32x32xf32>
    %div3A_1326 = arith.divf %exp3A_1321, %div3A_1325 : vector<64x32x32xf32>
    %convert_element_type3A_1327 = arith.truncf %div3A_1326 : vector<64x32x32xf32> to vector<64x32x32xbf16>
    %convert_element_type3A_1328 = arith.truncf %reshape3A_1308 : vector<64x32x32xf32> to vector<64x32x32xbf16>
    %dot_general3A_1329 = arith.constant dense<0.000000e+00> : vector<64x32x32xf32>
    %dot_general3A_1330 = tpu.matmul %convert_element_type3A_1327, %convert_element_type3A_1328, %dot_general3A_1329 {dimension_numbers = #tpu.dot_dimension_numbers<[2], [1], [1], [2], [0, 0, 0, 1, 1, 2], [0], [0]>, transpose_lhs_hint = false} : vector<64x32x32xbf16>, vector<64x32x32xbf16>, vector<64x32x32xf32> -> vector<64x32x32xf32>
    %slice3A_1331 = vector.extract_strided_slice %add3A_1302 {offsets = [0, 32], sizes = [2048, 32], strides = [1, 1]} : vector<2048x192xf32> to vector<2048x32xf32>
    %reshape3A_1332 = vector.shape_cast %slice3A_1331 : vector<2048x32xf32> to vector<64x32x32xf32>
    %slice3A_1333 = vector.extract_strided_slice %add3A_1302 {offsets = [0, 96], sizes = [2048, 32], strides = [1, 1]} : vector<2048x192xf32> to vector<2048x32xf32>
    %reshape3A_1334 = vector.shape_cast %slice3A_1333 : vector<2048x32xf32> to vector<64x32x32xf32>
    %slice3A_1335 = vector.extract_strided_slice %add3A_1302 {offsets = [0, 160], sizes = [2048, 32], strides = [1, 1]} : vector<2048x192xf32> to vector<2048x32xf32>
    %reshape3A_1336 = vector.shape_cast %slice3A_1335 : vector<2048x32xf32> to vector<64x32x32xf32>
    %convert_element_type3A_1337 = arith.truncf %reshape3A_1332 : vector<64x32x32xf32> to vector<64x32x32xbf16>
    %convert_element_type3A_1338 = arith.truncf %reshape3A_1334 : vector<64x32x32xf32> to vector<64x32x32xbf16>
    %dot_general3A_1339 = arith.constant dense<0.000000e+00> : vector<64x32x32xf32>
    %dot_general3A_1340 = tpu.matmul %convert_element_type3A_1337, %convert_element_type3A_1338, %dot_general3A_1339 {dimension_numbers = #tpu.dot_dimension_numbers<[2], [2], [1], [1], [0, 0, 0, 1, 1, 1], [0], [0]>, transpose_lhs_hint = false} : vector<64x32x32xbf16>, vector<64x32x32xbf16>, vector<64x32x32xf32> -> vector<64x32x32xf32>
    %broadcast_in_dim3A_1341 = vector.shape_cast %get3A_677 : vector<64x32xf32> to vector<64x1x32xf32>
    %add3A_1342 = vector.broadcast %broadcast_in_dim3A_1341 : vector<64x1x32xf32> to vector<64x32x32xf32>
    %add3A_1343 = arith.addf %dot_general3A_1340, %add3A_1342 : vector<64x32x32xf32>
    %reduce_max3A_1344 = arith.constant dense<0xFF800000> : vector<64x32xf32>
    %reduce_max3A_1345 = vector.multi_reduction <maximumf>, %add3A_1343, %reduce_max3A_1344 [2] : vector<64x32x32xf32> to vector<64x32xf32>
    %broadcast_in_dim3A_1346 = vector.shape_cast %reduce_max3A_1345 : vector<64x32xf32> to vector<64x32x1xf32>
    %sub3A_1347 = vector.broadcast %broadcast_in_dim3A_1346 : vector<64x32x1xf32> to vector<64x32x32xf32>
    %sub3A_1348 = arith.subf %add3A_1343, %sub3A_1347 : vector<64x32x32xf32>
    %exp3A_1349 = math.exp %sub3A_1348 : vector<64x32x32xf32>
    %reduce_sum3A_1350 = arith.constant dense<0.000000e+00> : vector<64x32xf32>
    %reduce_sum3A_1351 = vector.multi_reduction <add>, %exp3A_1349, %reduce_sum3A_1350 [2] : vector<64x32x32xf32> to vector<64x32xf32>
    %broadcast_in_dim3A_1352 = vector.shape_cast %reduce_sum3A_1351 : vector<64x32xf32> to vector<64x32x1xf32>
    %div3A_1353 = vector.broadcast %broadcast_in_dim3A_1352 : vector<64x32x1xf32> to vector<64x32x32xf32>
    %div3A_1354 = arith.divf %exp3A_1349, %div3A_1353 : vector<64x32x32xf32>
    %convert_element_type3A_1355 = arith.truncf %div3A_1354 : vector<64x32x32xf32> to vector<64x32x32xbf16>
    %convert_element_type3A_1356 = arith.truncf %reshape3A_1336 : vector<64x32x32xf32> to vector<64x32x32xbf16>
    %dot_general3A_1357 = arith.constant dense<0.000000e+00> : vector<64x32x32xf32>
    %dot_general3A_1358 = tpu.matmul %convert_element_type3A_1355, %convert_element_type3A_1356, %dot_general3A_1357 {dimension_numbers = #tpu.dot_dimension_numbers<[2], [1], [1], [2], [0, 0, 0, 1, 1, 2], [0], [0]>, transpose_lhs_hint = false} : vector<64x32x32xbf16>, vector<64x32x32xbf16>, vector<64x32x32xf32> -> vector<64x32x32xf32>
    %concatenate3A_1359 = tpu.concatenate %dot_general3A_1330, %dot_general3A_1358 in 2 : vector<64x32x32xf32>, vector<64x32x32xf32> -> vector<64x32x64xf32>
    %reshape3A_1360 = vector.shape_cast %concatenate3A_1359 : vector<64x32x64xf32> to vector<2048x64xf32>
    %convert_element_type3A_1361 = arith.truncf %reshape3A_1360 : vector<2048x64xf32> to vector<2048x64xbf16>
    %get3A_1362 = arith.constant 3 : index
    %get3A_1363 = arith.constant 0 : index
    %get3A_1364 = arith.constant 0 : index
    %get3A_1365 = vector.load %arg14[%get3A_1362, %get3A_1363, %get3A_1364] : memref<6x64x64xbf16, #tpu.memory_space<vmem>>, vector<1x64x64xbf16>
    %get3A_1366 = vector.shape_cast %get3A_1365 : vector<1x64x64xbf16> to vector<64x64xbf16>
    %dot_general3A_1367 = arith.constant dense<0.000000e+00> : vector<2048x64xf32>
    %dot_general3A_1368 = tpu.matmul %convert_element_type3A_1361, %get3A_1366, %dot_general3A_1367 {dimension_numbers = #tpu.dot_dimension_numbers<[1], [0], [0], [1], [0, 0, 1, 1], [], []>, transpose_lhs_hint = false} : vector<2048x64xbf16>, vector<64x64xbf16>, vector<2048x64xf32> -> vector<2048x64xf32>
    %add3A_1369 = arith.addf %add3A_1256, %dot_general3A_1368 : vector<2048x64xf32>
    %get3A_1370 = arith.constant 3 : index
    %get3A_1371 = arith.constant 0 : index
    %get3A_1372 = vector.load %arg15[%get3A_1370, %get3A_1371] : memref<6x64xf32, #tpu.memory_space<vmem>>, vector<1x64xf32>
    %add3A_1373 = vector.broadcast %get3A_1372 : vector<1x64xf32> to vector<2048x64xf32>
    %add3A_1374 = arith.addf %add3A_1369, %add3A_1373 : vector<2048x64xf32>
    %get3A_1375 = arith.constant 3 : index
    %get3A_1376 = arith.constant 0 : index
    %get3A_1377 = vector.load %arg16[%get3A_1375, %get3A_1376] : memref<6x64xf32, #tpu.memory_space<vmem>>, vector<1x64xf32>
    %get3A_1378 = arith.constant 3 : index
    %get3A_1379 = arith.constant 0 : index
    %get3A_1380 = vector.load %arg17[%get3A_1378, %get3A_1379] : memref<6x64xf32, #tpu.memory_space<vmem>>, vector<1x64xf32>
    %reduce_sum3A_1381 = arith.constant dense<0.000000e+00> : vector<2048xf32>
    %reduce_sum3A_1382 = vector.multi_reduction <add>, %add3A_1374, %reduce_sum3A_1381 [1] : vector<2048x64xf32> to vector<2048xf32>
    %broadcast_in_dim3A_1383 = vector.shape_cast %reduce_sum3A_1382 : vector<2048xf32> to vector<2048x1xf32>
    %div3A_1384 = arith.constant 6.400000e+01 : f32
    %div3A_1385 = vector.broadcast %div3A_1384 : f32 to vector<2048x1xf32>
    %div3A_1386 = arith.divf %broadcast_in_dim3A_1383, %div3A_1385 : vector<2048x1xf32>
    %mul3A_1387 = arith.mulf %add3A_1374, %add3A_1374 : vector<2048x64xf32>
    %reduce_sum3A_1388 = arith.constant dense<0.000000e+00> : vector<2048xf32>
    %reduce_sum3A_1389 = vector.multi_reduction <add>, %mul3A_1387, %reduce_sum3A_1388 [1] : vector<2048x64xf32> to vector<2048xf32>
    %broadcast_in_dim3A_1390 = vector.shape_cast %reduce_sum3A_1389 : vector<2048xf32> to vector<2048x1xf32>
    %div3A_1391 = arith.constant 6.400000e+01 : f32
    %div3A_1392 = vector.broadcast %div3A_1391 : f32 to vector<2048x1xf32>
    %div3A_1393 = arith.divf %broadcast_in_dim3A_1390, %div3A_1392 : vector<2048x1xf32>
    %mul3A_1394 = arith.mulf %div3A_1386, %div3A_1386 : vector<2048x1xf32>
    %sub3A_1395 = arith.subf %div3A_1393, %mul3A_1394 : vector<2048x1xf32>
    %sub3A_1396 = vector.broadcast %div3A_1386 : vector<2048x1xf32> to vector<2048x64xf32>
    %sub3A_1397 = arith.subf %add3A_1374, %sub3A_1396 : vector<2048x64xf32>
    %add3A_1398 = arith.constant 9.99999974E-6 : f32
    %add3A_1399 = vector.broadcast %add3A_1398 : f32 to vector<2048x1xf32>
    %add3A_1400 = arith.addf %sub3A_1395, %add3A_1399 : vector<2048x1xf32>
    %rsqrt3A_1401 = math.rsqrt %add3A_1400 : vector<2048x1xf32>
    %mul3A_1402 = vector.broadcast %rsqrt3A_1401 : vector<2048x1xf32> to vector<2048x64xf32>
    %mul3A_1403 = arith.mulf %sub3A_1397, %mul3A_1402 : vector<2048x64xf32>
    %mul3A_1404 = vector.broadcast %get3A_1377 : vector<1x64xf32> to vector<2048x64xf32>
    %mul3A_1405 = arith.mulf %mul3A_1403, %mul3A_1404 : vector<2048x64xf32>
    %add3A_1406 = vector.broadcast %get3A_1380 : vector<1x64xf32> to vector<2048x64xf32>
    %add3A_1407 = arith.addf %mul3A_1405, %add3A_1406 : vector<2048x64xf32>
    %convert_element_type3A_1408 = arith.truncf %add3A_1407 : vector<2048x64xf32> to vector<2048x64xbf16>
    %get3A_1409 = arith.constant 3 : index
    %get3A_1410 = arith.constant 0 : index
    %get3A_1411 = arith.constant 0 : index
    %get3A_1412 = vector.load %arg18[%get3A_1409, %get3A_1410, %get3A_1411] : memref<6x64x256xbf16, #tpu.memory_space<vmem>>, vector<1x64x256xbf16>
    %get3A_1413 = vector.shape_cast %get3A_1412 : vector<1x64x256xbf16> to vector<64x256xbf16>
    %dot_general3A_1414 = arith.constant dense<0.000000e+00> : vector<2048x256xf32>
    %dot_general3A_1415 = tpu.matmul %convert_element_type3A_1408, %get3A_1413, %dot_general3A_1414 {dimension_numbers = #tpu.dot_dimension_numbers<[1], [0], [0], [1], [0, 0, 1, 1], [], []>, transpose_lhs_hint = false} : vector<2048x64xbf16>, vector<64x256xbf16>, vector<2048x256xf32> -> vector<2048x256xf32>
    %get3A_1416 = arith.constant 3 : index
    %get3A_1417 = arith.constant 0 : index
    %get3A_1418 = vector.load %arg19[%get3A_1416, %get3A_1417] : memref<6x256xf32, #tpu.memory_space<vmem>>, vector<1x256xf32>
    %add3A_1419 = vector.broadcast %get3A_1418 : vector<1x256xf32> to vector<2048x256xf32>
    %add3A_1420 = arith.addf %dot_general3A_1415, %add3A_1419 : vector<2048x256xf32>
    %convert_element_type3A_1421 = arith.truncf %add3A_1420 : vector<2048x256xf32> to vector<2048x256xbf16>
    %integer_pow3A_1422 = arith.mulf %convert_element_type3A_1421, %convert_element_type3A_1421 : vector<2048x256xbf16>
    %integer_pow3A_1423 = arith.mulf %convert_element_type3A_1421, %integer_pow3A_1422 : vector<2048x256xbf16>
    %mul3A_1424 = arith.constant 4.467770e-02 : bf16
    %mul3A_1425 = vector.broadcast %mul3A_1424 : bf16 to vector<2048x256xbf16>
    %mul3A_1426 = arith.mulf %mul3A_1425, %integer_pow3A_1423 : vector<2048x256xbf16>
    %add3A_1427 = arith.addf %convert_element_type3A_1421, %mul3A_1426 : vector<2048x256xbf16>
    %mul3A_1428 = arith.constant 7.968750e-01 : bf16
    %mul3A_1429 = vector.broadcast %mul3A_1428 : bf16 to vector<2048x256xbf16>
    %mul3A_1430 = arith.mulf %mul3A_1429, %add3A_1427 : vector<2048x256xbf16>
    %tanh3A_1431 = math.tanh %mul3A_1430 : vector<2048x256xbf16>
    %add3A_1432 = arith.constant 1.000000e+00 : bf16
    %add3A_1433 = vector.broadcast %add3A_1432 : bf16 to vector<2048x256xbf16>
    %add3A_1434 = arith.addf %add3A_1433, %tanh3A_1431 : vector<2048x256xbf16>
    %mul3A_1435 = arith.constant 5.000000e-01 : bf16
    %mul3A_1436 = vector.broadcast %mul3A_1435 : bf16 to vector<2048x256xbf16>
    %mul3A_1437 = arith.mulf %mul3A_1436, %add3A_1434 : vector<2048x256xbf16>
    %mul3A_1438 = arith.mulf %convert_element_type3A_1421, %mul3A_1437 : vector<2048x256xbf16>
    %get3A_1439 = arith.constant 3 : index
    %get3A_1440 = arith.constant 0 : index
    %get3A_1441 = arith.constant 0 : index
    %get3A_1442 = vector.load %arg20[%get3A_1439, %get3A_1440, %get3A_1441] : memref<6x256x64xbf16, #tpu.memory_space<vmem>>, vector<1x256x64xbf16>
    %get3A_1443 = vector.shape_cast %get3A_1442 : vector<1x256x64xbf16> to vector<256x64xbf16>
    %dot_general3A_1444 = arith.constant dense<0.000000e+00> : vector<2048x64xf32>
    %dot_general3A_1445 = tpu.matmul %mul3A_1438, %get3A_1443, %dot_general3A_1444 {dimension_numbers = #tpu.dot_dimension_numbers<[1], [0], [0], [1], [0, 0, 1, 1], [], []>, transpose_lhs_hint = false} : vector<2048x256xbf16>, vector<256x64xbf16>, vector<2048x64xf32> -> vector<2048x64xf32>
    %add3A_1446 = arith.addf %add3A_1374, %dot_general3A_1445 : vector<2048x64xf32>
    %get3A_1447 = arith.constant 3 : index
    %get3A_1448 = arith.constant 0 : index
    %get3A_1449 = vector.load %arg21[%get3A_1447, %get3A_1448] : memref<6x64xf32, #tpu.memory_space<vmem>>, vector<1x64xf32>
    %add3A_1450 = vector.broadcast %get3A_1449 : vector<1x64xf32> to vector<2048x64xf32>
    %add3A_1451 = arith.addf %add3A_1446, %add3A_1450 : vector<2048x64xf32>
    %get3A_1452 = arith.constant 4 : index
    %get3A_1453 = arith.constant 0 : index
    %get3A_1454 = vector.load %arg10[%get3A_1452, %get3A_1453] : memref<6x64xf32, #tpu.memory_space<vmem>>, vector<1x64xf32>
    %get3A_1455 = arith.constant 4 : index
    %get3A_1456 = arith.constant 0 : index
    %get3A_1457 = vector.load %arg11[%get3A_1455, %get3A_1456] : memref<6x64xf32, #tpu.memory_space<vmem>>, vector<1x64xf32>
    %reduce_sum3A_1458 = arith.constant dense<0.000000e+00> : vector<2048xf32>
    %reduce_sum3A_1459 = vector.multi_reduction <add>, %add3A_1451, %reduce_sum3A_1458 [1] : vector<2048x64xf32> to vector<2048xf32>
    %broadcast_in_dim3A_1460 = vector.shape_cast %reduce_sum3A_1459 : vector<2048xf32> to vector<2048x1xf32>
    %div3A_1461 = arith.constant 6.400000e+01 : f32
    %div3A_1462 = vector.broadcast %div3A_1461 : f32 to vector<2048x1xf32>
    %div3A_1463 = arith.divf %broadcast_in_dim3A_1460, %div3A_1462 : vector<2048x1xf32>
    %mul3A_1464 = arith.mulf %add3A_1451, %add3A_1451 : vector<2048x64xf32>
    %reduce_sum3A_1465 = arith.constant dense<0.000000e+00> : vector<2048xf32>
    %reduce_sum3A_1466 = vector.multi_reduction <add>, %mul3A_1464, %reduce_sum3A_1465 [1] : vector<2048x64xf32> to vector<2048xf32>
    %broadcast_in_dim3A_1467 = vector.shape_cast %reduce_sum3A_1466 : vector<2048xf32> to vector<2048x1xf32>
    %div3A_1468 = arith.constant 6.400000e+01 : f32
    %div3A_1469 = vector.broadcast %div3A_1468 : f32 to vector<2048x1xf32>
    %div3A_1470 = arith.divf %broadcast_in_dim3A_1467, %div3A_1469 : vector<2048x1xf32>
    %mul3A_1471 = arith.mulf %div3A_1463, %div3A_1463 : vector<2048x1xf32>
    %sub3A_1472 = arith.subf %div3A_1470, %mul3A_1471 : vector<2048x1xf32>
    %sub3A_1473 = vector.broadcast %div3A_1463 : vector<2048x1xf32> to vector<2048x64xf32>
    %sub3A_1474 = arith.subf %add3A_1451, %sub3A_1473 : vector<2048x64xf32>
    %add3A_1475 = arith.constant 9.99999974E-6 : f32
    %add3A_1476 = vector.broadcast %add3A_1475 : f32 to vector<2048x1xf32>
    %add3A_1477 = arith.addf %sub3A_1472, %add3A_1476 : vector<2048x1xf32>
    %rsqrt3A_1478 = math.rsqrt %add3A_1477 : vector<2048x1xf32>
    %mul3A_1479 = vector.broadcast %rsqrt3A_1478 : vector<2048x1xf32> to vector<2048x64xf32>
    %mul3A_1480 = arith.mulf %sub3A_1474, %mul3A_1479 : vector<2048x64xf32>
    %mul3A_1481 = vector.broadcast %get3A_1454 : vector<1x64xf32> to vector<2048x64xf32>
    %mul3A_1482 = arith.mulf %mul3A_1480, %mul3A_1481 : vector<2048x64xf32>
    %add3A_1483 = vector.broadcast %get3A_1457 : vector<1x64xf32> to vector<2048x64xf32>
    %add3A_1484 = arith.addf %mul3A_1482, %add3A_1483 : vector<2048x64xf32>
    %convert_element_type3A_1485 = arith.truncf %add3A_1484 : vector<2048x64xf32> to vector<2048x64xbf16>
    %get3A_1486 = arith.constant 4 : index
    %get3A_1487 = arith.constant 0 : index
    %get3A_1488 = arith.constant 0 : index
    %get3A_1489 = vector.load %arg12[%get3A_1486, %get3A_1487, %get3A_1488] : memref<6x64x192xbf16, #tpu.memory_space<vmem>>, vector<1x64x192xbf16>
    %get3A_1490 = vector.shape_cast %get3A_1489 : vector<1x64x192xbf16> to vector<64x192xbf16>
    %dot_general3A_1491 = arith.constant dense<0.000000e+00> : vector<2048x192xf32>
    %dot_general3A_1492 = tpu.matmul %convert_element_type3A_1485, %get3A_1490, %dot_general3A_1491 {dimension_numbers = #tpu.dot_dimension_numbers<[1], [0], [0], [1], [0, 0, 1, 1], [], []>, transpose_lhs_hint = false} : vector<2048x64xbf16>, vector<64x192xbf16>, vector<2048x192xf32> -> vector<2048x192xf32>
    %get3A_1493 = arith.constant 4 : index
    %get3A_1494 = arith.constant 0 : index
    %get3A_1495 = vector.load %arg13[%get3A_1493, %get3A_1494] : memref<6x192xf32, #tpu.memory_space<vmem>>, vector<1x192xf32>
    %add3A_1496 = vector.broadcast %get3A_1495 : vector<1x192xf32> to vector<2048x192xf32>
    %add3A_1497 = arith.addf %dot_general3A_1492, %add3A_1496 : vector<2048x192xf32>
    %slice3A_1498 = vector.extract_strided_slice %add3A_1497 {offsets = [0, 0], sizes = [2048, 32], strides = [1, 1]} : vector<2048x192xf32> to vector<2048x32xf32>
    %reshape3A_1499 = vector.shape_cast %slice3A_1498 : vector<2048x32xf32> to vector<64x32x32xf32>
    %slice3A_1500 = vector.extract_strided_slice %add3A_1497 {offsets = [0, 64], sizes = [2048, 32], strides = [1, 1]} : vector<2048x192xf32> to vector<2048x32xf32>
    %reshape3A_1501 = vector.shape_cast %slice3A_1500 : vector<2048x32xf32> to vector<64x32x32xf32>
    %slice3A_1502 = vector.extract_strided_slice %add3A_1497 {offsets = [0, 128], sizes = [2048, 32], strides = [1, 1]} : vector<2048x192xf32> to vector<2048x32xf32>
    %reshape3A_1503 = vector.shape_cast %slice3A_1502 : vector<2048x32xf32> to vector<64x32x32xf32>
    %convert_element_type3A_1504 = arith.truncf %reshape3A_1499 : vector<64x32x32xf32> to vector<64x32x32xbf16>
    %convert_element_type3A_1505 = arith.truncf %reshape3A_1501 : vector<64x32x32xf32> to vector<64x32x32xbf16>
    %dot_general3A_1506 = arith.constant dense<0.000000e+00> : vector<64x32x32xf32>
    %dot_general3A_1507 = tpu.matmul %convert_element_type3A_1504, %convert_element_type3A_1505, %dot_general3A_1506 {dimension_numbers = #tpu.dot_dimension_numbers<[2], [2], [1], [1], [0, 0, 0, 1, 1, 1], [0], [0]>, transpose_lhs_hint = false} : vector<64x32x32xbf16>, vector<64x32x32xbf16>, vector<64x32x32xf32> -> vector<64x32x32xf32>
    %broadcast_in_dim3A_1508 = vector.shape_cast %get3A_677 : vector<64x32xf32> to vector<64x1x32xf32>
    %add3A_1509 = vector.broadcast %broadcast_in_dim3A_1508 : vector<64x1x32xf32> to vector<64x32x32xf32>
    %add3A_1510 = arith.addf %dot_general3A_1507, %add3A_1509 : vector<64x32x32xf32>
    %reduce_max3A_1511 = arith.constant dense<0xFF800000> : vector<64x32xf32>
    %reduce_max3A_1512 = vector.multi_reduction <maximumf>, %add3A_1510, %reduce_max3A_1511 [2] : vector<64x32x32xf32> to vector<64x32xf32>
    %broadcast_in_dim3A_1513 = vector.shape_cast %reduce_max3A_1512 : vector<64x32xf32> to vector<64x32x1xf32>
    %sub3A_1514 = vector.broadcast %broadcast_in_dim3A_1513 : vector<64x32x1xf32> to vector<64x32x32xf32>
    %sub3A_1515 = arith.subf %add3A_1510, %sub3A_1514 : vector<64x32x32xf32>
    %exp3A_1516 = math.exp %sub3A_1515 : vector<64x32x32xf32>
    %reduce_sum3A_1517 = arith.constant dense<0.000000e+00> : vector<64x32xf32>
    %reduce_sum3A_1518 = vector.multi_reduction <add>, %exp3A_1516, %reduce_sum3A_1517 [2] : vector<64x32x32xf32> to vector<64x32xf32>
    %broadcast_in_dim3A_1519 = vector.shape_cast %reduce_sum3A_1518 : vector<64x32xf32> to vector<64x32x1xf32>
    %div3A_1520 = vector.broadcast %broadcast_in_dim3A_1519 : vector<64x32x1xf32> to vector<64x32x32xf32>
    %div3A_1521 = arith.divf %exp3A_1516, %div3A_1520 : vector<64x32x32xf32>
    %convert_element_type3A_1522 = arith.truncf %div3A_1521 : vector<64x32x32xf32> to vector<64x32x32xbf16>
    %convert_element_type3A_1523 = arith.truncf %reshape3A_1503 : vector<64x32x32xf32> to vector<64x32x32xbf16>
    %dot_general3A_1524 = arith.constant dense<0.000000e+00> : vector<64x32x32xf32>
    %dot_general3A_1525 = tpu.matmul %convert_element_type3A_1522, %convert_element_type3A_1523, %dot_general3A_1524 {dimension_numbers = #tpu.dot_dimension_numbers<[2], [1], [1], [2], [0, 0, 0, 1, 1, 2], [0], [0]>, transpose_lhs_hint = false} : vector<64x32x32xbf16>, vector<64x32x32xbf16>, vector<64x32x32xf32> -> vector<64x32x32xf32>
    %slice3A_1526 = vector.extract_strided_slice %add3A_1497 {offsets = [0, 32], sizes = [2048, 32], strides = [1, 1]} : vector<2048x192xf32> to vector<2048x32xf32>
    %reshape3A_1527 = vector.shape_cast %slice3A_1526 : vector<2048x32xf32> to vector<64x32x32xf32>
    %slice3A_1528 = vector.extract_strided_slice %add3A_1497 {offsets = [0, 96], sizes = [2048, 32], strides = [1, 1]} : vector<2048x192xf32> to vector<2048x32xf32>
    %reshape3A_1529 = vector.shape_cast %slice3A_1528 : vector<2048x32xf32> to vector<64x32x32xf32>
    %slice3A_1530 = vector.extract_strided_slice %add3A_1497 {offsets = [0, 160], sizes = [2048, 32], strides = [1, 1]} : vector<2048x192xf32> to vector<2048x32xf32>
    %reshape3A_1531 = vector.shape_cast %slice3A_1530 : vector<2048x32xf32> to vector<64x32x32xf32>
    %convert_element_type3A_1532 = arith.truncf %reshape3A_1527 : vector<64x32x32xf32> to vector<64x32x32xbf16>
    %convert_element_type3A_1533 = arith.truncf %reshape3A_1529 : vector<64x32x32xf32> to vector<64x32x32xbf16>
    %dot_general3A_1534 = arith.constant dense<0.000000e+00> : vector<64x32x32xf32>
    %dot_general3A_1535 = tpu.matmul %convert_element_type3A_1532, %convert_element_type3A_1533, %dot_general3A_1534 {dimension_numbers = #tpu.dot_dimension_numbers<[2], [2], [1], [1], [0, 0, 0, 1, 1, 1], [0], [0]>, transpose_lhs_hint = false} : vector<64x32x32xbf16>, vector<64x32x32xbf16>, vector<64x32x32xf32> -> vector<64x32x32xf32>
    %broadcast_in_dim3A_1536 = vector.shape_cast %get3A_677 : vector<64x32xf32> to vector<64x1x32xf32>
    %add3A_1537 = vector.broadcast %broadcast_in_dim3A_1536 : vector<64x1x32xf32> to vector<64x32x32xf32>
    %add3A_1538 = arith.addf %dot_general3A_1535, %add3A_1537 : vector<64x32x32xf32>
    %reduce_max3A_1539 = arith.constant dense<0xFF800000> : vector<64x32xf32>
    %reduce_max3A_1540 = vector.multi_reduction <maximumf>, %add3A_1538, %reduce_max3A_1539 [2] : vector<64x32x32xf32> to vector<64x32xf32>
    %broadcast_in_dim3A_1541 = vector.shape_cast %reduce_max3A_1540 : vector<64x32xf32> to vector<64x32x1xf32>
    %sub3A_1542 = vector.broadcast %broadcast_in_dim3A_1541 : vector<64x32x1xf32> to vector<64x32x32xf32>
    %sub3A_1543 = arith.subf %add3A_1538, %sub3A_1542 : vector<64x32x32xf32>
    %exp3A_1544 = math.exp %sub3A_1543 : vector<64x32x32xf32>
    %reduce_sum3A_1545 = arith.constant dense<0.000000e+00> : vector<64x32xf32>
    %reduce_sum3A_1546 = vector.multi_reduction <add>, %exp3A_1544, %reduce_sum3A_1545 [2] : vector<64x32x32xf32> to vector<64x32xf32>
    %broadcast_in_dim3A_1547 = vector.shape_cast %reduce_sum3A_1546 : vector<64x32xf32> to vector<64x32x1xf32>
    %div3A_1548 = vector.broadcast %broadcast_in_dim3A_1547 : vector<64x32x1xf32> to vector<64x32x32xf32>
    %div3A_1549 = arith.divf %exp3A_1544, %div3A_1548 : vector<64x32x32xf32>
    %convert_element_type3A_1550 = arith.truncf %div3A_1549 : vector<64x32x32xf32> to vector<64x32x32xbf16>
    %convert_element_type3A_1551 = arith.truncf %reshape3A_1531 : vector<64x32x32xf32> to vector<64x32x32xbf16>
    %dot_general3A_1552 = arith.constant dense<0.000000e+00> : vector<64x32x32xf32>
    %dot_general3A_1553 = tpu.matmul %convert_element_type3A_1550, %convert_element_type3A_1551, %dot_general3A_1552 {dimension_numbers = #tpu.dot_dimension_numbers<[2], [1], [1], [2], [0, 0, 0, 1, 1, 2], [0], [0]>, transpose_lhs_hint = false} : vector<64x32x32xbf16>, vector<64x32x32xbf16>, vector<64x32x32xf32> -> vector<64x32x32xf32>
    %concatenate3A_1554 = tpu.concatenate %dot_general3A_1525, %dot_general3A_1553 in 2 : vector<64x32x32xf32>, vector<64x32x32xf32> -> vector<64x32x64xf32>
    %reshape3A_1555 = vector.shape_cast %concatenate3A_1554 : vector<64x32x64xf32> to vector<2048x64xf32>
    %convert_element_type3A_1556 = arith.truncf %reshape3A_1555 : vector<2048x64xf32> to vector<2048x64xbf16>
    %get3A_1557 = arith.constant 4 : index
    %get3A_1558 = arith.constant 0 : index
    %get3A_1559 = arith.constant 0 : index
    %get3A_1560 = vector.load %arg14[%get3A_1557, %get3A_1558, %get3A_1559] : memref<6x64x64xbf16, #tpu.memory_space<vmem>>, vector<1x64x64xbf16>
    %get3A_1561 = vector.shape_cast %get3A_1560 : vector<1x64x64xbf16> to vector<64x64xbf16>
    %dot_general3A_1562 = arith.constant dense<0.000000e+00> : vector<2048x64xf32>
    %dot_general3A_1563 = tpu.matmul %convert_element_type3A_1556, %get3A_1561, %dot_general3A_1562 {dimension_numbers = #tpu.dot_dimension_numbers<[1], [0], [0], [1], [0, 0, 1, 1], [], []>, transpose_lhs_hint = false} : vector<2048x64xbf16>, vector<64x64xbf16>, vector<2048x64xf32> -> vector<2048x64xf32>
    %add3A_1564 = arith.addf %add3A_1451, %dot_general3A_1563 : vector<2048x64xf32>
    %get3A_1565 = arith.constant 4 : index
    %get3A_1566 = arith.constant 0 : index
    %get3A_1567 = vector.load %arg15[%get3A_1565, %get3A_1566] : memref<6x64xf32, #tpu.memory_space<vmem>>, vector<1x64xf32>
    %add3A_1568 = vector.broadcast %get3A_1567 : vector<1x64xf32> to vector<2048x64xf32>
    %add3A_1569 = arith.addf %add3A_1564, %add3A_1568 : vector<2048x64xf32>
    %get3A_1570 = arith.constant 4 : index
    %get3A_1571 = arith.constant 0 : index
    %get3A_1572 = vector.load %arg16[%get3A_1570, %get3A_1571] : memref<6x64xf32, #tpu.memory_space<vmem>>, vector<1x64xf32>
    %get3A_1573 = arith.constant 4 : index
    %get3A_1574 = arith.constant 0 : index
    %get3A_1575 = vector.load %arg17[%get3A_1573, %get3A_1574] : memref<6x64xf32, #tpu.memory_space<vmem>>, vector<1x64xf32>
    %reduce_sum3A_1576 = arith.constant dense<0.000000e+00> : vector<2048xf32>
    %reduce_sum3A_1577 = vector.multi_reduction <add>, %add3A_1569, %reduce_sum3A_1576 [1] : vector<2048x64xf32> to vector<2048xf32>
    %broadcast_in_dim3A_1578 = vector.shape_cast %reduce_sum3A_1577 : vector<2048xf32> to vector<2048x1xf32>
    %div3A_1579 = arith.constant 6.400000e+01 : f32
    %div3A_1580 = vector.broadcast %div3A_1579 : f32 to vector<2048x1xf32>
    %div3A_1581 = arith.divf %broadcast_in_dim3A_1578, %div3A_1580 : vector<2048x1xf32>
    %mul3A_1582 = arith.mulf %add3A_1569, %add3A_1569 : vector<2048x64xf32>
    %reduce_sum3A_1583 = arith.constant dense<0.000000e+00> : vector<2048xf32>
    %reduce_sum3A_1584 = vector.multi_reduction <add>, %mul3A_1582, %reduce_sum3A_1583 [1] : vector<2048x64xf32> to vector<2048xf32>
    %broadcast_in_dim3A_1585 = vector.shape_cast %reduce_sum3A_1584 : vector<2048xf32> to vector<2048x1xf32>
    %div3A_1586 = arith.constant 6.400000e+01 : f32
    %div3A_1587 = vector.broadcast %div3A_1586 : f32 to vector<2048x1xf32>
    %div3A_1588 = arith.divf %broadcast_in_dim3A_1585, %div3A_1587 : vector<2048x1xf32>
    %mul3A_1589 = arith.mulf %div3A_1581, %div3A_1581 : vector<2048x1xf32>
    %sub3A_1590 = arith.subf %div3A_1588, %mul3A_1589 : vector<2048x1xf32>
    %sub3A_1591 = vector.broadcast %div3A_1581 : vector<2048x1xf32> to vector<2048x64xf32>
    %sub3A_1592 = arith.subf %add3A_1569, %sub3A_1591 : vector<2048x64xf32>
    %add3A_1593 = arith.constant 9.99999974E-6 : f32
    %add3A_1594 = vector.broadcast %add3A_1593 : f32 to vector<2048x1xf32>
    %add3A_1595 = arith.addf %sub3A_1590, %add3A_1594 : vector<2048x1xf32>
    %rsqrt3A_1596 = math.rsqrt %add3A_1595 : vector<2048x1xf32>
    %mul3A_1597 = vector.broadcast %rsqrt3A_1596 : vector<2048x1xf32> to vector<2048x64xf32>
    %mul3A_1598 = arith.mulf %sub3A_1592, %mul3A_1597 : vector<2048x64xf32>
    %mul3A_1599 = vector.broadcast %get3A_1572 : vector<1x64xf32> to vector<2048x64xf32>
    %mul3A_1600 = arith.mulf %mul3A_1598, %mul3A_1599 : vector<2048x64xf32>
    %add3A_1601 = vector.broadcast %get3A_1575 : vector<1x64xf32> to vector<2048x64xf32>
    %add3A_1602 = arith.addf %mul3A_1600, %add3A_1601 : vector<2048x64xf32>
    %convert_element_type3A_1603 = arith.truncf %add3A_1602 : vector<2048x64xf32> to vector<2048x64xbf16>
    %get3A_1604 = arith.constant 4 : index
    %get3A_1605 = arith.constant 0 : index
    %get3A_1606 = arith.constant 0 : index
    %get3A_1607 = vector.load %arg18[%get3A_1604, %get3A_1605, %get3A_1606] : memref<6x64x256xbf16, #tpu.memory_space<vmem>>, vector<1x64x256xbf16>
    %get3A_1608 = vector.shape_cast %get3A_1607 : vector<1x64x256xbf16> to vector<64x256xbf16>
    %dot_general3A_1609 = arith.constant dense<0.000000e+00> : vector<2048x256xf32>
    %dot_general3A_1610 = tpu.matmul %convert_element_type3A_1603, %get3A_1608, %dot_general3A_1609 {dimension_numbers = #tpu.dot_dimension_numbers<[1], [0], [0], [1], [0, 0, 1, 1], [], []>, transpose_lhs_hint = false} : vector<2048x64xbf16>, vector<64x256xbf16>, vector<2048x256xf32> -> vector<2048x256xf32>
    %get3A_1611 = arith.constant 4 : index
    %get3A_1612 = arith.constant 0 : index
    %get3A_1613 = vector.load %arg19[%get3A_1611, %get3A_1612] : memref<6x256xf32, #tpu.memory_space<vmem>>, vector<1x256xf32>
    %add3A_1614 = vector.broadcast %get3A_1613 : vector<1x256xf32> to vector<2048x256xf32>
    %add3A_1615 = arith.addf %dot_general3A_1610, %add3A_1614 : vector<2048x256xf32>
    %convert_element_type3A_1616 = arith.truncf %add3A_1615 : vector<2048x256xf32> to vector<2048x256xbf16>
    %integer_pow3A_1617 = arith.mulf %convert_element_type3A_1616, %convert_element_type3A_1616 : vector<2048x256xbf16>
    %integer_pow3A_1618 = arith.mulf %convert_element_type3A_1616, %integer_pow3A_1617 : vector<2048x256xbf16>
    %mul3A_1619 = arith.constant 4.467770e-02 : bf16
    %mul3A_1620 = vector.broadcast %mul3A_1619 : bf16 to vector<2048x256xbf16>
    %mul3A_1621 = arith.mulf %mul3A_1620, %integer_pow3A_1618 : vector<2048x256xbf16>
    %add3A_1622 = arith.addf %convert_element_type3A_1616, %mul3A_1621 : vector<2048x256xbf16>
    %mul3A_1623 = arith.constant 7.968750e-01 : bf16
    %mul3A_1624 = vector.broadcast %mul3A_1623 : bf16 to vector<2048x256xbf16>
    %mul3A_1625 = arith.mulf %mul3A_1624, %add3A_1622 : vector<2048x256xbf16>
    %tanh3A_1626 = math.tanh %mul3A_1625 : vector<2048x256xbf16>
    %add3A_1627 = arith.constant 1.000000e+00 : bf16
    %add3A_1628 = vector.broadcast %add3A_1627 : bf16 to vector<2048x256xbf16>
    %add3A_1629 = arith.addf %add3A_1628, %tanh3A_1626 : vector<2048x256xbf16>
    %mul3A_1630 = arith.constant 5.000000e-01 : bf16
    %mul3A_1631 = vector.broadcast %mul3A_1630 : bf16 to vector<2048x256xbf16>
    %mul3A_1632 = arith.mulf %mul3A_1631, %add3A_1629 : vector<2048x256xbf16>
    %mul3A_1633 = arith.mulf %convert_element_type3A_1616, %mul3A_1632 : vector<2048x256xbf16>
    %get3A_1634 = arith.constant 4 : index
    %get3A_1635 = arith.constant 0 : index
    %get3A_1636 = arith.constant 0 : index
    %get3A_1637 = vector.load %arg20[%get3A_1634, %get3A_1635, %get3A_1636] : memref<6x256x64xbf16, #tpu.memory_space<vmem>>, vector<1x256x64xbf16>
    %get3A_1638 = vector.shape_cast %get3A_1637 : vector<1x256x64xbf16> to vector<256x64xbf16>
    %dot_general3A_1639 = arith.constant dense<0.000000e+00> : vector<2048x64xf32>
    %dot_general3A_1640 = tpu.matmul %mul3A_1633, %get3A_1638, %dot_general3A_1639 {dimension_numbers = #tpu.dot_dimension_numbers<[1], [0], [0], [1], [0, 0, 1, 1], [], []>, transpose_lhs_hint = false} : vector<2048x256xbf16>, vector<256x64xbf16>, vector<2048x64xf32> -> vector<2048x64xf32>
    %add3A_1641 = arith.addf %add3A_1569, %dot_general3A_1640 : vector<2048x64xf32>
    %get3A_1642 = arith.constant 4 : index
    %get3A_1643 = arith.constant 0 : index
    %get3A_1644 = vector.load %arg21[%get3A_1642, %get3A_1643] : memref<6x64xf32, #tpu.memory_space<vmem>>, vector<1x64xf32>
    %add3A_1645 = vector.broadcast %get3A_1644 : vector<1x64xf32> to vector<2048x64xf32>
    %add3A_1646 = arith.addf %add3A_1641, %add3A_1645 : vector<2048x64xf32>
    %get3A_1647 = arith.constant 5 : index
    %get3A_1648 = arith.constant 0 : index
    %get3A_1649 = vector.load %arg10[%get3A_1647, %get3A_1648] : memref<6x64xf32, #tpu.memory_space<vmem>>, vector<1x64xf32>
    %get3A_1650 = arith.constant 5 : index
    %get3A_1651 = arith.constant 0 : index
    %get3A_1652 = vector.load %arg11[%get3A_1650, %get3A_1651] : memref<6x64xf32, #tpu.memory_space<vmem>>, vector<1x64xf32>
    %reduce_sum3A_1653 = arith.constant dense<0.000000e+00> : vector<2048xf32>
    %reduce_sum3A_1654 = vector.multi_reduction <add>, %add3A_1646, %reduce_sum3A_1653 [1] : vector<2048x64xf32> to vector<2048xf32>
    %broadcast_in_dim3A_1655 = vector.shape_cast %reduce_sum3A_1654 : vector<2048xf32> to vector<2048x1xf32>
    %div3A_1656 = arith.constant 6.400000e+01 : f32
    %div3A_1657 = vector.broadcast %div3A_1656 : f32 to vector<2048x1xf32>
    %div3A_1658 = arith.divf %broadcast_in_dim3A_1655, %div3A_1657 : vector<2048x1xf32>
    %mul3A_1659 = arith.mulf %add3A_1646, %add3A_1646 : vector<2048x64xf32>
    %reduce_sum3A_1660 = arith.constant dense<0.000000e+00> : vector<2048xf32>
    %reduce_sum3A_1661 = vector.multi_reduction <add>, %mul3A_1659, %reduce_sum3A_1660 [1] : vector<2048x64xf32> to vector<2048xf32>
    %broadcast_in_dim3A_1662 = vector.shape_cast %reduce_sum3A_1661 : vector<2048xf32> to vector<2048x1xf32>
    %div3A_1663 = arith.constant 6.400000e+01 : f32
    %div3A_1664 = vector.broadcast %div3A_1663 : f32 to vector<2048x1xf32>
    %div3A_1665 = arith.divf %broadcast_in_dim3A_1662, %div3A_1664 : vector<2048x1xf32>
    %mul3A_1666 = arith.mulf %div3A_1658, %div3A_1658 : vector<2048x1xf32>
    %sub3A_1667 = arith.subf %div3A_1665, %mul3A_1666 : vector<2048x1xf32>
    %sub3A_1668 = vector.broadcast %div3A_1658 : vector<2048x1xf32> to vector<2048x64xf32>
    %sub3A_1669 = arith.subf %add3A_1646, %sub3A_1668 : vector<2048x64xf32>
    %add3A_1670 = arith.constant 9.99999974E-6 : f32
    %add3A_1671 = vector.broadcast %add3A_1670 : f32 to vector<2048x1xf32>
    %add3A_1672 = arith.addf %sub3A_1667, %add3A_1671 : vector<2048x1xf32>
    %rsqrt3A_1673 = math.rsqrt %add3A_1672 : vector<2048x1xf32>
    %mul3A_1674 = vector.broadcast %rsqrt3A_1673 : vector<2048x1xf32> to vector<2048x64xf32>
    %mul3A_1675 = arith.mulf %sub3A_1669, %mul3A_1674 : vector<2048x64xf32>
    %mul3A_1676 = vector.broadcast %get3A_1649 : vector<1x64xf32> to vector<2048x64xf32>
    %mul3A_1677 = arith.mulf %mul3A_1675, %mul3A_1676 : vector<2048x64xf32>
    %add3A_1678 = vector.broadcast %get3A_1652 : vector<1x64xf32> to vector<2048x64xf32>
    %add3A_1679 = arith.addf %mul3A_1677, %add3A_1678 : vector<2048x64xf32>
    %convert_element_type3A_1680 = arith.truncf %add3A_1679 : vector<2048x64xf32> to vector<2048x64xbf16>
    %get3A_1681 = arith.constant 5 : index
    %get3A_1682 = arith.constant 0 : index
    %get3A_1683 = arith.constant 0 : index
    %get3A_1684 = vector.load %arg12[%get3A_1681, %get3A_1682, %get3A_1683] : memref<6x64x192xbf16, #tpu.memory_space<vmem>>, vector<1x64x192xbf16>
    %get3A_1685 = vector.shape_cast %get3A_1684 : vector<1x64x192xbf16> to vector<64x192xbf16>
    %dot_general3A_1686 = arith.constant dense<0.000000e+00> : vector<2048x192xf32>
    %dot_general3A_1687 = tpu.matmul %convert_element_type3A_1680, %get3A_1685, %dot_general3A_1686 {dimension_numbers = #tpu.dot_dimension_numbers<[1], [0], [0], [1], [0, 0, 1, 1], [], []>, transpose_lhs_hint = false} : vector<2048x64xbf16>, vector<64x192xbf16>, vector<2048x192xf32> -> vector<2048x192xf32>
    %get3A_1688 = arith.constant 5 : index
    %get3A_1689 = arith.constant 0 : index
    %get3A_1690 = vector.load %arg13[%get3A_1688, %get3A_1689] : memref<6x192xf32, #tpu.memory_space<vmem>>, vector<1x192xf32>
    %add3A_1691 = vector.broadcast %get3A_1690 : vector<1x192xf32> to vector<2048x192xf32>
    %add3A_1692 = arith.addf %dot_general3A_1687, %add3A_1691 : vector<2048x192xf32>
    %slice3A_1693 = vector.extract_strided_slice %add3A_1692 {offsets = [0, 0], sizes = [2048, 32], strides = [1, 1]} : vector<2048x192xf32> to vector<2048x32xf32>
    %reshape3A_1694 = vector.shape_cast %slice3A_1693 : vector<2048x32xf32> to vector<64x32x32xf32>
    %slice3A_1695 = vector.extract_strided_slice %add3A_1692 {offsets = [0, 64], sizes = [2048, 32], strides = [1, 1]} : vector<2048x192xf32> to vector<2048x32xf32>
    %reshape3A_1696 = vector.shape_cast %slice3A_1695 : vector<2048x32xf32> to vector<64x32x32xf32>
    %slice3A_1697 = vector.extract_strided_slice %add3A_1692 {offsets = [0, 128], sizes = [2048, 32], strides = [1, 1]} : vector<2048x192xf32> to vector<2048x32xf32>
    %reshape3A_1698 = vector.shape_cast %slice3A_1697 : vector<2048x32xf32> to vector<64x32x32xf32>
    %convert_element_type3A_1699 = arith.truncf %reshape3A_1694 : vector<64x32x32xf32> to vector<64x32x32xbf16>
    %convert_element_type3A_1700 = arith.truncf %reshape3A_1696 : vector<64x32x32xf32> to vector<64x32x32xbf16>
    %dot_general3A_1701 = arith.constant dense<0.000000e+00> : vector<64x32x32xf32>
    %dot_general3A_1702 = tpu.matmul %convert_element_type3A_1699, %convert_element_type3A_1700, %dot_general3A_1701 {dimension_numbers = #tpu.dot_dimension_numbers<[2], [2], [1], [1], [0, 0, 0, 1, 1, 1], [0], [0]>, transpose_lhs_hint = false} : vector<64x32x32xbf16>, vector<64x32x32xbf16>, vector<64x32x32xf32> -> vector<64x32x32xf32>
    %broadcast_in_dim3A_1703 = vector.shape_cast %get3A_677 : vector<64x32xf32> to vector<64x1x32xf32>
    %add3A_1704 = vector.broadcast %broadcast_in_dim3A_1703 : vector<64x1x32xf32> to vector<64x32x32xf32>
    %add3A_1705 = arith.addf %dot_general3A_1702, %add3A_1704 : vector<64x32x32xf32>
    %reduce_max3A_1706 = arith.constant dense<0xFF800000> : vector<64x32xf32>
    %reduce_max3A_1707 = vector.multi_reduction <maximumf>, %add3A_1705, %reduce_max3A_1706 [2] : vector<64x32x32xf32> to vector<64x32xf32>
    %broadcast_in_dim3A_1708 = vector.shape_cast %reduce_max3A_1707 : vector<64x32xf32> to vector<64x32x1xf32>
    %sub3A_1709 = vector.broadcast %broadcast_in_dim3A_1708 : vector<64x32x1xf32> to vector<64x32x32xf32>
    %sub3A_1710 = arith.subf %add3A_1705, %sub3A_1709 : vector<64x32x32xf32>
    %exp3A_1711 = math.exp %sub3A_1710 : vector<64x32x32xf32>
    %reduce_sum3A_1712 = arith.constant dense<0.000000e+00> : vector<64x32xf32>
    %reduce_sum3A_1713 = vector.multi_reduction <add>, %exp3A_1711, %reduce_sum3A_1712 [2] : vector<64x32x32xf32> to vector<64x32xf32>
    %broadcast_in_dim3A_1714 = vector.shape_cast %reduce_sum3A_1713 : vector<64x32xf32> to vector<64x32x1xf32>
    %div3A_1715 = vector.broadcast %broadcast_in_dim3A_1714 : vector<64x32x1xf32> to vector<64x32x32xf32>
    %div3A_1716 = arith.divf %exp3A_1711, %div3A_1715 : vector<64x32x32xf32>
    %convert_element_type3A_1717 = arith.truncf %div3A_1716 : vector<64x32x32xf32> to vector<64x32x32xbf16>
    %convert_element_type3A_1718 = arith.truncf %reshape3A_1698 : vector<64x32x32xf32> to vector<64x32x32xbf16>
    %dot_general3A_1719 = arith.constant dense<0.000000e+00> : vector<64x32x32xf32>
    %dot_general3A_1720 = tpu.matmul %convert_element_type3A_1717, %convert_element_type3A_1718, %dot_general3A_1719 {dimension_numbers = #tpu.dot_dimension_numbers<[2], [1], [1], [2], [0, 0, 0, 1, 1, 2], [0], [0]>, transpose_lhs_hint = false} : vector<64x32x32xbf16>, vector<64x32x32xbf16>, vector<64x32x32xf32> -> vector<64x32x32xf32>
    %slice3A_1721 = vector.extract_strided_slice %add3A_1692 {offsets = [0, 32], sizes = [2048, 32], strides = [1, 1]} : vector<2048x192xf32> to vector<2048x32xf32>
    %reshape3A_1722 = vector.shape_cast %slice3A_1721 : vector<2048x32xf32> to vector<64x32x32xf32>
    %slice3A_1723 = vector.extract_strided_slice %add3A_1692 {offsets = [0, 96], sizes = [2048, 32], strides = [1, 1]} : vector<2048x192xf32> to vector<2048x32xf32>
    %reshape3A_1724 = vector.shape_cast %slice3A_1723 : vector<2048x32xf32> to vector<64x32x32xf32>
    %slice3A_1725 = vector.extract_strided_slice %add3A_1692 {offsets = [0, 160], sizes = [2048, 32], strides = [1, 1]} : vector<2048x192xf32> to vector<2048x32xf32>
    %reshape3A_1726 = vector.shape_cast %slice3A_1725 : vector<2048x32xf32> to vector<64x32x32xf32>
    %convert_element_type3A_1727 = arith.truncf %reshape3A_1722 : vector<64x32x32xf32> to vector<64x32x32xbf16>
    %convert_element_type3A_1728 = arith.truncf %reshape3A_1724 : vector<64x32x32xf32> to vector<64x32x32xbf16>
    %dot_general3A_1729 = arith.constant dense<0.000000e+00> : vector<64x32x32xf32>
    %dot_general3A_1730 = tpu.matmul %convert_element_type3A_1727, %convert_element_type3A_1728, %dot_general3A_1729 {dimension_numbers = #tpu.dot_dimension_numbers<[2], [2], [1], [1], [0, 0, 0, 1, 1, 1], [0], [0]>, transpose_lhs_hint = false} : vector<64x32x32xbf16>, vector<64x32x32xbf16>, vector<64x32x32xf32> -> vector<64x32x32xf32>
    %broadcast_in_dim3A_1731 = vector.shape_cast %get3A_677 : vector<64x32xf32> to vector<64x1x32xf32>
    %add3A_1732 = vector.broadcast %broadcast_in_dim3A_1731 : vector<64x1x32xf32> to vector<64x32x32xf32>
    %add3A_1733 = arith.addf %dot_general3A_1730, %add3A_1732 : vector<64x32x32xf32>
    %reduce_max3A_1734 = arith.constant dense<0xFF800000> : vector<64x32xf32>
    %reduce_max3A_1735 = vector.multi_reduction <maximumf>, %add3A_1733, %reduce_max3A_1734 [2] : vector<64x32x32xf32> to vector<64x32xf32>
    %broadcast_in_dim3A_1736 = vector.shape_cast %reduce_max3A_1735 : vector<64x32xf32> to vector<64x32x1xf32>
    %sub3A_1737 = vector.broadcast %broadcast_in_dim3A_1736 : vector<64x32x1xf32> to vector<64x32x32xf32>
    %sub3A_1738 = arith.subf %add3A_1733, %sub3A_1737 : vector<64x32x32xf32>
    %exp3A_1739 = math.exp %sub3A_1738 : vector<64x32x32xf32>
    %reduce_sum3A_1740 = arith.constant dense<0.000000e+00> : vector<64x32xf32>
    %reduce_sum3A_1741 = vector.multi_reduction <add>, %exp3A_1739, %reduce_sum3A_1740 [2] : vector<64x32x32xf32> to vector<64x32xf32>
    %broadcast_in_dim3A_1742 = vector.shape_cast %reduce_sum3A_1741 : vector<64x32xf32> to vector<64x32x1xf32>
    %div3A_1743 = vector.broadcast %broadcast_in_dim3A_1742 : vector<64x32x1xf32> to vector<64x32x32xf32>
    %div3A_1744 = arith.divf %exp3A_1739, %div3A_1743 : vector<64x32x32xf32>
    %convert_element_type3A_1745 = arith.truncf %div3A_1744 : vector<64x32x32xf32> to vector<64x32x32xbf16>
    %convert_element_type3A_1746 = arith.truncf %reshape3A_1726 : vector<64x32x32xf32> to vector<64x32x32xbf16>
    %dot_general3A_1747 = arith.constant dense<0.000000e+00> : vector<64x32x32xf32>
    %dot_general3A_1748 = tpu.matmul %convert_element_type3A_1745, %convert_element_type3A_1746, %dot_general3A_1747 {dimension_numbers = #tpu.dot_dimension_numbers<[2], [1], [1], [2], [0, 0, 0, 1, 1, 2], [0], [0]>, transpose_lhs_hint = false} : vector<64x32x32xbf16>, vector<64x32x32xbf16>, vector<64x32x32xf32> -> vector<64x32x32xf32>
    %concatenate3A_1749 = tpu.concatenate %dot_general3A_1720, %dot_general3A_1748 in 2 : vector<64x32x32xf32>, vector<64x32x32xf32> -> vector<64x32x64xf32>
    %reshape3A_1750 = vector.shape_cast %concatenate3A_1749 : vector<64x32x64xf32> to vector<2048x64xf32>
    %convert_element_type3A_1751 = arith.truncf %reshape3A_1750 : vector<2048x64xf32> to vector<2048x64xbf16>
    %get3A_1752 = arith.constant 5 : index
    %get3A_1753 = arith.constant 0 : index
    %get3A_1754 = arith.constant 0 : index
    %get3A_1755 = vector.load %arg14[%get3A_1752, %get3A_1753, %get3A_1754] : memref<6x64x64xbf16, #tpu.memory_space<vmem>>, vector<1x64x64xbf16>
    %get3A_1756 = vector.shape_cast %get3A_1755 : vector<1x64x64xbf16> to vector<64x64xbf16>
    %dot_general3A_1757 = arith.constant dense<0.000000e+00> : vector<2048x64xf32>
    %dot_general3A_1758 = tpu.matmul %convert_element_type3A_1751, %get3A_1756, %dot_general3A_1757 {dimension_numbers = #tpu.dot_dimension_numbers<[1], [0], [0], [1], [0, 0, 1, 1], [], []>, transpose_lhs_hint = false} : vector<2048x64xbf16>, vector<64x64xbf16>, vector<2048x64xf32> -> vector<2048x64xf32>
    %add3A_1759 = arith.addf %add3A_1646, %dot_general3A_1758 : vector<2048x64xf32>
    %get3A_1760 = arith.constant 5 : index
    %get3A_1761 = arith.constant 0 : index
    %get3A_1762 = vector.load %arg15[%get3A_1760, %get3A_1761] : memref<6x64xf32, #tpu.memory_space<vmem>>, vector<1x64xf32>
    %add3A_1763 = vector.broadcast %get3A_1762 : vector<1x64xf32> to vector<2048x64xf32>
    %add3A_1764 = arith.addf %add3A_1759, %add3A_1763 : vector<2048x64xf32>
    %get3A_1765 = arith.constant 5 : index
    %get3A_1766 = arith.constant 0 : index
    %get3A_1767 = vector.load %arg16[%get3A_1765, %get3A_1766] : memref<6x64xf32, #tpu.memory_space<vmem>>, vector<1x64xf32>
    %get3A_1768 = arith.constant 5 : index
    %get3A_1769 = arith.constant 0 : index
    %get3A_1770 = vector.load %arg17[%get3A_1768, %get3A_1769] : memref<6x64xf32, #tpu.memory_space<vmem>>, vector<1x64xf32>
    %reduce_sum3A_1771 = arith.constant dense<0.000000e+00> : vector<2048xf32>
    %reduce_sum3A_1772 = vector.multi_reduction <add>, %add3A_1764, %reduce_sum3A_1771 [1] : vector<2048x64xf32> to vector<2048xf32>
    %broadcast_in_dim3A_1773 = vector.shape_cast %reduce_sum3A_1772 : vector<2048xf32> to vector<2048x1xf32>
    %div3A_1774 = arith.constant 6.400000e+01 : f32
    %div3A_1775 = vector.broadcast %div3A_1774 : f32 to vector<2048x1xf32>
    %div3A_1776 = arith.divf %broadcast_in_dim3A_1773, %div3A_1775 : vector<2048x1xf32>
    %mul3A_1777 = arith.mulf %add3A_1764, %add3A_1764 : vector<2048x64xf32>
    %reduce_sum3A_1778 = arith.constant dense<0.000000e+00> : vector<2048xf32>
    %reduce_sum3A_1779 = vector.multi_reduction <add>, %mul3A_1777, %reduce_sum3A_1778 [1] : vector<2048x64xf32> to vector<2048xf32>
    %broadcast_in_dim3A_1780 = vector.shape_cast %reduce_sum3A_1779 : vector<2048xf32> to vector<2048x1xf32>
    %div3A_1781 = arith.constant 6.400000e+01 : f32
    %div3A_1782 = vector.broadcast %div3A_1781 : f32 to vector<2048x1xf32>
    %div3A_1783 = arith.divf %broadcast_in_dim3A_1780, %div3A_1782 : vector<2048x1xf32>
    %mul3A_1784 = arith.mulf %div3A_1776, %div3A_1776 : vector<2048x1xf32>
    %sub3A_1785 = arith.subf %div3A_1783, %mul3A_1784 : vector<2048x1xf32>
    %sub3A_1786 = vector.broadcast %div3A_1776 : vector<2048x1xf32> to vector<2048x64xf32>
    %sub3A_1787 = arith.subf %add3A_1764, %sub3A_1786 : vector<2048x64xf32>
    %add3A_1788 = arith.constant 9.99999974E-6 : f32
    %add3A_1789 = vector.broadcast %add3A_1788 : f32 to vector<2048x1xf32>
    %add3A_1790 = arith.addf %sub3A_1785, %add3A_1789 : vector<2048x1xf32>
    %rsqrt3A_1791 = math.rsqrt %add3A_1790 : vector<2048x1xf32>
    %mul3A_1792 = vector.broadcast %rsqrt3A_1791 : vector<2048x1xf32> to vector<2048x64xf32>
    %mul3A_1793 = arith.mulf %sub3A_1787, %mul3A_1792 : vector<2048x64xf32>
    %mul3A_1794 = vector.broadcast %get3A_1767 : vector<1x64xf32> to vector<2048x64xf32>
    %mul3A_1795 = arith.mulf %mul3A_1793, %mul3A_1794 : vector<2048x64xf32>
    %add3A_1796 = vector.broadcast %get3A_1770 : vector<1x64xf32> to vector<2048x64xf32>
    %add3A_1797 = arith.addf %mul3A_1795, %add3A_1796 : vector<2048x64xf32>
    %convert_element_type3A_1798 = arith.truncf %add3A_1797 : vector<2048x64xf32> to vector<2048x64xbf16>
    %get3A_1799 = arith.constant 5 : index
    %get3A_1800 = arith.constant 0 : index
    %get3A_1801 = arith.constant 0 : index
    %get3A_1802 = vector.load %arg18[%get3A_1799, %get3A_1800, %get3A_1801] : memref<6x64x256xbf16, #tpu.memory_space<vmem>>, vector<1x64x256xbf16>
    %get3A_1803 = vector.shape_cast %get3A_1802 : vector<1x64x256xbf16> to vector<64x256xbf16>
    %dot_general3A_1804 = arith.constant dense<0.000000e+00> : vector<2048x256xf32>
    %dot_general3A_1805 = tpu.matmul %convert_element_type3A_1798, %get3A_1803, %dot_general3A_1804 {dimension_numbers = #tpu.dot_dimension_numbers<[1], [0], [0], [1], [0, 0, 1, 1], [], []>, transpose_lhs_hint = false} : vector<2048x64xbf16>, vector<64x256xbf16>, vector<2048x256xf32> -> vector<2048x256xf32>
    %get3A_1806 = arith.constant 5 : index
    %get3A_1807 = arith.constant 0 : index
    %get3A_1808 = vector.load %arg19[%get3A_1806, %get3A_1807] : memref<6x256xf32, #tpu.memory_space<vmem>>, vector<1x256xf32>
    %add3A_1809 = vector.broadcast %get3A_1808 : vector<1x256xf32> to vector<2048x256xf32>
    %add3A_1810 = arith.addf %dot_general3A_1805, %add3A_1809 : vector<2048x256xf32>
    %convert_element_type3A_1811 = arith.truncf %add3A_1810 : vector<2048x256xf32> to vector<2048x256xbf16>
    %integer_pow3A_1812 = arith.mulf %convert_element_type3A_1811, %convert_element_type3A_1811 : vector<2048x256xbf16>
    %integer_pow3A_1813 = arith.mulf %convert_element_type3A_1811, %integer_pow3A_1812 : vector<2048x256xbf16>
    %mul3A_1814 = arith.constant 4.467770e-02 : bf16
    %mul3A_1815 = vector.broadcast %mul3A_1814 : bf16 to vector<2048x256xbf16>
    %mul3A_1816 = arith.mulf %mul3A_1815, %integer_pow3A_1813 : vector<2048x256xbf16>
    %add3A_1817 = arith.addf %convert_element_type3A_1811, %mul3A_1816 : vector<2048x256xbf16>
    %mul3A_1818 = arith.constant 7.968750e-01 : bf16
    %mul3A_1819 = vector.broadcast %mul3A_1818 : bf16 to vector<2048x256xbf16>
    %mul3A_1820 = arith.mulf %mul3A_1819, %add3A_1817 : vector<2048x256xbf16>
    %tanh3A_1821 = math.tanh %mul3A_1820 : vector<2048x256xbf16>
    %add3A_1822 = arith.constant 1.000000e+00 : bf16
    %add3A_1823 = vector.broadcast %add3A_1822 : bf16 to vector<2048x256xbf16>
    %add3A_1824 = arith.addf %add3A_1823, %tanh3A_1821 : vector<2048x256xbf16>
    %mul3A_1825 = arith.constant 5.000000e-01 : bf16
    %mul3A_1826 = vector.broadcast %mul3A_1825 : bf16 to vector<2048x256xbf16>
    %mul3A_1827 = arith.mulf %mul3A_1826, %add3A_1824 : vector<2048x256xbf16>
    %mul3A_1828 = arith.mulf %convert_element_type3A_1811, %mul3A_1827 : vector<2048x256xbf16>
    %get3A_1829 = arith.constant 5 : index
    %get3A_1830 = arith.constant 0 : index
    %get3A_1831 = arith.constant 0 : index
    %get3A_1832 = vector.load %arg20[%get3A_1829, %get3A_1830, %get3A_1831] : memref<6x256x64xbf16, #tpu.memory_space<vmem>>, vector<1x256x64xbf16>
    %get3A_1833 = vector.shape_cast %get3A_1832 : vector<1x256x64xbf16> to vector<256x64xbf16>
    %dot_general3A_1834 = arith.constant dense<0.000000e+00> : vector<2048x64xf32>
    %dot_general3A_1835 = tpu.matmul %mul3A_1828, %get3A_1833, %dot_general3A_1834 {dimension_numbers = #tpu.dot_dimension_numbers<[1], [0], [0], [1], [0, 0, 1, 1], [], []>, transpose_lhs_hint = false} : vector<2048x256xbf16>, vector<256x64xbf16>, vector<2048x64xf32> -> vector<2048x64xf32>
    %add3A_1836 = arith.addf %add3A_1764, %dot_general3A_1835 : vector<2048x64xf32>
    %get3A_1837 = arith.constant 5 : index
    %get3A_1838 = arith.constant 0 : index
    %get3A_1839 = vector.load %arg21[%get3A_1837, %get3A_1838] : memref<6x64xf32, #tpu.memory_space<vmem>>, vector<1x64xf32>
    %add3A_1840 = vector.broadcast %get3A_1839 : vector<1x64xf32> to vector<2048x64xf32>
    %add3A_1841 = arith.addf %add3A_1836, %add3A_1840 : vector<2048x64xf32>
    %get3A_1842 = arith.constant 0 : index
    %get3A_1843 = arith.constant 0 : index
    %get3A_1844 = vector.load %arg22[%get3A_1842, %get3A_1843] : memref<1x64xf32, #tpu.memory_space<vmem>>, vector<1x64xf32>
    %get3A_1845 = arith.constant 0 : index
    %get3A_1846 = arith.constant 0 : index
    %get3A_1847 = vector.load %arg23[%get3A_1845, %get3A_1846] : memref<1x64xf32, #tpu.memory_space<vmem>>, vector<1x64xf32>
    %reduce_sum3A_1848 = arith.constant dense<0.000000e+00> : vector<2048xf32>
    %reduce_sum3A_1849 = vector.multi_reduction <add>, %add3A_1841, %reduce_sum3A_1848 [1] : vector<2048x64xf32> to vector<2048xf32>
    %broadcast_in_dim3A_1850 = vector.shape_cast %reduce_sum3A_1849 : vector<2048xf32> to vector<2048x1xf32>
    %div3A_1851 = arith.constant 6.400000e+01 : f32
    %div3A_1852 = vector.broadcast %div3A_1851 : f32 to vector<2048x1xf32>
    %div3A_1853 = arith.divf %broadcast_in_dim3A_1850, %div3A_1852 : vector<2048x1xf32>
    %mul3A_1854 = arith.mulf %add3A_1841, %add3A_1841 : vector<2048x64xf32>
    %reduce_sum3A_1855 = arith.constant dense<0.000000e+00> : vector<2048xf32>
    %reduce_sum3A_1856 = vector.multi_reduction <add>, %mul3A_1854, %reduce_sum3A_1855 [1] : vector<2048x64xf32> to vector<2048xf32>
    %broadcast_in_dim3A_1857 = vector.shape_cast %reduce_sum3A_1856 : vector<2048xf32> to vector<2048x1xf32>
    %div3A_1858 = arith.constant 6.400000e+01 : f32
    %div3A_1859 = vector.broadcast %div3A_1858 : f32 to vector<2048x1xf32>
    %div3A_1860 = arith.divf %broadcast_in_dim3A_1857, %div3A_1859 : vector<2048x1xf32>
    %mul3A_1861 = arith.mulf %div3A_1853, %div3A_1853 : vector<2048x1xf32>
    %sub3A_1862 = arith.subf %div3A_1860, %mul3A_1861 : vector<2048x1xf32>
    %sub3A_1863 = vector.broadcast %div3A_1853 : vector<2048x1xf32> to vector<2048x64xf32>
    %sub3A_1864 = arith.subf %add3A_1841, %sub3A_1863 : vector<2048x64xf32>
    %add3A_1865 = arith.constant 9.99999974E-6 : f32
    %add3A_1866 = vector.broadcast %add3A_1865 : f32 to vector<2048x1xf32>
    %add3A_1867 = arith.addf %sub3A_1862, %add3A_1866 : vector<2048x1xf32>
    %rsqrt3A_1868 = math.rsqrt %add3A_1867 : vector<2048x1xf32>
    %mul3A_1869 = vector.broadcast %rsqrt3A_1868 : vector<2048x1xf32> to vector<2048x64xf32>
    %mul3A_1870 = arith.mulf %sub3A_1864, %mul3A_1869 : vector<2048x64xf32>
    %mul3A_1871 = vector.broadcast %get3A_1844 : vector<1x64xf32> to vector<2048x64xf32>
    %mul3A_1872 = arith.mulf %mul3A_1870, %mul3A_1871 : vector<2048x64xf32>
    %add3A_1873 = vector.broadcast %get3A_1847 : vector<1x64xf32> to vector<2048x64xf32>
    %add3A_1874 = arith.addf %mul3A_1872, %add3A_1873 : vector<2048x64xf32>
    %reshape3A_1875 = vector.shape_cast %add3A_1874 : vector<2048x64xf32> to vector<64x32x64xf32>
    %slice3A_1876 = vector.extract_strided_slice %reshape3A_1875 {offsets = [0, 28, 0], sizes = [64, 1, 64], strides = [1, 1, 1]} : vector<64x32x64xf32> to vector<64x1x64xf32>
    %squeeze3A = vector.shape_cast %slice3A_1876 : vector<64x1x64xf32> to vector<64x64xf32>
    %slice3A_1877 = vector.extract_strided_slice %reshape3A_1875 {offsets = [0, 29, 0], sizes = [64, 1, 64], strides = [1, 1, 1]} : vector<64x32x64xf32> to vector<64x1x64xf32>
    %squeeze3A_1878 = vector.shape_cast %slice3A_1877 : vector<64x1x64xf32> to vector<64x64xf32>
    %slice3A_1879 = vector.extract_strided_slice %reshape3A_1875 {offsets = [0, 30, 0], sizes = [64, 1, 64], strides = [1, 1, 1]} : vector<64x32x64xf32> to vector<64x1x64xf32>
    %squeeze3A_1880 = vector.shape_cast %slice3A_1879 : vector<64x1x64xf32> to vector<64x64xf32>
    %slice3A_1881 = vector.extract_strided_slice %reshape3A_1875 {offsets = [0, 31, 0], sizes = [64, 1, 64], strides = [1, 1, 1]} : vector<64x32x64xf32> to vector<64x1x64xf32>
    %squeeze3A_1882 = vector.shape_cast %slice3A_1881 : vector<64x1x64xf32> to vector<64x64xf32>
    %concatenate3A_1883 = tpu.concatenate %squeeze3A, %squeeze3A_1878, %squeeze3A_1880, %squeeze3A_1882 in 1 : vector<64x64xf32>, vector<64x64xf32>, vector<64x64xf32>, vector<64x64xf32> -> vector<64x256xf32>
    %convert_element_type3A_1884 = arith.truncf %concatenate3A_1883 : vector<64x256xf32> to vector<64x256xbf16>
    %get3A_1885 = arith.constant 0 : index
    %get3A_1886 = arith.constant 0 : index
    %get3A_1887 = vector.load %arg8[%get3A_1885, %get3A_1886] : memref<256x256xbf16, #tpu.memory_space<vmem>>, vector<256x256xbf16>
    %dot_general3A_1888 = arith.constant dense<0.000000e+00> : vector<64x256xf32>
    %dot_general3A_1889 = tpu.matmul %convert_element_type3A_1884, %get3A_1887, %dot_general3A_1888 {dimension_numbers = #tpu.dot_dimension_numbers<[1], [0], [0], [1], [0, 0, 1, 1], [], []>, transpose_lhs_hint = false} : vector<64x256xbf16>, vector<256x256xbf16>, vector<64x256xf32> -> vector<64x256xf32>
    %get3A_1890 = arith.constant 0 : index
    %get3A_1891 = arith.constant 0 : index
    %get3A_1892 = vector.load %arg9[%get3A_1890, %get3A_1891] : memref<1x256xf32, #tpu.memory_space<vmem>>, vector<1x256xf32>
    %add3A_1893 = vector.broadcast %get3A_1892 : vector<1x256xf32> to vector<64x256xf32>
    %add3A_1894 = arith.addf %dot_general3A_1889, %add3A_1893 : vector<64x256xf32>
    %swap3A_1895 = arith.constant 0 : index
    %swap3A_1896 = arith.constant 0 : index
    %swap3A_1897 = vector.load %arg24[%swap3A_1895, %swap3A_1896] : memref<64x256xf32, #tpu.memory_space<vmem>>, vector<64x256xf32>
    tpu.vector_store %arg24[%swap3A_1895, %swap3A_1896], %add3A_1894 {strides = array<i32>} : memref<64x256xf32, #tpu.memory_space<vmem>>, vector<64x256xf32>,
    return
  }
  func.func @transform_0(%arg0: i32, %arg1: memref<4096xi32, #tpu.memory_space<smem>>) -> (i32, i32) {
    %c0_i32 = arith.constant 0 : i32
    %c0_i32_0 = arith.constant 0 : i32
    %c0_i32_1 = arith.constant 0 : i32
    return %c0_i32, %c0_i32_0 : i32, i32
  }
  func.func @transform_1(%arg0: i32, %arg1: memref<4096xi32, #tpu.memory_space<smem>>) -> (i32, i32) {
    %c0_i32 = arith.constant 0 : i32
    %c0_i32_0 = arith.constant 0 : i32
    return %arg0, %c0_i32 : i32, i32
  }
  func.func @transform_2(%arg0: i32, %arg1: memref<4096xi32, #tpu.memory_space<smem>>) -> (i32, i32) {
    %c0_i32 = arith.constant 0 : i32
    %c0_i32_0 = arith.constant 0 : i32
    return %arg0, %c0_i32 : i32, i32
  }
  func.func @transform_3(%arg0: i32, %arg1: memref<4096xi32, #tpu.memory_space<smem>>) -> (i32, i32) {
    %c0_i32 = arith.constant 0 : i32
    %c0_i32_0 = arith.constant 0 : i32
    %c0_i32_1 = arith.constant 0 : i32
    return %c0_i32, %c0_i32_0 : i32, i32
  }
  func.func @transform_4(%arg0: i32, %arg1: memref<4096xi32, #tpu.memory_space<smem>>) -> (i32, i32) {
    %c0_i32 = arith.constant 0 : i32
    %c0_i32_0 = arith.constant 0 : i32
    %c0_i32_1 = arith.constant 0 : i32
    return %c0_i32, %c0_i32_0 : i32, i32
  }
  func.func @transform_5(%arg0: i32, %arg1: memref<4096xi32, #tpu.memory_space<smem>>) -> (i32, i32) {
    %c0_i32 = arith.constant 0 : i32
    %c0_i32_0 = arith.constant 0 : i32
    %c0_i32_1 = arith.constant 0 : i32
    return %c0_i32, %c0_i32_0 : i32, i32
  }
  func.func @transform_6(%arg0: i32, %arg1: memref<4096xi32, #tpu.memory_space<smem>>) -> (i32, i32) {
    %c0_i32 = arith.constant 0 : i32
    %c0_i32_0 = arith.constant 0 : i32
    %c0_i32_1 = arith.constant 0 : i32
    return %c0_i32, %c0_i32_0 : i32, i32
  }
  func.func @transform_7(%arg0: i32, %arg1: memref<4096xi32, #tpu.memory_space<smem>>) -> (i32, i32) {
    %c0_i32 = arith.constant 0 : i32
    %c0_i32_0 = arith.constant 0 : i32
    %c0_i32_1 = arith.constant 0 : i32
    return %c0_i32, %c0_i32_0 : i32, i32
  }
  func.func @transform_8(%arg0: i32, %arg1: memref<4096xi32, #tpu.memory_space<smem>>) -> (i32, i32) {
    %c0_i32 = arith.constant 0 : i32
    %c0_i32_0 = arith.constant 0 : i32
    %c0_i32_1 = arith.constant 0 : i32
    return %c0_i32, %c0_i32_0 : i32, i32
  }
  func.func @transform_9(%arg0: i32, %arg1: memref<4096xi32, #tpu.memory_space<smem>>) -> (i32, i32) {
    %c0_i32 = arith.constant 0 : i32
    %c0_i32_0 = arith.constant 0 : i32
    %c0_i32_1 = arith.constant 0 : i32
    return %c0_i32, %c0_i32_0 : i32, i32
  }
  func.func @transform_10(%arg0: i32, %arg1: memref<4096xi32, #tpu.memory_space<smem>>) -> (i32, i32, i32) {
    %c0_i32 = arith.constant 0 : i32
    %c0_i32_0 = arith.constant 0 : i32
    %c0_i32_1 = arith.constant 0 : i32
    %c0_i32_2 = arith.constant 0 : i32
    return %c0_i32, %c0_i32_0, %c0_i32_1 : i32, i32, i32
  }
  func.func @transform_11(%arg0: i32, %arg1: memref<4096xi32, #tpu.memory_space<smem>>) -> (i32, i32) {
    %c0_i32 = arith.constant 0 : i32
    %c0_i32_0 = arith.constant 0 : i32
    %c0_i32_1 = arith.constant 0 : i32
    return %c0_i32, %c0_i32_0 : i32, i32
  }
  func.func @transform_12(%arg0: i32, %arg1: memref<4096xi32, #tpu.memory_space<smem>>) -> (i32, i32, i32) {
    %c0_i32 = arith.constant 0 : i32
    %c0_i32_0 = arith.constant 0 : i32
    %c0_i32_1 = arith.constant 0 : i32
    %c0_i32_2 = arith.constant 0 : i32
    return %c0_i32, %c0_i32_0, %c0_i32_1 : i32, i32, i32
  }
  func.func @transform_13(%arg0: i32, %arg1: memref<4096xi32, #tpu.memory_space<smem>>) -> (i32, i32) {
    %c0_i32 = arith.constant 0 : i32
    %c0_i32_0 = arith.constant 0 : i32
    %c0_i32_1 = arith.constant 0 : i32
    return %c0_i32, %c0_i32_0 : i32, i32
  }
  func.func @transform_14(%arg0: i32, %arg1: memref<4096xi32, #tpu.memory_space<smem>>) -> (i32, i32) {
    %c0_i32 = arith.constant 0 : i32
    %c0_i32_0 = arith.constant 0 : i32
    %c0_i32_1 = arith.constant 0 : i32
    return %c0_i32, %c0_i32_0 : i32, i32
  }
  func.func @transform_15(%arg0: i32, %arg1: memref<4096xi32, #tpu.memory_space<smem>>) -> (i32, i32) {
    %c0_i32 = arith.constant 0 : i32
    %c0_i32_0 = arith.constant 0 : i32
    %c0_i32_1 = arith.constant 0 : i32
    return %c0_i32, %c0_i32_0 : i32, i32
  }
  func.func @transform_16(%arg0: i32, %arg1: memref<4096xi32, #tpu.memory_space<smem>>) -> (i32, i32, i32) {
    %c0_i32 = arith.constant 0 : i32
    %c0_i32_0 = arith.constant 0 : i32
    %c0_i32_1 = arith.constant 0 : i32
    %c0_i32_2 = arith.constant 0 : i32
    return %c0_i32, %c0_i32_0, %c0_i32_1 : i32, i32, i32
  }
  func.func @transform_17(%arg0: i32, %arg1: memref<4096xi32, #tpu.memory_space<smem>>) -> (i32, i32) {
    %c0_i32 = arith.constant 0 : i32
    %c0_i32_0 = arith.constant 0 : i32
    %c0_i32_1 = arith.constant 0 : i32
    return %c0_i32, %c0_i32_0 : i32, i32
  }
  func.func @transform_18(%arg0: i32, %arg1: memref<4096xi32, #tpu.memory_space<smem>>) -> (i32, i32, i32) {
    %c0_i32 = arith.constant 0 : i32
    %c0_i32_0 = arith.constant 0 : i32
    %c0_i32_1 = arith.constant 0 : i32
    %c0_i32_2 = arith.constant 0 : i32
    return %c0_i32, %c0_i32_0, %c0_i32_1 : i32, i32, i32
  }
  func.func @transform_19(%arg0: i32, %arg1: memref<4096xi32, #tpu.memory_space<smem>>) -> (i32, i32) {
    %c0_i32 = arith.constant 0 : i32
    %c0_i32_0 = arith.constant 0 : i32
    %c0_i32_1 = arith.constant 0 : i32
    return %c0_i32, %c0_i32_0 : i32, i32
  }
  func.func @transform_20(%arg0: i32, %arg1: memref<4096xi32, #tpu.memory_space<smem>>) -> (i32, i32) {
    %c0_i32 = arith.constant 0 : i32
    %c0_i32_0 = arith.constant 0 : i32
    %c0_i32_1 = arith.constant 0 : i32
    return %c0_i32, %c0_i32_0 : i32, i32
  }
  func.func @transform_21(%arg0: i32, %arg1: memref<4096xi32, #tpu.memory_space<smem>>) -> (i32, i32) {
    %c0_i32 = arith.constant 0 : i32
    %c0_i32_0 = arith.constant 0 : i32
    %c0_i32_1 = arith.constant 0 : i32
    return %c0_i32, %c0_i32_0 : i32, i32
  }
  func.func @transform_22(%arg0: i32, %arg1: memref<4096xi32, #tpu.memory_space<smem>>) -> (i32, i32) {
    %c0_i32 = arith.constant 0 : i32
    %c0_i32_0 = arith.constant 0 : i32
    return %arg0, %c0_i32 : i32, i32
  }
}

</mosaic_0001>

<sc_bundles>
// kernel: gather_offload_async_start.1
scs
__scs_entry_jumppad:
0x0: {  	(pc) =	sbr.rel $0x88, $3  }
0x1: {  	(tag) =	ssettag $0x0;
	lr =	simm.s32 $0x1  }
0x2: {  	[smem:$0x3F8C] =	sst lr;
	_ =	strace $0xD0000000  }
0x3: {  	_ = 	snop  }
0x4: {  	_ = 	snop  }
0x5: {  	_ = 	snop  }
0x6: {  	_ = 	snop  }
0x7: {  	_ = 	snop  }
__scs_overlays_trampoline_lowered:
0x8: {  	[smem:$0x3F9B] =	sst s0  }
0x9: {  	[smem:$0x3F9C] =	sst s1  }
0xa: {  	[smem:$0x3F9D] =	sst s2  }
0xb: {  	[smem:$0x3F9E] =	sst s3  }
0xc: {  	[smem:$0x3F9F] =	sst s4  }
0xd: {  	[smem:$0x3FA0] =	sst s5  }
0xe: {  	[smem:$0x3FA1] =	sst s6  }
0xf: {  	[smem:$0x3FA2] =	sst s7  }
0x10: {  	[smem:$0x3FA3] =	sst s8  }
0x11: {  	[smem:$0x3FA4] =	sst s9;
	s0 =	simm.s32 @!p0 $0x0  }
0x12: {  	s1 =	sld [smem:$0x3F8A];
	s0 =	simm.s32 @p0 $0x1  }
0x13: {  	[smem:$0x3FA5] =	sst s0;
	s0 =	simm.s32 @!p1 $0x0  }
0x14: {  	s2 =	sld [smem:$0x3F89];
	s0 =	simm.s32 @p1 $0x1  }
0x15: {  	[smem:$0x3FA6] =	sst s0;
	s0 =	simm.s32 @!p2 $0x0  }
0x16: {  	s3 =	sld [smem:$0x3FDB];
	s0 =	simm.s32 @p2 $0x1  }
0x17: {  	s4 =	simm.s32 $0x1BF5;
	[smem:$0x3FA8] =	sst s0  }
0x18: {  	s0 =	sld [smem:$0x3F8B];
	_ =	swait.ge [sflag:s4], $0x0  }
0x19: {  	s7 =	sld [smem:$0x3F8C]  }
0x1a: {  	s8 =	sadd.s32 $0xFFFFE003, lr  }
0x1b: {  	s9 =	sadd.s32 $0xFFFFFEF7, lr;
	s5 =	simm.s32 $0xFFFFFFFF;
	p2 =	slt.u32 s8, $0xFFFFF086  }
0x1c: {  	p1 =	slt.u32 s9, $0xF7A;
	s5 =	simm.s32 @!p2 $0x0  }
0x1d: {  	s5 =	simm.s32 @p1 $0x1;
	p0 =	seq.s32 s7, s2  }
0x1e: {  	s7 =	smul.u32 @!p0 $0xF7A, s2;
	p2 =	seq.s32 @!p0 s5, $0x0  }
0x1f: {  	s9 =	smul.u32 $0xF7A, s1;
	s8 =	simm.s32 @!p0 $0x1BF5;
	p2 =	por !p2, p0  }
0x20: {  	[sflag:s8] =	ssyncset.s32 @!p0 $0xFFFFF086;
	s6 =	sadd.s32 @!p0 s3, s7;
	s7 =	simm.s32 @!p0 $0x108  }
0x21: {  	s3 =	sadd.s32 s3, s9;
	s6 =	sadd.s32 @!p0 $0x88, s6;
	s7 =	simm.s32 @p2 $0x1082  }
0x22: {  	[simem:s7], [sflag:s8] =	dma.local @!p0 [hbm:s6], $0xF7A  }
0x23: {  	s9 =	sor.u32 $0xD0000000, s2;
	s6 =	simm.s32 $0x108;
	_ =	swait.ge @!p0 [sflag:s8], $0x0  }
0x24: {  	s3 =	sadd.s32 $0x88, s3;
	s6 =	simm.s32 @!p1 $0x1082;
	[sflag:s4] =	ssyncset.s32 $0xFFFFF086  }
0x25: {  	[simem:s6], [sflag:s4] =	dma.local [hbm:s3], $0xF7A  }
0x26: {  	[smem:$0x3F8C] =	sst s1;
	(tag) =	ssettag s2;
	_ =	strace s9  }
0x27: {  	s1 =	sld [smem:$0x3F9C]  }
0x28: {  	s2 =	sld [smem:$0x3F9D]  }
0x29: {  	s4 =	sld [smem:$0x3F9F]  }
0x2a: {  	p0 =	seq.s32 s5, $0x0;
	s5 =	sld [smem:$0x3FA0]  }
0x2b: {  	s6 =	sld [smem:$0x3FA1]  }
0x2c: {  	s7 =	sld [smem:$0x3FA2]  }
0x2d: {  	s3 =	simm.s32 $0x108;
	s8 =	sld [smem:$0x3FA3]  }
0x2e: {  	s3 =	simm.s32 @!p0 $0x1082;
	s9 =	sld [smem:$0x3FA4]  }
0x2f: {  	lr =	sadd.s32 s0, s3;
	s0 =	sld [smem:$0x3F9B]  }
0x30: {  	s3 =	sld [smem:$0x3F9E]  }
0x31: {  	[smem:$0x3FA7] =	sst s10  }
0x32: {  	s10 =	sld [smem:$0x3FA5];
	_ =	sdelay $0x3  }
0x33: {  	p0 =	seq.s32 s10, $0x1;
	s10 =	sld [smem:$0x3FA7];
	_ =	sdelay $0x3  }
0x34: {  	[smem:$0x3FA7] =	sst s10  }
0x35: {  	s10 =	sld [smem:$0x3FA6];
	_ =	sdelay $0x3  }
0x36: {  	p1 =	seq.s32 s10, $0x1;
	s10 =	sld [smem:$0x3FA7];
	_ =	sdelay $0x3  }
0x37: {  	[smem:$0x3FA7] =	sst s10  }
0x38: {  	s10 =	sld [smem:$0x3FA8]  }
0x39: {  	_ = 	snop;
	(pc) =	sbr.ind lr, $3  }
0x3a: {  	_ = 	snop  }
0x3b: {  	_ = 	snop  }
0x3c: {  	p2 =	seq.s32 s10, $0x1;
	s10 =	sld [smem:$0x3FA7]  }
0x3d: {  	_ =	shalt  }
0x3e: {  	_ =	shalt  }
0x3f: {  	_ =	shalt  }
0x40: {  	_ =	shalt  }
0x41: {  	_ =	shalt  }
0x42: {  	_ =	shalt  }
0x43: {  	_ =	shalt  }
0x44: {  	_ =	shalt  }
0x45: {  	_ =	shalt  }
0x46: {  	_ =	shalt  }
0x47: {  	_ =	shalt  }
0x48: {  	_ =	shalt  }
0x49: {  	_ =	shalt  }
0x4a: {  	_ =	shalt  }
0x4b: {  	_ =	shalt  }
0x4c: {  	_ =	shalt  }
0x4d: {  	_ =	shalt  }
0x4e: {  	_ =	shalt  }
0x4f: {  	_ =	shalt  }
0x50: {  	_ =	shalt  }
0x51: {  	_ =	shalt  }
0x52: {  	_ =	shalt  }
0x53: {  	_ =	shalt  }
0x54: {  	_ =	shalt  }
0x55: {  	_ =	shalt  }
0x56: {  	_ =	shalt  }
0x57: {  	_ =	shalt  }
0x58: {  	_ =	shalt  }
0x59: {  	_ =	shalt  }
0x5a: {  	_ =	shalt  }
0x5b: {  	_ =	shalt  }
0x5c: {  	_ =	shalt  }
0x5d: {  	_ =	shalt  }
0x5e: {  	_ =	shalt  }
0x5f: {  	_ =	shalt  }
0x60: {  	_ =	shalt  }
0x61: {  	_ =	shalt  }
0x62: {  	_ =	shalt  }
0x63: {  	_ =	shalt  }
0x64: {  	_ =	shalt  }
0x65: {  	_ =	shalt  }
0x66: {  	_ =	shalt  }
0x67: {  	_ =	shalt  }
0x68: {  	_ =	shalt  }
0x69: {  	_ =	shalt  }
0x6a: {  	_ =	shalt  }
0x6b: {  	_ =	shalt  }
0x6c: {  	_ =	shalt  }
0x6d: {  	_ =	shalt  }
0x6e: {  	_ =	shalt  }
0x6f: {  	_ =	shalt  }
0x70: {  	_ =	shalt  }
0x71: {  	_ =	shalt  }
0x72: {  	_ =	shalt  }
0x73: {  	_ =	shalt  }
0x74: {  	_ =	shalt  }
0x75: {  	_ =	shalt  }
0x76: {  	_ =	shalt  }
0x77: {  	_ =	shalt  }
0x78: {  	_ =	shalt  }
0x79: {  	_ =	shalt  }
0x7a: {  	_ =	shalt  }
0x7b: {  	_ =	shalt  }
0x7c: {  	_ =	shalt  }
0x7d: {  	_ =	shalt  }
0x7e: {  	_ =	shalt  }
0x7f: {  	_ =	shalt  }
0x80: {  	_ =	shalt  }
0x81: {  	_ =	shalt  }
0x82: {  	_ =	shalt  }
0x83: {  	_ =	shalt  }
0x84: {  	_ =	shalt  }
0x85: {  	_ =	shalt  }
0x86: {  	_ =	shalt  }
0x87: {  	_ =	shalt  }
.Lfunc_end0:
.L_simem_size_0:
called_computation.2_lowered:
.L_overlay_start_0:
0x88: {  	s2 =	sld [smem:$0x3FD9]  }
0x89: {  	s3 =	sld [smem:$0x3FFE];
	_ =	sdelay $0x1  }
0x8a: {  	s1 =	srdreg.scid  }
0x8b: {  	s0 =	sand.u32 $0x1, s1  }
0x8c: {  	s17 =	sshll.u32 s0, $0xA;
	s2 =	sadd.s32 s3, s2  }
0x8d: {  	s2 =	sadd.s32 s2, s17  }
0x8e: {  	[smem:$0x3FB3] =	sst s2  }
0x8f: {  	_ = 	snop  }
0x90: {  	(tm) =	ssettm $0x1  }
0x91: {  	s18 =	sld [smem:$0x3FFB];
	_ =	sdelay $0x3  }
0x92: {  	_ =	strace s18  }
0x93: {  	s2 =	sld [smem:$0x3FFC];
	_ =	sdelay $0x3  }
0x94: {  	_ =	strace s2  }
0x95: {  	s2 =	sld [smem:$0x3FFD];
	_ =	sdelay $0x3  }
0x96: {  	_ =	strace s2  }
0x97: {  	_ =	strace $0x8FFFFFFF  }
0x98: {  	s19 =	sld [smem:$0x3FDB];
	_ =	sdelay $0x1  }
0x99: {  	s20 =	simm.s32 $_scs_section_size  }
0x9a: {  	s4 =	simm.s32 $_size__tile_overlayer_lowered;
	s5 =	simm.s32 $_tile_overlayer_lowered  }
0x9b: {  	s6 =	simm.s32 $0x1BFF;
	s21 =	sshll.u32 s5, $0x1;
	s3 =	sadd.s32 s20, s19  }
0x9c: {  	s22 =	simm.s32 $0x0;
	s4 =	sshll.u32 s4, $0x1;
	s5 =	sadd.s32 s21, s3  }
0x9d: {  	[timem:s22], [sflag:s6] =	dma.local [hbm:s5], s4  }
0x9e: {  	_ =	swait.ge [sflag:s6], s4  }
0x9f: {  	s4 =	ssub.s32 $0x0, s4;
	[sflag:s6] =	ssyncset.done $0x0  }
0xa0: {  	[sflag:s6] =	ssyncadd.s32 s4;
	_ =	sdelay $0x1  }
0xa1: {  	s23 =	simm.s32 $0x1B8B  }
0xa2: {  	_ =	swait.ge [sflag:s23], $0x1  }
0xa3: {  	[sflag:s23] =	ssyncset.done $0x0  }
0xa4: {  	[sflag:s23] =	ssyncadd.s32 $0xFFFFFFFF  }
0xa5: {  	s4 =	sld [smem:$0x0]  }
0xa6: {  	s5 =	sand.u32 $0xFFFFFFFE, s1  }
0xa7: {  	p0 =	sne.s32 s1, s5  }
0xa8: {  	s5 =	sshll.u32 @p0 s5, $0xE  }
0xa9: {  	s5 =	sadd.s32 @p0 $0x11B8D, s5;
	s6 =	sshll.u32 @p0 s4, $0x11  }
0xaa: {  	s5 =	sor.u32 @p0 s6, s5  }
0xab: {  	[sflag:s5] =	ssyncadd.remote.s32 @p0 $0x1;
	_ =	sdelay $0x1  }
0xac: {  	s5 =	simm.s32 @p0 $0x1B8D  }
0xad: {  	_ =	swait.eq @p0 [sflag:s5], $0x1  }
0xae: {  	[sflag:s5] =	ssyncadd.s32 @p0 $0xFFFFFFFF  }
0xaf: {  	s6 =	sshll.u32 @!p0 s1, $0xE  }
0xb0: {  	s6 =	sor.u32 @!p0 $0x4000, s6;
	s5 =	simm.s32 @!p0 $0x1B8D  }
0xb1: {  	s4 =	sshll.u32 @!p0 s4, $0x11;
	s6 =	sadd.s32 @!p0 $0x11B8D, s6;
	_ =	swait.eq @!p0 [sflag:s5], $0x1  }
0xb2: {  	s4 =	sor.u32 @!p0 s4, s6;
	[sflag:s5] =	ssyncadd.s32 @!p0 $0xFFFFFFFF  }
0xb3: {  	s25 =	simm.s32 $0x1B8E;
	s24 =	sld [smem:$0x3FFE];
	[sflag:s4] =	ssyncadd.remote.s32 @!p0 $0x1  }
0xb4: {  	s26 =	simm.s32 $execute0_lowered;
	[smem:$0x3FD2] =	sst s25  }
0xb5: {  	s5 =	sshll.u32 s26, $0x1;
	_ =	strace $0x80000052;
	[dreg:$0x1] =	wrdreg $0xFFFFFFFF  }
0xb6: {  	s28 =	simm.s32 $_size_execute0_lowered;
	s3 =	sadd.s32 s3, s5;
	[dreg:$0x0] =	wrdreg $0x0  }
0xb7: {  	s5 =	sshll.u32 s28, $0x1;
	[dreg:$0x2] =	wrdreg s3  }
0xb8: {  	[dreg:$0x3] =	wrdreg s5  }
0xb9: {  	[dreg:$0x4] =	wrdreg $0xC0  }
0xba: {  	_ =	task [dreg:s22], $0x5FFFF  }
0xbb: {  	[dreg:$0x1] =	wrdreg $0xFFFFFFFF  }
0xbc: {  	[dreg:$0x0] =	wrdreg $0x60  }
0xbd: {  	[dreg:$0x2] =	wrdreg s24  }
0xbe: {  	[dreg:$0x3] =	wrdreg $0x9  }
0xbf: {  	_ =	task.clear_ibuf [dreg:s22], $0x4FFFF;
	_ =	strace $0x90000052  }
0xc0: {  	s29 =	simm.s32 $0x9;
	_ =	strace $0x80000054  }
0xc1: {  	_ =	swait.ge [sflag:s29], $0x1  }
0xc2: {  	[sflag:s29] =	ssyncadd.s32 $0xFFFFFFFF  }
0xc3: {  	_ =	strace $0x90000054  }
0xc4: {  	_ =	sfence  }
0xc5: {  	s30 =	sld [smem:$0x0];
	_ =	sdelay $0x2  }
0xc6: {  	s31 =	sshll.u32 s1, $0xD;
	s1 =	sshrl.u32 s1, $0x2  }
0xc7: {  	s4 =	sand.u32 $0x4000, s31;
	s1 =	sadd.s32 s1, s30  }
0xc8: {  	s0 =	sor.u32 s4, s0;
	s1 =	sshll.u32 s1, $0x11  }
0xc9: {  	s0 =	sor.u32 s1, s0  }
0xca: {  	s0 =	sadd.s32 $0x8F2B, s0  }
0xcb: {  	[sflag:s0] =	ssyncadd.remote.s32 $0x1  }
0xcc: {  	_ =	sfence.sel $0xFFFF  }
0xcd: {  	[dreg:$0x0] =	wrdreg $0xFFFFFFFF;
	(pc) =	sbr.abs _section_cstart, $3  }
0xce: {  	[dreg:$0x1] =	wrdreg $0xFFFFFFFF  }
0xcf: {  	_ =	task.clear_ibuf [dreg:s22], $0x2FFFF;
	_ =	strace $0x9FFFFFFF  }
0xd0: {  	(tm) =	ssettm $0x7FFFFFFF  }
0xd1: {  	_ =	shalt  }
tec
execute0_lowered:
.L_overlay_start_1:
0x0: {  	(tag) =	ssettag $0x1  }
0x1: {  	s0 =	srdreg.scid;
	s5 =	rddreg [dreg:$0x0]  }
0x2: {  	s1 =	stileid.u32;
	s6 =	simm.s32 $0x1;
	s9 =	simm.s32 $0x1  }
0x3: {  	s10 =	simm.s32 $0x3;
	s13 =	simm.s32 $0x0;
	s2 =	sshll.u32 s0, $0x6  }
0x4: {  	s12 =	simm.s32 $0x0;
	s3 =	sshll.u32 s1, $0x7;
	s2 =	sand.u32 $0x40, s2  }
0x5: {  	s0 =	rddreg [dreg:$0x1];
	_ =	strace $0x80000053;
	s2 =	sor.u32 s3, s2  }
0x6: {  	s4 =	sadd.s32 $0x2000, s5;
	[sflag:s6] =	ssyncpa.u1 $0x0;
	s8 =	ssub.s32 $0x1000, s2  }
.Ltmp0:
0x7: {  	s3 =	sadd.s32 $0x1E00, s5;
	s7 =	sand.u32 $0x7C0, s8;
	(pc) =	sbr.rel .LBB2_1-.Ltmp0, $4  }
0x8: {  	s5 =	sadd.s32 $0xA00, s5;
	s11 =	smov.u32 s2;
	p0 =	sne.s32 s7, $0x0  }
0x9: {  	s8 =	sshrl.u32 s8, $0xB;
	s7 =	simm.s32 $0x2;
	s9 =	simm.s32 @!p0 $0x0  }
0xa: {  	[sflag:s7] =	ssyncpa.u1 $0x0;
	p0 =	por $0x0, $0x0;
	s8 =	sadd.s32 s9, s8  }
0xb: {  	vm0 =	vmmov $0xffff;
	[sflag:s10] =	ssyncpa.u1 $0x0;
	s10 =	simm.s32 $0x0;
	s9 =	sadd.s32 $0x1, s8  }
.LBB2_4:
0xc: {  	v2 =	vnsel vm1, $0x0, v2  }
0xd: {  	vm1 =	vgt.s32 v0, $0x0;
	v2 =	vmin.u32 v2, $0xFFF  }
0xe: {  	v0 =	vnsel vm1, $0x0, v0  }
0xf: {  	v0 =	vmin.u32 v0, $0xFFF  }
0x10: {  	[tilespmem:s15], [sflag:$0x1] =	stream.indirect_vreg.gather [hbm4b:s3+s10], $0x1, v1, vm0, $0x4038;
	[tilespmem:$0x100] =	vst v63  }
0x11: {  	(ifvalue) =	ssetifvalue $0x7FFFFFFF  }
0x12: {  	[tilespmem:s16], [sflag:$0x1] =	stream.indirect_vreg.gather [hbm4b:s3+s10], $0x1, v2, vm0, $0x4038;
	[tilespmem:$0x100] =	vst v63  }
0x13: {  	s29 =	sadd.s32 $0x10, s16;
	(ifvalue) =	ssetifvalue $0x7FFFFFFF  }
0x14: {  	[tilespmem:s29], [sflag:$0x1] =	stream.indirect_vreg.gather [hbm4b:s3+s10], $0x1, v0, vm0, $0x4038;
	[tilespmem:$0x100] =	vst v63  }
0x15: {  	_ =	swait.ge [sflag:s6], $0x40  }
0x16: {  	s30 =	sshrl.u32 s13, $0x3;
	[sflag:s6] =	ssyncset.done $0x0  }
0x17: {  	s31 =	sand.u32 $0x7, s13;
	s15 =	sadd.s32 s5, s30;
	[sflag:s6] =	ssyncadd.s32 $0xFFFFFFC0  }
0x18: {  	[hbm4b:s15+s31] =	stream.linear.scatter [tilespmem:s14], [sflag:$0x3], $0x40, $0x38;
	[tilespmem:$0x100] =	vst v63  }
.LBB2_5:
0x19: {  	s15 =	sadd.s32 $0x800, s11  }
0x1a: {  	p2 =	sgt.s32 s15, $0xFFF  }
0x1b: {  	s15 =	smov.u32 @p2 s2;
	p2 =	sne.s32 s12, s9  }
.Ltmp1:
0x1c: {  	p1 =	slt.u32 s12, $0x2;
	(pc) =	sbr.rel @!p2 .LBB2_6-.Ltmp1, $4  }
0x1d: {  	s14 =	simm.s32 @!p1 $0x3  }
0x1e: {  	s16 =	sadd.s32 $0x1, s12;
	_ =	swait.ge @!p1 [sflag:s14], $0x40  }
0x1f: {  	s13 =	smov.u32 s11;
	p0 =	por !p0, !p0;
	[sflag:s14] =	ssyncset.done @!p1 $0x0  }
0x20: {  	s12 =	smov.u32 s16;
	s11 =	smov.u32 s15;
	[sflag:s14] =	ssyncadd.s32 @!p1 $0xFFFFFFC0  }
.LBB2_1:
0x21: {  	p1 =	sge.u32 s12, s8  }
0x22: {  	s14 =	sxor.u32 @!p1 $0xFFFFFFFF, s12  }
0x23: {  	s31 =	sadd.s32 $0xFFFFFFFF, s12;
	s15 =	sshrl.u32 @!p1 s11, $0x3;
	s14 =	sshll.u32 @!p1 s14, $0x6  }
0x24: {  	s16 =	sand.u32 @!p1 $0x7, s11;
	s15 =	sadd.s32 @!p1 s4, s15;
	s14 =	sand.u32 @!p1 $0x40, s14  }
0x25: {  	[tilespmem:s14], [sflag:$0x2] =	stream.linear.gather @!p1 [hbm4b:s15+s16], $0x40, $0x38;
	[tilespmem:$0x100] =	vst v63  }
0x26: {  	p1 =	sge.u32 s31, s8  }
.Ltmp2:
0x27: {  	_ = 	snop;
	(pc) =	sbr.rel @p1 .LBB2_5-.Ltmp2, $1  }
0x28: {  	_ =	sdelay $0x3  }
0x29: {  	s14 =	simm.s32 $0x1  }
0x2a: {  	_ =	swait.ge [sflag:s7], $0x40;
	s14 =	simm.s32 @!p0 $0x0  }
0x2b: {  	[sflag:s7] =	ssyncset.done $0x0;
	s14 =	sshll.u32 s14, $0x6  }
0x2c: {  	[sflag:s7] =	ssyncadd.s32 $0xFFFFFFC0;
	(ifvalue) =	ssetifvalue $0x7FFFFFFF;
	v0 =	vld.msk [tilespmem:s14+$0x0 ss:$0x1], $0xffff;
	_ =	sdelay $0x4  }
0x2d: {  	s15 =	sadd.s32 $0x10, s14;
	vm1 =	vgt.s32 v0, $0x0  }
0x2e: {  	v2 =	vld.msk [tilespmem:s15+$0x0 ss:$0x1], $0xffff;
	v1 =	vnsel vm1, $0x0, v0  }
0x2f: {  	v1 =	vmin.u32 v1, $0xFFF;
	_ =	sdelay $0x1  }
0x30: {  	s16 =	sshll.u32 s12, $0x6;
	s18 =	simm.s32 $0x20  }
0x31: {  	s16 =	sand.u32 $0x40, s16;
	s17 =	sadd.s32 $0x10, s15;
	s15 =	sor.u32 $0x80, s14  }
0x32: {  	s14 =	sor.u32 $0x80, s16;
	s16 =	sadd.s32 $0x10, s15;
	v0 =	vld.msk [tilespmem:s17+$0x0 ss:$0x1], $0xffff;
	vm1 =	vgt.s32 v2, $0x0;
	(ifvalue) =	ssetifvalue $0x7FFFFFFF  }
.LBB2_3:
0x33: {  	[tilespmem:s15], [sflag:$0x1] =	stream.indirect_vreg.gather [hbm4b:s3+s10], $0x1, v1, vm0, $0x4038;
	[tilespmem:$0x100] =	vst v63  }
0x34: {  	s18 =	sadd.s32 $0x10, s18  }
0x35: {  	v2 =	vnsel vm1, $0x0, v2;
	p1 =	slt.u32 s18, $0x30  }
.Ltmp3:
0x36: {  	s15 =	smov.u32 s16;
	v1 =	vmin.u32 v2, $0xFFF;
	(pc) =	sbr.rel @p1 .LBB2_3-.Ltmp3, $3  }
0x37: {  	_ =	sdelay $0x1  }
0x38: {  	s17 =	sadd.s32 $0x10, s17  }
0x39: {  	vm1 =	vgt.s32 v0, $0x0;
	s16 =	sadd.s32 $0x10, s16;
	v2 =	vmov v0;
	(ifvalue) =	ssetifvalue $0x7FFFFFFF;
	v0 =	vld.msk [tilespmem:s17+$0x0 ss:$0x1], $0xffff  }
.Ltmp4:
0x3a: {  	_ = 	snop;
	(pc) =	sbr.rel .LBB2_4-.Ltmp4, $1  }
0x3b: {  	_ =	sdelay $0x3  }
.LBB2_6:
0x3c: {  	_ =	sfence.sel $0x180000  }
0x3d: {  	s2 =	simm.s32 $0x2;
	[bflag:$0x0] =	sbarrier.arrive $0xFFFF  }
0x3e: {  	s30 =	simm.s32 $0x3;
	[sflag:s2] =	ssyncpa.u1 $0x1  }
0x3f: {  	s31 =	simm.s32 $0x1;
	[sflag:s30] =	ssyncpa.u1 $0x1  }
0x40: {  	[sflag:s31] =	ssyncpa.u1 $0x1  }
0x41: {  	p0 =	sne.s32 s1, $0x0;
	_ =	strace $0x90000053  }
0x42: {  	s0 =	sadd.s32 @!p0 $0x100000, s0;
	[bflag:$0x2] =	sbarrier.arrive $0xFFFF  }
0x43: {  	[sflag:s0] =	ssyncadd.tile.s32 @!p0 $0x1;
	_ =	shalt  }
.Lfunc_end2:
_tile_overlayer_lowered:
.L_overlay_start_2:
0x44: {  	(tag) =	ssettag $0x2  }
0x45: {  	s0 =	rddreg [dreg:$0x0];
	s2 =	stileid.u32  }
0x46: {  	s1 =	rddreg [dreg:$0x1];
	p0 =	sne.s32 s2, $0x0  }
0x47: {  	s3 =	rddreg [dreg:$0x2];
	[bflag:$0x3] =	sbarrier.arrive $0xFFFF;
	s2 =	simm.s32 @!p0 $0x1C01  }
0x48: {  	[timem:s3], [sflag:s2] =	dma.local @!p0 [hbm:s0], s1  }
0x49: {  	s0 =	simm.s32 @!p0 $0x1  }
0x4a: {  	_ =	swait.ge @!p0 [sflag:s0], s1  }
0x4b: {  	s1 =	ssub.s32 @!p0 $0x0, s1;
	[sflag:s0] =	ssyncset.done @!p0 $0x0  }
0x4c: {  	[sflag:s0] =	ssyncadd.s32 @!p0 s1  }
0x4d: {  	[bflag:$0x3] =	sbarrier.arrive $0xFFFF  }
0x4e: {  	_ =	shalt  }

// kernel: gather_offload_async_start.2
scs
__scs_entry_jumppad:
0x0: {  	(pc) =	sbr.rel $0x88, $3  }
0x1: {  	(tag) =	ssettag $0x0;
	lr =	simm.s32 $0x1  }
0x2: {  	[smem:$0x3F8C] =	sst lr;
	_ =	strace $0xD0000000  }
0x3: {  	_ = 	snop  }
0x4: {  	_ = 	snop  }
0x5: {  	_ = 	snop  }
0x6: {  	_ = 	snop  }
0x7: {  	_ = 	snop  }
__scs_overlays_trampoline_lowered:
0x8: {  	[smem:$0x3F9B] =	sst s0  }
0x9: {  	[smem:$0x3F9C] =	sst s1  }
0xa: {  	[smem:$0x3F9D] =	sst s2  }
0xb: {  	[smem:$0x3F9E] =	sst s3  }
0xc: {  	[smem:$0x3F9F] =	sst s4  }
0xd: {  	[smem:$0x3FA0] =	sst s5  }
0xe: {  	[smem:$0x3FA1] =	sst s6  }
0xf: {  	[smem:$0x3FA2] =	sst s7  }
0x10: {  	[smem:$0x3FA3] =	sst s8  }
0x11: {  	[smem:$0x3FA4] =	sst s9;
	s0 =	simm.s32 @!p0 $0x0  }
0x12: {  	s1 =	sld [smem:$0x3F8A];
	s0 =	simm.s32 @p0 $0x1  }
0x13: {  	[smem:$0x3FA5] =	sst s0;
	s0 =	simm.s32 @!p1 $0x0  }
0x14: {  	s2 =	sld [smem:$0x3F89];
	s0 =	simm.s32 @p1 $0x1  }
0x15: {  	[smem:$0x3FA6] =	sst s0;
	s0 =	simm.s32 @!p2 $0x0  }
0x16: {  	s3 =	sld [smem:$0x3FDB];
	s0 =	simm.s32 @p2 $0x1  }
0x17: {  	s4 =	simm.s32 $0x1BF5;
	[smem:$0x3FA8] =	sst s0  }
0x18: {  	s0 =	sld [smem:$0x3F8B];
	_ =	swait.ge [sflag:s4], $0x0  }
0x19: {  	s7 =	sld [smem:$0x3F8C]  }
0x1a: {  	s8 =	sadd.s32 $0xFFFFE003, lr  }
0x1b: {  	s9 =	sadd.s32 $0xFFFFFEF7, lr;
	s5 =	simm.s32 $0xFFFFFFFF;
	p2 =	slt.u32 s8, $0xFFFFF086  }
0x1c: {  	p1 =	slt.u32 s9, $0xF7A;
	s5 =	simm.s32 @!p2 $0x0  }
0x1d: {  	s5 =	simm.s32 @p1 $0x1;
	p0 =	seq.s32 s7, s2  }
0x1e: {  	s7 =	smul.u32 @!p0 $0xF7A, s2;
	p2 =	seq.s32 @!p0 s5, $0x0  }
0x1f: {  	s9 =	smul.u32 $0xF7A, s1;
	s8 =	simm.s32 @!p0 $0x1BF5;
	p2 =	por !p2, p0  }
0x20: {  	[sflag:s8] =	ssyncset.s32 @!p0 $0xFFFFF086;
	s6 =	sadd.s32 @!p0 s3, s7;
	s7 =	simm.s32 @!p0 $0x108  }
0x21: {  	s3 =	sadd.s32 s3, s9;
	s6 =	sadd.s32 @!p0 $0x88, s6;
	s7 =	simm.s32 @p2 $0x1082  }
0x22: {  	[simem:s7], [sflag:s8] =	dma.local @!p0 [hbm:s6], $0xF7A  }
0x23: {  	s9 =	sor.u32 $0xD0000000, s2;
	s6 =	simm.s32 $0x108;
	_ =	swait.ge @!p0 [sflag:s8], $0x0  }
0x24: {  	s3 =	sadd.s32 $0x88, s3;
	s6 =	simm.s32 @!p1 $0x1082;
	[sflag:s4] =	ssyncset.s32 $0xFFFFF086  }
0x25: {  	[simem:s6], [sflag:s4] =	dma.local [hbm:s3], $0xF7A  }
0x26: {  	[smem:$0x3F8C] =	sst s1;
	(tag) =	ssettag s2;
	_ =	strace s9  }
0x27: {  	s1 =	sld [smem:$0x3F9C]  }
0x28: {  	s2 =	sld [smem:$0x3F9D]  }
0x29: {  	s4 =	sld [smem:$0x3F9F]  }
0x2a: {  	p0 =	seq.s32 s5, $0x0;
	s5 =	sld [smem:$0x3FA0]  }
0x2b: {  	s6 =	sld [smem:$0x3FA1]  }
0x2c: {  	s7 =	sld [smem:$0x3FA2]  }
0x2d: {  	s3 =	simm.s32 $0x108;
	s8 =	sld [smem:$0x3FA3]  }
0x2e: {  	s3 =	simm.s32 @!p0 $0x1082;
	s9 =	sld [smem:$0x3FA4]  }
0x2f: {  	lr =	sadd.s32 s0, s3;
	s0 =	sld [smem:$0x3F9B]  }
0x30: {  	s3 =	sld [smem:$0x3F9E]  }
0x31: {  	[smem:$0x3FA7] =	sst s10  }
0x32: {  	s10 =	sld [smem:$0x3FA5];
	_ =	sdelay $0x3  }
0x33: {  	p0 =	seq.s32 s10, $0x1;
	s10 =	sld [smem:$0x3FA7];
	_ =	sdelay $0x3  }
0x34: {  	[smem:$0x3FA7] =	sst s10  }
0x35: {  	s10 =	sld [smem:$0x3FA6];
	_ =	sdelay $0x3  }
0x36: {  	p1 =	seq.s32 s10, $0x1;
	s10 =	sld [smem:$0x3FA7];
	_ =	sdelay $0x3  }
0x37: {  	[smem:$0x3FA7] =	sst s10  }
0x38: {  	s10 =	sld [smem:$0x3FA8]  }
0x39: {  	_ = 	snop;
	(pc) =	sbr.ind lr, $3  }
0x3a: {  	_ = 	snop  }
0x3b: {  	_ = 	snop  }
0x3c: {  	p2 =	seq.s32 s10, $0x1;
	s10 =	sld [smem:$0x3FA7]  }
0x3d: {  	_ =	shalt  }
0x3e: {  	_ =	shalt  }
0x3f: {  	_ =	shalt  }
0x40: {  	_ =	shalt  }
0x41: {  	_ =	shalt  }
0x42: {  	_ =	shalt  }
0x43: {  	_ =	shalt  }
0x44: {  	_ =	shalt  }
0x45: {  	_ =	shalt  }
0x46: {  	_ =	shalt  }
0x47: {  	_ =	shalt  }
0x48: {  	_ =	shalt  }
0x49: {  	_ =	shalt  }
0x4a: {  	_ =	shalt  }
0x4b: {  	_ =	shalt  }
0x4c: {  	_ =	shalt  }
0x4d: {  	_ =	shalt  }
0x4e: {  	_ =	shalt  }
0x4f: {  	_ =	shalt  }
0x50: {  	_ =	shalt  }
0x51: {  	_ =	shalt  }
0x52: {  	_ =	shalt  }
0x53: {  	_ =	shalt  }
0x54: {  	_ =	shalt  }
0x55: {  	_ =	shalt  }
0x56: {  	_ =	shalt  }
0x57: {  	_ =	shalt  }
0x58: {  	_ =	shalt  }
0x59: {  	_ =	shalt  }
0x5a: {  	_ =	shalt  }
0x5b: {  	_ =	shalt  }
0x5c: {  	_ =	shalt  }
0x5d: {  	_ =	shalt  }
0x5e: {  	_ =	shalt  }
0x5f: {  	_ =	shalt  }
0x60: {  	_ =	shalt  }
0x61: {  	_ =	shalt  }
0x62: {  	_ =	shalt  }
0x63: {  	_ =	shalt  }
0x64: {  	_ =	shalt  }
0x65: {  	_ =	shalt  }
0x66: {  	_ =	shalt  }
0x67: {  	_ =	shalt  }
0x68: {  	_ =	shalt  }
0x69: {  	_ =	shalt  }
0x6a: {  	_ =	shalt  }
0x6b: {  	_ =	shalt  }
0x6c: {  	_ =	shalt  }
0x6d: {  	_ =	shalt  }
0x6e: {  	_ =	shalt  }
0x6f: {  	_ =	shalt  }
0x70: {  	_ =	shalt  }
0x71: {  	_ =	shalt  }
0x72: {  	_ =	shalt  }
0x73: {  	_ =	shalt  }
0x74: {  	_ =	shalt  }
0x75: {  	_ =	shalt  }
0x76: {  	_ =	shalt  }
0x77: {  	_ =	shalt  }
0x78: {  	_ =	shalt  }
0x79: {  	_ =	shalt  }
0x7a: {  	_ =	shalt  }
0x7b: {  	_ =	shalt  }
0x7c: {  	_ =	shalt  }
0x7d: {  	_ =	shalt  }
0x7e: {  	_ =	shalt  }
0x7f: {  	_ =	shalt  }
0x80: {  	_ =	shalt  }
0x81: {  	_ =	shalt  }
0x82: {  	_ =	shalt  }
0x83: {  	_ =	shalt  }
0x84: {  	_ =	shalt  }
0x85: {  	_ =	shalt  }
0x86: {  	_ =	shalt  }
0x87: {  	_ =	shalt  }
.Lfunc_end0:
.L_simem_size_0:
called_computation.3_lowered:
.L_overlay_start_0:
0x88: {  	s2 =	sld [smem:$0x3FD9]  }
0x89: {  	s3 =	sld [smem:$0x3FFE];
	_ =	sdelay $0x1  }
0x8a: {  	s1 =	srdreg.scid  }
0x8b: {  	s0 =	sand.u32 $0x1, s1  }
0x8c: {  	s16 =	sshll.u32 s0, $0xA;
	s2 =	sadd.s32 s3, s2  }
0x8d: {  	s2 =	sadd.s32 s2, s16  }
0x8e: {  	[smem:$0x3FB3] =	sst s2  }
0x8f: {  	_ = 	snop  }
0x90: {  	(tm) =	ssettm $0x1  }
0x91: {  	s17 =	sld [smem:$0x3FFB];
	_ =	sdelay $0x3  }
0x92: {  	_ =	strace s17  }
0x93: {  	s2 =	sld [smem:$0x3FFC];
	_ =	sdelay $0x3  }
0x94: {  	_ =	strace s2  }
0x95: {  	s2 =	sld [smem:$0x3FFD];
	_ =	sdelay $0x3  }
0x96: {  	_ =	strace s2  }
0x97: {  	_ =	strace $0x8FFFFFFF  }
0x98: {  	s18 =	sld [smem:$0x3FDB];
	_ =	sdelay $0x1  }
0x99: {  	s19 =	simm.s32 $_scs_section_size  }
0x9a: {  	s4 =	simm.s32 $_size__tile_overlayer_lowered;
	s5 =	simm.s32 $_tile_overlayer_lowered  }
0x9b: {  	s22 =	simm.s32 $0x1BFF;
	s21 =	sshll.u32 s5, $0x1;
	s2 =	sadd.s32 s19, s18  }
0x9c: {  	s6 =	simm.s32 $0x0;
	s20 =	sshll.u32 s4, $0x1;
	s4 =	sadd.s32 s21, s2  }
0x9d: {  	[timem:s6], [sflag:s22] =	dma.local [hbm:s4], s20  }
0x9e: {  	_ =	swait.ge [sflag:s22], s20  }
0x9f: {  	s3 =	ssub.s32 $0x0, s20;
	[sflag:s22] =	ssyncset.done $0x0  }
0xa0: {  	[sflag:s22] =	ssyncadd.s32 s3;
	_ =	sdelay $0x1  }
0xa1: {  	s23 =	simm.s32 $0x1B8B  }
0xa2: {  	_ =	swait.ge [sflag:s23], $0x1  }
0xa3: {  	[sflag:s23] =	ssyncset.done $0x0  }
0xa4: {  	s25 =	simm.s32 $0x1B8E;
	s24 =	sld [smem:$0x3FFE];
	[sflag:s23] =	ssyncadd.s32 $0xFFFFFFFF  }
0xa5: {  	s26 =	simm.s32 $execute0_lowered;
	[smem:$0x3FD2] =	sst s25  }
0xa6: {  	s4 =	sshll.u32 s26, $0x1;
	_ =	strace $0x8000004F;
	[dreg:$0x1] =	wrdreg $0xFFFFFFFF  }
0xa7: {  	s28 =	simm.s32 $_size_execute0_lowered;
	s2 =	sadd.s32 s2, s4;
	[dreg:$0x0] =	wrdreg $0x0  }
0xa8: {  	s4 =	sshll.u32 s28, $0x1;
	[dreg:$0x2] =	wrdreg s2  }
0xa9: {  	[dreg:$0x3] =	wrdreg s4  }
0xaa: {  	[dreg:$0x4] =	wrdreg $0xC0  }
0xab: {  	_ =	task [dreg:s6], $0x5FFFF  }
0xac: {  	[dreg:$0x1] =	wrdreg $0xFFFFFFFF  }
0xad: {  	[dreg:$0x0] =	wrdreg $0x60  }
0xae: {  	[dreg:$0x2] =	wrdreg s24  }
0xaf: {  	[dreg:$0x3] =	wrdreg $0xA  }
0xb0: {  	_ =	task.clear_ibuf [dreg:s6], $0x4FFFF;
	_ =	strace $0x9000004F  }
0xb1: {  	s29 =	simm.s32 $0xA;
	_ =	strace $0x80000051  }
0xb2: {  	_ =	swait.ge [sflag:s29], $0x1  }
0xb3: {  	[sflag:s29] =	ssyncadd.s32 $0xFFFFFFFF  }
0xb4: {  	_ =	strace $0x90000051  }
0xb5: {  	_ =	sfence  }
0xb6: {  	s30 =	sld [smem:$0x0];
	_ =	sdelay $0x2  }
0xb7: {  	s31 =	sshll.u32 s1, $0xD;
	s1 =	sshrl.u32 s1, $0x2  }
0xb8: {  	s3 =	sand.u32 $0x4000, s31;
	s1 =	sadd.s32 s1, s30  }
0xb9: {  	s0 =	sor.u32 s3, s0;
	s1 =	sshll.u32 s1, $0x11  }
0xba: {  	s0 =	sor.u32 s1, s0  }
0xbb: {  	s0 =	sadd.s32 $0x8F2B, s0  }
0xbc: {  	[sflag:s0] =	ssyncadd.remote.s32 $0x1  }
0xbd: {  	_ =	sfence.sel $0xFFFF  }
0xbe: {  	[dreg:$0x0] =	wrdreg $0xFFFFFFFF;
	(pc) =	sbr.abs _section_cstart, $3  }
0xbf: {  	[dreg:$0x1] =	wrdreg $0xFFFFFFFF  }
0xc0: {  	_ =	task.clear_ibuf [dreg:s6], $0x2FFFF;
	_ =	strace $0x9FFFFFFF  }
0xc1: {  	(tm) =	ssettm $0x7FFFFFFF  }
tec
execute0_lowered:
.L_overlay_start_1:
0x0: {  	(tag) =	ssettag $0x1  }
0x1: {  	s7 =	rddreg [dreg:$0x0]  }
0x2: {  	s0 =	rddreg [dreg:$0x1];
	_ =	strace $0x80000050  }
0x3: {  	s1 =	srdreg.scid;
	s4 =	simm.s32 $0x1;
	s9 =	simm.s32 $0x3  }
0x4: {  	s11 =	simm.s32 $0x0;
	p0 =	por $0x0, $0x0;
	s5 =	sshll.u32 s1, $0x4  }
.Ltmp0:
0x5: {  	s1 =	stileid.u32;
	s5 =	sand.u32 $0x10, s5;
	(pc) =	sbr.rel .LBB2_1-.Ltmp0, $4  }
0x6: {  	s2 =	sadd.s32 $0x2600, s7;
	s3 =	sadd.s32 $0x1200, s7;
	s6 =	sor.u32 s1, s5  }
0x7: {  	[sflag:s4] =	ssyncpa.u1 $0x0;
	s5 =	simm.s32 $0x2;
	s6 =	sshll.u32 s6, $0x9  }
0x8: {  	s7 =	sadd.s32 $0x247800, s7;
	[sflag:s5] =	ssyncpa.u1 $0x0;
	s8 =	sadd.s32 $0x200, s6  }
0x9: {  	vm0 =	vmmov $0xff;
	vm1 =	vcmask $0x3F20;
	[sflag:s9] =	ssyncpa.u1 $0x0;
	s10 =	smov.u32 s6;
	s9 =	simm.s32 $0x0  }
.LBB2_7:
0xa: {  	p1 =	slt.u32 s9, $0x2;
	s11 =	sadd.s32 $0x100, s10  }
0xb: {  	s13 =	smov.u32 s6;
	s9 =	sadd.s32 $0x1, s9;
	p2 =	slt.s32 s11, s8  }
0xc: {  	s13 =	smov.u32 @p2 s11;
	p2 =	sne.s32 s9, $0x4  }
.Ltmp1:
0xd: {  	_ = 	snop;
	(pc) =	sbr.rel @!p2 .LBB2_8-.Ltmp1, $4  }
0xe: {  	s12 =	simm.s32 @!p1 $0x3  }
0xf: {  	_ =	swait.ge @!p1 [sflag:s12], $0x8000  }
0x10: {  	p0 =	por !p0, !p0;
	[sflag:s12] =	ssyncset.done @!p1 $0x0  }
0x11: {  	s11 =	smov.u32 s10;
	s10 =	smov.u32 s13;
	[sflag:s12] =	ssyncadd.s32 @!p1 $0xFFFF8000  }
.LBB2_1:
0x12: {  	p1 =	sgt.u32 s9, $0x1  }
0x13: {  	s12 =	sshll.u32 @!p1 s9, $0x8;
	s13 =	sshrl.u32 @!p1 s10, $0x3  }
0x14: {  	s14 =	sand.u32 @!p1 $0x7, s10;
	s12 =	sxor.u32 @!p1 $0x100, s12;
	s13 =	sadd.s32 @!p1 s3, s13  }
0x15: {  	[tilespmem:s12], [sflag:$0x2] =	stream.linear.gather @!p1 [hbm4b:s13+s14], $0x100, $0x38;
	[tilespmem:$0x10200] =	vst v63  }
0x16: {  	p1 =	seq.s32 s9, $0x0  }
0x17: {  	p2 =	seq.s32 @!p1 s9, $0x3  }
0x18: {  	p1 =	por p1, p2  }
.Ltmp2:
0x19: {  	_ = 	snop;
	(pc) =	sbr.rel @p1 .LBB2_7-.Ltmp2, $1  }
0x1a: {  	_ =	sdelay $0x3  }
0x1b: {  	s12 =	simm.s32 $0x1  }
0x1c: {  	_ =	swait.ge [sflag:s5], $0x100;
	s12 =	simm.s32 @!p0 $0x0  }
0x1d: {  	[sflag:s5] =	ssyncset.done $0x0;
	s14 =	sshll.u32 s12, $0x8  }
0x1e: {  	[sflag:s5] =	ssyncadd.s32 $0xFFFFFF00;
	s13 =	sadd.s32 $0x0, s14  }
0x1f: {  	v0 =	vld.msk [tilespmem:s13+$0x0 ss:$0x1], $0xffff;
	_ =	sdelay $0x4  }
0x20: {  	vm2 =	vgt.s32 v0, $0x0  }
0x21: {  	v0 =	vnsel vm2, $0x0, v0  }
0x22: {  	v0 =	vmin.u32 v0, $0x3FFF  }
0x23: {  	v0 =	vshll.u32 v0, $0x4;
	_ =	sdelay $0x2  }
0x24: {  	s12 =	sshll.u32 s12, $0xF  }
0x25: {  	s12 =	sor.u32 $0x200, s12  }
0x26: {  	[tilespmem:s12], [sflag:$0x1] =	stream.indirect_vreg.gather [hbm:s2], $0x80, v0, vm0, $0x38;
	[tilespmem:$0x10200] =	vst v63  }
0x27: {  	s15 =	sadd.s32 $0x10, s14;
	s13 =	sadd.s32 $0x400, s12  }
0x28: {  	[tilespmem:s13], [sflag:$0x1] =	stream.indirect_vreg.gather [hbm:s2], $0x80, v0, vm1, $0x38;
	[tilespmem:$0x10200] =	vst v63  }
0x29: {  	s16 =	simm.s32 $0x80;
	v0 =	vld.msk [tilespmem:s15+$0x0 ss:$0x1], $0xffff;
	s15 =	smov.u32 s12  }
.LBB2_3:
0x2a: {  	p1 =	sne.s32 s16, $0x3C0;
	_ =	sdelay $0x4  }
0x2b: {  	vm2 =	vgt.s32 v0, $0x0  }
0x2c: {  	v0 =	vnsel vm2, $0x0, v0  }
0x2d: {  	v0 =	vmin.u32 v0, $0x3FFF  }
0x2e: {  	v0 =	vshll.u32 v0, $0x4;
	_ =	sdelay $0x3  }
.Ltmp3:
0x2f: {  	s17 =	sshra.s32 s16, $0x2;
	s15 =	sadd.s32 $0x800, s15;
	(pc) =	sbr.rel @p1 .LBB2_3-.Ltmp3, $4  }
0x30: {  	[tilespmem:s15], [sflag:$0x1] =	stream.indirect_vreg.gather [hbm:s2], $0x80, v0, vm0, $0x38;
	[tilespmem:$0x10200] =	vst v63  }
0x31: {  	s17 =	sadd.s32 s17, s14;
	s18 =	sadd.s32 $0x400, s15  }
0x32: {  	[tilespmem:s18], [sflag:$0x1] =	stream.indirect_vreg.gather [hbm:s2], $0x80, v0, vm1, $0x38;
	[tilespmem:$0x10200] =	vst v63  }
0x33: {  	s16 =	sadd.s32 $0x40, s16;
	v0 =	vld.msk [tilespmem:s17+$0x0 ss:$0x1], $0xffff  }
0x34: {  	_ =	sdelay $0x3  }
0x35: {  	vm2 =	vgt.s32 v0, $0x0  }
0x36: {  	v0 =	vnsel vm2, $0x0, v0  }
0x37: {  	v0 =	vmin.u32 v0, $0x3FFF  }
0x38: {  	v0 =	vshll.u32 v0, $0x4;
	_ =	sdelay $0x3  }
0x39: {  	s14 =	sadd.s32 $0x800, s15  }
0x3a: {  	[tilespmem:s14], [sflag:$0x1] =	stream.indirect_vreg.gather [hbm:s2], $0x80, v0, vm0, $0x38;
	[tilespmem:$0x10200] =	vst v63  }
0x3b: {  	s14 =	sadd.s32 $0x400, s14  }
0x3c: {  	[tilespmem:s14], [sflag:$0x1] =	stream.indirect_vreg.gather [hbm:s2], $0x80, v0, vm1, $0x38;
	[tilespmem:$0x10200] =	vst v63  }
0x3d: {  	s11 =	sshll.u32 s11, $0x4;
	_ =	swait.ge [sflag:s4], $0x8000  }
0x3e: {  	s11 =	sadd.s32 s11, s7;
	[sflag:s4] =	ssyncset.done $0x0  }
0x3f: {  	s15 =	sadd.s32 $0x0, s11;
	s14 =	simm.s32 $0x80;
	[sflag:s4] =	ssyncadd.s32 $0xFFFF8000  }
.LBB2_5:
0x40: {  	[hbm:s15] =	stream.linear.scatter [tilespmem:s12], [sflag:$0x3], $0x400, $0x38;
	[tilespmem:$0x10200] =	vst v63  }
0x41: {  	s15 =	smov.u32 s14;
	s12 =	smov.u32 s13;
	p1 =	sne.s32 s14, $0xF80  }
.Ltmp4:
0x42: {  	s14 =	sadd.s32 $0x80, s14;
	(pc) =	sbr.rel @p1 .LBB2_5-.Ltmp4, $2  }
0x43: {  	_ =	sdelay $0x2  }
0x44: {  	s13 =	sadd.s32 $0x400, s13;
	s15 =	sadd.s32 s15, s11  }
.Ltmp5:
0x45: {  	(pc) =	sbr.rel .LBB2_7-.Ltmp5, $2  }
0x46: {  	_ =	sdelay $0x2  }
0x47: {  	[hbm:s15] =	stream.linear.scatter [tilespmem:s12], [sflag:$0x3], $0x400, $0x38;
	[tilespmem:$0x10200] =	vst v63  }
.LBB2_8:
0x48: {  	_ =	sfence.sel $0x180000  }
0x49: {  	s2 =	simm.s32 $0x2;
	[bflag:$0x0] =	sbarrier.arrive $0xFFFF  }
0x4a: {  	s30 =	simm.s32 $0x3;
	[sflag:s2] =	ssyncpa.u1 $0x1  }
0x4b: {  	s31 =	simm.s32 $0x1;
	[sflag:s30] =	ssyncpa.u1 $0x1  }
0x4c: {  	[sflag:s31] =	ssyncpa.u1 $0x1  }
0x4d: {  	p0 =	sne.s32 s1, $0x0;
	_ =	strace $0x90000050  }
0x4e: {  	s0 =	sadd.s32 @!p0 $0x100000, s0;
	[bflag:$0x2] =	sbarrier.arrive $0xFFFF  }
0x4f: {  	[sflag:s0] =	ssyncadd.tile.s32 @!p0 $0x1;
	_ =	shalt  }
.Lfunc_end2:
_tile_overlayer_lowered:
.L_overlay_start_2:
0x50: {  	(tag) =	ssettag $0x2  }
0x51: {  	s0 =	rddreg [dreg:$0x0];
	s2 =	stileid.u32  }
0x52: {  	s1 =	rddreg [dreg:$0x1];
	p0 =	sne.s32 s2, $0x0  }
0x53: {  	s3 =	rddreg [dreg:$0x2];
	[bflag:$0x3] =	sbarrier.arrive $0xFFFF;
	s2 =	simm.s32 @!p0 $0x1C01  }
0x54: {  	[timem:s3], [sflag:s2] =	dma.local @!p0 [hbm:s0], s1  }
0x55: {  	s0 =	simm.s32 @!p0 $0x1  }
0x56: {  	_ =	swait.ge @!p0 [sflag:s0], s1  }
0x57: {  	s1 =	ssub.s32 @!p0 $0x0, s1;
	[sflag:s0] =	ssyncset.done @!p0 $0x0  }
0x58: {  	[sflag:s0] =	ssyncadd.s32 @!p0 s1  }
0x59: {  	[bflag:$0x3] =	sbarrier.arrive $0xFFFF  }
0x5a: {  	_ =	shalt  }

// kernel: gather_offload_async_start
scs
__scs_entry_jumppad:
0x0: {  	(pc) =	sbr.rel $0x88, $3  }
0x1: {  	(tag) =	ssettag $0x0;
	lr =	simm.s32 $0x1  }
0x2: {  	[smem:$0x3F8C] =	sst lr;
	_ =	strace $0xD0000000  }
0x3: {  	_ = 	snop  }
0x4: {  	_ = 	snop  }
0x5: {  	_ = 	snop  }
0x6: {  	_ = 	snop  }
0x7: {  	_ = 	snop  }
__scs_overlays_trampoline_lowered:
0x8: {  	[smem:$0x3F9B] =	sst s0  }
0x9: {  	[smem:$0x3F9C] =	sst s1  }
0xa: {  	[smem:$0x3F9D] =	sst s2  }
0xb: {  	[smem:$0x3F9E] =	sst s3  }
0xc: {  	[smem:$0x3F9F] =	sst s4  }
0xd: {  	[smem:$0x3FA0] =	sst s5  }
0xe: {  	[smem:$0x3FA1] =	sst s6  }
0xf: {  	[smem:$0x3FA2] =	sst s7  }
0x10: {  	[smem:$0x3FA3] =	sst s8  }
0x11: {  	[smem:$0x3FA4] =	sst s9;
	s0 =	simm.s32 @!p0 $0x0  }
0x12: {  	s1 =	sld [smem:$0x3F8A];
	s0 =	simm.s32 @p0 $0x1  }
0x13: {  	[smem:$0x3FA5] =	sst s0;
	s0 =	simm.s32 @!p1 $0x0  }
0x14: {  	s2 =	sld [smem:$0x3F89];
	s0 =	simm.s32 @p1 $0x1  }
0x15: {  	[smem:$0x3FA6] =	sst s0;
	s0 =	simm.s32 @!p2 $0x0  }
0x16: {  	s3 =	sld [smem:$0x3FDB];
	s0 =	simm.s32 @p2 $0x1  }
0x17: {  	s4 =	simm.s32 $0x1BF5;
	[smem:$0x3FA8] =	sst s0  }
0x18: {  	s0 =	sld [smem:$0x3F8B];
	_ =	swait.ge [sflag:s4], $0x0  }
0x19: {  	s7 =	sld [smem:$0x3F8C]  }
0x1a: {  	s8 =	sadd.s32 $0xFFFFE003, lr  }
0x1b: {  	s9 =	sadd.s32 $0xFFFFFEF7, lr;
	s5 =	simm.s32 $0xFFFFFFFF;
	p2 =	slt.u32 s8, $0xFFFFF086  }
0x1c: {  	p1 =	slt.u32 s9, $0xF7A;
	s5 =	simm.s32 @!p2 $0x0  }
0x1d: {  	s5 =	simm.s32 @p1 $0x1;
	p0 =	seq.s32 s7, s2  }
0x1e: {  	s7 =	smul.u32 @!p0 $0xF7A, s2;
	p2 =	seq.s32 @!p0 s5, $0x0  }
0x1f: {  	s9 =	smul.u32 $0xF7A, s1;
	s8 =	simm.s32 @!p0 $0x1BF5;
	p2 =	por !p2, p0  }
0x20: {  	[sflag:s8] =	ssyncset.s32 @!p0 $0xFFFFF086;
	s6 =	sadd.s32 @!p0 s3, s7;
	s7 =	simm.s32 @!p0 $0x108  }
0x21: {  	s3 =	sadd.s32 s3, s9;
	s6 =	sadd.s32 @!p0 $0x88, s6;
	s7 =	simm.s32 @p2 $0x1082  }
0x22: {  	[simem:s7], [sflag:s8] =	dma.local @!p0 [hbm:s6], $0xF7A  }
0x23: {  	s9 =	sor.u32 $0xD0000000, s2;
	s6 =	simm.s32 $0x108;
	_ =	swait.ge @!p0 [sflag:s8], $0x0  }
0x24: {  	s3 =	sadd.s32 $0x88, s3;
	s6 =	simm.s32 @!p1 $0x1082;
	[sflag:s4] =	ssyncset.s32 $0xFFFFF086  }
0x25: {  	[simem:s6], [sflag:s4] =	dma.local [hbm:s3], $0xF7A  }
0x26: {  	[smem:$0x3F8C] =	sst s1;
	(tag) =	ssettag s2;
	_ =	strace s9  }
0x27: {  	s1 =	sld [smem:$0x3F9C]  }
0x28: {  	s2 =	sld [smem:$0x3F9D]  }
0x29: {  	s4 =	sld [smem:$0x3F9F]  }
0x2a: {  	p0 =	seq.s32 s5, $0x0;
	s5 =	sld [smem:$0x3FA0]  }
0x2b: {  	s6 =	sld [smem:$0x3FA1]  }
0x2c: {  	s7 =	sld [smem:$0x3FA2]  }
0x2d: {  	s3 =	simm.s32 $0x108;
	s8 =	sld [smem:$0x3FA3]  }
0x2e: {  	s3 =	simm.s32 @!p0 $0x1082;
	s9 =	sld [smem:$0x3FA4]  }
0x2f: {  	lr =	sadd.s32 s0, s3;
	s0 =	sld [smem:$0x3F9B]  }
0x30: {  	s3 =	sld [smem:$0x3F9E]  }
0x31: {  	[smem:$0x3FA7] =	sst s10  }
0x32: {  	s10 =	sld [smem:$0x3FA5];
	_ =	sdelay $0x3  }
0x33: {  	p0 =	seq.s32 s10, $0x1;
	s10 =	sld [smem:$0x3FA7];
	_ =	sdelay $0x3  }
0x34: {  	[smem:$0x3FA7] =	sst s10  }
0x35: {  	s10 =	sld [smem:$0x3FA6];
	_ =	sdelay $0x3  }
0x36: {  	p1 =	seq.s32 s10, $0x1;
	s10 =	sld [smem:$0x3FA7];
	_ =	sdelay $0x3  }
0x37: {  	[smem:$0x3FA7] =	sst s10  }
0x38: {  	s10 =	sld [smem:$0x3FA8]  }
0x39: {  	_ = 	snop;
	(pc) =	sbr.ind lr, $3  }
0x3a: {  	_ = 	snop  }
0x3b: {  	_ = 	snop  }
0x3c: {  	p2 =	seq.s32 s10, $0x1;
	s10 =	sld [smem:$0x3FA7]  }
0x3d: {  	_ =	shalt  }
0x3e: {  	_ =	shalt  }
0x3f: {  	_ =	shalt  }
0x40: {  	_ =	shalt  }
0x41: {  	_ =	shalt  }
0x42: {  	_ =	shalt  }
0x43: {  	_ =	shalt  }
0x44: {  	_ =	shalt  }
0x45: {  	_ =	shalt  }
0x46: {  	_ =	shalt  }
0x47: {  	_ =	shalt  }
0x48: {  	_ =	shalt  }
0x49: {  	_ =	shalt  }
0x4a: {  	_ =	shalt  }
0x4b: {  	_ =	shalt  }
0x4c: {  	_ =	shalt  }
0x4d: {  	_ =	shalt  }
0x4e: {  	_ =	shalt  }
0x4f: {  	_ =	shalt  }
0x50: {  	_ =	shalt  }
0x51: {  	_ =	shalt  }
0x52: {  	_ =	shalt  }
0x53: {  	_ =	shalt  }
0x54: {  	_ =	shalt  }
0x55: {  	_ =	shalt  }
0x56: {  	_ =	shalt  }
0x57: {  	_ =	shalt  }
0x58: {  	_ =	shalt  }
0x59: {  	_ =	shalt  }
0x5a: {  	_ =	shalt  }
0x5b: {  	_ =	shalt  }
0x5c: {  	_ =	shalt  }
0x5d: {  	_ =	shalt  }
0x5e: {  	_ =	shalt  }
0x5f: {  	_ =	shalt  }
0x60: {  	_ =	shalt  }
0x61: {  	_ =	shalt  }
0x62: {  	_ =	shalt  }
0x63: {  	_ =	shalt  }
0x64: {  	_ =	shalt  }
0x65: {  	_ =	shalt  }
0x66: {  	_ =	shalt  }
0x67: {  	_ =	shalt  }
0x68: {  	_ =	shalt  }
0x69: {  	_ =	shalt  }
0x6a: {  	_ =	shalt  }
0x6b: {  	_ =	shalt  }
0x6c: {  	_ =	shalt  }
0x6d: {  	_ =	shalt  }
0x6e: {  	_ =	shalt  }
0x6f: {  	_ =	shalt  }
0x70: {  	_ =	shalt  }
0x71: {  	_ =	shalt  }
0x72: {  	_ =	shalt  }
0x73: {  	_ =	shalt  }
0x74: {  	_ =	shalt  }
0x75: {  	_ =	shalt  }
0x76: {  	_ =	shalt  }
0x77: {  	_ =	shalt  }
0x78: {  	_ =	shalt  }
0x79: {  	_ =	shalt  }
0x7a: {  	_ =	shalt  }
0x7b: {  	_ =	shalt  }
0x7c: {  	_ =	shalt  }
0x7d: {  	_ =	shalt  }
0x7e: {  	_ =	shalt  }
0x7f: {  	_ =	shalt  }
0x80: {  	_ =	shalt  }
0x81: {  	_ =	shalt  }
0x82: {  	_ =	shalt  }
0x83: {  	_ =	shalt  }
0x84: {  	_ =	shalt  }
0x85: {  	_ =	shalt  }
0x86: {  	_ =	shalt  }
0x87: {  	_ =	shalt  }
.Lfunc_end0:
.L_simem_size_0:
called_computation.1_lowered:
.L_overlay_start_0:
0x88: {  	s2 =	sld [smem:$0x3FD9]  }
0x89: {  	s3 =	sld [smem:$0x3FFE];
	_ =	sdelay $0x1  }
0x8a: {  	s1 =	srdreg.scid  }
0x8b: {  	s0 =	sand.u32 $0x1, s1  }
0x8c: {  	s16 =	sshll.u32 s0, $0xA;
	s2 =	sadd.s32 s3, s2  }
0x8d: {  	s2 =	sadd.s32 s2, s16  }
0x8e: {  	[smem:$0x3FB3] =	sst s2  }
0x8f: {  	_ = 	snop  }
0x90: {  	(tm) =	ssettm $0x1  }
0x91: {  	s17 =	sld [smem:$0x3FFB];
	_ =	sdelay $0x3  }
0x92: {  	_ =	strace s17  }
0x93: {  	s2 =	sld [smem:$0x3FFC];
	_ =	sdelay $0x3  }
0x94: {  	_ =	strace s2  }
0x95: {  	s2 =	sld [smem:$0x3FFD];
	_ =	sdelay $0x3  }
0x96: {  	_ =	strace s2  }
0x97: {  	_ =	strace $0x8FFFFFFF  }
0x98: {  	s18 =	sld [smem:$0x3FDB];
	_ =	sdelay $0x1  }
0x99: {  	s19 =	simm.s32 $_scs_section_size  }
0x9a: {  	s4 =	simm.s32 $_size__tile_overlayer_lowered;
	s5 =	simm.s32 $_tile_overlayer_lowered  }
0x9b: {  	s22 =	simm.s32 $0x1BFF;
	s21 =	sshll.u32 s5, $0x1;
	s2 =	sadd.s32 s19, s18  }
0x9c: {  	s6 =	simm.s32 $0x0;
	s20 =	sshll.u32 s4, $0x1;
	s4 =	sadd.s32 s21, s2  }
0x9d: {  	[timem:s6], [sflag:s22] =	dma.local [hbm:s4], s20  }
0x9e: {  	_ =	swait.ge [sflag:s22], s20  }
0x9f: {  	s3 =	ssub.s32 $0x0, s20;
	[sflag:s22] =	ssyncset.done $0x0  }
0xa0: {  	[sflag:s22] =	ssyncadd.s32 s3;
	_ =	sdelay $0x1  }
0xa1: {  	s23 =	simm.s32 $0x1B8B  }
0xa2: {  	_ =	swait.ge [sflag:s23], $0x1  }
0xa3: {  	[sflag:s23] =	ssyncset.done $0x0  }
0xa4: {  	s25 =	simm.s32 $0x1B8E;
	s24 =	sld [smem:$0x3FFE];
	[sflag:s23] =	ssyncadd.s32 $0xFFFFFFFF  }
0xa5: {  	s26 =	simm.s32 $execute0_lowered;
	[smem:$0x3FD2] =	sst s25  }
0xa6: {  	s4 =	sshll.u32 s26, $0x1;
	_ =	strace $0x8000004C;
	[dreg:$0x1] =	wrdreg $0xFFFFFFFF  }
0xa7: {  	s28 =	simm.s32 $_size_execute0_lowered;
	s2 =	sadd.s32 s2, s4;
	[dreg:$0x0] =	wrdreg $0x0  }
0xa8: {  	s4 =	sshll.u32 s28, $0x1;
	[dreg:$0x2] =	wrdreg s2  }
0xa9: {  	[dreg:$0x3] =	wrdreg s4  }
0xaa: {  	[dreg:$0x4] =	wrdreg $0xC0  }
0xab: {  	_ =	task [dreg:s6], $0x5FFFF  }
0xac: {  	[dreg:$0x1] =	wrdreg $0xFFFFFFFF  }
0xad: {  	[dreg:$0x0] =	wrdreg $0x60  }
0xae: {  	[dreg:$0x2] =	wrdreg s24  }
0xaf: {  	[dreg:$0x3] =	wrdreg $0x9  }
0xb0: {  	_ =	task.clear_ibuf [dreg:s6], $0x4FFFF;
	_ =	strace $0x9000004C  }
0xb1: {  	s29 =	simm.s32 $0x9;
	_ =	strace $0x8000004E  }
0xb2: {  	_ =	swait.ge [sflag:s29], $0x1  }
0xb3: {  	[sflag:s29] =	ssyncadd.s32 $0xFFFFFFFF  }
0xb4: {  	_ =	strace $0x9000004E  }
0xb5: {  	_ =	sfence  }
0xb6: {  	s30 =	sld [smem:$0x0];
	_ =	sdelay $0x2  }
0xb7: {  	s31 =	sshll.u32 s1, $0xD;
	s1 =	sshrl.u32 s1, $0x2  }
0xb8: {  	s3 =	sand.u32 $0x4000, s31;
	s1 =	sadd.s32 s1, s30  }
0xb9: {  	s0 =	sor.u32 s3, s0;
	s1 =	sshll.u32 s1, $0x11  }
0xba: {  	s0 =	sor.u32 s1, s0  }
0xbb: {  	s0 =	sadd.s32 $0x8F2B, s0  }
0xbc: {  	[sflag:s0] =	ssyncadd.remote.s32 $0x1  }
0xbd: {  	_ =	sfence.sel $0xFFFF  }
0xbe: {  	[dreg:$0x0] =	wrdreg $0xFFFFFFFF;
	(pc) =	sbr.abs _section_cstart, $3  }
0xbf: {  	[dreg:$0x1] =	wrdreg $0xFFFFFFFF  }
0xc0: {  	_ =	task.clear_ibuf [dreg:s6], $0x2FFFF;
	_ =	strace $0x9FFFFFFF  }
0xc1: {  	(tm) =	ssettm $0x7FFFFFFF  }
tec
execute0_lowered:
.L_overlay_start_1:
0x0: {  	(tag) =	ssettag $0x1  }
0x1: {  	s0 =	srdreg.scid;
	s5 =	rddreg [dreg:$0x0]  }
0x2: {  	s1 =	stileid.u32;
	s6 =	simm.s32 $0x1;
	s9 =	simm.s32 $0x1  }
0x3: {  	s10 =	simm.s32 $0x3;
	s13 =	simm.s32 $0x0;
	s2 =	sshll.u32 s0, $0x6  }
0x4: {  	s12 =	simm.s32 $0x0;
	s3 =	sshll.u32 s1, $0x7;
	s2 =	sand.u32 $0x40, s2  }
0x5: {  	s0 =	rddreg [dreg:$0x1];
	_ =	strace $0x8000004D;
	s2 =	sor.u32 s3, s2  }
0x6: {  	s4 =	sadd.s32 $0x2000, s5;
	[sflag:s6] =	ssyncpa.u1 $0x0;
	s8 =	ssub.s32 $0x1000, s2  }
.Ltmp0:
0x7: {  	s3 =	sadd.s32 $0x2400, s5;
	s7 =	sand.u32 $0x7C0, s8;
	(pc) =	sbr.rel .LBB2_1-.Ltmp0, $4  }
0x8: {  	s5 =	sadd.s32 $0x800, s5;
	s11 =	smov.u32 s2;
	p0 =	sne.s32 s7, $0x0  }
0x9: {  	s8 =	sshrl.u32 s8, $0xB;
	s7 =	simm.s32 $0x2;
	s9 =	simm.s32 @!p0 $0x0  }
0xa: {  	[sflag:s7] =	ssyncpa.u1 $0x0;
	p0 =	por $0x0, $0x0;
	s8 =	sadd.s32 s9, s8  }
0xb: {  	vm0 =	vmmov $0xffff;
	[sflag:s10] =	ssyncpa.u1 $0x0;
	s10 =	simm.s32 $0x0;
	s9 =	sadd.s32 $0x1, s8  }
.LBB2_4:
0xc: {  	v2 =	vnsel vm1, $0x0, v2  }
0xd: {  	vm1 =	vgt.s32 v0, $0x0;
	v2 =	vmin.u32 v2, $0xFFF  }
0xe: {  	v0 =	vnsel vm1, $0x0, v0  }
0xf: {  	v0 =	vmin.u32 v0, $0xFFF  }
0x10: {  	[tilespmem:s15], [sflag:$0x1] =	stream.indirect_vreg.gather [hbm4b:s3+s10], $0x1, v1, vm0, $0x4038;
	[tilespmem:$0x100] =	vst v63  }
0x11: {  	(ifvalue) =	ssetifvalue $0x7FFFFFFF  }
0x12: {  	[tilespmem:s16], [sflag:$0x1] =	stream.indirect_vreg.gather [hbm4b:s3+s10], $0x1, v2, vm0, $0x4038;
	[tilespmem:$0x100] =	vst v63  }
0x13: {  	s29 =	sadd.s32 $0x10, s16;
	(ifvalue) =	ssetifvalue $0x7FFFFFFF  }
0x14: {  	[tilespmem:s29], [sflag:$0x1] =	stream.indirect_vreg.gather [hbm4b:s3+s10], $0x1, v0, vm0, $0x4038;
	[tilespmem:$0x100] =	vst v63  }
0x15: {  	_ =	swait.ge [sflag:s6], $0x40  }
0x16: {  	s30 =	sshrl.u32 s13, $0x3;
	[sflag:s6] =	ssyncset.done $0x0  }
0x17: {  	s31 =	sand.u32 $0x7, s13;
	s15 =	sadd.s32 s5, s30;
	[sflag:s6] =	ssyncadd.s32 $0xFFFFFFC0  }
0x18: {  	[hbm4b:s15+s31] =	stream.linear.scatter [tilespmem:s14], [sflag:$0x3], $0x40, $0x38;
	[tilespmem:$0x100] =	vst v63  }
.LBB2_5:
0x19: {  	s15 =	sadd.s32 $0x800, s11  }
0x1a: {  	p2 =	sgt.s32 s15, $0xFFF  }
0x1b: {  	s15 =	smov.u32 @p2 s2;
	p2 =	sne.s32 s12, s9  }
.Ltmp1:
0x1c: {  	p1 =	slt.u32 s12, $0x2;
	(pc) =	sbr.rel @!p2 .LBB2_6-.Ltmp1, $4  }
0x1d: {  	s14 =	simm.s32 @!p1 $0x3  }
0x1e: {  	s16 =	sadd.s32 $0x1, s12;
	_ =	swait.ge @!p1 [sflag:s14], $0x40  }
0x1f: {  	s13 =	smov.u32 s11;
	p0 =	por !p0, !p0;
	[sflag:s14] =	ssyncset.done @!p1 $0x0  }
0x20: {  	s12 =	smov.u32 s16;
	s11 =	smov.u32 s15;
	[sflag:s14] =	ssyncadd.s32 @!p1 $0xFFFFFFC0  }
.LBB2_1:
0x21: {  	p1 =	sge.u32 s12, s8  }
0x22: {  	s14 =	sxor.u32 @!p1 $0xFFFFFFFF, s12  }
0x23: {  	s31 =	sadd.s32 $0xFFFFFFFF, s12;
	s15 =	sshrl.u32 @!p1 s11, $0x3;
	s14 =	sshll.u32 @!p1 s14, $0x6  }
0x24: {  	s16 =	sand.u32 @!p1 $0x7, s11;
	s15 =	sadd.s32 @!p1 s4, s15;
	s14 =	sand.u32 @!p1 $0x40, s14  }
0x25: {  	[tilespmem:s14], [sflag:$0x2] =	stream.linear.gather @!p1 [hbm4b:s15+s16], $0x40, $0x38;
	[tilespmem:$0x100] =	vst v63  }
0x26: {  	p1 =	sge.u32 s31, s8  }
.Ltmp2:
0x27: {  	_ = 	snop;
	(pc) =	sbr.rel @p1 .LBB2_5-.Ltmp2, $1  }
0x28: {  	_ =	sdelay $0x3  }
0x29: {  	s14 =	simm.s32 $0x1  }
0x2a: {  	_ =	swait.ge [sflag:s7], $0x40;
	s14 =	simm.s32 @!p0 $0x0  }
0x2b: {  	[sflag:s7] =	ssyncset.done $0x0;
	s14 =	sshll.u32 s14, $0x6  }
0x2c: {  	[sflag:s7] =	ssyncadd.s32 $0xFFFFFFC0;
	(ifvalue) =	ssetifvalue $0x7FFFFFFF;
	v0 =	vld.msk [tilespmem:s14+$0x0 ss:$0x1], $0xffff;
	_ =	sdelay $0x4  }
0x2d: {  	s15 =	sadd.s32 $0x10, s14;
	vm1 =	vgt.s32 v0, $0x0  }
0x2e: {  	v2 =	vld.msk [tilespmem:s15+$0x0 ss:$0x1], $0xffff;
	v1 =	vnsel vm1, $0x0, v0  }
0x2f: {  	v1 =	vmin.u32 v1, $0xFFF;
	_ =	sdelay $0x1  }
0x30: {  	s16 =	sshll.u32 s12, $0x6;
	s18 =	simm.s32 $0x20  }
0x31: {  	s16 =	sand.u32 $0x40, s16;
	s17 =	sadd.s32 $0x10, s15;
	s15 =	sor.u32 $0x80, s14  }
0x32: {  	s14 =	sor.u32 $0x80, s16;
	s16 =	sadd.s32 $0x10, s15;
	v0 =	vld.msk [tilespmem:s17+$0x0 ss:$0x1], $0xffff;
	vm1 =	vgt.s32 v2, $0x0;
	(ifvalue) =	ssetifvalue $0x7FFFFFFF  }
.LBB2_3:
0x33: {  	[tilespmem:s15], [sflag:$0x1] =	stream.indirect_vreg.gather [hbm4b:s3+s10], $0x1, v1, vm0, $0x4038;
	[tilespmem:$0x100] =	vst v63  }
0x34: {  	s18 =	sadd.s32 $0x10, s18  }
0x35: {  	v2 =	vnsel vm1, $0x0, v2;
	p1 =	slt.u32 s18, $0x30  }
.Ltmp3:
0x36: {  	s15 =	smov.u32 s16;
	v1 =	vmin.u32 v2, $0xFFF;
	(pc) =	sbr.rel @p1 .LBB2_3-.Ltmp3, $3  }
0x37: {  	_ =	sdelay $0x1  }
0x38: {  	s17 =	sadd.s32 $0x10, s17  }
0x39: {  	vm1 =	vgt.s32 v0, $0x0;
	s16 =	sadd.s32 $0x10, s16;
	v2 =	vmov v0;
	(ifvalue) =	ssetifvalue $0x7FFFFFFF;
	v0 =	vld.msk [tilespmem:s17+$0x0 ss:$0x1], $0xffff  }
.Ltmp4:
0x3a: {  	_ = 	snop;
	(pc) =	sbr.rel .LBB2_4-.Ltmp4, $1  }
0x3b: {  	_ =	sdelay $0x3  }
.LBB2_6:
0x3c: {  	_ =	sfence.sel $0x180000  }
0x3d: {  	s2 =	simm.s32 $0x2;
	[bflag:$0x0] =	sbarrier.arrive $0xFFFF  }
0x3e: {  	s30 =	simm.s32 $0x3;
	[sflag:s2] =	ssyncpa.u1 $0x1  }
0x3f: {  	s31 =	simm.s32 $0x1;
	[sflag:s30] =	ssyncpa.u1 $0x1  }
0x40: {  	[sflag:s31] =	ssyncpa.u1 $0x1  }
0x41: {  	p0 =	sne.s32 s1, $0x0;
	_ =	strace $0x9000004D  }
0x42: {  	s0 =	sadd.s32 @!p0 $0x100000, s0;
	[bflag:$0x2] =	sbarrier.arrive $0xFFFF  }
0x43: {  	[sflag:s0] =	ssyncadd.tile.s32 @!p0 $0x1;
	_ =	shalt  }
.Lfunc_end2:
_tile_overlayer_lowered:
.L_overlay_start_2:
0x44: {  	(tag) =	ssettag $0x2  }
0x45: {  	s0 =	rddreg [dreg:$0x0];
	s2 =	stileid.u32  }
0x46: {  	s1 =	rddreg [dreg:$0x1];
	p0 =	sne.s32 s2, $0x0  }
0x47: {  	s3 =	rddreg [dreg:$0x2];
	[bflag:$0x3] =	sbarrier.arrive $0xFFFF;
	s2 =	simm.s32 @!p0 $0x1C01  }
0x48: {  	[timem:s3], [sflag:s2] =	dma.local @!p0 [hbm:s0], s1  }
0x49: {  	s0 =	simm.s32 @!p0 $0x1  }
0x4a: {  	_ =	swait.ge @!p0 [sflag:s0], s1  }
0x4b: {  	s1 =	ssub.s32 @!p0 $0x0, s1;
	[sflag:s0] =	ssyncset.done @!p0 $0x0  }
0x4c: {  	[sflag:s0] =	ssyncadd.s32 @!p0 s1  }
0x4d: {  	[bflag:$0x3] =	sbarrier.arrive $0xFFFF  }
0x4e: {  	_ =	shalt  }

// kernel: scatter_offload_async_start
scs
__scs_entry_jumppad:
0x0: {  	(pc) =	sbr.rel $0x88, $3  }
0x1: {  	(tag) =	ssettag $0x0;
	lr =	simm.s32 $0x1  }
0x2: {  	[smem:$0x3F8C] =	sst lr;
	_ =	strace $0xD0000000  }
0x3: {  	_ = 	snop  }
0x4: {  	_ = 	snop  }
0x5: {  	_ = 	snop  }
0x6: {  	_ = 	snop  }
0x7: {  	_ = 	snop  }
__scs_overlays_trampoline_lowered:
0x8: {  	[smem:$0x3F9B] =	sst s0  }
0x9: {  	[smem:$0x3F9C] =	sst s1  }
0xa: {  	[smem:$0x3F9D] =	sst s2  }
0xb: {  	[smem:$0x3F9E] =	sst s3  }
0xc: {  	[smem:$0x3F9F] =	sst s4  }
0xd: {  	[smem:$0x3FA0] =	sst s5  }
0xe: {  	[smem:$0x3FA1] =	sst s6  }
0xf: {  	[smem:$0x3FA2] =	sst s7  }
0x10: {  	[smem:$0x3FA3] =	sst s8  }
0x11: {  	[smem:$0x3FA4] =	sst s9;
	s0 =	simm.s32 @!p0 $0x0  }
0x12: {  	s1 =	sld [smem:$0x3F8A];
	s0 =	simm.s32 @p0 $0x1  }
0x13: {  	[smem:$0x3FA5] =	sst s0;
	s0 =	simm.s32 @!p1 $0x0  }
0x14: {  	s2 =	sld [smem:$0x3F89];
	s0 =	simm.s32 @p1 $0x1  }
0x15: {  	[smem:$0x3FA6] =	sst s0;
	s0 =	simm.s32 @!p2 $0x0  }
0x16: {  	s3 =	sld [smem:$0x3FDB];
	s0 =	simm.s32 @p2 $0x1  }
0x17: {  	s4 =	simm.s32 $0x1BF5;
	[smem:$0x3FA8] =	sst s0  }
0x18: {  	s0 =	sld [smem:$0x3F8B];
	_ =	swait.ge [sflag:s4], $0x0  }
0x19: {  	s7 =	sld [smem:$0x3F8C]  }
0x1a: {  	s8 =	sadd.s32 $0xFFFFE003, lr  }
0x1b: {  	s9 =	sadd.s32 $0xFFFFFEF7, lr;
	s5 =	simm.s32 $0xFFFFFFFF;
	p2 =	slt.u32 s8, $0xFFFFF086  }
0x1c: {  	p1 =	slt.u32 s9, $0xF7A;
	s5 =	simm.s32 @!p2 $0x0  }
0x1d: {  	s5 =	simm.s32 @p1 $0x1;
	p0 =	seq.s32 s7, s2  }
0x1e: {  	s7 =	smul.u32 @!p0 $0xF7A, s2;
	p2 =	seq.s32 @!p0 s5, $0x0  }
0x1f: {  	s9 =	smul.u32 $0xF7A, s1;
	s8 =	simm.s32 @!p0 $0x1BF5;
	p2 =	por !p2, p0  }
0x20: {  	[sflag:s8] =	ssyncset.s32 @!p0 $0xFFFFF086;
	s6 =	sadd.s32 @!p0 s3, s7;
	s7 =	simm.s32 @!p0 $0x108  }
0x21: {  	s3 =	sadd.s32 s3, s9;
	s6 =	sadd.s32 @!p0 $0x88, s6;
	s7 =	simm.s32 @p2 $0x1082  }
0x22: {  	[simem:s7], [sflag:s8] =	dma.local @!p0 [hbm:s6], $0xF7A  }
0x23: {  	s9 =	sor.u32 $0xD0000000, s2;
	s6 =	simm.s32 $0x108;
	_ =	swait.ge @!p0 [sflag:s8], $0x0  }
0x24: {  	s3 =	sadd.s32 $0x88, s3;
	s6 =	simm.s32 @!p1 $0x1082;
	[sflag:s4] =	ssyncset.s32 $0xFFFFF086  }
0x25: {  	[simem:s6], [sflag:s4] =	dma.local [hbm:s3], $0xF7A  }
0x26: {  	[smem:$0x3F8C] =	sst s1;
	(tag) =	ssettag s2;
	_ =	strace s9  }
0x27: {  	s1 =	sld [smem:$0x3F9C]  }
0x28: {  	s2 =	sld [smem:$0x3F9D]  }
0x29: {  	s4 =	sld [smem:$0x3F9F]  }
0x2a: {  	p0 =	seq.s32 s5, $0x0;
	s5 =	sld [smem:$0x3FA0]  }
0x2b: {  	s6 =	sld [smem:$0x3FA1]  }
0x2c: {  	s7 =	sld [smem:$0x3FA2]  }
0x2d: {  	s3 =	simm.s32 $0x108;
	s8 =	sld [smem:$0x3FA3]  }
0x2e: {  	s3 =	simm.s32 @!p0 $0x1082;
	s9 =	sld [smem:$0x3FA4]  }
0x2f: {  	lr =	sadd.s32 s0, s3;
	s0 =	sld [smem:$0x3F9B]  }
0x30: {  	s3 =	sld [smem:$0x3F9E]  }
0x31: {  	[smem:$0x3FA7] =	sst s10  }
0x32: {  	s10 =	sld [smem:$0x3FA5];
	_ =	sdelay $0x3  }
0x33: {  	p0 =	seq.s32 s10, $0x1;
	s10 =	sld [smem:$0x3FA7];
	_ =	sdelay $0x3  }
0x34: {  	[smem:$0x3FA7] =	sst s10  }
0x35: {  	s10 =	sld [smem:$0x3FA6];
	_ =	sdelay $0x3  }
0x36: {  	p1 =	seq.s32 s10, $0x1;
	s10 =	sld [smem:$0x3FA7];
	_ =	sdelay $0x3  }
0x37: {  	[smem:$0x3FA7] =	sst s10  }
0x38: {  	s10 =	sld [smem:$0x3FA8]  }
0x39: {  	_ = 	snop;
	(pc) =	sbr.ind lr, $3  }
0x3a: {  	_ = 	snop  }
0x3b: {  	_ = 	snop  }
0x3c: {  	p2 =	seq.s32 s10, $0x1;
	s10 =	sld [smem:$0x3FA7]  }
0x3d: {  	_ =	shalt  }
0x3e: {  	_ =	shalt  }
0x3f: {  	_ =	shalt  }
0x40: {  	_ =	shalt  }
0x41: {  	_ =	shalt  }
0x42: {  	_ =	shalt  }
0x43: {  	_ =	shalt  }
0x44: {  	_ =	shalt  }
0x45: {  	_ =	shalt  }
0x46: {  	_ =	shalt  }
0x47: {  	_ =	shalt  }
0x48: {  	_ =	shalt  }
0x49: {  	_ =	shalt  }
0x4a: {  	_ =	shalt  }
0x4b: {  	_ =	shalt  }
0x4c: {  	_ =	shalt  }
0x4d: {  	_ =	shalt  }
0x4e: {  	_ =	shalt  }
0x4f: {  	_ =	shalt  }
0x50: {  	_ =	shalt  }
0x51: {  	_ =	shalt  }
0x52: {  	_ =	shalt  }
0x53: {  	_ =	shalt  }
0x54: {  	_ =	shalt  }
0x55: {  	_ =	shalt  }
0x56: {  	_ =	shalt  }
0x57: {  	_ =	shalt  }
0x58: {  	_ =	shalt  }
0x59: {  	_ =	shalt  }
0x5a: {  	_ =	shalt  }
0x5b: {  	_ =	shalt  }
0x5c: {  	_ =	shalt  }
0x5d: {  	_ =	shalt  }
0x5e: {  	_ =	shalt  }
0x5f: {  	_ =	shalt  }
0x60: {  	_ =	shalt  }
0x61: {  	_ =	shalt  }
0x62: {  	_ =	shalt  }
0x63: {  	_ =	shalt  }
0x64: {  	_ =	shalt  }
0x65: {  	_ =	shalt  }
0x66: {  	_ =	shalt  }
0x67: {  	_ =	shalt  }
0x68: {  	_ =	shalt  }
0x69: {  	_ =	shalt  }
0x6a: {  	_ =	shalt  }
0x6b: {  	_ =	shalt  }
0x6c: {  	_ =	shalt  }
0x6d: {  	_ =	shalt  }
0x6e: {  	_ =	shalt  }
0x6f: {  	_ =	shalt  }
0x70: {  	_ =	shalt  }
0x71: {  	_ =	shalt  }
0x72: {  	_ =	shalt  }
0x73: {  	_ =	shalt  }
0x74: {  	_ =	shalt  }
0x75: {  	_ =	shalt  }
0x76: {  	_ =	shalt  }
0x77: {  	_ =	shalt  }
0x78: {  	_ =	shalt  }
0x79: {  	_ =	shalt  }
0x7a: {  	_ =	shalt  }
0x7b: {  	_ =	shalt  }
0x7c: {  	_ =	shalt  }
0x7d: {  	_ =	shalt  }
0x7e: {  	_ =	shalt  }
0x7f: {  	_ =	shalt  }
0x80: {  	_ =	shalt  }
0x81: {  	_ =	shalt  }
0x82: {  	_ =	shalt  }
0x83: {  	_ =	shalt  }
0x84: {  	_ =	shalt  }
0x85: {  	_ =	shalt  }
0x86: {  	_ =	shalt  }
0x87: {  	_ =	shalt  }
.Lfunc_end0:
.L_simem_size_0:
called_computation_lowered:
.L_overlay_start_0:
0x88: {  	s0 =	sld [smem:$0x3FD9]  }
0x89: {  	s1 =	sld [smem:$0x3FFE];
	_ =	sdelay $0x3  }
0x8a: {  	s0 =	sadd.s32 s1, s0  }
0x8b: {  	[smem:$0x3FB3] =	sst s0  }
0x8c: {  	_ = 	snop  }
0x8d: {  	(tm) =	ssettm $0x1  }
0x8e: {  	s14 =	sld [smem:$0x3FFB];
	_ =	sdelay $0x3  }
0x8f: {  	_ =	strace s14  }
0x90: {  	s0 =	sld [smem:$0x3FFC];
	_ =	sdelay $0x3  }
0x91: {  	_ =	strace s0  }
0x92: {  	s0 =	sld [smem:$0x3FFD];
	_ =	sdelay $0x3  }
0x93: {  	_ =	strace s0  }
0x94: {  	_ =	strace $0x8FFFFFFF  }
0x95: {  	s15 =	sld [smem:$0x3FDB];
	_ =	sdelay $0x1  }
0x96: {  	s16 =	simm.s32 $_scs_section_size  }
0x97: {  	s2 =	simm.s32 $_size__tile_overlayer_lowered;
	s3 =	simm.s32 $_tile_overlayer_lowered  }
0x98: {  	s4 =	simm.s32 $0x1BFF;
	s17 =	sshll.u32 s3, $0x1;
	s1 =	sadd.s32 s16, s15  }
0x99: {  	s18 =	simm.s32 $0x0;
	s2 =	sshll.u32 s2, $0x1;
	s3 =	sadd.s32 s17, s1  }
0x9a: {  	[timem:s18], [sflag:s4] =	dma.local [hbm:s3], s2  }
0x9b: {  	_ =	swait.ge [sflag:s4], s2  }
0x9c: {  	s2 =	ssub.s32 $0x0, s2;
	[sflag:s4] =	ssyncset.done $0x0  }
0x9d: {  	[sflag:s4] =	ssyncadd.s32 s2;
	_ =	sdelay $0x1  }
0x9e: {  	s19 =	simm.s32 $0x1B8B  }
0x9f: {  	_ =	swait.ge [sflag:s19], $0x1  }
0xa0: {  	[sflag:s19] =	ssyncset.done $0x0  }
0xa1: {  	s21 =	simm.s32 $0x1B8E;
	s20 =	sld [smem:$0x3FFE];
	[sflag:s19] =	ssyncadd.s32 $0xFFFFFFFF  }
0xa2: {  	s22 =	simm.s32 $execute0_lowered;
	[smem:$0x3FD2] =	sst s21  }
0xa3: {  	s3 =	sshll.u32 s22, $0x1;
	_ =	strace $0x80000046;
	[dreg:$0x1] =	wrdreg $0xFFFFFFFF  }
0xa4: {  	s23 =	simm.s32 $_size_execute0_lowered;
	s3 =	sadd.s32 s1, s3;
	[dreg:$0x0] =	wrdreg $0x0  }
0xa5: {  	s4 =	sshll.u32 s23, $0x1;
	[dreg:$0x2] =	wrdreg s3  }
0xa6: {  	[dreg:$0x3] =	wrdreg s4  }
0xa7: {  	[dreg:$0x4] =	wrdreg $0xC0  }
0xa8: {  	s24 =	simm.s32 $execute1_lowered;
	_ =	task [dreg:s18], $0x5FFFF  }
0xa9: {  	s3 =	sshll.u32 s24, $0x1;
	[dreg:$0x1] =	wrdreg $0xFFFFFFFF  }
0xaa: {  	s1 =	sadd.s32 s1, s3;
	[dreg:$0x0] =	wrdreg $0x60  }
0xab: {  	[dreg:$0x2] =	wrdreg s1  }
0xac: {  	[dreg:$0x3] =	wrdreg s20  }
0xad: {  	[dreg:$0x4] =	wrdreg $0x9  }
0xae: {  	_ =	task.clear_ibuf [dreg:s18], $0x5FFFF;
	_ =	strace $0x90000046  }
0xaf: {  	s25 =	simm.s32 $0x9;
	_ =	strace $0x80000048  }
0xb0: {  	_ =	swait.ge [sflag:s25], $0x1  }
0xb1: {  	[sflag:s25] =	ssyncadd.s32 $0xFFFFFFFF  }
0xb2: {  	_ =	strace $0x90000048  }
0xb3: {  	_ =	strace $0x80000049;
	[dreg:$0x1] =	wrdreg $0xFFFFFFFF  }
0xb4: {  	[dreg:$0x0] =	wrdreg $0x2030  }
0xb5: {  	[dreg:$0x2] =	wrdreg s20  }
0xb6: {  	[dreg:$0x3] =	wrdreg $0xA  }
0xb7: {  	_ =	task.clear_ibuf [dreg:s18], $0x4FFFF;
	_ =	strace $0x90000049  }
0xb8: {  	s26 =	simm.s32 $0xA;
	_ =	strace $0x8000004B  }
0xb9: {  	_ =	swait.ge [sflag:s26], $0x1  }
0xba: {  	[sflag:s26] =	ssyncadd.s32 $0xFFFFFFFF  }
0xbb: {  	_ =	strace $0x9000004B  }
0xbc: {  	_ =	sfence  }
0xbd: {  	s28 =	sld [smem:$0x0];
	_ =	sdelay $0x1  }
0xbe: {  	s29 =	srdreg.scid  }
0xbf: {  	s30 =	sshll.u32 s29, $0xD;
	s31 =	sshrl.u32 s29, $0x2  }
0xc0: {  	s2 =	sand.u32 $0x1, s29;
	s3 =	sand.u32 $0x4000, s30;
	s1 =	sadd.s32 s31, s28  }
0xc1: {  	s2 =	sor.u32 s3, s2;
	s1 =	sshll.u32 s1, $0x11  }
0xc2: {  	s1 =	sor.u32 s1, s2  }
0xc3: {  	s1 =	sadd.s32 $0x8F2B, s1  }
0xc4: {  	[sflag:s1] =	ssyncadd.remote.s32 $0x1  }
0xc5: {  	_ =	sfence.sel $0xFFFF  }
0xc6: {  	[dreg:$0x0] =	wrdreg $0xFFFFFFFF;
	(pc) =	sbr.abs _section_cstart, $3  }
0xc7: {  	[dreg:$0x1] =	wrdreg $0xFFFFFFFF  }
0xc8: {  	_ =	task.clear_ibuf [dreg:s18], $0x2FFFF;
	_ =	strace $0x9FFFFFFF  }
0xc9: {  	(tm) =	ssettm $0x7FFFFFFF  }
tec
execute0_lowered:
.L_overlay_start_1:
0x0: {  	(tag) =	ssettag $0x1  }
0x1: {  	s2 =	rddreg [dreg:$0x0]  }
0x2: {  	s3 =	rddreg [dreg:$0x1]  }
0x3: {  	s0 =	rddreg [dreg:$0x2];
	s5 =	stileid.u32  }
0x4: {  	[bflag:$0x3] =	sbarrier.arrive $0xFFFF;
	s1 =	simm.s32 $_size_execute1_lowered;
	p0 =	sne.s32 s5, $0x0  }
0x5: {  	s1 =	sshll.u32 s1, $0x1;
	s4 =	simm.s32 @!p0 $0x1C3F;
	s6 =	simm.s32 @!p0 $0x4060  }
0x6: {  	[timem:s6], [sflag:s4] =	dma.local @!p0 [hbm:s2], s1  }
0x7: {  	s4 =	sshll.u32 s5, $0x8  }
0x8: {  	s30 =	ssub.s32 $0x1000, s4  }
0x9: {  	s31 =	sand.u32 $0xF00, s30  }
0xa: {  	s8 =	simm.s32 $0x1;
	p1 =	sne.s32 s31, $0x0  }
0xb: {  	s6 =	sshrl.u32 s30, $0xC;
	s8 =	simm.s32 @!p1 $0x0  }
0xc: {  	s8 =	sadd.s32 s8, s6  }
0xd: {  	s15 =	simm.s32 $0x1;
	s11 =	sadd.s32 $0x1, s8  }
0xe: {  	s10 =	simm.s32 $0xFFFFFFFF;
	s29 =	sshll.u32 s5, $0x5;
	p2 =	sne.s32 s11, $0x0  }
.Ltmp0:
0xf: {  	p3 =	por $0x0, $0x0;
	s7 =	sadd.s32 s29, s3;
	(pc) =	sbr.rel @!p2 .LBB2_1-.Ltmp0, $4  }
0x10: {  	s5 =	sadd.s32 $0x2400, s3;
	s2 =	simm.s32 $0x1;
	s3 =	simm.s32 $0x2  }
0x11: {  	_ =	strace $0x80000047;
	s6 =	simm.s32 $0x0;
	p1 =	sle.u32 s8, $0x0  }
0x12: {  	s7 =	sadd.s32 $0x1A00, s7;
	[sflag:s2] =	ssyncpa.u1 $0x0;
	s9 =	sxor.u32 @!p1 $0xFFFFFFFF, s6  }
0x13: {  	[sflag:s3] =	ssyncpa.u1 $0x0;
	s17 =	sand.u32 @!p1 $0x100, s9;
	p1 =	por p1, p1  }
0x14: {  	p2 =	sle.u32 s8, $0xFFFFFFFF  }
0x15: {  	s9 =	simm.s32 @!p1 $0x0;
	s10 =	simm.s32 @!p2 $0x1  }
0x16: {  	[tilespmem:s17], [sflag:$0x1] =	stream.linear.gather @!p1 [hbm4b:s7+s9], $0x100, $0x38;
	[tilespmem:$0x400] =	vst v63  }
0x17: {  	_ =	swait.ge @!p2 [sflag:s10], $0x100  }
0x18: {  	[sflag:s10] =	ssyncset.done @!p2 $0x0  }
0x19: {  	s12 =	sand.u32 @!p2 $0x100, s6;
	[sflag:s10] =	ssyncadd.s32 @!p2 $0xFFFFFF00  }
0x1a: {  	v2 =	vld @!p2 [tilespmem:s12+$0xF0]  }
0x1b: {  	v3 =	vld @!p2 [tilespmem:s12+$0xE0]  }
0x1c: {  	v4 =	vld @!p2 [tilespmem:s12+$0xC0]  }
0x1d: {  	p4 =	sne.s32 s11, $0x1;
	v5 =	vld @!p2 [tilespmem:s12+$0xD0]  }
.Ltmp1:
0x1e: {  	v0 =	vld @!p2 [tilespmem:s12+$0xB0];
	(pc) =	sbr.rel @!p4 .LBB2_3-.Ltmp1, $4  }
0x1f: {  	s14 =	simm.s32 $0x2;
	s9 =	simm.s32 $0x100;
	p1 =	sle.u32 s8, $0x1;
	v1 =	vld @!p2 [tilespmem:s12+$0x90];
	[tilespmem:s12+$0x2F0] =	vst @!p2 v2  }
0x20: {  	p3 =	por $0x1, $0x1;
	s16 =	sshrl.u32 @!p2 s4, $0x3;
	s13 =	sxor.u32 @!p1 $0xFFFFFFFF, s9;
	v2 =	vld @!p2 [tilespmem:s12+$0x70];
	[tilespmem:s12+$0x2E0] =	vst @!p2 v3  }
0x21: {  	s18 =	simm.s32 $0x100;
	s17 =	sand.u32 @!p1 $0x100, s13;
	s13 =	sadd.s32 @!p2 s5, s16;
	v3 =	vld @!p2 [tilespmem:s12+$0x60];
	[tilespmem:s12+$0x2C0] =	vst @!p2 v4  }
0x22: {  	s16 =	sor.u32 @!p2 $0x200, s12;
	p1 =	por p1, p1;
	s10 =	simm.s32 $0x0;
	v4 =	vld @!p2 [tilespmem:s12+$0xA0];
	[tilespmem:s12+$0x2D0] =	vst @!p2 v5  }
.LBB2_4:
0x23: {  	p4 =	sne.s32 s14, s11  }
0x24: {  	s18 =	sadd.s32 $0x100, s18;
	v5 =	vld @!p2 [tilespmem:s12+$0x40];
	[tilespmem:s12+$0x2B0] =	vst @!p2 v0;
	s19 =	smov.u32 s14;
	s14 =	sadd.s32 $0x1, s14  }
0x25: {  	v0 =	vld @!p2 [tilespmem:s12+$0x0];
	[tilespmem:s12+$0x290] =	vst @!p2 v1  }
0x26: {  	v1 =	vld @!p2 [tilespmem:s12+$0x30];
	[tilespmem:s12+$0x270] =	vst @!p2 v2  }
0x27: {  	v2 =	vld @!p2 [tilespmem:s12+$0x50];
	[tilespmem:s12+$0x260] =	vst @!p2 v3  }
0x28: {  	v3 =	vld @!p2 [tilespmem:s12+$0x80];
	[tilespmem:s12+$0x2A0] =	vst @!p2 v4  }
0x29: {  	v4 =	vld @!p2 [tilespmem:s12+$0x20];
	[tilespmem:s12+$0x240] =	vst @!p2 v5  }
0x2a: {  	[tilespmem:s12+$0x200] =	vst @!p2 v0;
	v0 =	vld @!p2 [tilespmem:s12+$0x10]  }
0x2b: {  	[tilespmem:s12+$0x230] =	vst @!p2 v1  }
0x2c: {  	[tilespmem:s12+$0x250] =	vst @!p2 v2  }
0x2d: {  	[tilespmem:s12+$0x280] =	vst @!p2 v3  }
0x2e: {  	s20 =	simm.s32 @!p2 $0x0;
	p6 =	slt.u32 s6, $0x2;
	s6 =	smov.u32 s15;
	[tilespmem:s12+$0x220] =	vst @!p2 v4  }
0x2f: {  	s15 =	simm.s32 @!p1 $0x0;
	p5 =	sge.u32 s19, s8;
	[tilespmem:s12+$0x210] =	vst @!p2 v0;
	s12 =	simm.s32 @!p6 $0x2  }
0x30: {  	[hbm4b:s13+s20] =	stream.linear.scatter @!p2 [tilespmem:s16], [sflag:$0x2], $0x100, $0x38;
	[tilespmem:$0x400] =	vst v63  }
0x31: {  	s13 =	sxor.u32 @!p5 $0xFFFFFFFF, s18;
	s16 =	sadd.s32 $0xFFFFFFFF, s19;
	_ =	swait.ge @!p6 [sflag:s12], $0x100  }
0x32: {  	p2 =	sge.u32 s10, s8;
	s20 =	sand.u32 @!p5 $0x100, s13;
	[sflag:s12] =	ssyncset.done @!p6 $0x0  }
0x33: {  	s21 =	simm.s32 @!p2 $0x1;
	s10 =	sshrl.u32 @!p2 s4, $0x3;
	[sflag:s12] =	ssyncadd.s32 @!p6 $0xFFFFFF00  }
0x34: {  	[tilespmem:s17], [sflag:$0x1] =	stream.linear.gather @!p1 [hbm4b:s7+s15], $0x100, $0x38;
	[tilespmem:$0x400] =	vst v63  }
0x35: {  	s13 =	sadd.s32 @!p2 s5, s10;
	s15 =	smov.u32 s19;
	_ =	swait.ge @!p2 [sflag:s21], $0x100  }
0x36: {  	s10 =	smov.u32 s16;
	s17 =	smov.u32 s20;
	[sflag:s21] =	ssyncset.done @!p2 $0x0  }
0x37: {  	s12 =	sand.u32 @!p2 $0x100, s9;
	s9 =	smov.u32 s18;
	[sflag:s21] =	ssyncadd.s32 @!p2 $0xFFFFFF00  }
0x38: {  	s16 =	sor.u32 @!p2 $0x200, s12;
	p1 =	por p5, p5;
	v2 =	vld @!p2 [tilespmem:s12+$0xF0]  }
0x39: {  	v3 =	vld @!p2 [tilespmem:s12+$0xE0]  }
0x3a: {  	v4 =	vld @!p2 [tilespmem:s12+$0xC0]  }
0x3b: {  	v5 =	vld @!p2 [tilespmem:s12+$0xD0]  }
.Ltmp2:
0x3c: {  	v0 =	vld @!p2 [tilespmem:s12+$0xB0];
	(pc) =	sbr.rel @p4 .LBB2_4-.Ltmp2, $4  }
0x3d: {  	v1 =	vld @!p2 [tilespmem:s12+$0x90];
	[tilespmem:s12+$0x2F0] =	vst @!p2 v2  }
0x3e: {  	v2 =	vld @!p2 [tilespmem:s12+$0x70];
	[tilespmem:s12+$0x2E0] =	vst @!p2 v3  }
0x3f: {  	v3 =	vld @!p2 [tilespmem:s12+$0x60];
	[tilespmem:s12+$0x2C0] =	vst @!p2 v4  }
0x40: {  	v4 =	vld @!p2 [tilespmem:s12+$0xA0];
	[tilespmem:s12+$0x2D0] =	vst @!p2 v5  }
0x41: {  	s11 =	smov.u32 s6;
	s6 =	smov.u32 s15  }
.LBB2_6:
0x42: {  	p2 =	por p2, !p3  }
0x43: {  	v5 =	vld @!p2 [tilespmem:s12+$0x40];
	[tilespmem:s12+$0x2B0] =	vst @!p2 v0  }
0x44: {  	v0 =	vld @!p2 [tilespmem:s12+$0x0];
	[tilespmem:s12+$0x290] =	vst @!p2 v1  }
0x45: {  	v1 =	vld @!p2 [tilespmem:s12+$0x30];
	[tilespmem:s12+$0x270] =	vst @!p2 v2  }
0x46: {  	v2 =	vld @!p2 [tilespmem:s12+$0x50];
	[tilespmem:s12+$0x260] =	vst @!p2 v3  }
0x47: {  	v3 =	vld @!p2 [tilespmem:s12+$0x80];
	[tilespmem:s12+$0x2A0] =	vst @!p2 v4  }
0x48: {  	v4 =	vld @!p2 [tilespmem:s12+$0x20];
	[tilespmem:s12+$0x240] =	vst @!p2 v5  }
0x49: {  	[tilespmem:s12+$0x200] =	vst @!p2 v0;
	v0 =	vld @!p2 [tilespmem:s12+$0x10]  }
0x4a: {  	[tilespmem:s12+$0x230] =	vst @!p2 v1  }
0x4b: {  	[tilespmem:s12+$0x250] =	vst @!p2 v2  }
0x4c: {  	p4 =	slt.u32 @p3 s11, $0x2;
	[tilespmem:s12+$0x280] =	vst @!p2 v3  }
0x4d: {  	p3 =	por p4, !p3;
	[tilespmem:s12+$0x220] =	vst @!p2 v4  }
0x4e: {  	s11 =	simm.s32 @!p2 $0x0;
	[tilespmem:s12+$0x210] =	vst @!p2 v0;
	s12 =	simm.s32 @!p3 $0x2  }
0x4f: {  	[hbm4b:s13+s11] =	stream.linear.scatter @!p2 [tilespmem:s16], [sflag:$0x2], $0x100, $0x38;
	[tilespmem:$0x400] =	vst v63  }
0x50: {  	_ =	swait.ge @!p3 [sflag:s12], $0x100  }
0x51: {  	p2 =	sge.u32 s10, s8;
	[sflag:s12] =	ssyncset.done @!p3 $0x0  }
0x52: {  	s8 =	simm.s32 @!p1 $0x0;
	s10 =	simm.s32 @!p2 $0x1;
	[sflag:s12] =	ssyncadd.s32 @!p3 $0xFFFFFF00  }
0x53: {  	[tilespmem:s17], [sflag:$0x1] =	stream.linear.gather @!p1 [hbm4b:s7+s8], $0x100, $0x38;
	[tilespmem:$0x400] =	vst v63  }
0x54: {  	_ =	swait.ge @!p2 [sflag:s10], $0x100  }
0x55: {  	[sflag:s10] =	ssyncset.done @!p2 $0x0  }
0x56: {  	s7 =	sand.u32 @!p2 $0x100, s9;
	[sflag:s10] =	ssyncadd.s32 @!p2 $0xFFFFFF00  }
0x57: {  	v0 =	vld @!p2 [tilespmem:s7+$0xF0]  }
0x58: {  	v1 =	vld @!p2 [tilespmem:s7+$0xE0]  }
0x59: {  	v2 =	vld @!p2 [tilespmem:s7+$0xC0]  }
0x5a: {  	v3 =	vld @!p2 [tilespmem:s7+$0xD0]  }
0x5b: {  	v4 =	vld @!p2 [tilespmem:s7+$0xB0]  }
0x5c: {  	v5 =	vld @!p2 [tilespmem:s7+$0x90];
	[tilespmem:s7+$0x2F0] =	vst @!p2 v0  }
0x5d: {  	v0 =	vld @!p2 [tilespmem:s7+$0x70];
	[tilespmem:s7+$0x2E0] =	vst @!p2 v1  }
0x5e: {  	v1 =	vld @!p2 [tilespmem:s7+$0x60];
	[tilespmem:s7+$0x2C0] =	vst @!p2 v2  }
0x5f: {  	v2 =	vld @!p2 [tilespmem:s7+$0xA0];
	[tilespmem:s7+$0x2D0] =	vst @!p2 v3  }
0x60: {  	v3 =	vld @!p2 [tilespmem:s7+$0x40];
	[tilespmem:s7+$0x2B0] =	vst @!p2 v4  }
0x61: {  	v4 =	vld @!p2 [tilespmem:s7+$0x0];
	[tilespmem:s7+$0x290] =	vst @!p2 v5  }
0x62: {  	v5 =	vld @!p2 [tilespmem:s7+$0x30];
	[tilespmem:s7+$0x270] =	vst @!p2 v0  }
0x63: {  	v0 =	vld @!p2 [tilespmem:s7+$0x50];
	[tilespmem:s7+$0x260] =	vst @!p2 v1  }
0x64: {  	v1 =	vld @!p2 [tilespmem:s7+$0x80];
	[tilespmem:s7+$0x2A0] =	vst @!p2 v2  }
0x65: {  	v2 =	vld @!p2 [tilespmem:s7+$0x20];
	[tilespmem:s7+$0x240] =	vst @!p2 v3  }
0x66: {  	[tilespmem:s7+$0x200] =	vst @!p2 v4;
	v3 =	vld @!p2 [tilespmem:s7+$0x10]  }
0x67: {  	[tilespmem:s7+$0x230] =	vst @!p2 v5  }
0x68: {  	[tilespmem:s7+$0x250] =	vst @!p2 v0  }
0x69: {  	s4 =	sshrl.u32 @!p2 s4, $0x3;
	[tilespmem:s7+$0x280] =	vst @!p2 v1  }
0x6a: {  	s4 =	sadd.s32 @!p2 s5, s4;
	p1 =	slt.u32 s6, $0x2;
	[tilespmem:s7+$0x220] =	vst @!p2 v2  }
0x6b: {  	s6 =	simm.s32 @!p2 $0x0;
	s5 =	sor.u32 @!p2 $0x200, s7;
	[tilespmem:s7+$0x210] =	vst @!p2 v3;
	s7 =	simm.s32 @!p1 $0x2  }
0x6c: {  	[hbm4b:s4+s6] =	stream.linear.scatter @!p2 [tilespmem:s5], [sflag:$0x2], $0x100, $0x38;
	[tilespmem:$0x400] =	vst v63  }
0x6d: {  	_ =	swait.ge @!p1 [sflag:s7], $0x100  }
0x6e: {  	[sflag:s7] =	ssyncset.done @!p1 $0x0  }
0x6f: {  	[sflag:s7] =	ssyncadd.s32 @!p1 $0xFFFFFF00  }
0x70: {  	_ =	sfence.sel $0x180000  }
0x71: {  	[bflag:$0x0] =	sbarrier.arrive $0xFFFF  }
0x72: {  	[sflag:s2] =	ssyncpa.u1 $0x1  }
0x73: {  	[sflag:s3] =	ssyncpa.u1 $0x1  }
0x74: {  	_ =	strace $0x90000047  }
0x75: {  	s0 =	sadd.s32 @!p0 $0x100000, s0;
	[bflag:$0x2] =	sbarrier.arrive $0xFFFF  }
0x76: {  	[sflag:s0] =	ssyncadd.tile.s32 @!p0 $0x1;
	s0 =	simm.s32 @!p0 $0x3F  }
0x77: {  	_ =	swait.ge @!p0 [sflag:s0], s1  }
0x78: {  	s1 =	ssub.s32 @!p0 $0x0, s1;
	[sflag:s0] =	ssyncset.done @!p0 $0x0  }
0x79: {  	[sflag:s0] =	ssyncadd.s32 @!p0 s1  }
0x7a: {  	[bflag:$0x3] =	sbarrier.arrive $0xFFFF  }
0x7b: {  	_ =	shalt  }
.LBB2_1:
.Ltmp3:
0x7c: {  	(pc) =	sbr.rel .LBB2_6-.Ltmp3, $2  }
0x7d: {  	_ =	sdelay $0x2  }
0x7e: {  	s9 =	simm.s32 $0x0  }
.LBB2_3:
.Ltmp4:
0x7f: {  	(pc) =	sbr.rel .LBB2_6-.Ltmp4, $2  }
0x80: {  	_ =	sdelay $0x2  }
0x81: {  	s11 =	simm.s32 $0x0;
	s6 =	simm.s32 $0x1  }
.Lfunc_end2:
execute1_lowered:
.L_overlay_start_2:
0x82: {  	(tag) =	ssettag $0x2  }
0x83: {  	s2 =	rddreg [dreg:$0x0]  }
0x84: {  	s0 =	rddreg [dreg:$0x1];
	_ =	strace $0x8000004A;
	s3 =	stileid.u32  }
0x85: {  	s4 =	simm.s32 $0x3E;
	s1 =	sadd.s32 $0x2400, s2;
	p0 =	sne.s32 s3, $0x0  }
0x86: {  	[sflag:s4] =	ssyncpa.u1 $0x0;
	s5 =	simm.s32 @!p0 $0x1C3E;
	s6 =	simm.s32 @!p0 $0x0  }
0x87: {  	[spmem:s6], [sflag:s5] =	dma.local @!p0 [hbm:s1], $0x200  }
0x88: {  	s5 =	simm.s32 @!p0 $0x3E  }
0x89: {  	_ =	swait.ge @!p0 [sflag:s5], $0x200  }
0x8a: {  	[sflag:s5] =	ssyncset.done @!p0 $0x0  }
0x8b: {  	s26 =	simm.s32 $0x1;
	[sflag:s5] =	ssyncadd.s32 @!p0 $0xFFFFFE00  }
0x8c: {  	s29 =	simm.s32 $0x2;
	s7 =	simm.s32 $0x500;
	[bflag:$0x0] =	sbarrier.arrive $0xFFFF  }
0x8d: {  	s28 =	sadd.s32 $0xA00, s2;
	s30 =	sadd.s32 $0x1C00, s2;
	[sflag:s4] =	ssyncpa.u1 $0x1  }
0x8e: {  	s3 =	sshll.u32 s3, $0x7;
	s2 =	simm.s32 $0x0;
	[sflag:s26] =	ssyncpa.u1 $0x0  }
0x8f: {  	s4 =	sadd.s32 s28, s3;
	(ifvalue) =	ssetifvalue $0x1000;
	[sflag:s29] =	ssyncpa.u1 $0x0  }
0x90: {  	[tilespmem:s7], [sflag:$0x2] =	stream.linear.gather [hbm4b:s4+s2], $0x400, $0x38;
	[tilespmem:$0x1100] =	vst v63  }
0x91: {  	s31 =	sadd.s32 s30, s3;
	s3 =	simm.s32 $0xD00  }
0x92: {  	[tilespmem:s3], [sflag:$0x2] =	stream.linear.gather [hbm4b:s31+s2], $0x400, $0x38;
	[tilespmem:$0x1100] =	vst v63  }
0x93: {  	_ =	swait.ge [sflag:s29], $0x800  }
0x94: {  	[sflag:s29] =	ssyncset.done $0x0  }
0x95: {  	[sflag:s29] =	ssyncadd.s32 $0xFFFFF800  }
0x96: {  	v0 =	vld.msk [tilespmem:s7+$0x0 ss:$0x1], $0xffff;
	_ =	sdelay $0x4  }
0x97: {  	v0 =	vmin.u32 v0, $0x1000;
	_ =	sdelay $0x3  }
0x98: {  	vm0 =	vmmov $0xffff;
	s5 =	simm.s32 $0x510;
	s4 =	simm.s32 $0x0  }
0x99: {  	[spmem:s2] =	stream.indirect_vreg.scatter.add.s32 [tilespmem:s3], [sflag:$0x1], $0x1, v0, vm0, $0x4038;
	[tilespmem:$0x1100] =	vst v63  }
.LBB3_1:
0x9a: {  	v0 =	vld.msk [tilespmem:s5+$0x0 ss:$0x1], $0xffff;
	s4 =	sadd.s32 $0x10, s4  }
0x9b: {  	p1 =	slt.u32 s4, $0x3F0;
	_ =	sdelay $0x4  }
0x9c: {  	v0 =	vmin.u32 v0, $0x1000  }
.Ltmp5:
0x9d: {  	(pc) =	sbr.rel @p1 .LBB3_1-.Ltmp5, $3  }
0x9e: {  	_ =	sdelay $0x1  }
0x9f: {  	s5 =	sadd.s32 $0x10, s5;
	s3 =	sadd.s32 $0x10, s3  }
0xa0: {  	[spmem:s2] =	stream.indirect_vreg.scatter.add.s32 [tilespmem:s3], [sflag:$0x1], $0x1, v0, vm0, $0x4038;
	[tilespmem:$0x1100] =	vst v63  }
0xa1: {  	s2 =	simm.s32 $0x1  }
0xa2: {  	_ =	swait.ge [sflag:s2], $0x400  }
0xa3: {  	[sflag:s2] =	ssyncset.done $0x0  }
0xa4: {  	[sflag:s2] =	ssyncadd.s32 $0xFFFFFC00  }
0xa5: {  	_ =	sfence.sel $0x180000  }
0xa6: {  	s3 =	simm.s32 $0x2;
	[bflag:$0x0] =	sbarrier.arrive $0xFFFF  }
0xa7: {  	[sflag:s3] =	ssyncpa.u1 $0x1  }
0xa8: {  	[sflag:s2] =	ssyncpa.u1 $0x1  }
0xa9: {  	_ =	sfence.stream.spmem  }
0xaa: {  	s31 =	simm.s32 $0x3D;
	[bflag:$0x0] =	sbarrier.arrive $0xFFFF  }
0xab: {  	s2 =	simm.s32 @p0 $0x3D;
	[sflag:s31] =	ssyncpa.u1 $0x0  }
0xac: {  	[sflag:s2] =	ssyncpa.u1 @p0 $0x1  }
0xad: {  	[bflag:$0x0] =	sbarrier.arrive @p0 $0xFFFF  }
0xae: {  	_ =	strace @p0 $0x9000004A  }
0xaf: {  	s3 =	simm.s32 @!p0 $0x1C3D;
	s2 =	simm.s32 @!p0 $0x0;
	[bflag:$0x2] =	sbarrier.arrive @p0 $0xFFFF  }
0xb0: {  	[hbm:s1], [sflag:s3] =	dma.local @!p0 [spmem:s2], $0x200  }
0xb1: {  	s1 =	simm.s32 @!p0 $0x3D  }
0xb2: {  	_ =	swait.ge @!p0 [sflag:s1], $0x200  }
0xb3: {  	[sflag:s1] =	ssyncset.done @!p0 $0x0  }
0xb4: {  	[sflag:s1] =	ssyncadd.s32 @!p0 $0xFFFFFE00  }
0xb5: {  	[sflag:s1] =	ssyncpa.u1 @!p0 $0x1  }
0xb6: {  	[bflag:$0x0] =	sbarrier.arrive @!p0 $0xFFFF  }
0xb7: {  	_ =	strace @!p0 $0x9000004A  }
0xb8: {  	s0 =	sadd.s32 @!p0 $0x100000, s0;
	[bflag:$0x2] =	sbarrier.arrive @!p0 $0xFFFF  }
0xb9: {  	[sflag:s0] =	ssyncadd.tile.s32 @!p0 $0x1;
	_ =	shalt  }
.Lfunc_end3:
_tile_overlayer_lowered:
.L_overlay_start_3:
0xba: {  	(tag) =	ssettag $0x3  }
0xbb: {  	s0 =	rddreg [dreg:$0x0];
	s2 =	stileid.u32  }
0xbc: {  	s1 =	rddreg [dreg:$0x1];
	p0 =	sne.s32 s2, $0x0  }
0xbd: {  	s3 =	rddreg [dreg:$0x2];
	[bflag:$0x3] =	sbarrier.arrive $0xFFFF;
	s2 =	simm.s32 @!p0 $0x1C01  }
0xbe: {  	[timem:s3], [sflag:s2] =	dma.local @!p0 [hbm:s0], s1  }
0xbf: {  	s0 =	simm.s32 @!p0 $0x1  }
0xc0: {  	_ =	swait.ge @!p0 [sflag:s0], s1  }
0xc1: {  	s1 =	ssub.s32 @!p0 $0x0, s1;
	[sflag:s0] =	ssyncset.done @!p0 $0x0  }
0xc2: {  	[sflag:s0] =	ssyncadd.s32 @!p0 s1  }
0xc3: {  	[bflag:$0x3] =	sbarrier.arrive $0xFFFF  }
0xc4: {  	_ =	shalt  }

</sc_bundles>
